<compile_context>
chip_gen: v7x
topology: tpu7x:2x2x1
jax: 0.10.2.dev20260603
libtpu: 0.0.44.dev20260713+nightly
codegen_flags: <defaults>
</compile_context>

<pallas_src>
import jax
import jax.numpy as jnp
from jax import lax
from jax.experimental import pallas as pl
from jax.experimental.pallas import tpu as pltpu
from jax.experimental.pallas import tpu_sc as plsc

B = 128
N = 10000
R1 = 80000
R2 = 80000
NSURF = 2000
NMANT = 2000
NPH = 1000
NSMT = 1000
AG = 100.0

NC = 2
NS = 16
NW = NC * NS
BT = B // NW
C = 1600
NCH1 = R1 // C
NCH2 = R2 // C
FSPAN = 3200
NFW = R1 // FSPAN
L = 16

f32 = jnp.float32
i32 = jnp.int32


def _med_body(t_ref, o_ref):
    t = t_ref[...]
    arg = t * 1e-5
    T = 10.0 + 5.0 * jnp.sin(arg)
    den = 1.0e4 * (1.0 + 0.1 * jnp.cos(arg))
    logT = jnp.log(T / 300.0)
    nit = -1.0 / T
    z = jnp.zeros_like(T)
    o_ref[...] = jnp.concatenate([logT, nit, den] + [z] * 13, axis=0)


def _flags_body(ph_h, smt_h, phf_h, smtf_h, idx_t, buf_t):
    cid = lax.axis_index("c")
    sid = lax.axis_index("s")
    tid = cid * NS + sid
    iot = lax.iota(i32, L)
    ones = jnp.ones((L,), f32)
    zf = jnp.zeros((L,), f32)

    @pl.when(tid < NFW)
    def _():
        base = tid * FSPAN

        def build(src_h, dst_h):
            pltpu.sync_copy(src_h, idx_t.at[pl.ds(0, NPH)])
            tail0 = (NPH // L) * L
            tv = idx_t[pl.ds(tail0, L)]
            tv = jnp.where(iot < (NPH - tail0), tv, jnp.full((L,), -1, i32))
            idx_t[pl.ds(tail0, L)] = tv

            def zb(i):
                buf_t[pl.ds(pl.multiple_of(i * L, L), L)] = zf
            plsc.parallel_loop(0, FSPAN // L)(zb)

            def bd(i):
                idx = idx_t[pl.ds(pl.multiple_of(i * L, L), L)]
                loc = idx - base
                m = (loc >= 0) & (loc < FSPAN)
                locc = jnp.clip(loc, 0, FSPAN - 1)
                plsc.store_scatter(buf_t, [locc], ones, mask=m)
            plsc.parallel_loop(0, (NPH + L - 1) // L)(bd)
            pltpu.sync_copy(buf_t, dst_h.at[pl.ds(pl.multiple_of(base, 8),
                                                  FSPAN)])

        build(ph_h, phf_h)
        build(smt_h, smtf_h)


_flags_call = pl.kernel(
    _flags_body,
    out_type=(jax.ShapeDtypeStruct((R1,), f32),
              jax.ShapeDtypeStruct((R1,), f32)),
    mesh=plsc.VectorSubcoreMesh(core_axis_name="c", subcore_axis_name="s"),
    compiler_params=pltpu.CompilerParams(needs_layout_passes=False),
    scratch_types=[
        pltpu.VMEM((1024,), i32),
        pltpu.VMEM((FSPAN,), f32),
    ],
)


def _safe_adds(groups):
    for idx, ref, pairs in groups:
        for ofs, val in pairs:
            plsc.addupdate_scatter(ref, [idx + ofs], val)


def _sc_body(y_h, scal_h, alpha_h, beta_h, gamma_h, reac1_h, prod1_h,
             r2a_h, r2b_h, prod2_h, surf_h, mant_h, phf_h, smtf_h,
             out_h,
             y_t, out_t, cnt_t, idx_a, idx_b, idx_c,
             par_a, par_b, par_c,
             flg_a, flg_b, scal_t, smt_t, sem0, sem1):
    cid = lax.axis_index("c")
    sid = lax.axis_index("s")
    tid = cid * NS + sid
    ones = jnp.ones((L,), f32)
    zf = jnp.zeros((L,), f32)
    sems = (sem0, sem1)

    pltpu.sync_copy(y_h.at[pl.ds(tid * (BT * N), BT * N)], y_t)
    pltpu.sync_copy(scal_h.at[pl.ds(tid * (BT * L), BT * L)], scal_t)
    pltpu.sync_copy(surf_h, idx_b.at[pl.ds(0, NSURF)])
    pltpu.sync_copy(mant_h, idx_c.at[pl.ds(0, NMANT)])

    def _zero_range(ref, nsteps):
        def bd(i):
            ref[pl.ds(pl.multiple_of(i * L, L), L)] = zf
        plsc.parallel_loop(0, nsteps)(bd)

    _zero_range(out_t, BT * N // L)
    _zero_range(cnt_t, N // L)

    neg = jnp.full((L,), -1, i32)

    def _sent(i):
        smt_t[pl.ds(pl.multiple_of(i * L, L), L)] = neg
    plsc.parallel_loop(0, 1024 // L)(_sent)

    bofs = [jnp.full((L,), b * N, i32) for b in range(BT)]

    def _ssum(i, acc):
        idx = idx_b[pl.ds(pl.multiple_of(i * L, L), L)]
        plsc.addupdate_scatter(cnt_t, [idx], ones)
        return tuple(acc[b] + plsc.load_gather(y_t, [idx + bofs[b]])
                     for b in range(BT))
    acc_s = plsc.parallel_loop(0, NSURF // L, carry=(zf,) * BT)(_ssum)

    def _msum(i, acc):
        idx = idx_c[pl.ds(pl.multiple_of(i * L, L), L)]
        return tuple(acc[b] + plsc.load_gather(y_t, [idx + bofs[b]])
                     for b in range(BT))
    acc_m = plsc.parallel_loop(0, NMANT // L, carry=(zf,) * BT)(_msum)

    ys = [jnp.full((L,), jnp.sum(acc_s[b]), f32) for b in range(BT)]
    ym = [jnp.full((L,), jnp.sum(acc_m[b]), f32) for b in range(BT)]
    dec = [jnp.minimum(1.0 / (AG * (ys[b] + ym[b])), 1.0) for b in range(BT)]
    srow = [scal_t[pl.ds(b * L, L)] for b in range(BT)]
    Lb = [jnp.full((L,), srow[b][0], f32) for b in range(BT)]
    nit = [jnp.full((L,), srow[b][1], f32) for b in range(BT)]
    den = [jnp.full((L,), srow[b][2], f32) for b in range(BT)]

    def _issue1(g, s):
        off = pl.ds(pl.multiple_of(g * C, 8), C)
        dst = pl.ds(s * C, C)
        sem = sems[s]
        pltpu.async_copy(reac1_h.at[off], idx_a.at[dst], sem)
        pltpu.async_copy(prod1_h.at[off], idx_b.at[dst], sem)
        pltpu.async_copy(alpha_h.at[off], par_a.at[dst], sem)
        pltpu.async_copy(beta_h.at[off], par_b.at[dst], sem)
        pltpu.async_copy(gamma_h.at[off], par_c.at[dst], sem)
        pltpu.async_copy(phf_h.at[off], flg_a.at[dst], sem)
        pltpu.async_copy(smtf_h.at[off], flg_b.at[dst], sem)

    def _drain1(g, s):
        off = pl.ds(pl.multiple_of(g * C, 8), C)
        dst = pl.ds(s * C, C)
        sem = sems[s]
        pltpu.make_async_copy(reac1_h.at[off], idx_a.at[dst], sem).wait()
        pltpu.make_async_copy(prod1_h.at[off], idx_b.at[dst], sem).wait()
        pltpu.make_async_copy(alpha_h.at[off], par_a.at[dst], sem).wait()
        pltpu.make_async_copy(beta_h.at[off], par_b.at[dst], sem).wait()
        pltpu.make_async_copy(gamma_h.at[off], par_c.at[dst], sem).wait()
        pltpu.make_async_copy(phf_h.at[off], flg_a.at[dst], sem).wait()
        pltpu.make_async_copy(smtf_h.at[off], flg_b.at[dst], sem).wait()

    def _issue2(g, s):
        off = pl.ds(pl.multiple_of(g * C, 8), C)
        off2 = pl.ds(pl.multiple_of(R1 + g * C, 8), C)
        dst = pl.ds(s * C, C)
        sem = sems[s]
        pltpu.async_copy(r2a_h.at[off], idx_a.at[dst], sem)
        pltpu.async_copy(r2b_h.at[off], idx_b.at[dst], sem)
        pltpu.async_copy(prod2_h.at[off], idx_c.at[dst], sem)
        pltpu.async_copy(alpha_h.at[off2], par_a.at[dst], sem)
        pltpu.async_copy(beta_h.at[off2], par_b.at[dst], sem)
        pltpu.async_copy(gamma_h.at[off2], par_c.at[dst], sem)

    def _drain2(g, s):
        off = pl.ds(pl.multiple_of(g * C, 8), C)
        off2 = pl.ds(pl.multiple_of(R1 + g * C, 8), C)
        dst = pl.ds(s * C, C)
        sem = sems[s]
        pltpu.make_async_copy(r2a_h.at[off], idx_a.at[dst], sem).wait()
        pltpu.make_async_copy(r2b_h.at[off], idx_b.at[dst], sem).wait()
        pltpu.make_async_copy(prod2_h.at[off], idx_c.at[dst], sem).wait()
        pltpu.make_async_copy(alpha_h.at[off2], par_a.at[dst], sem).wait()
        pltpu.make_async_copy(beta_h.at[off2], par_b.at[dst], sem).wait()
        pltpu.make_async_copy(gamma_h.at[off2], par_c.at[dst], sem).wait()

    def _chunkA1(s, acc):
        def bd(i, acc):
            accg, accl, cap = acc
            off = pl.ds(pl.multiple_of(s * C + i * L, L), L)
            reac = idx_a[off]
            prod = idx_b[off]
            al = par_a[off]
            bt = par_b[off]
            gm = par_c[off]
            phm = flg_a[off] > 0.0
            smm = flg_b[off] > 0.0
            keep = jnp.logical_not(smm)
            wg = plsc.load_gather(cnt_t, [prod])
            wl = plsc.load_gather(cnt_t, [reac])
            ng, nl = [], []
            vp, vr = [], []
            for b in range(BT):
                k = al * jnp.exp(bt * Lb[b] + gm * nit[b])
                k = k * jnp.where(phm, dec[b], ones)
                yv = plsc.load_gather(y_t, [reac + bofs[b]])
                r = k * yv
                ng.append(accg[b] + wg * r)
                nl.append(accl[b] + wl * r)
                vp.append((bofs[b], r))
                vr.append((bofs[b], -r))
            for bo, val in vp:
                plsc.addupdate_scatter(out_t, [prod + bo], val, mask=keep)
            for bo, val in vr:
                plsc.addupdate_scatter(out_t, [reac + bo], val, mask=keep)
            smi = smm.astype(i32)
            cs = plsc.cumsum(smi)
            pos = jnp.clip(cap + cs - 1, 0, 1023)
            packed = reac * 16384 + prod
            plsc.store_scatter(smt_t, [pos], packed, mask=smm)
            pc = plsc.all_reduce_population_count(smm)
            return (tuple(ng), tuple(nl), cap + pc[0])
        return plsc.parallel_loop(0, C // L, carry=acc)(bd)

    acc = ((zf,) * BT, (zf,) * BT, jnp.int32(0))
    _issue1(0, 0)
    _issue1(1, 1)

    def _outerA1(h, acc):
        for s in range(2):
            g = h * 2 + s
            _drain1(g, s)
            acc = _chunkA1(s, acc)

            @pl.when(g + 2 < NCH1)
            def _():
                _issue1(g + 2, s)
        return acc
    acc = lax.fori_loop(0, NCH1 // 2, _outerA1, acc)
    accg1, accl1, _cap = acc
    acc = (accg1, accl1)

    def _chunkA2(s, acc):
        def bd(i, acc):
            accg, accl = acc
            off = pl.ds(pl.multiple_of(s * C + i * L, L), L)
            ra = idx_a[off]
            rb = idx_b[off]
            prd = idx_c[off]
            al = par_a[off]
            bt = par_b[off]
            gm = par_c[off]
            wg = plsc.load_gather(cnt_t, [prd])
            wl = (plsc.load_gather(cnt_t, [ra])
                  + plsc.load_gather(cnt_t, [rb]))
            ng, nl = [], []
            vp, va, vb = [], [], []
            for b in range(BT):
                k = al * jnp.exp(bt * Lb[b] + gm * nit[b]) * den[b]
                ya = plsc.load_gather(y_t, [ra + bofs[b]])
                yb = plsc.load_gather(y_t, [rb + bofs[b]])
                r = k * ya * yb
                ng.append(accg[b] + wg * r)
                nl.append(accl[b] + wl * r)
                rn = -r
                vp.append((bofs[b], r))
                va.append((bofs[b], rn))
                vb.append((bofs[b], rn))
            _safe_adds([(prd, out_t, vp), (ra, out_t, va),
                        (rb, out_t, vb)])
            return (tuple(ng), tuple(nl))
        return plsc.parallel_loop(0, C // L, carry=acc)(bd)

    _issue2(0, 0)
    _issue2(1, 1)

    def _outerA2(h, acc):
        for s in range(2):
            g = h * 2 + s
            _drain2(g, s)
            acc = _chunkA2(s, acc)

            @pl.when(g + 2 < NCH2)
            def _():
                _issue2(g + 2, s)
        return acc
    acc = lax.fori_loop(0, NCH2 // 2, _outerA2, acc)

    accg, accl = acc
    ks = []
    for b in range(BT):
        gv = jnp.full((L,), jnp.sum(accg[b]), f32)
        lv = jnp.full((L,), jnp.sum(accl[b]), f32)
        ks.append(jnp.maximum(gv, 0.0) / (ym[b] + 1e-30)
                  + jnp.maximum(lv, 0.0) / (ys[b] + 1e-30))

    def _fix(i):
        v = smt_t[pl.ds(pl.multiple_of(i * L, L), L)]
        m = v >= 0
        vv = jnp.where(m, v, 0)
        reac = jnp.right_shift(vv, 14)
        prod = jnp.bitwise_and(vv, 16383)
        for b in range(BT):
            yv = plsc.load_gather(y_t, [reac + bofs[b]])
            r = ks[b] * yv
            plsc.addupdate_scatter(out_t, [prod + bofs[b]], r, mask=m)
            plsc.addupdate_scatter(out_t, [reac + bofs[b]], -r, mask=m)
    plsc.parallel_loop(0, 1024 // L)(_fix)

    pltpu.sync_copy(out_t, out_h.at[pl.ds(tid * (BT * N), BT * N)])


_sc_call = pl.kernel(
    _sc_body,
    out_type=jax.ShapeDtypeStruct((B * N,), f32),
    mesh=plsc.VectorSubcoreMesh(core_axis_name="c", subcore_axis_name="s"),
    compiler_params=pltpu.CompilerParams(needs_layout_passes=False),
    scratch_types=[
        pltpu.VMEM((BT * N,), f32),
        pltpu.VMEM((BT * N,), f32),
        pltpu.VMEM((N,), f32),
        pltpu.VMEM((2 * C,), i32),
        pltpu.VMEM((2 * C,), i32),
        pltpu.VMEM((2 * C,), i32),
        pltpu.VMEM((2 * C,), f32),
        pltpu.VMEM((2 * C,), f32),
        pltpu.VMEM((2 * C,), f32),
        pltpu.VMEM((2 * C,), f32),
        pltpu.VMEM((2 * C,), f32),
        pltpu.VMEM((BT * L,), f32),
        pltpu.VMEM((1024,), i32),
        pltpu.SemaphoreType.DMA,
        pltpu.SemaphoreType.DMA,
    ],
)


def kernel(t_in, y_in, alpha, beta, gamma, reac_1st, prod_1st, reac_2nd_a,
           reac_2nd_b, prod_2nd, inds_surf, inds_mant, inds_id_photodeso,
           inds_id_smt):
    scal16 = pl.pallas_call(
        _med_body,
        out_shape=jax.ShapeDtypeStruct((16, B), f32),
    )(t_in.astype(f32).reshape(1, B))
    scal = scal16.T.reshape(-1)

    ph_flags, smt_flags = _flags_call(
        inds_id_photodeso.astype(i32), inds_id_smt.astype(i32))

    out = _sc_call(
        y_in.astype(f32).reshape(-1), scal,
        alpha.astype(f32), beta.astype(f32), gamma.astype(f32),
        reac_1st.astype(i32), prod_1st.astype(i32),
        reac_2nd_a.astype(i32), reac_2nd_b.astype(i32),
        prod_2nd.astype(i32),
        inds_surf.astype(i32), inds_mant.astype(i32),
        ph_flags, smt_flags,
    )
    return out.reshape(B, N)

# --- scband reference (transcript-rebuilt; emitter-appended) ---
"""Pipeline reference for scband-three-phase-term-4501125726474 (READ-ONLY COPY).

The authoritative reference and input builder live on the scoring server;
editing this copy changes nothing except your own understanding.
"""

import jax, jax.numpy as jnp
import numpy as np

B = 128
N = 10000
R1 = 80000
R2 = 80000
N_SURF = 2000
N_MANT = 2000
N_PHOTO = 1000
N_SMT = 1000
ALPHA_GAIN = 100.0


def setup_inputs(seed: int = 0):
    key = jax.random.key(seed)
    ks = jax.random.split(key, 16)
    t_in = jax.random.uniform(ks[0], (B,), dtype=jnp.float32) * 1.0e5
    y_in = jax.random.uniform(ks[1], (B, N), dtype=jnp.float32)
    alpha = jax.random.uniform(ks[2], (R1 + R2,), dtype=jnp.float32) * 1e-9 + 1e-12
    beta = jax.random.uniform(ks[3], (R1 + R2,), dtype=jnp.float32, minval=-1.0, maxval=1.0)
    gamma = jax.random.uniform(ks[4], (R1 + R2,), dtype=jnp.float32) * 50.0
    reac_1st = jax.random.randint(ks[5], (R1,), 0, N)
    prod_1st = jax.random.randint(ks[6], (R1,), 0, N)
    reac_2nd_a = jax.random.randint(ks[7], (R2,), 0, N)
    reac_2nd_b = jax.random.randint(ks[8], (R2,), 0, N)
    prod_2nd = jax.random.randint(ks[9], (R2,), 0, N)
    inds_surf = jax.random.randint(ks[10], (N_SURF,), 0, N)
    inds_mant = jax.random.randint(ks[11], (N_MANT,), 0, N)
    inds_id_photodeso = jax.random.randint(ks[12], (N_PHOTO,), 0, R1)
    inds_id_smt = jax.random.randint(ks[13], (N_SMT,), 0, R1)
    return {"t_in": t_in, "y_in": y_in, "alpha": alpha, "beta": beta, "gamma": gamma,
            "reac_1st": reac_1st, "prod_1st": prod_1st,
            "reac_2nd_a": reac_2nd_a, "reac_2nd_b": reac_2nd_b, "prod_2nd": prod_2nd,
            "inds_surf": inds_surf, "inds_mant": inds_mant,
            "inds_id_photodeso": inds_id_photodeso, "inds_id_smt": inds_id_smt}


def _forward(t_in, y_in, alpha, beta, gamma, reac_1st, prod_1st, reac_2nd_a, reac_2nd_b,
             prod_2nd, inds_surf, inds_mant, inds_id_photodeso, inds_id_smt):
    # module_med: analytic gas medium params
    T_gas = 10.0 + 5.0 * jnp.sin(t_in * 1.0e-5)
    den_gas = 1.0e4 * (1.0 + 0.1 * jnp.cos(t_in * 1.0e-5))
    den_norm = den_gas[:, None]
    T = T_gas[:, None]
    # rmod.assign_rate_coeffs: Arrhenius-Kooij k = a * (T/300)^b * exp(-g/T)
    coeffs = alpha[None, :] * (T / 300.0) ** beta[None, :] * jnp.exp(-gamma[None, :] / T)
    y = jnp.atleast_2d(y_in)
    y_surf = jnp.sum(y[:, inds_surf], axis=-1, keepdims=True)
    y_mant = jnp.sum(y[:, inds_mant], axis=-1, keepdims=True)
    # photodesorption decay factor
    decay = jnp.minimum(1.0 / (ALPHA_GAIN * (y_surf + y_mant)), jnp.ones_like(y_surf))
    coeffs = coeffs.at[:, inds_id_photodeso].set(coeffs[:, inds_id_photodeso] * decay)
    # surface gain/loss assemblers (gather rates, scatter-add into species)
    r1 = coeffs[:, :R1] * y[:, reac_1st]
    r2 = coeffs[:, R1:] * den_norm * y[:, reac_2nd_a] * y[:, reac_2nd_b]
    gain = jnp.zeros_like(y).at[:, prod_1st].add(r1).at[:, prod_2nd].add(r2)
    loss = jnp.zeros_like(y).at[:, reac_1st].add(r1).at[:, reac_2nd_a].add(r2).at[:, reac_2nd_b].add(r2)
    dy_surf_gain = jnp.sum(gain[:, inds_surf], axis=-1, keepdims=True)
    dy_surf_loss = -jnp.sum(loss[:, inds_surf], axis=-1, keepdims=True)
    # rmod_smt.assign_rate_coeffs: surface <-> mantle swap coefficients
    k_smt = jnp.maximum(dy_surf_gain, 0.0) / (y_mant + 1e-30) + jnp.maximum(-dy_surf_loss, 0.0) / (y_surf + 1e-30)
    coeffs = coeffs.at[:, inds_id_smt].set(jnp.broadcast_to(k_smt, (y.shape[0], inds_id_smt.shape[0])))
    # final assembly: asm_1st(y, coeffs, den_norm) + asm_2nd(y, coeffs, den_norm)
    r1 = coeffs[:, :R1] * y[:, reac_1st]
    r2 = coeffs[:, R1:] * den_norm * y[:, reac_2nd_a] * y[:, reac_2nd_b]
    out = jnp.zeros_like(y)
    out = out.at[:, prod_1st].add(r1).at[:, reac_1st].add(-r1)
    out = out.at[:, prod_2nd].add(r2).at[:, reac_2nd_a].add(-r2).at[:, reac_2nd_b].add(-r2)
    return out


def reference(t_in, y_in, alpha, beta, gamma, reac_1st, prod_1st, reac_2nd_a, reac_2nd_b,
              prod_2nd, inds_surf, inds_mant, inds_id_photodeso, inds_id_smt):
    return _forward(t_in, y_in, alpha, beta, gamma, reac_1st, prod_1st, reac_2nd_a,
                    reac_2nd_b, prod_2nd, inds_surf, inds_mant, inds_id_photodeso, inds_id_smt)

if __name__ == "__main__":
    import jax
    _d = setup_inputs()
    print(jax.jit(kernel)(*tuple(_d.values())))

</pallas_src>

<mosaic_0001>
#map = affine_map<(d0, d1) -> (0)>
module attributes {stable_mosaic.version = 14 : i64} {
  func.func @_flags_body(%arg0: i32, %arg1: i32, %arg2: memref<1000xi32, #tpu.memory_space<hbm>>, %arg3: memref<1000xi32, #tpu.memory_space<hbm>>, %arg4: memref<80000xf32, #tpu.memory_space<hbm>>, %arg5: memref<80000xf32, #tpu.memory_space<hbm>>, %arg6: memref<1024xi32, #tpu.memory_space<vmem>>, %arg7: memref<3200xf32, #tpu.memory_space<vmem>>) attributes {dimension_semantics = [#tpu.dimension_semantics<core_parallel>, #tpu.dimension_semantics<subcore_parallel>], iteration_bounds = array<i64: 2, 16>, scalar_prefetch = 0 : i64, scratch_operands = 2 : i64, tpu.core_type = #tpu.core_type<sc_vector_subcore>, window_params = [{transform_indices = #map}, {transform_indices = #map}, {transform_indices = #map}, {transform_indices = #map}]} {
    %mul3A = arith.constant 16 : i32
    %mul3A_0 = arith.muli %arg0, %mul3A : i32
    %add3A = arith.addi %mul3A_0, %arg1 : i32
    %iota3A = tpu.iota {dimensions = array<i32: 0>} : vector<16xi32>
    %broadcast_in_dim3A = arith.constant 1.000000e+00 : f32
    %broadcast_in_dim3A_1 = vector.broadcast %broadcast_in_dim3A : f32 to vector<16xf32>
    %broadcast_in_dim3A_2 = arith.constant 0.000000e+00 : f32
    %broadcast_in_dim3A_3 = vector.broadcast %broadcast_in_dim3A_2 : f32 to vector<16xf32>
    %lt3A = arith.constant 25 : i32
    %lt3A_4 = arith.cmpi slt, %add3A, %lt3A : i32
    %convert_element_type3A = arith.extui %lt3A_4 : i1 to i32
    %cond3A = arith.constant 0 : i32
    %cond3A_5 = arith.cmpi ne, %convert_element_type3A, %cond3A : i32
    scf.if %cond3A_5 {
      %mul3A_6 = arith.constant 3200 : i32
      %mul3A_7 = arith.muli %add3A, %mul3A_6 : i32
      "tpu.region"() ({
        %run_scoped3A = tpu.sem_alloc : memref<!tpu.dma_semaphore, #tpu.memory_space<semaphore_mem>>
        %dma_start3A = arith.constant 0 : i32
        %dma_start3A_37 = tpu.memref_slice %arg6[%dma_start3A] : memref<1024xi32, #tpu.memory_space<vmem>> -> memref<1000xi32, #tpu.memory_space<vmem>>
        %dma_start3A_38 = arith.constant 0 : i32
        %dma_start3A_39 = tpu.memref_slice %arg6[%dma_start3A_38] : memref<1024xi32, #tpu.memory_space<vmem>> -> memref<1000xi32, #tpu.memory_space<vmem>>
        tpu.enqueue_dma source(%arg2 : memref<1000xi32, #tpu.memory_space<hbm>>) target(%dma_start3A_39 : memref<1000xi32, #tpu.memory_space<vmem>>) target_semaphore(%run_scoped3A : memref<!tpu.dma_semaphore, #tpu.memory_space<semaphore_mem>>)
        %dma_wait3A = arith.constant 0 : i32
        %dma_wait3A_40 = tpu.memref_slice %arg6[%dma_wait3A] : memref<1024xi32, #tpu.memory_space<vmem>> -> memref<1000xi32, #tpu.memory_space<vmem>>
        %dma_wait3A_41 = arith.constant 0 : i32
        %dma_wait3A_42 = tpu.memref_slice %arg6[%dma_wait3A_41] : memref<1024xi32, #tpu.memory_space<vmem>> -> memref<1000xi32, #tpu.memory_space<vmem>>
        tpu.wait_dma2 semaphore(%run_scoped3A : memref<!tpu.dma_semaphore, #tpu.memory_space<semaphore_mem>>) src(%arg2 : memref<1000xi32, #tpu.memory_space<hbm>>) dst(%dma_wait3A_42 : memref<1000xi32, #tpu.memory_space<vmem>>)
        tpu.yield
      }) : () -> ()
      %get3A = arith.constant 992 : index
      %get3A_8 = tpu.vector_load %arg6[%get3A] {strides = array<i32>} : memref<1024xi32, #tpu.memory_space<vmem>>, vector<16xi32>,
      %lt3A_9 = arith.constant 8 : i32
      %lt3A_10 = vector.broadcast %lt3A_9 : i32 to vector<16xi32>
      %lt3A_11 = arith.cmpi slt, %iota3A, %lt3A_10 : vector<16xi32>
      %broadcast_in_dim3A_12 = arith.constant -1 : i32
      %broadcast_in_dim3A_13 = vector.broadcast %broadcast_in_dim3A_12 : i32 to vector<16xi32>
      %select_n3A = arith.select %lt3A_11, %get3A_8, %broadcast_in_dim3A_13 : vector<16xi1>, vector<16xi32>
      %swap3A = arith.constant 992 : index
      %swap3A_14 = tpu.vector_load %arg6[%swap3A] {strides = array<i32>} : memref<1024xi32, #tpu.memory_space<vmem>>, vector<16xi32>,
      tpu.vector_store %arg6[%swap3A], %select_n3A {strides = array<i32>} : memref<1024xi32, #tpu.memory_space<vmem>>, vector<16xi32>,
      %parallel_loop3A = arith.constant 0 : i32
      %parallel_loop3A_15 = arith.constant 200 : i32
      %parallel_loop3A_16 = arith.constant 1 : i32
      scf.for %parallel_loop3A_37 = %parallel_loop3A to %parallel_loop3A_15 step %parallel_loop3A_16  : i32 {
        %parallel_loop3A_38 = arith.constant 16 : i32
        %parallel_loop3A_39 = arith.muli %parallel_loop3A_37, %parallel_loop3A_38 : i32
        %parallel_loop3A_40 = tpu.assume_multiple %parallel_loop3A_39, 16 : i32
        %parallel_loop3A_41 = arith.index_cast %parallel_loop3A_40 : i32 to index
        %parallel_loop3A_42 = tpu.vector_load %arg7[%parallel_loop3A_41] {strides = array<i32>} : memref<3200xf32, #tpu.memory_space<vmem>>, vector<16xf32>,
        tpu.vector_store %arg7[%parallel_loop3A_41], %broadcast_in_dim3A_3 {strides = array<i32>} : memref<3200xf32, #tpu.memory_space<vmem>>, vector<16xf32>,
      } {sc.loop_unroll_factor = 1 : i64, sc.parallel_access}
      %parallel_loop3A_17 = arith.constant 0 : i32
      %parallel_loop3A_18 = arith.constant 63 : i32
      %parallel_loop3A_19 = arith.constant 1 : i32
      scf.for %parallel_loop3A_37 = %parallel_loop3A_17 to %parallel_loop3A_18 step %parallel_loop3A_19  : i32 {
        %parallel_loop3A_38 = arith.constant 16 : i32
        %parallel_loop3A_39 = arith.muli %parallel_loop3A_37, %parallel_loop3A_38 : i32
        %parallel_loop3A_40 = tpu.assume_multiple %parallel_loop3A_39, 16 : i32
        %parallel_loop3A_41 = arith.index_cast %parallel_loop3A_40 : i32 to index
        %parallel_loop3A_42 = tpu.vector_load %arg6[%parallel_loop3A_41] {strides = array<i32>} : memref<1024xi32, #tpu.memory_space<vmem>>, vector<16xi32>,
        %parallel_loop3A_43 = vector.broadcast %mul3A_7 : i32 to vector<16xi32>
        %parallel_loop3A_44 = arith.subi %parallel_loop3A_42, %parallel_loop3A_43 : vector<16xi32>
        %parallel_loop3A_45 = arith.constant 0 : i32
        %parallel_loop3A_46 = vector.broadcast %parallel_loop3A_45 : i32 to vector<16xi32>
        %parallel_loop3A_47 = arith.cmpi sge, %parallel_loop3A_44, %parallel_loop3A_46 : vector<16xi32>
        %parallel_loop3A_48 = arith.constant 3200 : i32
        %parallel_loop3A_49 = vector.broadcast %parallel_loop3A_48 : i32 to vector<16xi32>
        %parallel_loop3A_50 = arith.cmpi slt, %parallel_loop3A_44, %parallel_loop3A_49 : vector<16xi32>
        %parallel_loop3A_51 = arith.andi %parallel_loop3A_47, %parallel_loop3A_50 : vector<16xi1>
        %parallel_loop3A_52 = arith.constant 0 : i32
        %parallel_loop3A_53 = arith.constant 3199 : i32
        %parallel_loop3A_54 = vector.broadcast %parallel_loop3A_52 : i32 to vector<16xi32>
        %parallel_loop3A_55 = arith.maxsi %parallel_loop3A_54, %parallel_loop3A_44 : vector<16xi32>
        %parallel_loop3A_56 = vector.broadcast %parallel_loop3A_53 : i32 to vector<16xi32>
        %parallel_loop3A_57 = arith.minsi %parallel_loop3A_56, %parallel_loop3A_55 : vector<16xi32>
        tpu.vector_store_idx %arg7[%parallel_loop3A_57], %broadcast_in_dim3A_1 masked %parallel_loop3A_51 : memref<3200xf32, #tpu.memory_space<vmem>>[vector<16xi32>], vector<16xf32>, vector<16xi1>
      } {sc.loop_unroll_factor = 1 : i64, sc.parallel_access}
      %multiple_of3A = tpu.assume_multiple %mul3A_7, 8 : i32
      "tpu.region"() ({
        %run_scoped3A = tpu.sem_alloc : memref<!tpu.dma_semaphore, #tpu.memory_space<semaphore_mem>>
        %dma_start3A = tpu.memref_slice %arg4[%multiple_of3A] : memref<80000xf32, #tpu.memory_space<hbm>> -> memref<3200xf32, #tpu.memory_space<hbm>>
        %dma_start3A_37 = tpu.memref_slice %arg4[%multiple_of3A] : memref<80000xf32, #tpu.memory_space<hbm>> -> memref<3200xf32, #tpu.memory_space<hbm>>
        tpu.enqueue_dma source(%arg7 : memref<3200xf32, #tpu.memory_space<vmem>>) target(%dma_start3A_37 : memref<3200xf32, #tpu.memory_space<hbm>>) target_semaphore(%run_scoped3A : memref<!tpu.dma_semaphore, #tpu.memory_space<semaphore_mem>>)
        %dma_wait3A = tpu.memref_slice %arg4[%multiple_of3A] : memref<80000xf32, #tpu.memory_space<hbm>> -> memref<3200xf32, #tpu.memory_space<hbm>>
        %dma_wait3A_38 = tpu.memref_slice %arg4[%multiple_of3A] : memref<80000xf32, #tpu.memory_space<hbm>> -> memref<3200xf32, #tpu.memory_space<hbm>>
        tpu.wait_dma2 semaphore(%run_scoped3A : memref<!tpu.dma_semaphore, #tpu.memory_space<semaphore_mem>>) src(%arg7 : memref<3200xf32, #tpu.memory_space<vmem>>) dst(%dma_wait3A_38 : memref<3200xf32, #tpu.memory_space<hbm>>)
        tpu.yield
      }) : () -> ()
      "tpu.region"() ({
        %run_scoped3A = tpu.sem_alloc : memref<!tpu.dma_semaphore, #tpu.memory_space<semaphore_mem>>
        %dma_start3A = arith.constant 0 : i32
        %dma_start3A_37 = tpu.memref_slice %arg6[%dma_start3A] : memref<1024xi32, #tpu.memory_space<vmem>> -> memref<1000xi32, #tpu.memory_space<vmem>>
        %dma_start3A_38 = arith.constant 0 : i32
        %dma_start3A_39 = tpu.memref_slice %arg6[%dma_start3A_38] : memref<1024xi32, #tpu.memory_space<vmem>> -> memref<1000xi32, #tpu.memory_space<vmem>>
        tpu.enqueue_dma source(%arg3 : memref<1000xi32, #tpu.memory_space<hbm>>) target(%dma_start3A_39 : memref<1000xi32, #tpu.memory_space<vmem>>) target_semaphore(%run_scoped3A : memref<!tpu.dma_semaphore, #tpu.memory_space<semaphore_mem>>)
        %dma_wait3A = arith.constant 0 : i32
        %dma_wait3A_40 = tpu.memref_slice %arg6[%dma_wait3A] : memref<1024xi32, #tpu.memory_space<vmem>> -> memref<1000xi32, #tpu.memory_space<vmem>>
        %dma_wait3A_41 = arith.constant 0 : i32
        %dma_wait3A_42 = tpu.memref_slice %arg6[%dma_wait3A_41] : memref<1024xi32, #tpu.memory_space<vmem>> -> memref<1000xi32, #tpu.memory_space<vmem>>
        tpu.wait_dma2 semaphore(%run_scoped3A : memref<!tpu.dma_semaphore, #tpu.memory_space<semaphore_mem>>) src(%arg3 : memref<1000xi32, #tpu.memory_space<hbm>>) dst(%dma_wait3A_42 : memref<1000xi32, #tpu.memory_space<vmem>>)
        tpu.yield
      }) : () -> ()
      %get3A_20 = arith.constant 992 : index
      %get3A_21 = tpu.vector_load %arg6[%get3A_20] {strides = array<i32>} : memref<1024xi32, #tpu.memory_space<vmem>>, vector<16xi32>,
      %lt3A_22 = arith.constant 8 : i32
      %lt3A_23 = vector.broadcast %lt3A_22 : i32 to vector<16xi32>
      %lt3A_24 = arith.cmpi slt, %iota3A, %lt3A_23 : vector<16xi32>
      %broadcast_in_dim3A_25 = arith.constant -1 : i32
      %broadcast_in_dim3A_26 = vector.broadcast %broadcast_in_dim3A_25 : i32 to vector<16xi32>
      %select_n3A_27 = arith.select %lt3A_24, %get3A_21, %broadcast_in_dim3A_26 : vector<16xi1>, vector<16xi32>
      %swap3A_28 = arith.constant 992 : index
      %swap3A_29 = tpu.vector_load %arg6[%swap3A_28] {strides = array<i32>} : memref<1024xi32, #tpu.memory_space<vmem>>, vector<16xi32>,
      tpu.vector_store %arg6[%swap3A_28], %select_n3A_27 {strides = array<i32>} : memref<1024xi32, #tpu.memory_space<vmem>>, vector<16xi32>,
      %parallel_loop3A_30 = arith.constant 0 : i32
      %parallel_loop3A_31 = arith.constant 200 : i32
      %parallel_loop3A_32 = arith.constant 1 : i32
      scf.for %parallel_loop3A_37 = %parallel_loop3A_30 to %parallel_loop3A_31 step %parallel_loop3A_32  : i32 {
        %parallel_loop3A_38 = arith.constant 16 : i32
        %parallel_loop3A_39 = arith.muli %parallel_loop3A_37, %parallel_loop3A_38 : i32
        %parallel_loop3A_40 = tpu.assume_multiple %parallel_loop3A_39, 16 : i32
        %parallel_loop3A_41 = arith.index_cast %parallel_loop3A_40 : i32 to index
        %parallel_loop3A_42 = tpu.vector_load %arg7[%parallel_loop3A_41] {strides = array<i32>} : memref<3200xf32, #tpu.memory_space<vmem>>, vector<16xf32>,
        tpu.vector_store %arg7[%parallel_loop3A_41], %broadcast_in_dim3A_3 {strides = array<i32>} : memref<3200xf32, #tpu.memory_space<vmem>>, vector<16xf32>,
      } {sc.loop_unroll_factor = 1 : i64, sc.parallel_access}
      %parallel_loop3A_33 = arith.constant 0 : i32
      %parallel_loop3A_34 = arith.constant 63 : i32
      %parallel_loop3A_35 = arith.constant 1 : i32
      scf.for %parallel_loop3A_37 = %parallel_loop3A_33 to %parallel_loop3A_34 step %parallel_loop3A_35  : i32 {
        %parallel_loop3A_38 = arith.constant 16 : i32
        %parallel_loop3A_39 = arith.muli %parallel_loop3A_37, %parallel_loop3A_38 : i32
        %parallel_loop3A_40 = tpu.assume_multiple %parallel_loop3A_39, 16 : i32
        %parallel_loop3A_41 = arith.index_cast %parallel_loop3A_40 : i32 to index
        %parallel_loop3A_42 = tpu.vector_load %arg6[%parallel_loop3A_41] {strides = array<i32>} : memref<1024xi32, #tpu.memory_space<vmem>>, vector<16xi32>,
        %parallel_loop3A_43 = vector.broadcast %mul3A_7 : i32 to vector<16xi32>
        %parallel_loop3A_44 = arith.subi %parallel_loop3A_42, %parallel_loop3A_43 : vector<16xi32>
        %parallel_loop3A_45 = arith.constant 0 : i32
        %parallel_loop3A_46 = vector.broadcast %parallel_loop3A_45 : i32 to vector<16xi32>
        %parallel_loop3A_47 = arith.cmpi sge, %parallel_loop3A_44, %parallel_loop3A_46 : vector<16xi32>
        %parallel_loop3A_48 = arith.constant 3200 : i32
        %parallel_loop3A_49 = vector.broadcast %parallel_loop3A_48 : i32 to vector<16xi32>
        %parallel_loop3A_50 = arith.cmpi slt, %parallel_loop3A_44, %parallel_loop3A_49 : vector<16xi32>
        %parallel_loop3A_51 = arith.andi %parallel_loop3A_47, %parallel_loop3A_50 : vector<16xi1>
        %parallel_loop3A_52 = arith.constant 0 : i32
        %parallel_loop3A_53 = arith.constant 3199 : i32
        %parallel_loop3A_54 = vector.broadcast %parallel_loop3A_52 : i32 to vector<16xi32>
        %parallel_loop3A_55 = arith.maxsi %parallel_loop3A_54, %parallel_loop3A_44 : vector<16xi32>
        %parallel_loop3A_56 = vector.broadcast %parallel_loop3A_53 : i32 to vector<16xi32>
        %parallel_loop3A_57 = arith.minsi %parallel_loop3A_56, %parallel_loop3A_55 : vector<16xi32>
        tpu.vector_store_idx %arg7[%parallel_loop3A_57], %broadcast_in_dim3A_1 masked %parallel_loop3A_51 : memref<3200xf32, #tpu.memory_space<vmem>>[vector<16xi32>], vector<16xf32>, vector<16xi1>
      } {sc.loop_unroll_factor = 1 : i64, sc.parallel_access}
      %multiple_of3A_36 = tpu.assume_multiple %mul3A_7, 8 : i32
      "tpu.region"() ({
        %run_scoped3A = tpu.sem_alloc : memref<!tpu.dma_semaphore, #tpu.memory_space<semaphore_mem>>
        %dma_start3A = tpu.memref_slice %arg5[%multiple_of3A_36] : memref<80000xf32, #tpu.memory_space<hbm>> -> memref<3200xf32, #tpu.memory_space<hbm>>
        %dma_start3A_37 = tpu.memref_slice %arg5[%multiple_of3A_36] : memref<80000xf32, #tpu.memory_space<hbm>> -> memref<3200xf32, #tpu.memory_space<hbm>>
        tpu.enqueue_dma source(%arg7 : memref<3200xf32, #tpu.memory_space<vmem>>) target(%dma_start3A_37 : memref<3200xf32, #tpu.memory_space<hbm>>) target_semaphore(%run_scoped3A : memref<!tpu.dma_semaphore, #tpu.memory_space<semaphore_mem>>)
        %dma_wait3A = tpu.memref_slice %arg5[%multiple_of3A_36] : memref<80000xf32, #tpu.memory_space<hbm>> -> memref<3200xf32, #tpu.memory_space<hbm>>
        %dma_wait3A_38 = tpu.memref_slice %arg5[%multiple_of3A_36] : memref<80000xf32, #tpu.memory_space<hbm>> -> memref<3200xf32, #tpu.memory_space<hbm>>
        tpu.wait_dma2 semaphore(%run_scoped3A : memref<!tpu.dma_semaphore, #tpu.memory_space<semaphore_mem>>) src(%arg7 : memref<3200xf32, #tpu.memory_space<vmem>>) dst(%dma_wait3A_38 : memref<3200xf32, #tpu.memory_space<hbm>>)
        tpu.yield
      }) : () -> ()
    } else {
    }
    return
  }
}

#map = affine_map<(d0, d1) -> (0)>
module attributes {stable_mosaic.version = 14 : i64} {
  func.func @_sc_body(%arg0: i32, %arg1: i32, %arg2: memref<1280000xf32, #tpu.memory_space<hbm>>, %arg3: memref<2048xf32, #tpu.memory_space<hbm>>, %arg4: memref<160000xf32, #tpu.memory_space<hbm>>, %arg5: memref<160000xf32, #tpu.memory_space<hbm>>, %arg6: memref<160000xf32, #tpu.memory_space<hbm>>, %arg7: memref<80000xi32, #tpu.memory_space<hbm>>, %arg8: memref<80000xi32, #tpu.memory_space<hbm>>, %arg9: memref<80000xi32, #tpu.memory_space<hbm>>, %arg10: memref<80000xi32, #tpu.memory_space<hbm>>, %arg11: memref<80000xi32, #tpu.memory_space<hbm>>, %arg12: memref<2000xi32, #tpu.memory_space<hbm>>, %arg13: memref<2000xi32, #tpu.memory_space<hbm>>, %arg14: memref<80000xf32, #tpu.memory_space<hbm>>, %arg15: memref<80000xf32, #tpu.memory_space<hbm>>, %arg16: memref<1280000xf32, #tpu.memory_space<hbm>>, %arg17: memref<40000xf32, #tpu.memory_space<vmem>>, %arg18: memref<40000xf32, #tpu.memory_space<vmem>>, %arg19: memref<10000xf32, #tpu.memory_space<vmem>>, %arg20: memref<3200xi32, #tpu.memory_space<vmem>>, %arg21: memref<3200xi32, #tpu.memory_space<vmem>>, %arg22: memref<3200xi32, #tpu.memory_space<vmem>>, %arg23: memref<3200xf32, #tpu.memory_space<vmem>>, %arg24: memref<3200xf32, #tpu.memory_space<vmem>>, %arg25: memref<3200xf32, #tpu.memory_space<vmem>>, %arg26: memref<3200xf32, #tpu.memory_space<vmem>>, %arg27: memref<3200xf32, #tpu.memory_space<vmem>>, %arg28: memref<64xf32, #tpu.memory_space<vmem>>, %arg29: memref<1024xi32, #tpu.memory_space<vmem>>, %arg30: memref<!tpu.dma_semaphore, #tpu.memory_space<semaphore_mem>>, %arg31: memref<!tpu.dma_semaphore, #tpu.memory_space<semaphore_mem>>) attributes {dimension_semantics = [#tpu.dimension_semantics<core_parallel>, #tpu.dimension_semantics<subcore_parallel>], iteration_bounds = array<i64: 2, 16>, scalar_prefetch = 0 : i64, scratch_operands = 15 : i64, tpu.core_type = #tpu.core_type<sc_vector_subcore>, window_params = [{transform_indices = #map}, {transform_indices = #map}, {transform_indices = #map}, {transform_indices = #map}, {transform_indices = #map}, {transform_indices = #map}, {transform_indices = #map}, {transform_indices = #map}, {transform_indices = #map}, {transform_indices = #map}, {transform_indices = #map}, {transform_indices = #map}, {transform_indices = #map}, {transform_indices = #map}, {transform_indices = #map}]} {
    %mul3A = arith.constant 16 : i32
    %mul3A_0 = arith.muli %arg0, %mul3A : i32
    %add3A = arith.addi %mul3A_0, %arg1 : i32
    %broadcast_in_dim3A = arith.constant 1.000000e+00 : f32
    %broadcast_in_dim3A_1 = vector.broadcast %broadcast_in_dim3A : f32 to vector<16xf32>
    %broadcast_in_dim3A_2 = arith.constant 0.000000e+00 : f32
    %broadcast_in_dim3A_3 = vector.broadcast %broadcast_in_dim3A_2 : f32 to vector<16xf32>
    %mul3A_4 = arith.constant 40000 : i32
    %mul3A_5 = arith.muli %add3A, %mul3A_4 : i32
    "tpu.region"() ({
      %run_scoped3A = tpu.sem_alloc : memref<!tpu.dma_semaphore, #tpu.memory_space<semaphore_mem>>
      %dma_start3A_434 = tpu.memref_slice %arg2[%mul3A_5] : memref<1280000xf32, #tpu.memory_space<hbm>> -> memref<40000xf32, #tpu.memory_space<hbm>>
      %dma_start3A_435 = tpu.memref_slice %arg2[%mul3A_5] : memref<1280000xf32, #tpu.memory_space<hbm>> -> memref<40000xf32, #tpu.memory_space<hbm>>
      tpu.enqueue_dma source(%dma_start3A_435 : memref<40000xf32, #tpu.memory_space<hbm>>) target(%arg17 : memref<40000xf32, #tpu.memory_space<vmem>>) target_semaphore(%run_scoped3A : memref<!tpu.dma_semaphore, #tpu.memory_space<semaphore_mem>>)
      %dma_wait3A = tpu.memref_slice %arg2[%mul3A_5] : memref<1280000xf32, #tpu.memory_space<hbm>> -> memref<40000xf32, #tpu.memory_space<hbm>>
      %dma_wait3A_436 = tpu.memref_slice %arg2[%mul3A_5] : memref<1280000xf32, #tpu.memory_space<hbm>> -> memref<40000xf32, #tpu.memory_space<hbm>>
      tpu.wait_dma2 semaphore(%run_scoped3A : memref<!tpu.dma_semaphore, #tpu.memory_space<semaphore_mem>>) src(%dma_wait3A_436 : memref<40000xf32, #tpu.memory_space<hbm>>) dst(%arg17 : memref<40000xf32, #tpu.memory_space<vmem>>)
      tpu.yield
    }) : () -> ()
    %mul3A_6 = arith.constant 64 : i32
    %mul3A_7 = arith.muli %add3A, %mul3A_6 : i32
    "tpu.region"() ({
      %run_scoped3A = tpu.sem_alloc : memref<!tpu.dma_semaphore, #tpu.memory_space<semaphore_mem>>
      %dma_start3A_434 = tpu.memref_slice %arg3[%mul3A_7] : memref<2048xf32, #tpu.memory_space<hbm>> -> memref<64xf32, #tpu.memory_space<hbm>>
      %dma_start3A_435 = tpu.memref_slice %arg3[%mul3A_7] : memref<2048xf32, #tpu.memory_space<hbm>> -> memref<64xf32, #tpu.memory_space<hbm>>
      tpu.enqueue_dma source(%dma_start3A_435 : memref<64xf32, #tpu.memory_space<hbm>>) target(%arg28 : memref<64xf32, #tpu.memory_space<vmem>>) target_semaphore(%run_scoped3A : memref<!tpu.dma_semaphore, #tpu.memory_space<semaphore_mem>>)
      %dma_wait3A = tpu.memref_slice %arg3[%mul3A_7] : memref<2048xf32, #tpu.memory_space<hbm>> -> memref<64xf32, #tpu.memory_space<hbm>>
      %dma_wait3A_436 = tpu.memref_slice %arg3[%mul3A_7] : memref<2048xf32, #tpu.memory_space<hbm>> -> memref<64xf32, #tpu.memory_space<hbm>>
      tpu.wait_dma2 semaphore(%run_scoped3A : memref<!tpu.dma_semaphore, #tpu.memory_space<semaphore_mem>>) src(%dma_wait3A_436 : memref<64xf32, #tpu.memory_space<hbm>>) dst(%arg28 : memref<64xf32, #tpu.memory_space<vmem>>)
      tpu.yield
    }) : () -> ()
    "tpu.region"() ({
      %run_scoped3A = tpu.sem_alloc : memref<!tpu.dma_semaphore, #tpu.memory_space<semaphore_mem>>
      %dma_start3A_434 = arith.constant 0 : i32
      %dma_start3A_435 = tpu.memref_slice %arg21[%dma_start3A_434] : memref<3200xi32, #tpu.memory_space<vmem>> -> memref<2000xi32, #tpu.memory_space<vmem>>
      %dma_start3A_436 = arith.constant 0 : i32
      %dma_start3A_437 = tpu.memref_slice %arg21[%dma_start3A_436] : memref<3200xi32, #tpu.memory_space<vmem>> -> memref<2000xi32, #tpu.memory_space<vmem>>
      tpu.enqueue_dma source(%arg12 : memref<2000xi32, #tpu.memory_space<hbm>>) target(%dma_start3A_437 : memref<2000xi32, #tpu.memory_space<vmem>>) target_semaphore(%run_scoped3A : memref<!tpu.dma_semaphore, #tpu.memory_space<semaphore_mem>>)
      %dma_wait3A = arith.constant 0 : i32
      %dma_wait3A_438 = tpu.memref_slice %arg21[%dma_wait3A] : memref<3200xi32, #tpu.memory_space<vmem>> -> memref<2000xi32, #tpu.memory_space<vmem>>
      %dma_wait3A_439 = arith.constant 0 : i32
      %dma_wait3A_440 = tpu.memref_slice %arg21[%dma_wait3A_439] : memref<3200xi32, #tpu.memory_space<vmem>> -> memref<2000xi32, #tpu.memory_space<vmem>>
      tpu.wait_dma2 semaphore(%run_scoped3A : memref<!tpu.dma_semaphore, #tpu.memory_space<semaphore_mem>>) src(%arg12 : memref<2000xi32, #tpu.memory_space<hbm>>) dst(%dma_wait3A_440 : memref<2000xi32, #tpu.memory_space<vmem>>)
      tpu.yield
    }) : () -> ()
    "tpu.region"() ({
      %run_scoped3A = tpu.sem_alloc : memref<!tpu.dma_semaphore, #tpu.memory_space<semaphore_mem>>
      %dma_start3A_434 = arith.constant 0 : i32
      %dma_start3A_435 = tpu.memref_slice %arg22[%dma_start3A_434] : memref<3200xi32, #tpu.memory_space<vmem>> -> memref<2000xi32, #tpu.memory_space<vmem>>
      %dma_start3A_436 = arith.constant 0 : i32
      %dma_start3A_437 = tpu.memref_slice %arg22[%dma_start3A_436] : memref<3200xi32, #tpu.memory_space<vmem>> -> memref<2000xi32, #tpu.memory_space<vmem>>
      tpu.enqueue_dma source(%arg13 : memref<2000xi32, #tpu.memory_space<hbm>>) target(%dma_start3A_437 : memref<2000xi32, #tpu.memory_space<vmem>>) target_semaphore(%run_scoped3A : memref<!tpu.dma_semaphore, #tpu.memory_space<semaphore_mem>>)
      %dma_wait3A = arith.constant 0 : i32
      %dma_wait3A_438 = tpu.memref_slice %arg22[%dma_wait3A] : memref<3200xi32, #tpu.memory_space<vmem>> -> memref<2000xi32, #tpu.memory_space<vmem>>
      %dma_wait3A_439 = arith.constant 0 : i32
      %dma_wait3A_440 = tpu.memref_slice %arg22[%dma_wait3A_439] : memref<3200xi32, #tpu.memory_space<vmem>> -> memref<2000xi32, #tpu.memory_space<vmem>>
      tpu.wait_dma2 semaphore(%run_scoped3A : memref<!tpu.dma_semaphore, #tpu.memory_space<semaphore_mem>>) src(%arg13 : memref<2000xi32, #tpu.memory_space<hbm>>) dst(%dma_wait3A_440 : memref<2000xi32, #tpu.memory_space<vmem>>)
      tpu.yield
    }) : () -> ()
    %parallel_loop3A = arith.constant 0 : i32
    %parallel_loop3A_8 = arith.constant 2500 : i32
    %parallel_loop3A_9 = arith.constant 1 : i32
    scf.for %parallel_loop3A_434 = %parallel_loop3A to %parallel_loop3A_8 step %parallel_loop3A_9  : i32 {
      %parallel_loop3A_435 = arith.constant 16 : i32
      %parallel_loop3A_436 = arith.muli %parallel_loop3A_434, %parallel_loop3A_435 : i32
      %parallel_loop3A_437 = tpu.assume_multiple %parallel_loop3A_436, 16 : i32
      %parallel_loop3A_438 = arith.index_cast %parallel_loop3A_437 : i32 to index
      %parallel_loop3A_439 = tpu.vector_load %arg18[%parallel_loop3A_438] {strides = array<i32>} : memref<40000xf32, #tpu.memory_space<vmem>>, vector<16xf32>,
      tpu.vector_store %arg18[%parallel_loop3A_438], %broadcast_in_dim3A_3 {strides = array<i32>} : memref<40000xf32, #tpu.memory_space<vmem>>, vector<16xf32>,
    } {sc.loop_unroll_factor = 1 : i64, sc.parallel_access}
    %parallel_loop3A_10 = arith.constant 0 : i32
    %parallel_loop3A_11 = arith.constant 625 : i32
    %parallel_loop3A_12 = arith.constant 1 : i32
    scf.for %parallel_loop3A_434 = %parallel_loop3A_10 to %parallel_loop3A_11 step %parallel_loop3A_12  : i32 {
      %parallel_loop3A_435 = arith.constant 16 : i32
      %parallel_loop3A_436 = arith.muli %parallel_loop3A_434, %parallel_loop3A_435 : i32
      %parallel_loop3A_437 = tpu.assume_multiple %parallel_loop3A_436, 16 : i32
      %parallel_loop3A_438 = arith.index_cast %parallel_loop3A_437 : i32 to index
      %parallel_loop3A_439 = tpu.vector_load %arg19[%parallel_loop3A_438] {strides = array<i32>} : memref<10000xf32, #tpu.memory_space<vmem>>, vector<16xf32>,
      tpu.vector_store %arg19[%parallel_loop3A_438], %broadcast_in_dim3A_3 {strides = array<i32>} : memref<10000xf32, #tpu.memory_space<vmem>>, vector<16xf32>,
    } {sc.loop_unroll_factor = 1 : i64, sc.parallel_access}
    %broadcast_in_dim3A_13 = arith.constant -1 : i32
    %broadcast_in_dim3A_14 = vector.broadcast %broadcast_in_dim3A_13 : i32 to vector<16xi32>
    %parallel_loop3A_15 = arith.constant 0 : i32
    %parallel_loop3A_16 = arith.constant 64 : i32
    %parallel_loop3A_17 = arith.constant 1 : i32
    scf.for %parallel_loop3A_434 = %parallel_loop3A_15 to %parallel_loop3A_16 step %parallel_loop3A_17  : i32 {
      %parallel_loop3A_435 = arith.constant 16 : i32
      %parallel_loop3A_436 = arith.muli %parallel_loop3A_434, %parallel_loop3A_435 : i32
      %parallel_loop3A_437 = tpu.assume_multiple %parallel_loop3A_436, 16 : i32
      %parallel_loop3A_438 = arith.index_cast %parallel_loop3A_437 : i32 to index
      %parallel_loop3A_439 = tpu.vector_load %arg29[%parallel_loop3A_438] {strides = array<i32>} : memref<1024xi32, #tpu.memory_space<vmem>>, vector<16xi32>,
      tpu.vector_store %arg29[%parallel_loop3A_438], %broadcast_in_dim3A_14 {strides = array<i32>} : memref<1024xi32, #tpu.memory_space<vmem>>, vector<16xi32>,
    } {sc.loop_unroll_factor = 1 : i64, sc.parallel_access}
    %broadcast_in_dim3A_18 = arith.constant 0 : i32
    %broadcast_in_dim3A_19 = vector.broadcast %broadcast_in_dim3A_18 : i32 to vector<16xi32>
    %broadcast_in_dim3A_20 = arith.constant 10000 : i32
    %broadcast_in_dim3A_21 = vector.broadcast %broadcast_in_dim3A_20 : i32 to vector<16xi32>
    %broadcast_in_dim3A_22 = arith.constant 20000 : i32
    %broadcast_in_dim3A_23 = vector.broadcast %broadcast_in_dim3A_22 : i32 to vector<16xi32>
    %broadcast_in_dim3A_24 = arith.constant 30000 : i32
    %broadcast_in_dim3A_25 = vector.broadcast %broadcast_in_dim3A_24 : i32 to vector<16xi32>
    %parallel_loop3A_26 = arith.constant 0 : i32
    %parallel_loop3A_27 = arith.constant 125 : i32
    %parallel_loop3A_28 = arith.constant 1 : i32
    %parallel_loop3A_29:4 = scf.for %parallel_loop3A_434 = %parallel_loop3A_26 to %parallel_loop3A_27 step %parallel_loop3A_28 iter_args(%parallel_loop3A_435 = %broadcast_in_dim3A_3, %parallel_loop3A_436 = %broadcast_in_dim3A_3, %parallel_loop3A_437 = %broadcast_in_dim3A_3, %parallel_loop3A_438 = %broadcast_in_dim3A_3) -> (vector<16xf32>, vector<16xf32>, vector<16xf32>, vector<16xf32>)  : i32 {
      %parallel_loop3A_439 = arith.constant 16 : i32
      %parallel_loop3A_440 = arith.muli %parallel_loop3A_434, %parallel_loop3A_439 : i32
      %parallel_loop3A_441 = tpu.assume_multiple %parallel_loop3A_440, 16 : i32
      %parallel_loop3A_442 = arith.index_cast %parallel_loop3A_441 : i32 to index
      %parallel_loop3A_443 = tpu.vector_load %arg21[%parallel_loop3A_442] {strides = array<i32>} : memref<3200xi32, #tpu.memory_space<vmem>>, vector<16xi32>,
      tpu.vector_store_idx %arg19[%parallel_loop3A_443], %broadcast_in_dim3A_1 {add = true} : memref<10000xf32, #tpu.memory_space<vmem>>[vector<16xi32>], vector<16xf32>,
      %parallel_loop3A_444 = arith.addi %parallel_loop3A_443, %broadcast_in_dim3A_19 : vector<16xi32>
      %parallel_loop3A_445 = tpu.vector_load_idx %arg17[%parallel_loop3A_444] : memref<40000xf32, #tpu.memory_space<vmem>>[vector<16xi32>], vector<16xf32>,
      %parallel_loop3A_446 = arith.addf %parallel_loop3A_435, %parallel_loop3A_445 : vector<16xf32>
      %parallel_loop3A_447 = arith.addi %parallel_loop3A_443, %broadcast_in_dim3A_21 : vector<16xi32>
      %parallel_loop3A_448 = tpu.vector_load_idx %arg17[%parallel_loop3A_447] : memref<40000xf32, #tpu.memory_space<vmem>>[vector<16xi32>], vector<16xf32>,
      %parallel_loop3A_449 = arith.addf %parallel_loop3A_436, %parallel_loop3A_448 : vector<16xf32>
      %parallel_loop3A_450 = arith.addi %parallel_loop3A_443, %broadcast_in_dim3A_23 : vector<16xi32>
      %parallel_loop3A_451 = tpu.vector_load_idx %arg17[%parallel_loop3A_450] : memref<40000xf32, #tpu.memory_space<vmem>>[vector<16xi32>], vector<16xf32>,
      %parallel_loop3A_452 = arith.addf %parallel_loop3A_437, %parallel_loop3A_451 : vector<16xf32>
      %parallel_loop3A_453 = arith.addi %parallel_loop3A_443, %broadcast_in_dim3A_25 : vector<16xi32>
      %parallel_loop3A_454 = tpu.vector_load_idx %arg17[%parallel_loop3A_453] : memref<40000xf32, #tpu.memory_space<vmem>>[vector<16xi32>], vector<16xf32>,
      %parallel_loop3A_455 = arith.addf %parallel_loop3A_438, %parallel_loop3A_454 : vector<16xf32>
      scf.yield %parallel_loop3A_446, %parallel_loop3A_449, %parallel_loop3A_452, %parallel_loop3A_455 : vector<16xf32>, vector<16xf32>, vector<16xf32>, vector<16xf32>
    } {sc.loop_unroll_factor = 1 : i64, sc.parallel_access}
    %parallel_loop3A_30 = arith.constant 0 : i32
    %parallel_loop3A_31 = arith.constant 125 : i32
    %parallel_loop3A_32 = arith.constant 1 : i32
    %parallel_loop3A_33:4 = scf.for %parallel_loop3A_434 = %parallel_loop3A_30 to %parallel_loop3A_31 step %parallel_loop3A_32 iter_args(%parallel_loop3A_435 = %broadcast_in_dim3A_3, %parallel_loop3A_436 = %broadcast_in_dim3A_3, %parallel_loop3A_437 = %broadcast_in_dim3A_3, %parallel_loop3A_438 = %broadcast_in_dim3A_3) -> (vector<16xf32>, vector<16xf32>, vector<16xf32>, vector<16xf32>)  : i32 {
      %parallel_loop3A_439 = arith.constant 16 : i32
      %parallel_loop3A_440 = arith.muli %parallel_loop3A_434, %parallel_loop3A_439 : i32
      %parallel_loop3A_441 = tpu.assume_multiple %parallel_loop3A_440, 16 : i32
      %parallel_loop3A_442 = arith.index_cast %parallel_loop3A_441 : i32 to index
      %parallel_loop3A_443 = tpu.vector_load %arg22[%parallel_loop3A_442] {strides = array<i32>} : memref<3200xi32, #tpu.memory_space<vmem>>, vector<16xi32>,
      %parallel_loop3A_444 = arith.addi %parallel_loop3A_443, %broadcast_in_dim3A_19 : vector<16xi32>
      %parallel_loop3A_445 = tpu.vector_load_idx %arg17[%parallel_loop3A_444] : memref<40000xf32, #tpu.memory_space<vmem>>[vector<16xi32>], vector<16xf32>,
      %parallel_loop3A_446 = arith.addf %parallel_loop3A_435, %parallel_loop3A_445 : vector<16xf32>
      %parallel_loop3A_447 = arith.addi %parallel_loop3A_443, %broadcast_in_dim3A_21 : vector<16xi32>
      %parallel_loop3A_448 = tpu.vector_load_idx %arg17[%parallel_loop3A_447] : memref<40000xf32, #tpu.memory_space<vmem>>[vector<16xi32>], vector<16xf32>,
      %parallel_loop3A_449 = arith.addf %parallel_loop3A_436, %parallel_loop3A_448 : vector<16xf32>
      %parallel_loop3A_450 = arith.addi %parallel_loop3A_443, %broadcast_in_dim3A_23 : vector<16xi32>
      %parallel_loop3A_451 = tpu.vector_load_idx %arg17[%parallel_loop3A_450] : memref<40000xf32, #tpu.memory_space<vmem>>[vector<16xi32>], vector<16xf32>,
      %parallel_loop3A_452 = arith.addf %parallel_loop3A_437, %parallel_loop3A_451 : vector<16xf32>
      %parallel_loop3A_453 = arith.addi %parallel_loop3A_443, %broadcast_in_dim3A_25 : vector<16xi32>
      %parallel_loop3A_454 = tpu.vector_load_idx %arg17[%parallel_loop3A_453] : memref<40000xf32, #tpu.memory_space<vmem>>[vector<16xi32>], vector<16xf32>,
      %parallel_loop3A_455 = arith.addf %parallel_loop3A_438, %parallel_loop3A_454 : vector<16xf32>
      scf.yield %parallel_loop3A_446, %parallel_loop3A_449, %parallel_loop3A_452, %parallel_loop3A_455 : vector<16xf32>, vector<16xf32>, vector<16xf32>, vector<16xf32>
    } {sc.loop_unroll_factor = 1 : i64, sc.parallel_access}
    %reduce_sum3A = arith.constant true
    %reduce_sum3A_34 = vector.broadcast %reduce_sum3A : i1 to vector<16xi1>
    %reduce_sum3A_35 = tpu.scan <sum>, %parallel_loop3A_29#0 masked %reduce_sum3A_34 : vector<16xf32>, vector<16xi1> -> vector<16xf32>
    %reduce_sum3A_36 = vector.extract %reduce_sum3A_35[15] : f32 from vector<16xf32>
    %broadcast_in_dim3A_37 = vector.broadcast %reduce_sum3A_36 : f32 to vector<16xf32>
    %reduce_sum3A_38 = arith.constant true
    %reduce_sum3A_39 = vector.broadcast %reduce_sum3A_38 : i1 to vector<16xi1>
    %reduce_sum3A_40 = tpu.scan <sum>, %parallel_loop3A_29#1 masked %reduce_sum3A_39 : vector<16xf32>, vector<16xi1> -> vector<16xf32>
    %reduce_sum3A_41 = vector.extract %reduce_sum3A_40[15] : f32 from vector<16xf32>
    %broadcast_in_dim3A_42 = vector.broadcast %reduce_sum3A_41 : f32 to vector<16xf32>
    %reduce_sum3A_43 = arith.constant true
    %reduce_sum3A_44 = vector.broadcast %reduce_sum3A_43 : i1 to vector<16xi1>
    %reduce_sum3A_45 = tpu.scan <sum>, %parallel_loop3A_29#2 masked %reduce_sum3A_44 : vector<16xf32>, vector<16xi1> -> vector<16xf32>
    %reduce_sum3A_46 = vector.extract %reduce_sum3A_45[15] : f32 from vector<16xf32>
    %broadcast_in_dim3A_47 = vector.broadcast %reduce_sum3A_46 : f32 to vector<16xf32>
    %reduce_sum3A_48 = arith.constant true
    %reduce_sum3A_49 = vector.broadcast %reduce_sum3A_48 : i1 to vector<16xi1>
    %reduce_sum3A_50 = tpu.scan <sum>, %parallel_loop3A_29#3 masked %reduce_sum3A_49 : vector<16xf32>, vector<16xi1> -> vector<16xf32>
    %reduce_sum3A_51 = vector.extract %reduce_sum3A_50[15] : f32 from vector<16xf32>
    %broadcast_in_dim3A_52 = vector.broadcast %reduce_sum3A_51 : f32 to vector<16xf32>
    %reduce_sum3A_53 = arith.constant true
    %reduce_sum3A_54 = vector.broadcast %reduce_sum3A_53 : i1 to vector<16xi1>
    %reduce_sum3A_55 = tpu.scan <sum>, %parallel_loop3A_33#0 masked %reduce_sum3A_54 : vector<16xf32>, vector<16xi1> -> vector<16xf32>
    %reduce_sum3A_56 = vector.extract %reduce_sum3A_55[15] : f32 from vector<16xf32>
    %broadcast_in_dim3A_57 = vector.broadcast %reduce_sum3A_56 : f32 to vector<16xf32>
    %reduce_sum3A_58 = arith.constant true
    %reduce_sum3A_59 = vector.broadcast %reduce_sum3A_58 : i1 to vector<16xi1>
    %reduce_sum3A_60 = tpu.scan <sum>, %parallel_loop3A_33#1 masked %reduce_sum3A_59 : vector<16xf32>, vector<16xi1> -> vector<16xf32>
    %reduce_sum3A_61 = vector.extract %reduce_sum3A_60[15] : f32 from vector<16xf32>
    %broadcast_in_dim3A_62 = vector.broadcast %reduce_sum3A_61 : f32 to vector<16xf32>
    %reduce_sum3A_63 = arith.constant true
    %reduce_sum3A_64 = vector.broadcast %reduce_sum3A_63 : i1 to vector<16xi1>
    %reduce_sum3A_65 = tpu.scan <sum>, %parallel_loop3A_33#2 masked %reduce_sum3A_64 : vector<16xf32>, vector<16xi1> -> vector<16xf32>
    %reduce_sum3A_66 = vector.extract %reduce_sum3A_65[15] : f32 from vector<16xf32>
    %broadcast_in_dim3A_67 = vector.broadcast %reduce_sum3A_66 : f32 to vector<16xf32>
    %reduce_sum3A_68 = arith.constant true
    %reduce_sum3A_69 = vector.broadcast %reduce_sum3A_68 : i1 to vector<16xi1>
    %reduce_sum3A_70 = tpu.scan <sum>, %parallel_loop3A_33#3 masked %reduce_sum3A_69 : vector<16xf32>, vector<16xi1> -> vector<16xf32>
    %reduce_sum3A_71 = vector.extract %reduce_sum3A_70[15] : f32 from vector<16xf32>
    %broadcast_in_dim3A_72 = vector.broadcast %reduce_sum3A_71 : f32 to vector<16xf32>
    %add3A_73 = arith.addf %broadcast_in_dim3A_37, %broadcast_in_dim3A_57 : vector<16xf32>
    %mul3A_74 = arith.constant 1.000000e+02 : f32
    %mul3A_75 = vector.broadcast %mul3A_74 : f32 to vector<16xf32>
    %mul3A_76 = arith.mulf %mul3A_75, %add3A_73 : vector<16xf32>
    %div3A = arith.constant 1.000000e+00 : f32
    %div3A_77 = vector.broadcast %div3A : f32 to vector<16xf32>
    %div3A_78 = arith.divf %div3A_77, %mul3A_76 : vector<16xf32>
    %min3A = arith.constant 1.000000e+00 : f32
    %min3A_79 = vector.broadcast %min3A : f32 to vector<16xf32>
    %min3A_80 = arith.minimumf %div3A_78, %min3A_79 : vector<16xf32>
    %add3A_81 = arith.addf %broadcast_in_dim3A_42, %broadcast_in_dim3A_62 : vector<16xf32>
    %mul3A_82 = arith.constant 1.000000e+02 : f32
    %mul3A_83 = vector.broadcast %mul3A_82 : f32 to vector<16xf32>
    %mul3A_84 = arith.mulf %mul3A_83, %add3A_81 : vector<16xf32>
    %div3A_85 = arith.constant 1.000000e+00 : f32
    %div3A_86 = vector.broadcast %div3A_85 : f32 to vector<16xf32>
    %div3A_87 = arith.divf %div3A_86, %mul3A_84 : vector<16xf32>
    %min3A_88 = arith.constant 1.000000e+00 : f32
    %min3A_89 = vector.broadcast %min3A_88 : f32 to vector<16xf32>
    %min3A_90 = arith.minimumf %div3A_87, %min3A_89 : vector<16xf32>
    %add3A_91 = arith.addf %broadcast_in_dim3A_47, %broadcast_in_dim3A_67 : vector<16xf32>
    %mul3A_92 = arith.constant 1.000000e+02 : f32
    %mul3A_93 = vector.broadcast %mul3A_92 : f32 to vector<16xf32>
    %mul3A_94 = arith.mulf %mul3A_93, %add3A_91 : vector<16xf32>
    %div3A_95 = arith.constant 1.000000e+00 : f32
    %div3A_96 = vector.broadcast %div3A_95 : f32 to vector<16xf32>
    %div3A_97 = arith.divf %div3A_96, %mul3A_94 : vector<16xf32>
    %min3A_98 = arith.constant 1.000000e+00 : f32
    %min3A_99 = vector.broadcast %min3A_98 : f32 to vector<16xf32>
    %min3A_100 = arith.minimumf %div3A_97, %min3A_99 : vector<16xf32>
    %add3A_101 = arith.addf %broadcast_in_dim3A_52, %broadcast_in_dim3A_72 : vector<16xf32>
    %mul3A_102 = arith.constant 1.000000e+02 : f32
    %mul3A_103 = vector.broadcast %mul3A_102 : f32 to vector<16xf32>
    %mul3A_104 = arith.mulf %mul3A_103, %add3A_101 : vector<16xf32>
    %div3A_105 = arith.constant 1.000000e+00 : f32
    %div3A_106 = vector.broadcast %div3A_105 : f32 to vector<16xf32>
    %div3A_107 = arith.divf %div3A_106, %mul3A_104 : vector<16xf32>
    %min3A_108 = arith.constant 1.000000e+00 : f32
    %min3A_109 = vector.broadcast %min3A_108 : f32 to vector<16xf32>
    %min3A_110 = arith.minimumf %div3A_107, %min3A_109 : vector<16xf32>
    %get3A = arith.constant 0 : index
    %get3A_111 = tpu.vector_load %arg28[%get3A] {strides = array<i32>} : memref<64xf32, #tpu.memory_space<vmem>>, vector<16xf32>,
    %get3A_112 = arith.constant 16 : index
    %get3A_113 = tpu.vector_load %arg28[%get3A_112] {strides = array<i32>} : memref<64xf32, #tpu.memory_space<vmem>>, vector<16xf32>,
    %get3A_114 = arith.constant 32 : index
    %get3A_115 = tpu.vector_load %arg28[%get3A_114] {strides = array<i32>} : memref<64xf32, #tpu.memory_space<vmem>>, vector<16xf32>,
    %get3A_116 = arith.constant 48 : index
    %get3A_117 = tpu.vector_load %arg28[%get3A_116] {strides = array<i32>} : memref<64xf32, #tpu.memory_space<vmem>>, vector<16xf32>,
    %slice3A = vector.extract_strided_slice %get3A_111 {offsets = [0], sizes = [1], strides = [1]} : vector<16xf32> to vector<1xf32>
    %squeeze3A = vector.extract %slice3A[0] : f32 from vector<1xf32>
    %broadcast_in_dim3A_118 = vector.broadcast %squeeze3A : f32 to vector<16xf32>
    %slice3A_119 = vector.extract_strided_slice %get3A_113 {offsets = [0], sizes = [1], strides = [1]} : vector<16xf32> to vector<1xf32>
    %squeeze3A_120 = vector.extract %slice3A_119[0] : f32 from vector<1xf32>
    %broadcast_in_dim3A_121 = vector.broadcast %squeeze3A_120 : f32 to vector<16xf32>
    %slice3A_122 = vector.extract_strided_slice %get3A_115 {offsets = [0], sizes = [1], strides = [1]} : vector<16xf32> to vector<1xf32>
    %squeeze3A_123 = vector.extract %slice3A_122[0] : f32 from vector<1xf32>
    %broadcast_in_dim3A_124 = vector.broadcast %squeeze3A_123 : f32 to vector<16xf32>
    %slice3A_125 = vector.extract_strided_slice %get3A_117 {offsets = [0], sizes = [1], strides = [1]} : vector<16xf32> to vector<1xf32>
    %squeeze3A_126 = vector.extract %slice3A_125[0] : f32 from vector<1xf32>
    %broadcast_in_dim3A_127 = vector.broadcast %squeeze3A_126 : f32 to vector<16xf32>
    %slice3A_128 = vector.extract_strided_slice %get3A_111 {offsets = [1], sizes = [1], strides = [1]} : vector<16xf32> to vector<1xf32>
    %squeeze3A_129 = vector.extract %slice3A_128[0] : f32 from vector<1xf32>
    %broadcast_in_dim3A_130 = vector.broadcast %squeeze3A_129 : f32 to vector<16xf32>
    %slice3A_131 = vector.extract_strided_slice %get3A_113 {offsets = [1], sizes = [1], strides = [1]} : vector<16xf32> to vector<1xf32>
    %squeeze3A_132 = vector.extract %slice3A_131[0] : f32 from vector<1xf32>
    %broadcast_in_dim3A_133 = vector.broadcast %squeeze3A_132 : f32 to vector<16xf32>
    %slice3A_134 = vector.extract_strided_slice %get3A_115 {offsets = [1], sizes = [1], strides = [1]} : vector<16xf32> to vector<1xf32>
    %squeeze3A_135 = vector.extract %slice3A_134[0] : f32 from vector<1xf32>
    %broadcast_in_dim3A_136 = vector.broadcast %squeeze3A_135 : f32 to vector<16xf32>
    %slice3A_137 = vector.extract_strided_slice %get3A_117 {offsets = [1], sizes = [1], strides = [1]} : vector<16xf32> to vector<1xf32>
    %squeeze3A_138 = vector.extract %slice3A_137[0] : f32 from vector<1xf32>
    %broadcast_in_dim3A_139 = vector.broadcast %squeeze3A_138 : f32 to vector<16xf32>
    %slice3A_140 = vector.extract_strided_slice %get3A_111 {offsets = [2], sizes = [1], strides = [1]} : vector<16xf32> to vector<1xf32>
    %squeeze3A_141 = vector.extract %slice3A_140[0] : f32 from vector<1xf32>
    %broadcast_in_dim3A_142 = vector.broadcast %squeeze3A_141 : f32 to vector<16xf32>
    %slice3A_143 = vector.extract_strided_slice %get3A_113 {offsets = [2], sizes = [1], strides = [1]} : vector<16xf32> to vector<1xf32>
    %squeeze3A_144 = vector.extract %slice3A_143[0] : f32 from vector<1xf32>
    %broadcast_in_dim3A_145 = vector.broadcast %squeeze3A_144 : f32 to vector<16xf32>
    %slice3A_146 = vector.extract_strided_slice %get3A_115 {offsets = [2], sizes = [1], strides = [1]} : vector<16xf32> to vector<1xf32>
    %squeeze3A_147 = vector.extract %slice3A_146[0] : f32 from vector<1xf32>
    %broadcast_in_dim3A_148 = vector.broadcast %squeeze3A_147 : f32 to vector<16xf32>
    %slice3A_149 = vector.extract_strided_slice %get3A_117 {offsets = [2], sizes = [1], strides = [1]} : vector<16xf32> to vector<1xf32>
    %squeeze3A_150 = vector.extract %slice3A_149[0] : f32 from vector<1xf32>
    %broadcast_in_dim3A_151 = vector.broadcast %squeeze3A_150 : f32 to vector<16xf32>
    %multiple_of3A = arith.constant 0 : i32
    %multiple_of3A_152 = tpu.assume_multiple %multiple_of3A, 8 : i32
    %dma_start3A = arith.constant 0 : i32
    %dma_start3A_153 = tpu.memref_slice %arg20[%dma_start3A] : memref<3200xi32, #tpu.memory_space<vmem>> -> memref<1600xi32, #tpu.memory_space<vmem>>
    %dma_start3A_154 = tpu.memref_slice %arg7[%multiple_of3A_152] : memref<80000xi32, #tpu.memory_space<hbm>> -> memref<1600xi32, #tpu.memory_space<hbm>>
    %dma_start3A_155 = arith.constant 0 : i32
    %dma_start3A_156 = tpu.memref_slice %arg20[%dma_start3A_155] : memref<3200xi32, #tpu.memory_space<vmem>> -> memref<1600xi32, #tpu.memory_space<vmem>>
    %dma_start3A_157 = tpu.memref_slice %arg7[%multiple_of3A_152] : memref<80000xi32, #tpu.memory_space<hbm>> -> memref<1600xi32, #tpu.memory_space<hbm>>
    tpu.enqueue_dma source(%dma_start3A_157 : memref<1600xi32, #tpu.memory_space<hbm>>) target(%dma_start3A_156 : memref<1600xi32, #tpu.memory_space<vmem>>) target_semaphore(%arg30 : memref<!tpu.dma_semaphore, #tpu.memory_space<semaphore_mem>>)
    %dma_start3A_158 = arith.constant 0 : i32
    %dma_start3A_159 = tpu.memref_slice %arg21[%dma_start3A_158] : memref<3200xi32, #tpu.memory_space<vmem>> -> memref<1600xi32, #tpu.memory_space<vmem>>
    %dma_start3A_160 = tpu.memref_slice %arg8[%multiple_of3A_152] : memref<80000xi32, #tpu.memory_space<hbm>> -> memref<1600xi32, #tpu.memory_space<hbm>>
    %dma_start3A_161 = arith.constant 0 : i32
    %dma_start3A_162 = tpu.memref_slice %arg21[%dma_start3A_161] : memref<3200xi32, #tpu.memory_space<vmem>> -> memref<1600xi32, #tpu.memory_space<vmem>>
    %dma_start3A_163 = tpu.memref_slice %arg8[%multiple_of3A_152] : memref<80000xi32, #tpu.memory_space<hbm>> -> memref<1600xi32, #tpu.memory_space<hbm>>
    tpu.enqueue_dma source(%dma_start3A_163 : memref<1600xi32, #tpu.memory_space<hbm>>) target(%dma_start3A_162 : memref<1600xi32, #tpu.memory_space<vmem>>) target_semaphore(%arg30 : memref<!tpu.dma_semaphore, #tpu.memory_space<semaphore_mem>>)
    %dma_start3A_164 = arith.constant 0 : i32
    %dma_start3A_165 = tpu.memref_slice %arg23[%dma_start3A_164] : memref<3200xf32, #tpu.memory_space<vmem>> -> memref<1600xf32, #tpu.memory_space<vmem>>
    %dma_start3A_166 = tpu.memref_slice %arg4[%multiple_of3A_152] : memref<160000xf32, #tpu.memory_space<hbm>> -> memref<1600xf32, #tpu.memory_space<hbm>>
    %dma_start3A_167 = arith.constant 0 : i32
    %dma_start3A_168 = tpu.memref_slice %arg23[%dma_start3A_167] : memref<3200xf32, #tpu.memory_space<vmem>> -> memref<1600xf32, #tpu.memory_space<vmem>>
    %dma_start3A_169 = tpu.memref_slice %arg4[%multiple_of3A_152] : memref<160000xf32, #tpu.memory_space<hbm>> -> memref<1600xf32, #tpu.memory_space<hbm>>
    tpu.enqueue_dma source(%dma_start3A_169 : memref<1600xf32, #tpu.memory_space<hbm>>) target(%dma_start3A_168 : memref<1600xf32, #tpu.memory_space<vmem>>) target_semaphore(%arg30 : memref<!tpu.dma_semaphore, #tpu.memory_space<semaphore_mem>>)
    %dma_start3A_170 = arith.constant 0 : i32
    %dma_start3A_171 = tpu.memref_slice %arg24[%dma_start3A_170] : memref<3200xf32, #tpu.memory_space<vmem>> -> memref<1600xf32, #tpu.memory_space<vmem>>
    %dma_start3A_172 = tpu.memref_slice %arg5[%multiple_of3A_152] : memref<160000xf32, #tpu.memory_space<hbm>> -> memref<1600xf32, #tpu.memory_space<hbm>>
    %dma_start3A_173 = arith.constant 0 : i32
    %dma_start3A_174 = tpu.memref_slice %arg24[%dma_start3A_173] : memref<3200xf32, #tpu.memory_space<vmem>> -> memref<1600xf32, #tpu.memory_space<vmem>>
    %dma_start3A_175 = tpu.memref_slice %arg5[%multiple_of3A_152] : memref<160000xf32, #tpu.memory_space<hbm>> -> memref<1600xf32, #tpu.memory_space<hbm>>
    tpu.enqueue_dma source(%dma_start3A_175 : memref<1600xf32, #tpu.memory_space<hbm>>) target(%dma_start3A_174 : memref<1600xf32, #tpu.memory_space<vmem>>) target_semaphore(%arg30 : memref<!tpu.dma_semaphore, #tpu.memory_space<semaphore_mem>>)
    %dma_start3A_176 = arith.constant 0 : i32
    %dma_start3A_177 = tpu.memref_slice %arg25[%dma_start3A_176] : memref<3200xf32, #tpu.memory_space<vmem>> -> memref<1600xf32, #tpu.memory_space<vmem>>
    %dma_start3A_178 = tpu.memref_slice %arg6[%multiple_of3A_152] : memref<160000xf32, #tpu.memory_space<hbm>> -> memref<1600xf32, #tpu.memory_space<hbm>>
    %dma_start3A_179 = arith.constant 0 : i32
    %dma_start3A_180 = tpu.memref_slice %arg25[%dma_start3A_179] : memref<3200xf32, #tpu.memory_space<vmem>> -> memref<1600xf32, #tpu.memory_space<vmem>>
    %dma_start3A_181 = tpu.memref_slice %arg6[%multiple_of3A_152] : memref<160000xf32, #tpu.memory_space<hbm>> -> memref<1600xf32, #tpu.memory_space<hbm>>
    tpu.enqueue_dma source(%dma_start3A_181 : memref<1600xf32, #tpu.memory_space<hbm>>) target(%dma_start3A_180 : memref<1600xf32, #tpu.memory_space<vmem>>) target_semaphore(%arg30 : memref<!tpu.dma_semaphore, #tpu.memory_space<semaphore_mem>>)
    %dma_start3A_182 = arith.constant 0 : i32
    %dma_start3A_183 = tpu.memref_slice %arg26[%dma_start3A_182] : memref<3200xf32, #tpu.memory_space<vmem>> -> memref<1600xf32, #tpu.memory_space<vmem>>
    %dma_start3A_184 = tpu.memref_slice %arg14[%multiple_of3A_152] : memref<80000xf32, #tpu.memory_space<hbm>> -> memref<1600xf32, #tpu.memory_space<hbm>>
    %dma_start3A_185 = arith.constant 0 : i32
    %dma_start3A_186 = tpu.memref_slice %arg26[%dma_start3A_185] : memref<3200xf32, #tpu.memory_space<vmem>> -> memref<1600xf32, #tpu.memory_space<vmem>>
    %dma_start3A_187 = tpu.memref_slice %arg14[%multiple_of3A_152] : memref<80000xf32, #tpu.memory_space<hbm>> -> memref<1600xf32, #tpu.memory_space<hbm>>
    tpu.enqueue_dma source(%dma_start3A_187 : memref<1600xf32, #tpu.memory_space<hbm>>) target(%dma_start3A_186 : memref<1600xf32, #tpu.memory_space<vmem>>) target_semaphore(%arg30 : memref<!tpu.dma_semaphore, #tpu.memory_space<semaphore_mem>>)
    %dma_start3A_188 = arith.constant 0 : i32
    %dma_start3A_189 = tpu.memref_slice %arg27[%dma_start3A_188] : memref<3200xf32, #tpu.memory_space<vmem>> -> memref<1600xf32, #tpu.memory_space<vmem>>
    %dma_start3A_190 = tpu.memref_slice %arg15[%multiple_of3A_152] : memref<80000xf32, #tpu.memory_space<hbm>> -> memref<1600xf32, #tpu.memory_space<hbm>>
    %dma_start3A_191 = arith.constant 0 : i32
    %dma_start3A_192 = tpu.memref_slice %arg27[%dma_start3A_191] : memref<3200xf32, #tpu.memory_space<vmem>> -> memref<1600xf32, #tpu.memory_space<vmem>>
    %dma_start3A_193 = tpu.memref_slice %arg15[%multiple_of3A_152] : memref<80000xf32, #tpu.memory_space<hbm>> -> memref<1600xf32, #tpu.memory_space<hbm>>
    tpu.enqueue_dma source(%dma_start3A_193 : memref<1600xf32, #tpu.memory_space<hbm>>) target(%dma_start3A_192 : memref<1600xf32, #tpu.memory_space<vmem>>) target_semaphore(%arg30 : memref<!tpu.dma_semaphore, #tpu.memory_space<semaphore_mem>>)
    %multiple_of3A_194 = arith.constant 1600 : i32
    %multiple_of3A_195 = tpu.assume_multiple %multiple_of3A_194, 8 : i32
    %dma_start3A_196 = arith.constant 1600 : i32
    %dma_start3A_197 = tpu.memref_slice %arg20[%dma_start3A_196] : memref<3200xi32, #tpu.memory_space<vmem>> -> memref<1600xi32, #tpu.memory_space<vmem>>
    %dma_start3A_198 = tpu.memref_slice %arg7[%multiple_of3A_195] : memref<80000xi32, #tpu.memory_space<hbm>> -> memref<1600xi32, #tpu.memory_space<hbm>>
    %dma_start3A_199 = arith.constant 1600 : i32
    %dma_start3A_200 = tpu.memref_slice %arg20[%dma_start3A_199] : memref<3200xi32, #tpu.memory_space<vmem>> -> memref<1600xi32, #tpu.memory_space<vmem>>
    %dma_start3A_201 = tpu.memref_slice %arg7[%multiple_of3A_195] : memref<80000xi32, #tpu.memory_space<hbm>> -> memref<1600xi32, #tpu.memory_space<hbm>>
    tpu.enqueue_dma source(%dma_start3A_201 : memref<1600xi32, #tpu.memory_space<hbm>>) target(%dma_start3A_200 : memref<1600xi32, #tpu.memory_space<vmem>>) target_semaphore(%arg31 : memref<!tpu.dma_semaphore, #tpu.memory_space<semaphore_mem>>)
    %dma_start3A_202 = arith.constant 1600 : i32
    %dma_start3A_203 = tpu.memref_slice %arg21[%dma_start3A_202] : memref<3200xi32, #tpu.memory_space<vmem>> -> memref<1600xi32, #tpu.memory_space<vmem>>
    %dma_start3A_204 = tpu.memref_slice %arg8[%multiple_of3A_195] : memref<80000xi32, #tpu.memory_space<hbm>> -> memref<1600xi32, #tpu.memory_space<hbm>>
    %dma_start3A_205 = arith.constant 1600 : i32
    %dma_start3A_206 = tpu.memref_slice %arg21[%dma_start3A_205] : memref<3200xi32, #tpu.memory_space<vmem>> -> memref<1600xi32, #tpu.memory_space<vmem>>
    %dma_start3A_207 = tpu.memref_slice %arg8[%multiple_of3A_195] : memref<80000xi32, #tpu.memory_space<hbm>> -> memref<1600xi32, #tpu.memory_space<hbm>>
    tpu.enqueue_dma source(%dma_start3A_207 : memref<1600xi32, #tpu.memory_space<hbm>>) target(%dma_start3A_206 : memref<1600xi32, #tpu.memory_space<vmem>>) target_semaphore(%arg31 : memref<!tpu.dma_semaphore, #tpu.memory_space<semaphore_mem>>)
    %dma_start3A_208 = arith.constant 1600 : i32
    %dma_start3A_209 = tpu.memref_slice %arg23[%dma_start3A_208] : memref<3200xf32, #tpu.memory_space<vmem>> -> memref<1600xf32, #tpu.memory_space<vmem>>
    %dma_start3A_210 = tpu.memref_slice %arg4[%multiple_of3A_195] : memref<160000xf32, #tpu.memory_space<hbm>> -> memref<1600xf32, #tpu.memory_space<hbm>>
    %dma_start3A_211 = arith.constant 1600 : i32
    %dma_start3A_212 = tpu.memref_slice %arg23[%dma_start3A_211] : memref<3200xf32, #tpu.memory_space<vmem>> -> memref<1600xf32, #tpu.memory_space<vmem>>
    %dma_start3A_213 = tpu.memref_slice %arg4[%multiple_of3A_195] : memref<160000xf32, #tpu.memory_space<hbm>> -> memref<1600xf32, #tpu.memory_space<hbm>>
    tpu.enqueue_dma source(%dma_start3A_213 : memref<1600xf32, #tpu.memory_space<hbm>>) target(%dma_start3A_212 : memref<1600xf32, #tpu.memory_space<vmem>>) target_semaphore(%arg31 : memref<!tpu.dma_semaphore, #tpu.memory_space<semaphore_mem>>)
    %dma_start3A_214 = arith.constant 1600 : i32
    %dma_start3A_215 = tpu.memref_slice %arg24[%dma_start3A_214] : memref<3200xf32, #tpu.memory_space<vmem>> -> memref<1600xf32, #tpu.memory_space<vmem>>
    %dma_start3A_216 = tpu.memref_slice %arg5[%multiple_of3A_195] : memref<160000xf32, #tpu.memory_space<hbm>> -> memref<1600xf32, #tpu.memory_space<hbm>>
    %dma_start3A_217 = arith.constant 1600 : i32
    %dma_start3A_218 = tpu.memref_slice %arg24[%dma_start3A_217] : memref<3200xf32, #tpu.memory_space<vmem>> -> memref<1600xf32, #tpu.memory_space<vmem>>
    %dma_start3A_219 = tpu.memref_slice %arg5[%multiple_of3A_195] : memref<160000xf32, #tpu.memory_space<hbm>> -> memref<1600xf32, #tpu.memory_space<hbm>>
    tpu.enqueue_dma source(%dma_start3A_219 : memref<1600xf32, #tpu.memory_space<hbm>>) target(%dma_start3A_218 : memref<1600xf32, #tpu.memory_space<vmem>>) target_semaphore(%arg31 : memref<!tpu.dma_semaphore, #tpu.memory_space<semaphore_mem>>)
    %dma_start3A_220 = arith.constant 1600 : i32
    %dma_start3A_221 = tpu.memref_slice %arg25[%dma_start3A_220] : memref<3200xf32, #tpu.memory_space<vmem>> -> memref<1600xf32, #tpu.memory_space<vmem>>
    %dma_start3A_222 = tpu.memref_slice %arg6[%multiple_of3A_195] : memref<160000xf32, #tpu.memory_space<hbm>> -> memref<1600xf32, #tpu.memory_space<hbm>>
    %dma_start3A_223 = arith.constant 1600 : i32
    %dma_start3A_224 = tpu.memref_slice %arg25[%dma_start3A_223] : memref<3200xf32, #tpu.memory_space<vmem>> -> memref<1600xf32, #tpu.memory_space<vmem>>
    %dma_start3A_225 = tpu.memref_slice %arg6[%multiple_of3A_195] : memref<160000xf32, #tpu.memory_space<hbm>> -> memref<1600xf32, #tpu.memory_space<hbm>>
    tpu.enqueue_dma source(%dma_start3A_225 : memref<1600xf32, #tpu.memory_space<hbm>>) target(%dma_start3A_224 : memref<1600xf32, #tpu.memory_space<vmem>>) target_semaphore(%arg31 : memref<!tpu.dma_semaphore, #tpu.memory_space<semaphore_mem>>)
    %dma_start3A_226 = arith.constant 1600 : i32
    %dma_start3A_227 = tpu.memref_slice %arg26[%dma_start3A_226] : memref<3200xf32, #tpu.memory_space<vmem>> -> memref<1600xf32, #tpu.memory_space<vmem>>
    %dma_start3A_228 = tpu.memref_slice %arg14[%multiple_of3A_195] : memref<80000xf32, #tpu.memory_space<hbm>> -> memref<1600xf32, #tpu.memory_space<hbm>>
    %dma_start3A_229 = arith.constant 1600 : i32
    %dma_start3A_230 = tpu.memref_slice %arg26[%dma_start3A_229] : memref<3200xf32, #tpu.memory_space<vmem>> -> memref<1600xf32, #tpu.memory_space<vmem>>
    %dma_start3A_231 = tpu.memref_slice %arg14[%multiple_of3A_195] : memref<80000xf32, #tpu.memory_space<hbm>> -> memref<1600xf32, #tpu.memory_space<hbm>>
    tpu.enqueue_dma source(%dma_start3A_231 : memref<1600xf32, #tpu.memory_space<hbm>>) target(%dma_start3A_230 : memref<1600xf32, #tpu.memory_space<vmem>>) target_semaphore(%arg31 : memref<!tpu.dma_semaphore, #tpu.memory_space<semaphore_mem>>)
    %dma_start3A_232 = arith.constant 1600 : i32
    %dma_start3A_233 = tpu.memref_slice %arg27[%dma_start3A_232] : memref<3200xf32, #tpu.memory_space<vmem>> -> memref<1600xf32, #tpu.memory_space<vmem>>
    %dma_start3A_234 = tpu.memref_slice %arg15[%multiple_of3A_195] : memref<80000xf32, #tpu.memory_space<hbm>> -> memref<1600xf32, #tpu.memory_space<hbm>>
    %dma_start3A_235 = arith.constant 1600 : i32
    %dma_start3A_236 = tpu.memref_slice %arg27[%dma_start3A_235] : memref<3200xf32, #tpu.memory_space<vmem>> -> memref<1600xf32, #tpu.memory_space<vmem>>
    %dma_start3A_237 = tpu.memref_slice %arg15[%multiple_of3A_195] : memref<80000xf32, #tpu.memory_space<hbm>> -> memref<1600xf32, #tpu.memory_space<hbm>>
    tpu.enqueue_dma source(%dma_start3A_237 : memref<1600xf32, #tpu.memory_space<hbm>>) target(%dma_start3A_236 : memref<1600xf32, #tpu.memory_space<vmem>>) target_semaphore(%arg31 : memref<!tpu.dma_semaphore, #tpu.memory_space<semaphore_mem>>)
    %scan3A = arith.constant 0 : i32
    %scan3A_238 = arith.constant 0 : i32
    %scan3A_239 = arith.constant 25 : i32
    %scan3A_240 = arith.addi %scan3A_238, %scan3A_239 : i32
    %scan3A_241 = arith.constant 1 : i32
    %scan3A_242:9 = scf.for %scan3A_434 = %scan3A_238 to %scan3A_240 step %scan3A_241 iter_args(%scan3A_435 = %broadcast_in_dim3A_3, %scan3A_436 = %broadcast_in_dim3A_3, %scan3A_437 = %broadcast_in_dim3A_3, %scan3A_438 = %broadcast_in_dim3A_3, %scan3A_439 = %broadcast_in_dim3A_3, %scan3A_440 = %broadcast_in_dim3A_3, %scan3A_441 = %broadcast_in_dim3A_3, %scan3A_442 = %broadcast_in_dim3A_3, %scan3A_443 = %scan3A) -> (vector<16xf32>, vector<16xf32>, vector<16xf32>, vector<16xf32>, vector<16xf32>, vector<16xf32>, vector<16xf32>, vector<16xf32>, i32)  : i32 {
      %mul3A_444 = arith.constant 2 : i32
      %mul3A_445 = arith.muli %scan3A_434, %mul3A_444 : i32
      %add3A_446 = arith.constant 0 : i32
      %add3A_447 = arith.addi %mul3A_445, %add3A_446 : i32
      %mul3A_448 = arith.constant 1600 : i32
      %mul3A_449 = arith.muli %add3A_447, %mul3A_448 : i32
      %multiple_of3A_450 = tpu.assume_multiple %mul3A_449, 8 : i32
      %dma_wait3A = arith.constant 0 : i32
      %dma_wait3A_451 = tpu.memref_slice %arg20[%dma_wait3A] : memref<3200xi32, #tpu.memory_space<vmem>> -> memref<1600xi32, #tpu.memory_space<vmem>>
      %dma_wait3A_452 = tpu.memref_slice %arg7[%multiple_of3A_450] : memref<80000xi32, #tpu.memory_space<hbm>> -> memref<1600xi32, #tpu.memory_space<hbm>>
      %dma_wait3A_453 = arith.constant 0 : i32
      %dma_wait3A_454 = tpu.memref_slice %arg20[%dma_wait3A_453] : memref<3200xi32, #tpu.memory_space<vmem>> -> memref<1600xi32, #tpu.memory_space<vmem>>
      %dma_wait3A_455 = tpu.memref_slice %arg7[%multiple_of3A_450] : memref<80000xi32, #tpu.memory_space<hbm>> -> memref<1600xi32, #tpu.memory_space<hbm>>
      tpu.wait_dma2 semaphore(%arg30 : memref<!tpu.dma_semaphore, #tpu.memory_space<semaphore_mem>>) src(%dma_wait3A_455 : memref<1600xi32, #tpu.memory_space<hbm>>) dst(%dma_wait3A_454 : memref<1600xi32, #tpu.memory_space<vmem>>)
      %dma_wait3A_456 = arith.constant 0 : i32
      %dma_wait3A_457 = tpu.memref_slice %arg21[%dma_wait3A_456] : memref<3200xi32, #tpu.memory_space<vmem>> -> memref<1600xi32, #tpu.memory_space<vmem>>
      %dma_wait3A_458 = tpu.memref_slice %arg8[%multiple_of3A_450] : memref<80000xi32, #tpu.memory_space<hbm>> -> memref<1600xi32, #tpu.memory_space<hbm>>
      %dma_wait3A_459 = arith.constant 0 : i32
      %dma_wait3A_460 = tpu.memref_slice %arg21[%dma_wait3A_459] : memref<3200xi32, #tpu.memory_space<vmem>> -> memref<1600xi32, #tpu.memory_space<vmem>>
      %dma_wait3A_461 = tpu.memref_slice %arg8[%multiple_of3A_450] : memref<80000xi32, #tpu.memory_space<hbm>> -> memref<1600xi32, #tpu.memory_space<hbm>>
      tpu.wait_dma2 semaphore(%arg30 : memref<!tpu.dma_semaphore, #tpu.memory_space<semaphore_mem>>) src(%dma_wait3A_461 : memref<1600xi32, #tpu.memory_space<hbm>>) dst(%dma_wait3A_460 : memref<1600xi32, #tpu.memory_space<vmem>>)
      %dma_wait3A_462 = arith.constant 0 : i32
      %dma_wait3A_463 = tpu.memref_slice %arg23[%dma_wait3A_462] : memref<3200xf32, #tpu.memory_space<vmem>> -> memref<1600xf32, #tpu.memory_space<vmem>>
      %dma_wait3A_464 = tpu.memref_slice %arg4[%multiple_of3A_450] : memref<160000xf32, #tpu.memory_space<hbm>> -> memref<1600xf32, #tpu.memory_space<hbm>>
      %dma_wait3A_465 = arith.constant 0 : i32
      %dma_wait3A_466 = tpu.memref_slice %arg23[%dma_wait3A_465] : memref<3200xf32, #tpu.memory_space<vmem>> -> memref<1600xf32, #tpu.memory_space<vmem>>
      %dma_wait3A_467 = tpu.memref_slice %arg4[%multiple_of3A_450] : memref<160000xf32, #tpu.memory_space<hbm>> -> memref<1600xf32, #tpu.memory_space<hbm>>
      tpu.wait_dma2 semaphore(%arg30 : memref<!tpu.dma_semaphore, #tpu.memory_space<semaphore_mem>>) src(%dma_wait3A_467 : memref<1600xf32, #tpu.memory_space<hbm>>) dst(%dma_wait3A_466 : memref<1600xf32, #tpu.memory_space<vmem>>)
      %dma_wait3A_468 = arith.constant 0 : i32
      %dma_wait3A_469 = tpu.memref_slice %arg24[%dma_wait3A_468] : memref<3200xf32, #tpu.memory_space<vmem>> -> memref<1600xf32, #tpu.memory_space<vmem>>
      %dma_wait3A_470 = tpu.memref_slice %arg5[%multiple_of3A_450] : memref<160000xf32, #tpu.memory_space<hbm>> -> memref<1600xf32, #tpu.memory_space<hbm>>
      %dma_wait3A_471 = arith.constant 0 : i32
      %dma_wait3A_472 = tpu.memref_slice %arg24[%dma_wait3A_471] : memref<3200xf32, #tpu.memory_space<vmem>> -> memref<1600xf32, #tpu.memory_space<vmem>>
      %dma_wait3A_473 = tpu.memref_slice %arg5[%multiple_of3A_450] : memref<160000xf32, #tpu.memory_space<hbm>> -> memref<1600xf32, #tpu.memory_space<hbm>>
      tpu.wait_dma2 semaphore(%arg30 : memref<!tpu.dma_semaphore, #tpu.memory_space<semaphore_mem>>) src(%dma_wait3A_473 : memref<1600xf32, #tpu.memory_space<hbm>>) dst(%dma_wait3A_472 : memref<1600xf32, #tpu.memory_space<vmem>>)
      %dma_wait3A_474 = arith.constant 0 : i32
      %dma_wait3A_475 = tpu.memref_slice %arg25[%dma_wait3A_474] : memref<3200xf32, #tpu.memory_space<vmem>> -> memref<1600xf32, #tpu.memory_space<vmem>>
      %dma_wait3A_476 = tpu.memref_slice %arg6[%multiple_of3A_450] : memref<160000xf32, #tpu.memory_space<hbm>> -> memref<1600xf32, #tpu.memory_space<hbm>>
      %dma_wait3A_477 = arith.constant 0 : i32
      %dma_wait3A_478 = tpu.memref_slice %arg25[%dma_wait3A_477] : memref<3200xf32, #tpu.memory_space<vmem>> -> memref<1600xf32, #tpu.memory_space<vmem>>
      %dma_wait3A_479 = tpu.memref_slice %arg6[%multiple_of3A_450] : memref<160000xf32, #tpu.memory_space<hbm>> -> memref<1600xf32, #tpu.memory_space<hbm>>
      tpu.wait_dma2 semaphore(%arg30 : memref<!tpu.dma_semaphore, #tpu.memory_space<semaphore_mem>>) src(%dma_wait3A_479 : memref<1600xf32, #tpu.memory_space<hbm>>) dst(%dma_wait3A_478 : memref<1600xf32, #tpu.memory_space<vmem>>)
      %dma_wait3A_480 = arith.constant 0 : i32
      %dma_wait3A_481 = tpu.memref_slice %arg26[%dma_wait3A_480] : memref<3200xf32, #tpu.memory_space<vmem>> -> memref<1600xf32, #tpu.memory_space<vmem>>
      %dma_wait3A_482 = tpu.memref_slice %arg14[%multiple_of3A_450] : memref<80000xf32, #tpu.memory_space<hbm>> -> memref<1600xf32, #tpu.memory_space<hbm>>
      %dma_wait3A_483 = arith.constant 0 : i32
      %dma_wait3A_484 = tpu.memref_slice %arg26[%dma_wait3A_483] : memref<3200xf32, #tpu.memory_space<vmem>> -> memref<1600xf32, #tpu.memory_space<vmem>>
      %dma_wait3A_485 = tpu.memref_slice %arg14[%multiple_of3A_450] : memref<80000xf32, #tpu.memory_space<hbm>> -> memref<1600xf32, #tpu.memory_space<hbm>>
      tpu.wait_dma2 semaphore(%arg30 : memref<!tpu.dma_semaphore, #tpu.memory_space<semaphore_mem>>) src(%dma_wait3A_485 : memref<1600xf32, #tpu.memory_space<hbm>>) dst(%dma_wait3A_484 : memref<1600xf32, #tpu.memory_space<vmem>>)
      %dma_wait3A_486 = arith.constant 0 : i32
      %dma_wait3A_487 = tpu.memref_slice %arg27[%dma_wait3A_486] : memref<3200xf32, #tpu.memory_space<vmem>> -> memref<1600xf32, #tpu.memory_space<vmem>>
      %dma_wait3A_488 = tpu.memref_slice %arg15[%multiple_of3A_450] : memref<80000xf32, #tpu.memory_space<hbm>> -> memref<1600xf32, #tpu.memory_space<hbm>>
      %dma_wait3A_489 = arith.constant 0 : i32
      %dma_wait3A_490 = tpu.memref_slice %arg27[%dma_wait3A_489] : memref<3200xf32, #tpu.memory_space<vmem>> -> memref<1600xf32, #tpu.memory_space<vmem>>
      %dma_wait3A_491 = tpu.memref_slice %arg15[%multiple_of3A_450] : memref<80000xf32, #tpu.memory_space<hbm>> -> memref<1600xf32, #tpu.memory_space<hbm>>
      tpu.wait_dma2 semaphore(%arg30 : memref<!tpu.dma_semaphore, #tpu.memory_space<semaphore_mem>>) src(%dma_wait3A_491 : memref<1600xf32, #tpu.memory_space<hbm>>) dst(%dma_wait3A_490 : memref<1600xf32, #tpu.memory_space<vmem>>)
      %parallel_loop3A_492 = arith.constant 0 : i32
      %parallel_loop3A_493 = arith.constant 100 : i32
      %parallel_loop3A_494 = arith.constant 1 : i32
      %parallel_loop3A_495:9 = scf.for %parallel_loop3A_560 = %parallel_loop3A_492 to %parallel_loop3A_493 step %parallel_loop3A_494 iter_args(%parallel_loop3A_561 = %scan3A_435, %parallel_loop3A_562 = %scan3A_436, %parallel_loop3A_563 = %scan3A_437, %parallel_loop3A_564 = %scan3A_438, %parallel_loop3A_565 = %scan3A_439, %parallel_loop3A_566 = %scan3A_440, %parallel_loop3A_567 = %scan3A_441, %parallel_loop3A_568 = %scan3A_442, %parallel_loop3A_569 = %scan3A_443) -> (vector<16xf32>, vector<16xf32>, vector<16xf32>, vector<16xf32>, vector<16xf32>, vector<16xf32>, vector<16xf32>, vector<16xf32>, i32)  : i32 {
        %parallel_loop3A_570 = arith.constant 16 : i32
        %parallel_loop3A_571 = arith.muli %parallel_loop3A_560, %parallel_loop3A_570 : i32
        %parallel_loop3A_572 = arith.constant 0 : i32
        %parallel_loop3A_573 = arith.addi %parallel_loop3A_572, %parallel_loop3A_571 : i32
        %parallel_loop3A_574 = tpu.assume_multiple %parallel_loop3A_573, 16 : i32
        %parallel_loop3A_575 = arith.index_cast %parallel_loop3A_574 : i32 to index
        %parallel_loop3A_576 = tpu.vector_load %arg20[%parallel_loop3A_575] {strides = array<i32>} : memref<3200xi32, #tpu.memory_space<vmem>>, vector<16xi32>,
        %parallel_loop3A_577 = arith.index_cast %parallel_loop3A_574 : i32 to index
        %parallel_loop3A_578 = tpu.vector_load %arg21[%parallel_loop3A_577] {strides = array<i32>} : memref<3200xi32, #tpu.memory_space<vmem>>, vector<16xi32>,
        %parallel_loop3A_579 = arith.index_cast %parallel_loop3A_574 : i32 to index
        %parallel_loop3A_580 = tpu.vector_load %arg23[%parallel_loop3A_579] {strides = array<i32>} : memref<3200xf32, #tpu.memory_space<vmem>>, vector<16xf32>,
        %parallel_loop3A_581 = arith.index_cast %parallel_loop3A_574 : i32 to index
        %parallel_loop3A_582 = tpu.vector_load %arg24[%parallel_loop3A_581] {strides = array<i32>} : memref<3200xf32, #tpu.memory_space<vmem>>, vector<16xf32>,
        %parallel_loop3A_583 = arith.index_cast %parallel_loop3A_574 : i32 to index
        %parallel_loop3A_584 = tpu.vector_load %arg25[%parallel_loop3A_583] {strides = array<i32>} : memref<3200xf32, #tpu.memory_space<vmem>>, vector<16xf32>,
        %parallel_loop3A_585 = arith.index_cast %parallel_loop3A_574 : i32 to index
        %parallel_loop3A_586 = tpu.vector_load %arg26[%parallel_loop3A_585] {strides = array<i32>} : memref<3200xf32, #tpu.memory_space<vmem>>, vector<16xf32>,
        %parallel_loop3A_587 = arith.constant 0.000000e+00 : f32
        %parallel_loop3A_588 = vector.broadcast %parallel_loop3A_587 : f32 to vector<16xf32>
        %parallel_loop3A_589 = arith.cmpf ogt, %parallel_loop3A_586, %parallel_loop3A_588 : vector<16xf32>
        %parallel_loop3A_590 = arith.index_cast %parallel_loop3A_574 : i32 to index
        %parallel_loop3A_591 = tpu.vector_load %arg27[%parallel_loop3A_590] {strides = array<i32>} : memref<3200xf32, #tpu.memory_space<vmem>>, vector<16xf32>,
        %parallel_loop3A_592 = arith.constant 0.000000e+00 : f32
        %parallel_loop3A_593 = vector.broadcast %parallel_loop3A_592 : f32 to vector<16xf32>
        %parallel_loop3A_594 = arith.cmpf ogt, %parallel_loop3A_591, %parallel_loop3A_593 : vector<16xf32>
        %parallel_loop3A_595 = arith.constant dense<true> : vector<16xi1>
        %parallel_loop3A_596 = arith.xori %parallel_loop3A_594, %parallel_loop3A_595 : vector<16xi1>
        %parallel_loop3A_597 = tpu.vector_load_idx %arg19[%parallel_loop3A_578] : memref<10000xf32, #tpu.memory_space<vmem>>[vector<16xi32>], vector<16xf32>,
        %parallel_loop3A_598 = tpu.vector_load_idx %arg19[%parallel_loop3A_576] : memref<10000xf32, #tpu.memory_space<vmem>>[vector<16xi32>], vector<16xf32>,
        %parallel_loop3A_599 = arith.mulf %parallel_loop3A_582, %broadcast_in_dim3A_118 : vector<16xf32>
        %parallel_loop3A_600 = arith.mulf %parallel_loop3A_584, %broadcast_in_dim3A_130 : vector<16xf32>
        %parallel_loop3A_601 = arith.addf %parallel_loop3A_599, %parallel_loop3A_600 : vector<16xf32>
        %parallel_loop3A_602 = math.exp %parallel_loop3A_601 : vector<16xf32>
        %parallel_loop3A_603 = arith.mulf %parallel_loop3A_580, %parallel_loop3A_602 : vector<16xf32>
        %parallel_loop3A_604 = arith.select %parallel_loop3A_589, %min3A_80, %broadcast_in_dim3A_1 : vector<16xi1>, vector<16xf32>
        %parallel_loop3A_605 = arith.mulf %parallel_loop3A_603, %parallel_loop3A_604 : vector<16xf32>
        %parallel_loop3A_606 = arith.addi %parallel_loop3A_576, %broadcast_in_dim3A_19 : vector<16xi32>
        %parallel_loop3A_607 = tpu.vector_load_idx %arg17[%parallel_loop3A_606] : memref<40000xf32, #tpu.memory_space<vmem>>[vector<16xi32>], vector<16xf32>,
        %parallel_loop3A_608 = arith.mulf %parallel_loop3A_605, %parallel_loop3A_607 : vector<16xf32>
        %parallel_loop3A_609 = arith.mulf %parallel_loop3A_597, %parallel_loop3A_608 : vector<16xf32>
        %parallel_loop3A_610 = arith.addf %parallel_loop3A_561, %parallel_loop3A_609 : vector<16xf32>
        %parallel_loop3A_611 = arith.mulf %parallel_loop3A_598, %parallel_loop3A_608 : vector<16xf32>
        %parallel_loop3A_612 = arith.addf %parallel_loop3A_565, %parallel_loop3A_611 : vector<16xf32>
        %parallel_loop3A_613 = arith.constant 0.000000e+00 : f32
        %parallel_loop3A_614 = vector.broadcast %parallel_loop3A_613 : f32 to vector<16xf32>
        %parallel_loop3A_615 = arith.subf %parallel_loop3A_614, %parallel_loop3A_608 : vector<16xf32>
        %parallel_loop3A_616 = arith.mulf %parallel_loop3A_582, %broadcast_in_dim3A_121 : vector<16xf32>
        %parallel_loop3A_617 = arith.mulf %parallel_loop3A_584, %broadcast_in_dim3A_133 : vector<16xf32>
        %parallel_loop3A_618 = arith.addf %parallel_loop3A_616, %parallel_loop3A_617 : vector<16xf32>
        %parallel_loop3A_619 = math.exp %parallel_loop3A_618 : vector<16xf32>
        %parallel_loop3A_620 = arith.mulf %parallel_loop3A_580, %parallel_loop3A_619 : vector<16xf32>
        %parallel_loop3A_621 = arith.select %parallel_loop3A_589, %min3A_90, %broadcast_in_dim3A_1 : vector<16xi1>, vector<16xf32>
        %parallel_loop3A_622 = arith.mulf %parallel_loop3A_620, %parallel_loop3A_621 : vector<16xf32>
        %parallel_loop3A_623 = arith.addi %parallel_loop3A_576, %broadcast_in_dim3A_21 : vector<16xi32>
        %parallel_loop3A_624 = tpu.vector_load_idx %arg17[%parallel_loop3A_623] : memref<40000xf32, #tpu.memory_space<vmem>>[vector<16xi32>], vector<16xf32>,
        %parallel_loop3A_625 = arith.mulf %parallel_loop3A_622, %parallel_loop3A_624 : vector<16xf32>
        %parallel_loop3A_626 = arith.mulf %parallel_loop3A_597, %parallel_loop3A_625 : vector<16xf32>
        %parallel_loop3A_627 = arith.addf %parallel_loop3A_562, %parallel_loop3A_626 : vector<16xf32>
        %parallel_loop3A_628 = arith.mulf %parallel_loop3A_598, %parallel_loop3A_625 : vector<16xf32>
        %parallel_loop3A_629 = arith.addf %parallel_loop3A_566, %parallel_loop3A_628 : vector<16xf32>
        %parallel_loop3A_630 = arith.constant 0.000000e+00 : f32
        %parallel_loop3A_631 = vector.broadcast %parallel_loop3A_630 : f32 to vector<16xf32>
        %parallel_loop3A_632 = arith.subf %parallel_loop3A_631, %parallel_loop3A_625 : vector<16xf32>
        %parallel_loop3A_633 = arith.mulf %parallel_loop3A_582, %broadcast_in_dim3A_124 : vector<16xf32>
        %parallel_loop3A_634 = arith.mulf %parallel_loop3A_584, %broadcast_in_dim3A_136 : vector<16xf32>
        %parallel_loop3A_635 = arith.addf %parallel_loop3A_633, %parallel_loop3A_634 : vector<16xf32>
        %parallel_loop3A_636 = math.exp %parallel_loop3A_635 : vector<16xf32>
        %parallel_loop3A_637 = arith.mulf %parallel_loop3A_580, %parallel_loop3A_636 : vector<16xf32>
        %parallel_loop3A_638 = arith.select %parallel_loop3A_589, %min3A_100, %broadcast_in_dim3A_1 : vector<16xi1>, vector<16xf32>
        %parallel_loop3A_639 = arith.mulf %parallel_loop3A_637, %parallel_loop3A_638 : vector<16xf32>
        %parallel_loop3A_640 = arith.addi %parallel_loop3A_576, %broadcast_in_dim3A_23 : vector<16xi32>
        %parallel_loop3A_641 = tpu.vector_load_idx %arg17[%parallel_loop3A_640] : memref<40000xf32, #tpu.memory_space<vmem>>[vector<16xi32>], vector<16xf32>,
        %parallel_loop3A_642 = arith.mulf %parallel_loop3A_639, %parallel_loop3A_641 : vector<16xf32>
        %parallel_loop3A_643 = arith.mulf %parallel_loop3A_597, %parallel_loop3A_642 : vector<16xf32>
        %parallel_loop3A_644 = arith.addf %parallel_loop3A_563, %parallel_loop3A_643 : vector<16xf32>
        %parallel_loop3A_645 = arith.mulf %parallel_loop3A_598, %parallel_loop3A_642 : vector<16xf32>
        %parallel_loop3A_646 = arith.addf %parallel_loop3A_567, %parallel_loop3A_645 : vector<16xf32>
        %parallel_loop3A_647 = arith.constant 0.000000e+00 : f32
        %parallel_loop3A_648 = vector.broadcast %parallel_loop3A_647 : f32 to vector<16xf32>
        %parallel_loop3A_649 = arith.subf %parallel_loop3A_648, %parallel_loop3A_642 : vector<16xf32>
        %parallel_loop3A_650 = arith.mulf %parallel_loop3A_582, %broadcast_in_dim3A_127 : vector<16xf32>
        %parallel_loop3A_651 = arith.mulf %parallel_loop3A_584, %broadcast_in_dim3A_139 : vector<16xf32>
        %parallel_loop3A_652 = arith.addf %parallel_loop3A_650, %parallel_loop3A_651 : vector<16xf32>
        %parallel_loop3A_653 = math.exp %parallel_loop3A_652 : vector<16xf32>
        %parallel_loop3A_654 = arith.mulf %parallel_loop3A_580, %parallel_loop3A_653 : vector<16xf32>
        %parallel_loop3A_655 = arith.select %parallel_loop3A_589, %min3A_110, %broadcast_in_dim3A_1 : vector<16xi1>, vector<16xf32>
        %parallel_loop3A_656 = arith.mulf %parallel_loop3A_654, %parallel_loop3A_655 : vector<16xf32>
        %parallel_loop3A_657 = arith.addi %parallel_loop3A_576, %broadcast_in_dim3A_25 : vector<16xi32>
        %parallel_loop3A_658 = tpu.vector_load_idx %arg17[%parallel_loop3A_657] : memref<40000xf32, #tpu.memory_space<vmem>>[vector<16xi32>], vector<16xf32>,
        %parallel_loop3A_659 = arith.mulf %parallel_loop3A_656, %parallel_loop3A_658 : vector<16xf32>
        %parallel_loop3A_660 = arith.mulf %parallel_loop3A_597, %parallel_loop3A_659 : vector<16xf32>
        %parallel_loop3A_661 = arith.addf %parallel_loop3A_564, %parallel_loop3A_660 : vector<16xf32>
        %parallel_loop3A_662 = arith.mulf %parallel_loop3A_598, %parallel_loop3A_659 : vector<16xf32>
        %parallel_loop3A_663 = arith.addf %parallel_loop3A_568, %parallel_loop3A_662 : vector<16xf32>
        %parallel_loop3A_664 = arith.constant 0.000000e+00 : f32
        %parallel_loop3A_665 = vector.broadcast %parallel_loop3A_664 : f32 to vector<16xf32>
        %parallel_loop3A_666 = arith.subf %parallel_loop3A_665, %parallel_loop3A_659 : vector<16xf32>
        %parallel_loop3A_667 = arith.addi %parallel_loop3A_578, %broadcast_in_dim3A_19 : vector<16xi32>
        tpu.vector_store_idx %arg18[%parallel_loop3A_667], %parallel_loop3A_608 masked %parallel_loop3A_596 {add = true} : memref<40000xf32, #tpu.memory_space<vmem>>[vector<16xi32>], vector<16xf32>, vector<16xi1>
        %parallel_loop3A_668 = arith.addi %parallel_loop3A_578, %broadcast_in_dim3A_21 : vector<16xi32>
        tpu.vector_store_idx %arg18[%parallel_loop3A_668], %parallel_loop3A_625 masked %parallel_loop3A_596 {add = true} : memref<40000xf32, #tpu.memory_space<vmem>>[vector<16xi32>], vector<16xf32>, vector<16xi1>
        %parallel_loop3A_669 = arith.addi %parallel_loop3A_578, %broadcast_in_dim3A_23 : vector<16xi32>
        tpu.vector_store_idx %arg18[%parallel_loop3A_669], %parallel_loop3A_642 masked %parallel_loop3A_596 {add = true} : memref<40000xf32, #tpu.memory_space<vmem>>[vector<16xi32>], vector<16xf32>, vector<16xi1>
        %parallel_loop3A_670 = arith.addi %parallel_loop3A_578, %broadcast_in_dim3A_25 : vector<16xi32>
        tpu.vector_store_idx %arg18[%parallel_loop3A_670], %parallel_loop3A_659 masked %parallel_loop3A_596 {add = true} : memref<40000xf32, #tpu.memory_space<vmem>>[vector<16xi32>], vector<16xf32>, vector<16xi1>
        %parallel_loop3A_671 = arith.addi %parallel_loop3A_576, %broadcast_in_dim3A_19 : vector<16xi32>
        tpu.vector_store_idx %arg18[%parallel_loop3A_671], %parallel_loop3A_615 masked %parallel_loop3A_596 {add = true} : memref<40000xf32, #tpu.memory_space<vmem>>[vector<16xi32>], vector<16xf32>, vector<16xi1>
        %parallel_loop3A_672 = arith.addi %parallel_loop3A_576, %broadcast_in_dim3A_21 : vector<16xi32>
        tpu.vector_store_idx %arg18[%parallel_loop3A_672], %parallel_loop3A_632 masked %parallel_loop3A_596 {add = true} : memref<40000xf32, #tpu.memory_space<vmem>>[vector<16xi32>], vector<16xf32>, vector<16xi1>
        %parallel_loop3A_673 = arith.addi %parallel_loop3A_576, %broadcast_in_dim3A_23 : vector<16xi32>
        tpu.vector_store_idx %arg18[%parallel_loop3A_673], %parallel_loop3A_649 masked %parallel_loop3A_596 {add = true} : memref<40000xf32, #tpu.memory_space<vmem>>[vector<16xi32>], vector<16xf32>, vector<16xi1>
        %parallel_loop3A_674 = arith.addi %parallel_loop3A_576, %broadcast_in_dim3A_25 : vector<16xi32>
        tpu.vector_store_idx %arg18[%parallel_loop3A_674], %parallel_loop3A_666 masked %parallel_loop3A_596 {add = true} : memref<40000xf32, #tpu.memory_space<vmem>>[vector<16xi32>], vector<16xf32>, vector<16xi1>
        %parallel_loop3A_675 = arith.extui %parallel_loop3A_594 : vector<16xi1> to vector<16xi32>
        %parallel_loop3A_676 = arith.constant true
        %parallel_loop3A_677 = vector.broadcast %parallel_loop3A_676 : i1 to vector<16xi1>
        %parallel_loop3A_678 = tpu.scan <sum>, %parallel_loop3A_675 masked %parallel_loop3A_677 : vector<16xi32>, vector<16xi1> -> vector<16xi32>
        %parallel_loop3A_679 = vector.broadcast %parallel_loop3A_569 : i32 to vector<16xi32>
        %parallel_loop3A_680 = arith.addi %parallel_loop3A_679, %parallel_loop3A_678 : vector<16xi32>
        %parallel_loop3A_681 = arith.constant 1 : i32
        %parallel_loop3A_682 = vector.broadcast %parallel_loop3A_681 : i32 to vector<16xi32>
        %parallel_loop3A_683 = arith.subi %parallel_loop3A_680, %parallel_loop3A_682 : vector<16xi32>
        %parallel_loop3A_684 = arith.constant 0 : i32
        %parallel_loop3A_685 = arith.constant 1023 : i32
        %parallel_loop3A_686 = vector.broadcast %parallel_loop3A_684 : i32 to vector<16xi32>
        %parallel_loop3A_687 = arith.maxsi %parallel_loop3A_686, %parallel_loop3A_683 : vector<16xi32>
        %parallel_loop3A_688 = vector.broadcast %parallel_loop3A_685 : i32 to vector<16xi32>
        %parallel_loop3A_689 = arith.minsi %parallel_loop3A_688, %parallel_loop3A_687 : vector<16xi32>
        %parallel_loop3A_690 = arith.constant 16384 : i32
        %parallel_loop3A_691 = vector.broadcast %parallel_loop3A_690 : i32 to vector<16xi32>
        %parallel_loop3A_692 = arith.muli %parallel_loop3A_576, %parallel_loop3A_691 : vector<16xi32>
        %parallel_loop3A_693 = arith.addi %parallel_loop3A_692, %parallel_loop3A_578 : vector<16xi32>
        tpu.vector_store_idx %arg29[%parallel_loop3A_689], %parallel_loop3A_693 masked %parallel_loop3A_594 : memref<1024xi32, #tpu.memory_space<vmem>>[vector<16xi32>], vector<16xi32>, vector<16xi1>
        %parallel_loop3A_694 = tpu.all_reduce %parallel_loop3A_594 {dim = 0 : i64, kind = #tpu.reduction_kind<sum>} : vector<16xi1> -> vector<16xi32>
        %parallel_loop3A_695 = vector.extract_strided_slice %parallel_loop3A_694 {offsets = [0], sizes = [1], strides = [1]} : vector<16xi32> to vector<1xi32>
        %parallel_loop3A_696 = vector.extract %parallel_loop3A_695[0] : i32 from vector<1xi32>
        %parallel_loop3A_697 = arith.addi %parallel_loop3A_569, %parallel_loop3A_696 : i32
        scf.yield %parallel_loop3A_610, %parallel_loop3A_627, %parallel_loop3A_644, %parallel_loop3A_661, %parallel_loop3A_612, %parallel_loop3A_629, %parallel_loop3A_646, %parallel_loop3A_663, %parallel_loop3A_697 : vector<16xf32>, vector<16xf32>, vector<16xf32>, vector<16xf32>, vector<16xf32>, vector<16xf32>, vector<16xf32>, vector<16xf32>, i32
      } {sc.loop_unroll_factor = 1 : i64, sc.parallel_access}
      %add3A_496 = arith.constant 2 : i32
      %add3A_497 = arith.addi %add3A_447, %add3A_496 : i32
      %lt3A = arith.constant 50 : i32
      %lt3A_498 = arith.cmpi slt, %add3A_497, %lt3A : i32
      %convert_element_type3A = arith.extui %lt3A_498 : i1 to i32
      %cond3A = arith.constant 0 : i32
      %cond3A_499 = arith.cmpi ne, %convert_element_type3A, %cond3A : i32
      scf.if %cond3A_499 {
        %add3A_560 = arith.constant 2 : i32
        %add3A_561 = arith.addi %add3A_447, %add3A_560 : i32
        %mul3A_562 = arith.constant 1600 : i32
        %mul3A_563 = arith.muli %add3A_561, %mul3A_562 : i32
        %multiple_of3A_564 = tpu.assume_multiple %mul3A_563, 8 : i32
        %dma_start3A_565 = arith.constant 0 : i32
        %dma_start3A_566 = tpu.memref_slice %arg20[%dma_start3A_565] : memref<3200xi32, #tpu.memory_space<vmem>> -> memref<1600xi32, #tpu.memory_space<vmem>>
        %dma_start3A_567 = tpu.memref_slice %arg7[%multiple_of3A_564] : memref<80000xi32, #tpu.memory_space<hbm>> -> memref<1600xi32, #tpu.memory_space<hbm>>
        %dma_start3A_568 = arith.constant 0 : i32
        %dma_start3A_569 = tpu.memref_slice %arg20[%dma_start3A_568] : memref<3200xi32, #tpu.memory_space<vmem>> -> memref<1600xi32, #tpu.memory_space<vmem>>
        %dma_start3A_570 = tpu.memref_slice %arg7[%multiple_of3A_564] : memref<80000xi32, #tpu.memory_space<hbm>> -> memref<1600xi32, #tpu.memory_space<hbm>>
        tpu.enqueue_dma source(%dma_start3A_570 : memref<1600xi32, #tpu.memory_space<hbm>>) target(%dma_start3A_569 : memref<1600xi32, #tpu.memory_space<vmem>>) target_semaphore(%arg30 : memref<!tpu.dma_semaphore, #tpu.memory_space<semaphore_mem>>)
        %dma_start3A_571 = arith.constant 0 : i32
        %dma_start3A_572 = tpu.memref_slice %arg21[%dma_start3A_571] : memref<3200xi32, #tpu.memory_space<vmem>> -> memref<1600xi32, #tpu.memory_space<vmem>>
        %dma_start3A_573 = tpu.memref_slice %arg8[%multiple_of3A_564] : memref<80000xi32, #tpu.memory_space<hbm>> -> memref<1600xi32, #tpu.memory_space<hbm>>
        %dma_start3A_574 = arith.constant 0 : i32
        %dma_start3A_575 = tpu.memref_slice %arg21[%dma_start3A_574] : memref<3200xi32, #tpu.memory_space<vmem>> -> memref<1600xi32, #tpu.memory_space<vmem>>
        %dma_start3A_576 = tpu.memref_slice %arg8[%multiple_of3A_564] : memref<80000xi32, #tpu.memory_space<hbm>> -> memref<1600xi32, #tpu.memory_space<hbm>>
        tpu.enqueue_dma source(%dma_start3A_576 : memref<1600xi32, #tpu.memory_space<hbm>>) target(%dma_start3A_575 : memref<1600xi32, #tpu.memory_space<vmem>>) target_semaphore(%arg30 : memref<!tpu.dma_semaphore, #tpu.memory_space<semaphore_mem>>)
        %dma_start3A_577 = arith.constant 0 : i32
        %dma_start3A_578 = tpu.memref_slice %arg23[%dma_start3A_577] : memref<3200xf32, #tpu.memory_space<vmem>> -> memref<1600xf32, #tpu.memory_space<vmem>>
        %dma_start3A_579 = tpu.memref_slice %arg4[%multiple_of3A_564] : memref<160000xf32, #tpu.memory_space<hbm>> -> memref<1600xf32, #tpu.memory_space<hbm>>
        %dma_start3A_580 = arith.constant 0 : i32
        %dma_start3A_581 = tpu.memref_slice %arg23[%dma_start3A_580] : memref<3200xf32, #tpu.memory_space<vmem>> -> memref<1600xf32, #tpu.memory_space<vmem>>
        %dma_start3A_582 = tpu.memref_slice %arg4[%multiple_of3A_564] : memref<160000xf32, #tpu.memory_space<hbm>> -> memref<1600xf32, #tpu.memory_space<hbm>>
        tpu.enqueue_dma source(%dma_start3A_582 : memref<1600xf32, #tpu.memory_space<hbm>>) target(%dma_start3A_581 : memref<1600xf32, #tpu.memory_space<vmem>>) target_semaphore(%arg30 : memref<!tpu.dma_semaphore, #tpu.memory_space<semaphore_mem>>)
        %dma_start3A_583 = arith.constant 0 : i32
        %dma_start3A_584 = tpu.memref_slice %arg24[%dma_start3A_583] : memref<3200xf32, #tpu.memory_space<vmem>> -> memref<1600xf32, #tpu.memory_space<vmem>>
        %dma_start3A_585 = tpu.memref_slice %arg5[%multiple_of3A_564] : memref<160000xf32, #tpu.memory_space<hbm>> -> memref<1600xf32, #tpu.memory_space<hbm>>
        %dma_start3A_586 = arith.constant 0 : i32
        %dma_start3A_587 = tpu.memref_slice %arg24[%dma_start3A_586] : memref<3200xf32, #tpu.memory_space<vmem>> -> memref<1600xf32, #tpu.memory_space<vmem>>
        %dma_start3A_588 = tpu.memref_slice %arg5[%multiple_of3A_564] : memref<160000xf32, #tpu.memory_space<hbm>> -> memref<1600xf32, #tpu.memory_space<hbm>>
        tpu.enqueue_dma source(%dma_start3A_588 : memref<1600xf32, #tpu.memory_space<hbm>>) target(%dma_start3A_587 : memref<1600xf32, #tpu.memory_space<vmem>>) target_semaphore(%arg30 : memref<!tpu.dma_semaphore, #tpu.memory_space<semaphore_mem>>)
        %dma_start3A_589 = arith.constant 0 : i32
        %dma_start3A_590 = tpu.memref_slice %arg25[%dma_start3A_589] : memref<3200xf32, #tpu.memory_space<vmem>> -> memref<1600xf32, #tpu.memory_space<vmem>>
        %dma_start3A_591 = tpu.memref_slice %arg6[%multiple_of3A_564] : memref<160000xf32, #tpu.memory_space<hbm>> -> memref<1600xf32, #tpu.memory_space<hbm>>
        %dma_start3A_592 = arith.constant 0 : i32
        %dma_start3A_593 = tpu.memref_slice %arg25[%dma_start3A_592] : memref<3200xf32, #tpu.memory_space<vmem>> -> memref<1600xf32, #tpu.memory_space<vmem>>
        %dma_start3A_594 = tpu.memref_slice %arg6[%multiple_of3A_564] : memref<160000xf32, #tpu.memory_space<hbm>> -> memref<1600xf32, #tpu.memory_space<hbm>>
        tpu.enqueue_dma source(%dma_start3A_594 : memref<1600xf32, #tpu.memory_space<hbm>>) target(%dma_start3A_593 : memref<1600xf32, #tpu.memory_space<vmem>>) target_semaphore(%arg30 : memref<!tpu.dma_semaphore, #tpu.memory_space<semaphore_mem>>)
        %dma_start3A_595 = arith.constant 0 : i32
        %dma_start3A_596 = tpu.memref_slice %arg26[%dma_start3A_595] : memref<3200xf32, #tpu.memory_space<vmem>> -> memref<1600xf32, #tpu.memory_space<vmem>>
        %dma_start3A_597 = tpu.memref_slice %arg14[%multiple_of3A_564] : memref<80000xf32, #tpu.memory_space<hbm>> -> memref<1600xf32, #tpu.memory_space<hbm>>
        %dma_start3A_598 = arith.constant 0 : i32
        %dma_start3A_599 = tpu.memref_slice %arg26[%dma_start3A_598] : memref<3200xf32, #tpu.memory_space<vmem>> -> memref<1600xf32, #tpu.memory_space<vmem>>
        %dma_start3A_600 = tpu.memref_slice %arg14[%multiple_of3A_564] : memref<80000xf32, #tpu.memory_space<hbm>> -> memref<1600xf32, #tpu.memory_space<hbm>>
        tpu.enqueue_dma source(%dma_start3A_600 : memref<1600xf32, #tpu.memory_space<hbm>>) target(%dma_start3A_599 : memref<1600xf32, #tpu.memory_space<vmem>>) target_semaphore(%arg30 : memref<!tpu.dma_semaphore, #tpu.memory_space<semaphore_mem>>)
        %dma_start3A_601 = arith.constant 0 : i32
        %dma_start3A_602 = tpu.memref_slice %arg27[%dma_start3A_601] : memref<3200xf32, #tpu.memory_space<vmem>> -> memref<1600xf32, #tpu.memory_space<vmem>>
        %dma_start3A_603 = tpu.memref_slice %arg15[%multiple_of3A_564] : memref<80000xf32, #tpu.memory_space<hbm>> -> memref<1600xf32, #tpu.memory_space<hbm>>
        %dma_start3A_604 = arith.constant 0 : i32
        %dma_start3A_605 = tpu.memref_slice %arg27[%dma_start3A_604] : memref<3200xf32, #tpu.memory_space<vmem>> -> memref<1600xf32, #tpu.memory_space<vmem>>
        %dma_start3A_606 = tpu.memref_slice %arg15[%multiple_of3A_564] : memref<80000xf32, #tpu.memory_space<hbm>> -> memref<1600xf32, #tpu.memory_space<hbm>>
        tpu.enqueue_dma source(%dma_start3A_606 : memref<1600xf32, #tpu.memory_space<hbm>>) target(%dma_start3A_605 : memref<1600xf32, #tpu.memory_space<vmem>>) target_semaphore(%arg30 : memref<!tpu.dma_semaphore, #tpu.memory_space<semaphore_mem>>)
      } else {
      }
      %mul3A_500 = arith.constant 2 : i32
      %mul3A_501 = arith.muli %scan3A_434, %mul3A_500 : i32
      %add3A_502 = arith.constant 1 : i32
      %add3A_503 = arith.addi %mul3A_501, %add3A_502 : i32
      %mul3A_504 = arith.constant 1600 : i32
      %mul3A_505 = arith.muli %add3A_503, %mul3A_504 : i32
      %multiple_of3A_506 = tpu.assume_multiple %mul3A_505, 8 : i32
      %dma_wait3A_507 = arith.constant 1600 : i32
      %dma_wait3A_508 = tpu.memref_slice %arg20[%dma_wait3A_507] : memref<3200xi32, #tpu.memory_space<vmem>> -> memref<1600xi32, #tpu.memory_space<vmem>>
      %dma_wait3A_509 = tpu.memref_slice %arg7[%multiple_of3A_506] : memref<80000xi32, #tpu.memory_space<hbm>> -> memref<1600xi32, #tpu.memory_space<hbm>>
      %dma_wait3A_510 = arith.constant 1600 : i32
      %dma_wait3A_511 = tpu.memref_slice %arg20[%dma_wait3A_510] : memref<3200xi32, #tpu.memory_space<vmem>> -> memref<1600xi32, #tpu.memory_space<vmem>>
      %dma_wait3A_512 = tpu.memref_slice %arg7[%multiple_of3A_506] : memref<80000xi32, #tpu.memory_space<hbm>> -> memref<1600xi32, #tpu.memory_space<hbm>>
      tpu.wait_dma2 semaphore(%arg31 : memref<!tpu.dma_semaphore, #tpu.memory_space<semaphore_mem>>) src(%dma_wait3A_512 : memref<1600xi32, #tpu.memory_space<hbm>>) dst(%dma_wait3A_511 : memref<1600xi32, #tpu.memory_space<vmem>>)
      %dma_wait3A_513 = arith.constant 1600 : i32
      %dma_wait3A_514 = tpu.memref_slice %arg21[%dma_wait3A_513] : memref<3200xi32, #tpu.memory_space<vmem>> -> memref<1600xi32, #tpu.memory_space<vmem>>
      %dma_wait3A_515 = tpu.memref_slice %arg8[%multiple_of3A_506] : memref<80000xi32, #tpu.memory_space<hbm>> -> memref<1600xi32, #tpu.memory_space<hbm>>
      %dma_wait3A_516 = arith.constant 1600 : i32
      %dma_wait3A_517 = tpu.memref_slice %arg21[%dma_wait3A_516] : memref<3200xi32, #tpu.memory_space<vmem>> -> memref<1600xi32, #tpu.memory_space<vmem>>
      %dma_wait3A_518 = tpu.memref_slice %arg8[%multiple_of3A_506] : memref<80000xi32, #tpu.memory_space<hbm>> -> memref<1600xi32, #tpu.memory_space<hbm>>
      tpu.wait_dma2 semaphore(%arg31 : memref<!tpu.dma_semaphore, #tpu.memory_space<semaphore_mem>>) src(%dma_wait3A_518 : memref<1600xi32, #tpu.memory_space<hbm>>) dst(%dma_wait3A_517 : memref<1600xi32, #tpu.memory_space<vmem>>)
      %dma_wait3A_519 = arith.constant 1600 : i32
      %dma_wait3A_520 = tpu.memref_slice %arg23[%dma_wait3A_519] : memref<3200xf32, #tpu.memory_space<vmem>> -> memref<1600xf32, #tpu.memory_space<vmem>>
      %dma_wait3A_521 = tpu.memref_slice %arg4[%multiple_of3A_506] : memref<160000xf32, #tpu.memory_space<hbm>> -> memref<1600xf32, #tpu.memory_space<hbm>>
      %dma_wait3A_522 = arith.constant 1600 : i32
      %dma_wait3A_523 = tpu.memref_slice %arg23[%dma_wait3A_522] : memref<3200xf32, #tpu.memory_space<vmem>> -> memref<1600xf32, #tpu.memory_space<vmem>>
      %dma_wait3A_524 = tpu.memref_slice %arg4[%multiple_of3A_506] : memref<160000xf32, #tpu.memory_space<hbm>> -> memref<1600xf32, #tpu.memory_space<hbm>>
      tpu.wait_dma2 semaphore(%arg31 : memref<!tpu.dma_semaphore, #tpu.memory_space<semaphore_mem>>) src(%dma_wait3A_524 : memref<1600xf32, #tpu.memory_space<hbm>>) dst(%dma_wait3A_523 : memref<1600xf32, #tpu.memory_space<vmem>>)
      %dma_wait3A_525 = arith.constant 1600 : i32
      %dma_wait3A_526 = tpu.memref_slice %arg24[%dma_wait3A_525] : memref<3200xf32, #tpu.memory_space<vmem>> -> memref<1600xf32, #tpu.memory_space<vmem>>
      %dma_wait3A_527 = tpu.memref_slice %arg5[%multiple_of3A_506] : memref<160000xf32, #tpu.memory_space<hbm>> -> memref<1600xf32, #tpu.memory_space<hbm>>
      %dma_wait3A_528 = arith.constant 1600 : i32
      %dma_wait3A_529 = tpu.memref_slice %arg24[%dma_wait3A_528] : memref<3200xf32, #tpu.memory_space<vmem>> -> memref<1600xf32, #tpu.memory_space<vmem>>
      %dma_wait3A_530 = tpu.memref_slice %arg5[%multiple_of3A_506] : memref<160000xf32, #tpu.memory_space<hbm>> -> memref<1600xf32, #tpu.memory_space<hbm>>
      tpu.wait_dma2 semaphore(%arg31 : memref<!tpu.dma_semaphore, #tpu.memory_space<semaphore_mem>>) src(%dma_wait3A_530 : memref<1600xf32, #tpu.memory_space<hbm>>) dst(%dma_wait3A_529 : memref<1600xf32, #tpu.memory_space<vmem>>)
      %dma_wait3A_531 = arith.constant 1600 : i32
      %dma_wait3A_532 = tpu.memref_slice %arg25[%dma_wait3A_531] : memref<3200xf32, #tpu.memory_space<vmem>> -> memref<1600xf32, #tpu.memory_space<vmem>>
      %dma_wait3A_533 = tpu.memref_slice %arg6[%multiple_of3A_506] : memref<160000xf32, #tpu.memory_space<hbm>> -> memref<1600xf32, #tpu.memory_space<hbm>>
      %dma_wait3A_534 = arith.constant 1600 : i32
      %dma_wait3A_535 = tpu.memref_slice %arg25[%dma_wait3A_534] : memref<3200xf32, #tpu.memory_space<vmem>> -> memref<1600xf32, #tpu.memory_space<vmem>>
      %dma_wait3A_536 = tpu.memref_slice %arg6[%multiple_of3A_506] : memref<160000xf32, #tpu.memory_space<hbm>> -> memref<1600xf32, #tpu.memory_space<hbm>>
      tpu.wait_dma2 semaphore(%arg31 : memref<!tpu.dma_semaphore, #tpu.memory_space<semaphore_mem>>) src(%dma_wait3A_536 : memref<1600xf32, #tpu.memory_space<hbm>>) dst(%dma_wait3A_535 : memref<1600xf32, #tpu.memory_space<vmem>>)
      %dma_wait3A_537 = arith.constant 1600 : i32
      %dma_wait3A_538 = tpu.memref_slice %arg26[%dma_wait3A_537] : memref<3200xf32, #tpu.memory_space<vmem>> -> memref<1600xf32, #tpu.memory_space<vmem>>
      %dma_wait3A_539 = tpu.memref_slice %arg14[%multiple_of3A_506] : memref<80000xf32, #tpu.memory_space<hbm>> -> memref<1600xf32, #tpu.memory_space<hbm>>
      %dma_wait3A_540 = arith.constant 1600 : i32
      %dma_wait3A_541 = tpu.memref_slice %arg26[%dma_wait3A_540] : memref<3200xf32, #tpu.memory_space<vmem>> -> memref<1600xf32, #tpu.memory_space<vmem>>
      %dma_wait3A_542 = tpu.memref_slice %arg14[%multiple_of3A_506] : memref<80000xf32, #tpu.memory_space<hbm>> -> memref<1600xf32, #tpu.memory_space<hbm>>
      tpu.wait_dma2 semaphore(%arg31 : memref<!tpu.dma_semaphore, #tpu.memory_space<semaphore_mem>>) src(%dma_wait3A_542 : memref<1600xf32, #tpu.memory_space<hbm>>) dst(%dma_wait3A_541 : memref<1600xf32, #tpu.memory_space<vmem>>)
      %dma_wait3A_543 = arith.constant 1600 : i32
      %dma_wait3A_544 = tpu.memref_slice %arg27[%dma_wait3A_543] : memref<3200xf32, #tpu.memory_space<vmem>> -> memref<1600xf32, #tpu.memory_space<vmem>>
      %dma_wait3A_545 = tpu.memref_slice %arg15[%multiple_of3A_506] : memref<80000xf32, #tpu.memory_space<hbm>> -> memref<1600xf32, #tpu.memory_space<hbm>>
      %dma_wait3A_546 = arith.constant 1600 : i32
      %dma_wait3A_547 = tpu.memref_slice %arg27[%dma_wait3A_546] : memref<3200xf32, #tpu.memory_space<vmem>> -> memref<1600xf32, #tpu.memory_space<vmem>>
      %dma_wait3A_548 = tpu.memref_slice %arg15[%multiple_of3A_506] : memref<80000xf32, #tpu.memory_space<hbm>> -> memref<1600xf32, #tpu.memory_space<hbm>>
      tpu.wait_dma2 semaphore(%arg31 : memref<!tpu.dma_semaphore, #tpu.memory_space<semaphore_mem>>) src(%dma_wait3A_548 : memref<1600xf32, #tpu.memory_space<hbm>>) dst(%dma_wait3A_547 : memref<1600xf32, #tpu.memory_space<vmem>>)
      %parallel_loop3A_549 = arith.constant 0 : i32
      %parallel_loop3A_550 = arith.constant 100 : i32
      %parallel_loop3A_551 = arith.constant 1 : i32
      %parallel_loop3A_552:9 = scf.for %parallel_loop3A_560 = %parallel_loop3A_549 to %parallel_loop3A_550 step %parallel_loop3A_551 iter_args(%parallel_loop3A_561 = %parallel_loop3A_495#0, %parallel_loop3A_562 = %parallel_loop3A_495#1, %parallel_loop3A_563 = %parallel_loop3A_495#2, %parallel_loop3A_564 = %parallel_loop3A_495#3, %parallel_loop3A_565 = %parallel_loop3A_495#4, %parallel_loop3A_566 = %parallel_loop3A_495#5, %parallel_loop3A_567 = %parallel_loop3A_495#6, %parallel_loop3A_568 = %parallel_loop3A_495#7, %parallel_loop3A_569 = %parallel_loop3A_495#8) -> (vector<16xf32>, vector<16xf32>, vector<16xf32>, vector<16xf32>, vector<16xf32>, vector<16xf32>, vector<16xf32>, vector<16xf32>, i32)  : i32 {
        %parallel_loop3A_570 = arith.constant 16 : i32
        %parallel_loop3A_571 = arith.muli %parallel_loop3A_560, %parallel_loop3A_570 : i32
        %parallel_loop3A_572 = arith.constant 1600 : i32
        %parallel_loop3A_573 = arith.addi %parallel_loop3A_572, %parallel_loop3A_571 : i32
        %parallel_loop3A_574 = tpu.assume_multiple %parallel_loop3A_573, 16 : i32
        %parallel_loop3A_575 = arith.index_cast %parallel_loop3A_574 : i32 to index
        %parallel_loop3A_576 = tpu.vector_load %arg20[%parallel_loop3A_575] {strides = array<i32>} : memref<3200xi32, #tpu.memory_space<vmem>>, vector<16xi32>,
        %parallel_loop3A_577 = arith.index_cast %parallel_loop3A_574 : i32 to index
        %parallel_loop3A_578 = tpu.vector_load %arg21[%parallel_loop3A_577] {strides = array<i32>} : memref<3200xi32, #tpu.memory_space<vmem>>, vector<16xi32>,
        %parallel_loop3A_579 = arith.index_cast %parallel_loop3A_574 : i32 to index
        %parallel_loop3A_580 = tpu.vector_load %arg23[%parallel_loop3A_579] {strides = array<i32>} : memref<3200xf32, #tpu.memory_space<vmem>>, vector<16xf32>,
        %parallel_loop3A_581 = arith.index_cast %parallel_loop3A_574 : i32 to index
        %parallel_loop3A_582 = tpu.vector_load %arg24[%parallel_loop3A_581] {strides = array<i32>} : memref<3200xf32, #tpu.memory_space<vmem>>, vector<16xf32>,
        %parallel_loop3A_583 = arith.index_cast %parallel_loop3A_574 : i32 to index
        %parallel_loop3A_584 = tpu.vector_load %arg25[%parallel_loop3A_583] {strides = array<i32>} : memref<3200xf32, #tpu.memory_space<vmem>>, vector<16xf32>,
        %parallel_loop3A_585 = arith.index_cast %parallel_loop3A_574 : i32 to index
        %parallel_loop3A_586 = tpu.vector_load %arg26[%parallel_loop3A_585] {strides = array<i32>} : memref<3200xf32, #tpu.memory_space<vmem>>, vector<16xf32>,
        %parallel_loop3A_587 = arith.constant 0.000000e+00 : f32
        %parallel_loop3A_588 = vector.broadcast %parallel_loop3A_587 : f32 to vector<16xf32>
        %parallel_loop3A_589 = arith.cmpf ogt, %parallel_loop3A_586, %parallel_loop3A_588 : vector<16xf32>
        %parallel_loop3A_590 = arith.index_cast %parallel_loop3A_574 : i32 to index
        %parallel_loop3A_591 = tpu.vector_load %arg27[%parallel_loop3A_590] {strides = array<i32>} : memref<3200xf32, #tpu.memory_space<vmem>>, vector<16xf32>,
        %parallel_loop3A_592 = arith.constant 0.000000e+00 : f32
        %parallel_loop3A_593 = vector.broadcast %parallel_loop3A_592 : f32 to vector<16xf32>
        %parallel_loop3A_594 = arith.cmpf ogt, %parallel_loop3A_591, %parallel_loop3A_593 : vector<16xf32>
        %parallel_loop3A_595 = arith.constant dense<true> : vector<16xi1>
        %parallel_loop3A_596 = arith.xori %parallel_loop3A_594, %parallel_loop3A_595 : vector<16xi1>
        %parallel_loop3A_597 = tpu.vector_load_idx %arg19[%parallel_loop3A_578] : memref<10000xf32, #tpu.memory_space<vmem>>[vector<16xi32>], vector<16xf32>,
        %parallel_loop3A_598 = tpu.vector_load_idx %arg19[%parallel_loop3A_576] : memref<10000xf32, #tpu.memory_space<vmem>>[vector<16xi32>], vector<16xf32>,
        %parallel_loop3A_599 = arith.mulf %parallel_loop3A_582, %broadcast_in_dim3A_118 : vector<16xf32>
        %parallel_loop3A_600 = arith.mulf %parallel_loop3A_584, %broadcast_in_dim3A_130 : vector<16xf32>
        %parallel_loop3A_601 = arith.addf %parallel_loop3A_599, %parallel_loop3A_600 : vector<16xf32>
        %parallel_loop3A_602 = math.exp %parallel_loop3A_601 : vector<16xf32>
        %parallel_loop3A_603 = arith.mulf %parallel_loop3A_580, %parallel_loop3A_602 : vector<16xf32>
        %parallel_loop3A_604 = arith.select %parallel_loop3A_589, %min3A_80, %broadcast_in_dim3A_1 : vector<16xi1>, vector<16xf32>
        %parallel_loop3A_605 = arith.mulf %parallel_loop3A_603, %parallel_loop3A_604 : vector<16xf32>
        %parallel_loop3A_606 = arith.addi %parallel_loop3A_576, %broadcast_in_dim3A_19 : vector<16xi32>
        %parallel_loop3A_607 = tpu.vector_load_idx %arg17[%parallel_loop3A_606] : memref<40000xf32, #tpu.memory_space<vmem>>[vector<16xi32>], vector<16xf32>,
        %parallel_loop3A_608 = arith.mulf %parallel_loop3A_605, %parallel_loop3A_607 : vector<16xf32>
        %parallel_loop3A_609 = arith.mulf %parallel_loop3A_597, %parallel_loop3A_608 : vector<16xf32>
        %parallel_loop3A_610 = arith.addf %parallel_loop3A_561, %parallel_loop3A_609 : vector<16xf32>
        %parallel_loop3A_611 = arith.mulf %parallel_loop3A_598, %parallel_loop3A_608 : vector<16xf32>
        %parallel_loop3A_612 = arith.addf %parallel_loop3A_565, %parallel_loop3A_611 : vector<16xf32>
        %parallel_loop3A_613 = arith.constant 0.000000e+00 : f32
        %parallel_loop3A_614 = vector.broadcast %parallel_loop3A_613 : f32 to vector<16xf32>
        %parallel_loop3A_615 = arith.subf %parallel_loop3A_614, %parallel_loop3A_608 : vector<16xf32>
        %parallel_loop3A_616 = arith.mulf %parallel_loop3A_582, %broadcast_in_dim3A_121 : vector<16xf32>
        %parallel_loop3A_617 = arith.mulf %parallel_loop3A_584, %broadcast_in_dim3A_133 : vector<16xf32>
        %parallel_loop3A_618 = arith.addf %parallel_loop3A_616, %parallel_loop3A_617 : vector<16xf32>
        %parallel_loop3A_619 = math.exp %parallel_loop3A_618 : vector<16xf32>
        %parallel_loop3A_620 = arith.mulf %parallel_loop3A_580, %parallel_loop3A_619 : vector<16xf32>
        %parallel_loop3A_621 = arith.select %parallel_loop3A_589, %min3A_90, %broadcast_in_dim3A_1 : vector<16xi1>, vector<16xf32>
        %parallel_loop3A_622 = arith.mulf %parallel_loop3A_620, %parallel_loop3A_621 : vector<16xf32>
        %parallel_loop3A_623 = arith.addi %parallel_loop3A_576, %broadcast_in_dim3A_21 : vector<16xi32>
        %parallel_loop3A_624 = tpu.vector_load_idx %arg17[%parallel_loop3A_623] : memref<40000xf32, #tpu.memory_space<vmem>>[vector<16xi32>], vector<16xf32>,
        %parallel_loop3A_625 = arith.mulf %parallel_loop3A_622, %parallel_loop3A_624 : vector<16xf32>
        %parallel_loop3A_626 = arith.mulf %parallel_loop3A_597, %parallel_loop3A_625 : vector<16xf32>
        %parallel_loop3A_627 = arith.addf %parallel_loop3A_562, %parallel_loop3A_626 : vector<16xf32>
        %parallel_loop3A_628 = arith.mulf %parallel_loop3A_598, %parallel_loop3A_625 : vector<16xf32>
        %parallel_loop3A_629 = arith.addf %parallel_loop3A_566, %parallel_loop3A_628 : vector<16xf32>
        %parallel_loop3A_630 = arith.constant 0.000000e+00 : f32
        %parallel_loop3A_631 = vector.broadcast %parallel_loop3A_630 : f32 to vector<16xf32>
        %parallel_loop3A_632 = arith.subf %parallel_loop3A_631, %parallel_loop3A_625 : vector<16xf32>
        %parallel_loop3A_633 = arith.mulf %parallel_loop3A_582, %broadcast_in_dim3A_124 : vector<16xf32>
        %parallel_loop3A_634 = arith.mulf %parallel_loop3A_584, %broadcast_in_dim3A_136 : vector<16xf32>
        %parallel_loop3A_635 = arith.addf %parallel_loop3A_633, %parallel_loop3A_634 : vector<16xf32>
        %parallel_loop3A_636 = math.exp %parallel_loop3A_635 : vector<16xf32>
        %parallel_loop3A_637 = arith.mulf %parallel_loop3A_580, %parallel_loop3A_636 : vector<16xf32>
        %parallel_loop3A_638 = arith.select %parallel_loop3A_589, %min3A_100, %broadcast_in_dim3A_1 : vector<16xi1>, vector<16xf32>
        %parallel_loop3A_639 = arith.mulf %parallel_loop3A_637, %parallel_loop3A_638 : vector<16xf32>
        %parallel_loop3A_640 = arith.addi %parallel_loop3A_576, %broadcast_in_dim3A_23 : vector<16xi32>
        %parallel_loop3A_641 = tpu.vector_load_idx %arg17[%parallel_loop3A_640] : memref<40000xf32, #tpu.memory_space<vmem>>[vector<16xi32>], vector<16xf32>,
        %parallel_loop3A_642 = arith.mulf %parallel_loop3A_639, %parallel_loop3A_641 : vector<16xf32>
        %parallel_loop3A_643 = arith.mulf %parallel_loop3A_597, %parallel_loop3A_642 : vector<16xf32>
        %parallel_loop3A_644 = arith.addf %parallel_loop3A_563, %parallel_loop3A_643 : vector<16xf32>
        %parallel_loop3A_645 = arith.mulf %parallel_loop3A_598, %parallel_loop3A_642 : vector<16xf32>
        %parallel_loop3A_646 = arith.addf %parallel_loop3A_567, %parallel_loop3A_645 : vector<16xf32>
        %parallel_loop3A_647 = arith.constant 0.000000e+00 : f32
        %parallel_loop3A_648 = vector.broadcast %parallel_loop3A_647 : f32 to vector<16xf32>
        %parallel_loop3A_649 = arith.subf %parallel_loop3A_648, %parallel_loop3A_642 : vector<16xf32>
        %parallel_loop3A_650 = arith.mulf %parallel_loop3A_582, %broadcast_in_dim3A_127 : vector<16xf32>
        %parallel_loop3A_651 = arith.mulf %parallel_loop3A_584, %broadcast_in_dim3A_139 : vector<16xf32>
        %parallel_loop3A_652 = arith.addf %parallel_loop3A_650, %parallel_loop3A_651 : vector<16xf32>
        %parallel_loop3A_653 = math.exp %parallel_loop3A_652 : vector<16xf32>
        %parallel_loop3A_654 = arith.mulf %parallel_loop3A_580, %parallel_loop3A_653 : vector<16xf32>
        %parallel_loop3A_655 = arith.select %parallel_loop3A_589, %min3A_110, %broadcast_in_dim3A_1 : vector<16xi1>, vector<16xf32>
        %parallel_loop3A_656 = arith.mulf %parallel_loop3A_654, %parallel_loop3A_655 : vector<16xf32>
        %parallel_loop3A_657 = arith.addi %parallel_loop3A_576, %broadcast_in_dim3A_25 : vector<16xi32>
        %parallel_loop3A_658 = tpu.vector_load_idx %arg17[%parallel_loop3A_657] : memref<40000xf32, #tpu.memory_space<vmem>>[vector<16xi32>], vector<16xf32>,
        %parallel_loop3A_659 = arith.mulf %parallel_loop3A_656, %parallel_loop3A_658 : vector<16xf32>
        %parallel_loop3A_660 = arith.mulf %parallel_loop3A_597, %parallel_loop3A_659 : vector<16xf32>
        %parallel_loop3A_661 = arith.addf %parallel_loop3A_564, %parallel_loop3A_660 : vector<16xf32>
        %parallel_loop3A_662 = arith.mulf %parallel_loop3A_598, %parallel_loop3A_659 : vector<16xf32>
        %parallel_loop3A_663 = arith.addf %parallel_loop3A_568, %parallel_loop3A_662 : vector<16xf32>
        %parallel_loop3A_664 = arith.constant 0.000000e+00 : f32
        %parallel_loop3A_665 = vector.broadcast %parallel_loop3A_664 : f32 to vector<16xf32>
        %parallel_loop3A_666 = arith.subf %parallel_loop3A_665, %parallel_loop3A_659 : vector<16xf32>
        %parallel_loop3A_667 = arith.addi %parallel_loop3A_578, %broadcast_in_dim3A_19 : vector<16xi32>
        tpu.vector_store_idx %arg18[%parallel_loop3A_667], %parallel_loop3A_608 masked %parallel_loop3A_596 {add = true} : memref<40000xf32, #tpu.memory_space<vmem>>[vector<16xi32>], vector<16xf32>, vector<16xi1>
        %parallel_loop3A_668 = arith.addi %parallel_loop3A_578, %broadcast_in_dim3A_21 : vector<16xi32>
        tpu.vector_store_idx %arg18[%parallel_loop3A_668], %parallel_loop3A_625 masked %parallel_loop3A_596 {add = true} : memref<40000xf32, #tpu.memory_space<vmem>>[vector<16xi32>], vector<16xf32>, vector<16xi1>
        %parallel_loop3A_669 = arith.addi %parallel_loop3A_578, %broadcast_in_dim3A_23 : vector<16xi32>
        tpu.vector_store_idx %arg18[%parallel_loop3A_669], %parallel_loop3A_642 masked %parallel_loop3A_596 {add = true} : memref<40000xf32, #tpu.memory_space<vmem>>[vector<16xi32>], vector<16xf32>, vector<16xi1>
        %parallel_loop3A_670 = arith.addi %parallel_loop3A_578, %broadcast_in_dim3A_25 : vector<16xi32>
        tpu.vector_store_idx %arg18[%parallel_loop3A_670], %parallel_loop3A_659 masked %parallel_loop3A_596 {add = true} : memref<40000xf32, #tpu.memory_space<vmem>>[vector<16xi32>], vector<16xf32>, vector<16xi1>
        %parallel_loop3A_671 = arith.addi %parallel_loop3A_576, %broadcast_in_dim3A_19 : vector<16xi32>
        tpu.vector_store_idx %arg18[%parallel_loop3A_671], %parallel_loop3A_615 masked %parallel_loop3A_596 {add = true} : memref<40000xf32, #tpu.memory_space<vmem>>[vector<16xi32>], vector<16xf32>, vector<16xi1>
        %parallel_loop3A_672 = arith.addi %parallel_loop3A_576, %broadcast_in_dim3A_21 : vector<16xi32>
        tpu.vector_store_idx %arg18[%parallel_loop3A_672], %parallel_loop3A_632 masked %parallel_loop3A_596 {add = true} : memref<40000xf32, #tpu.memory_space<vmem>>[vector<16xi32>], vector<16xf32>, vector<16xi1>
        %parallel_loop3A_673 = arith.addi %parallel_loop3A_576, %broadcast_in_dim3A_23 : vector<16xi32>
        tpu.vector_store_idx %arg18[%parallel_loop3A_673], %parallel_loop3A_649 masked %parallel_loop3A_596 {add = true} : memref<40000xf32, #tpu.memory_space<vmem>>[vector<16xi32>], vector<16xf32>, vector<16xi1>
        %parallel_loop3A_674 = arith.addi %parallel_loop3A_576, %broadcast_in_dim3A_25 : vector<16xi32>
        tpu.vector_store_idx %arg18[%parallel_loop3A_674], %parallel_loop3A_666 masked %parallel_loop3A_596 {add = true} : memref<40000xf32, #tpu.memory_space<vmem>>[vector<16xi32>], vector<16xf32>, vector<16xi1>
        %parallel_loop3A_675 = arith.extui %parallel_loop3A_594 : vector<16xi1> to vector<16xi32>
        %parallel_loop3A_676 = arith.constant true
        %parallel_loop3A_677 = vector.broadcast %parallel_loop3A_676 : i1 to vector<16xi1>
        %parallel_loop3A_678 = tpu.scan <sum>, %parallel_loop3A_675 masked %parallel_loop3A_677 : vector<16xi32>, vector<16xi1> -> vector<16xi32>
        %parallel_loop3A_679 = vector.broadcast %parallel_loop3A_569 : i32 to vector<16xi32>
        %parallel_loop3A_680 = arith.addi %parallel_loop3A_679, %parallel_loop3A_678 : vector<16xi32>
        %parallel_loop3A_681 = arith.constant 1 : i32
        %parallel_loop3A_682 = vector.broadcast %parallel_loop3A_681 : i32 to vector<16xi32>
        %parallel_loop3A_683 = arith.subi %parallel_loop3A_680, %parallel_loop3A_682 : vector<16xi32>
        %parallel_loop3A_684 = arith.constant 0 : i32
        %parallel_loop3A_685 = arith.constant 1023 : i32
        %parallel_loop3A_686 = vector.broadcast %parallel_loop3A_684 : i32 to vector<16xi32>
        %parallel_loop3A_687 = arith.maxsi %parallel_loop3A_686, %parallel_loop3A_683 : vector<16xi32>
        %parallel_loop3A_688 = vector.broadcast %parallel_loop3A_685 : i32 to vector<16xi32>
        %parallel_loop3A_689 = arith.minsi %parallel_loop3A_688, %parallel_loop3A_687 : vector<16xi32>
        %parallel_loop3A_690 = arith.constant 16384 : i32
        %parallel_loop3A_691 = vector.broadcast %parallel_loop3A_690 : i32 to vector<16xi32>
        %parallel_loop3A_692 = arith.muli %parallel_loop3A_576, %parallel_loop3A_691 : vector<16xi32>
        %parallel_loop3A_693 = arith.addi %parallel_loop3A_692, %parallel_loop3A_578 : vector<16xi32>
        tpu.vector_store_idx %arg29[%parallel_loop3A_689], %parallel_loop3A_693 masked %parallel_loop3A_594 : memref<1024xi32, #tpu.memory_space<vmem>>[vector<16xi32>], vector<16xi32>, vector<16xi1>
        %parallel_loop3A_694 = tpu.all_reduce %parallel_loop3A_594 {dim = 0 : i64, kind = #tpu.reduction_kind<sum>} : vector<16xi1> -> vector<16xi32>
        %parallel_loop3A_695 = vector.extract_strided_slice %parallel_loop3A_694 {offsets = [0], sizes = [1], strides = [1]} : vector<16xi32> to vector<1xi32>
        %parallel_loop3A_696 = vector.extract %parallel_loop3A_695[0] : i32 from vector<1xi32>
        %parallel_loop3A_697 = arith.addi %parallel_loop3A_569, %parallel_loop3A_696 : i32
        scf.yield %parallel_loop3A_610, %parallel_loop3A_627, %parallel_loop3A_644, %parallel_loop3A_661, %parallel_loop3A_612, %parallel_loop3A_629, %parallel_loop3A_646, %parallel_loop3A_663, %parallel_loop3A_697 : vector<16xf32>, vector<16xf32>, vector<16xf32>, vector<16xf32>, vector<16xf32>, vector<16xf32>, vector<16xf32>, vector<16xf32>, i32
      } {sc.loop_unroll_factor = 1 : i64, sc.parallel_access}
      %add3A_553 = arith.constant 2 : i32
      %add3A_554 = arith.addi %add3A_503, %add3A_553 : i32
      %lt3A_555 = arith.constant 50 : i32
      %lt3A_556 = arith.cmpi slt, %add3A_554, %lt3A_555 : i32
      %convert_element_type3A_557 = arith.extui %lt3A_556 : i1 to i32
      %cond3A_558 = arith.constant 0 : i32
      %cond3A_559 = arith.cmpi ne, %convert_element_type3A_557, %cond3A_558 : i32
      scf.if %cond3A_559 {
        %add3A_560 = arith.constant 2 : i32
        %add3A_561 = arith.addi %add3A_503, %add3A_560 : i32
        %mul3A_562 = arith.constant 1600 : i32
        %mul3A_563 = arith.muli %add3A_561, %mul3A_562 : i32
        %multiple_of3A_564 = tpu.assume_multiple %mul3A_563, 8 : i32
        %dma_start3A_565 = arith.constant 1600 : i32
        %dma_start3A_566 = tpu.memref_slice %arg20[%dma_start3A_565] : memref<3200xi32, #tpu.memory_space<vmem>> -> memref<1600xi32, #tpu.memory_space<vmem>>
        %dma_start3A_567 = tpu.memref_slice %arg7[%multiple_of3A_564] : memref<80000xi32, #tpu.memory_space<hbm>> -> memref<1600xi32, #tpu.memory_space<hbm>>
        %dma_start3A_568 = arith.constant 1600 : i32
        %dma_start3A_569 = tpu.memref_slice %arg20[%dma_start3A_568] : memref<3200xi32, #tpu.memory_space<vmem>> -> memref<1600xi32, #tpu.memory_space<vmem>>
        %dma_start3A_570 = tpu.memref_slice %arg7[%multiple_of3A_564] : memref<80000xi32, #tpu.memory_space<hbm>> -> memref<1600xi32, #tpu.memory_space<hbm>>
        tpu.enqueue_dma source(%dma_start3A_570 : memref<1600xi32, #tpu.memory_space<hbm>>) target(%dma_start3A_569 : memref<1600xi32, #tpu.memory_space<vmem>>) target_semaphore(%arg31 : memref<!tpu.dma_semaphore, #tpu.memory_space<semaphore_mem>>)
        %dma_start3A_571 = arith.constant 1600 : i32
        %dma_start3A_572 = tpu.memref_slice %arg21[%dma_start3A_571] : memref<3200xi32, #tpu.memory_space<vmem>> -> memref<1600xi32, #tpu.memory_space<vmem>>
        %dma_start3A_573 = tpu.memref_slice %arg8[%multiple_of3A_564] : memref<80000xi32, #tpu.memory_space<hbm>> -> memref<1600xi32, #tpu.memory_space<hbm>>
        %dma_start3A_574 = arith.constant 1600 : i32
        %dma_start3A_575 = tpu.memref_slice %arg21[%dma_start3A_574] : memref<3200xi32, #tpu.memory_space<vmem>> -> memref<1600xi32, #tpu.memory_space<vmem>>
        %dma_start3A_576 = tpu.memref_slice %arg8[%multiple_of3A_564] : memref<80000xi32, #tpu.memory_space<hbm>> -> memref<1600xi32, #tpu.memory_space<hbm>>
        tpu.enqueue_dma source(%dma_start3A_576 : memref<1600xi32, #tpu.memory_space<hbm>>) target(%dma_start3A_575 : memref<1600xi32, #tpu.memory_space<vmem>>) target_semaphore(%arg31 : memref<!tpu.dma_semaphore, #tpu.memory_space<semaphore_mem>>)
        %dma_start3A_577 = arith.constant 1600 : i32
        %dma_start3A_578 = tpu.memref_slice %arg23[%dma_start3A_577] : memref<3200xf32, #tpu.memory_space<vmem>> -> memref<1600xf32, #tpu.memory_space<vmem>>
        %dma_start3A_579 = tpu.memref_slice %arg4[%multiple_of3A_564] : memref<160000xf32, #tpu.memory_space<hbm>> -> memref<1600xf32, #tpu.memory_space<hbm>>
        %dma_start3A_580 = arith.constant 1600 : i32
        %dma_start3A_581 = tpu.memref_slice %arg23[%dma_start3A_580] : memref<3200xf32, #tpu.memory_space<vmem>> -> memref<1600xf32, #tpu.memory_space<vmem>>
        %dma_start3A_582 = tpu.memref_slice %arg4[%multiple_of3A_564] : memref<160000xf32, #tpu.memory_space<hbm>> -> memref<1600xf32, #tpu.memory_space<hbm>>
        tpu.enqueue_dma source(%dma_start3A_582 : memref<1600xf32, #tpu.memory_space<hbm>>) target(%dma_start3A_581 : memref<1600xf32, #tpu.memory_space<vmem>>) target_semaphore(%arg31 : memref<!tpu.dma_semaphore, #tpu.memory_space<semaphore_mem>>)
        %dma_start3A_583 = arith.constant 1600 : i32
        %dma_start3A_584 = tpu.memref_slice %arg24[%dma_start3A_583] : memref<3200xf32, #tpu.memory_space<vmem>> -> memref<1600xf32, #tpu.memory_space<vmem>>
        %dma_start3A_585 = tpu.memref_slice %arg5[%multiple_of3A_564] : memref<160000xf32, #tpu.memory_space<hbm>> -> memref<1600xf32, #tpu.memory_space<hbm>>
        %dma_start3A_586 = arith.constant 1600 : i32
        %dma_start3A_587 = tpu.memref_slice %arg24[%dma_start3A_586] : memref<3200xf32, #tpu.memory_space<vmem>> -> memref<1600xf32, #tpu.memory_space<vmem>>
        %dma_start3A_588 = tpu.memref_slice %arg5[%multiple_of3A_564] : memref<160000xf32, #tpu.memory_space<hbm>> -> memref<1600xf32, #tpu.memory_space<hbm>>
        tpu.enqueue_dma source(%dma_start3A_588 : memref<1600xf32, #tpu.memory_space<hbm>>) target(%dma_start3A_587 : memref<1600xf32, #tpu.memory_space<vmem>>) target_semaphore(%arg31 : memref<!tpu.dma_semaphore, #tpu.memory_space<semaphore_mem>>)
        %dma_start3A_589 = arith.constant 1600 : i32
        %dma_start3A_590 = tpu.memref_slice %arg25[%dma_start3A_589] : memref<3200xf32, #tpu.memory_space<vmem>> -> memref<1600xf32, #tpu.memory_space<vmem>>
        %dma_start3A_591 = tpu.memref_slice %arg6[%multiple_of3A_564] : memref<160000xf32, #tpu.memory_space<hbm>> -> memref<1600xf32, #tpu.memory_space<hbm>>
        %dma_start3A_592 = arith.constant 1600 : i32
        %dma_start3A_593 = tpu.memref_slice %arg25[%dma_start3A_592] : memref<3200xf32, #tpu.memory_space<vmem>> -> memref<1600xf32, #tpu.memory_space<vmem>>
        %dma_start3A_594 = tpu.memref_slice %arg6[%multiple_of3A_564] : memref<160000xf32, #tpu.memory_space<hbm>> -> memref<1600xf32, #tpu.memory_space<hbm>>
        tpu.enqueue_dma source(%dma_start3A_594 : memref<1600xf32, #tpu.memory_space<hbm>>) target(%dma_start3A_593 : memref<1600xf32, #tpu.memory_space<vmem>>) target_semaphore(%arg31 : memref<!tpu.dma_semaphore, #tpu.memory_space<semaphore_mem>>)
        %dma_start3A_595 = arith.constant 1600 : i32
        %dma_start3A_596 = tpu.memref_slice %arg26[%dma_start3A_595] : memref<3200xf32, #tpu.memory_space<vmem>> -> memref<1600xf32, #tpu.memory_space<vmem>>
        %dma_start3A_597 = tpu.memref_slice %arg14[%multiple_of3A_564] : memref<80000xf32, #tpu.memory_space<hbm>> -> memref<1600xf32, #tpu.memory_space<hbm>>
        %dma_start3A_598 = arith.constant 1600 : i32
        %dma_start3A_599 = tpu.memref_slice %arg26[%dma_start3A_598] : memref<3200xf32, #tpu.memory_space<vmem>> -> memref<1600xf32, #tpu.memory_space<vmem>>
        %dma_start3A_600 = tpu.memref_slice %arg14[%multiple_of3A_564] : memref<80000xf32, #tpu.memory_space<hbm>> -> memref<1600xf32, #tpu.memory_space<hbm>>
        tpu.enqueue_dma source(%dma_start3A_600 : memref<1600xf32, #tpu.memory_space<hbm>>) target(%dma_start3A_599 : memref<1600xf32, #tpu.memory_space<vmem>>) target_semaphore(%arg31 : memref<!tpu.dma_semaphore, #tpu.memory_space<semaphore_mem>>)
        %dma_start3A_601 = arith.constant 1600 : i32
        %dma_start3A_602 = tpu.memref_slice %arg27[%dma_start3A_601] : memref<3200xf32, #tpu.memory_space<vmem>> -> memref<1600xf32, #tpu.memory_space<vmem>>
        %dma_start3A_603 = tpu.memref_slice %arg15[%multiple_of3A_564] : memref<80000xf32, #tpu.memory_space<hbm>> -> memref<1600xf32, #tpu.memory_space<hbm>>
        %dma_start3A_604 = arith.constant 1600 : i32
        %dma_start3A_605 = tpu.memref_slice %arg27[%dma_start3A_604] : memref<3200xf32, #tpu.memory_space<vmem>> -> memref<1600xf32, #tpu.memory_space<vmem>>
        %dma_start3A_606 = tpu.memref_slice %arg15[%multiple_of3A_564] : memref<80000xf32, #tpu.memory_space<hbm>> -> memref<1600xf32, #tpu.memory_space<hbm>>
        tpu.enqueue_dma source(%dma_start3A_606 : memref<1600xf32, #tpu.memory_space<hbm>>) target(%dma_start3A_605 : memref<1600xf32, #tpu.memory_space<vmem>>) target_semaphore(%arg31 : memref<!tpu.dma_semaphore, #tpu.memory_space<semaphore_mem>>)
      } else {
      }
      scf.yield %parallel_loop3A_552#0, %parallel_loop3A_552#1, %parallel_loop3A_552#2, %parallel_loop3A_552#3, %parallel_loop3A_552#4, %parallel_loop3A_552#5, %parallel_loop3A_552#6, %parallel_loop3A_552#7, %parallel_loop3A_552#8 : vector<16xf32>, vector<16xf32>, vector<16xf32>, vector<16xf32>, vector<16xf32>, vector<16xf32>, vector<16xf32>, vector<16xf32>, i32
    }
    %scan3A_243 = arith.constant 25 : i32
    %multiple_of3A_244 = arith.constant 0 : i32
    %multiple_of3A_245 = tpu.assume_multiple %multiple_of3A_244, 8 : i32
    %multiple_of3A_246 = arith.constant 80000 : i32
    %multiple_of3A_247 = tpu.assume_multiple %multiple_of3A_246, 8 : i32
    %dma_start3A_248 = arith.constant 0 : i32
    %dma_start3A_249 = tpu.memref_slice %arg20[%dma_start3A_248] : memref<3200xi32, #tpu.memory_space<vmem>> -> memref<1600xi32, #tpu.memory_space<vmem>>
    %dma_start3A_250 = tpu.memref_slice %arg9[%multiple_of3A_245] : memref<80000xi32, #tpu.memory_space<hbm>> -> memref<1600xi32, #tpu.memory_space<hbm>>
    %dma_start3A_251 = arith.constant 0 : i32
    %dma_start3A_252 = tpu.memref_slice %arg20[%dma_start3A_251] : memref<3200xi32, #tpu.memory_space<vmem>> -> memref<1600xi32, #tpu.memory_space<vmem>>
    %dma_start3A_253 = tpu.memref_slice %arg9[%multiple_of3A_245] : memref<80000xi32, #tpu.memory_space<hbm>> -> memref<1600xi32, #tpu.memory_space<hbm>>
    tpu.enqueue_dma source(%dma_start3A_253 : memref<1600xi32, #tpu.memory_space<hbm>>) target(%dma_start3A_252 : memref<1600xi32, #tpu.memory_space<vmem>>) target_semaphore(%arg30 : memref<!tpu.dma_semaphore, #tpu.memory_space<semaphore_mem>>)
    %dma_start3A_254 = arith.constant 0 : i32
    %dma_start3A_255 = tpu.memref_slice %arg21[%dma_start3A_254] : memref<3200xi32, #tpu.memory_space<vmem>> -> memref<1600xi32, #tpu.memory_space<vmem>>
    %dma_start3A_256 = tpu.memref_slice %arg10[%multiple_of3A_245] : memref<80000xi32, #tpu.memory_space<hbm>> -> memref<1600xi32, #tpu.memory_space<hbm>>
    %dma_start3A_257 = arith.constant 0 : i32
    %dma_start3A_258 = tpu.memref_slice %arg21[%dma_start3A_257] : memref<3200xi32, #tpu.memory_space<vmem>> -> memref<1600xi32, #tpu.memory_space<vmem>>
    %dma_start3A_259 = tpu.memref_slice %arg10[%multiple_of3A_245] : memref<80000xi32, #tpu.memory_space<hbm>> -> memref<1600xi32, #tpu.memory_space<hbm>>
    tpu.enqueue_dma source(%dma_start3A_259 : memref<1600xi32, #tpu.memory_space<hbm>>) target(%dma_start3A_258 : memref<1600xi32, #tpu.memory_space<vmem>>) target_semaphore(%arg30 : memref<!tpu.dma_semaphore, #tpu.memory_space<semaphore_mem>>)
    %dma_start3A_260 = arith.constant 0 : i32
    %dma_start3A_261 = tpu.memref_slice %arg22[%dma_start3A_260] : memref<3200xi32, #tpu.memory_space<vmem>> -> memref<1600xi32, #tpu.memory_space<vmem>>
    %dma_start3A_262 = tpu.memref_slice %arg11[%multiple_of3A_245] : memref<80000xi32, #tpu.memory_space<hbm>> -> memref<1600xi32, #tpu.memory_space<hbm>>
    %dma_start3A_263 = arith.constant 0 : i32
    %dma_start3A_264 = tpu.memref_slice %arg22[%dma_start3A_263] : memref<3200xi32, #tpu.memory_space<vmem>> -> memref<1600xi32, #tpu.memory_space<vmem>>
    %dma_start3A_265 = tpu.memref_slice %arg11[%multiple_of3A_245] : memref<80000xi32, #tpu.memory_space<hbm>> -> memref<1600xi32, #tpu.memory_space<hbm>>
    tpu.enqueue_dma source(%dma_start3A_265 : memref<1600xi32, #tpu.memory_space<hbm>>) target(%dma_start3A_264 : memref<1600xi32, #tpu.memory_space<vmem>>) target_semaphore(%arg30 : memref<!tpu.dma_semaphore, #tpu.memory_space<semaphore_mem>>)
    %dma_start3A_266 = arith.constant 0 : i32
    %dma_start3A_267 = tpu.memref_slice %arg23[%dma_start3A_266] : memref<3200xf32, #tpu.memory_space<vmem>> -> memref<1600xf32, #tpu.memory_space<vmem>>
    %dma_start3A_268 = tpu.memref_slice %arg4[%multiple_of3A_247] : memref<160000xf32, #tpu.memory_space<hbm>> -> memref<1600xf32, #tpu.memory_space<hbm>>
    %dma_start3A_269 = arith.constant 0 : i32
    %dma_start3A_270 = tpu.memref_slice %arg23[%dma_start3A_269] : memref<3200xf32, #tpu.memory_space<vmem>> -> memref<1600xf32, #tpu.memory_space<vmem>>
    %dma_start3A_271 = tpu.memref_slice %arg4[%multiple_of3A_247] : memref<160000xf32, #tpu.memory_space<hbm>> -> memref<1600xf32, #tpu.memory_space<hbm>>
    tpu.enqueue_dma source(%dma_start3A_271 : memref<1600xf32, #tpu.memory_space<hbm>>) target(%dma_start3A_270 : memref<1600xf32, #tpu.memory_space<vmem>>) target_semaphore(%arg30 : memref<!tpu.dma_semaphore, #tpu.memory_space<semaphore_mem>>)
    %dma_start3A_272 = arith.constant 0 : i32
    %dma_start3A_273 = tpu.memref_slice %arg24[%dma_start3A_272] : memref<3200xf32, #tpu.memory_space<vmem>> -> memref<1600xf32, #tpu.memory_space<vmem>>
    %dma_start3A_274 = tpu.memref_slice %arg5[%multiple_of3A_247] : memref<160000xf32, #tpu.memory_space<hbm>> -> memref<1600xf32, #tpu.memory_space<hbm>>
    %dma_start3A_275 = arith.constant 0 : i32
    %dma_start3A_276 = tpu.memref_slice %arg24[%dma_start3A_275] : memref<3200xf32, #tpu.memory_space<vmem>> -> memref<1600xf32, #tpu.memory_space<vmem>>
    %dma_start3A_277 = tpu.memref_slice %arg5[%multiple_of3A_247] : memref<160000xf32, #tpu.memory_space<hbm>> -> memref<1600xf32, #tpu.memory_space<hbm>>
    tpu.enqueue_dma source(%dma_start3A_277 : memref<1600xf32, #tpu.memory_space<hbm>>) target(%dma_start3A_276 : memref<1600xf32, #tpu.memory_space<vmem>>) target_semaphore(%arg30 : memref<!tpu.dma_semaphore, #tpu.memory_space<semaphore_mem>>)
    %dma_start3A_278 = arith.constant 0 : i32
    %dma_start3A_279 = tpu.memref_slice %arg25[%dma_start3A_278] : memref<3200xf32, #tpu.memory_space<vmem>> -> memref<1600xf32, #tpu.memory_space<vmem>>
    %dma_start3A_280 = tpu.memref_slice %arg6[%multiple_of3A_247] : memref<160000xf32, #tpu.memory_space<hbm>> -> memref<1600xf32, #tpu.memory_space<hbm>>
    %dma_start3A_281 = arith.constant 0 : i32
    %dma_start3A_282 = tpu.memref_slice %arg25[%dma_start3A_281] : memref<3200xf32, #tpu.memory_space<vmem>> -> memref<1600xf32, #tpu.memory_space<vmem>>
    %dma_start3A_283 = tpu.memref_slice %arg6[%multiple_of3A_247] : memref<160000xf32, #tpu.memory_space<hbm>> -> memref<1600xf32, #tpu.memory_space<hbm>>
    tpu.enqueue_dma source(%dma_start3A_283 : memref<1600xf32, #tpu.memory_space<hbm>>) target(%dma_start3A_282 : memref<1600xf32, #tpu.memory_space<vmem>>) target_semaphore(%arg30 : memref<!tpu.dma_semaphore, #tpu.memory_space<semaphore_mem>>)
    %multiple_of3A_284 = arith.constant 1600 : i32
    %multiple_of3A_285 = tpu.assume_multiple %multiple_of3A_284, 8 : i32
    %multiple_of3A_286 = arith.constant 81600 : i32
    %multiple_of3A_287 = tpu.assume_multiple %multiple_of3A_286, 8 : i32
    %dma_start3A_288 = arith.constant 1600 : i32
    %dma_start3A_289 = tpu.memref_slice %arg20[%dma_start3A_288] : memref<3200xi32, #tpu.memory_space<vmem>> -> memref<1600xi32, #tpu.memory_space<vmem>>
    %dma_start3A_290 = tpu.memref_slice %arg9[%multiple_of3A_285] : memref<80000xi32, #tpu.memory_space<hbm>> -> memref<1600xi32, #tpu.memory_space<hbm>>
    %dma_start3A_291 = arith.constant 1600 : i32
    %dma_start3A_292 = tpu.memref_slice %arg20[%dma_start3A_291] : memref<3200xi32, #tpu.memory_space<vmem>> -> memref<1600xi32, #tpu.memory_space<vmem>>
    %dma_start3A_293 = tpu.memref_slice %arg9[%multiple_of3A_285] : memref<80000xi32, #tpu.memory_space<hbm>> -> memref<1600xi32, #tpu.memory_space<hbm>>
    tpu.enqueue_dma source(%dma_start3A_293 : memref<1600xi32, #tpu.memory_space<hbm>>) target(%dma_start3A_292 : memref<1600xi32, #tpu.memory_space<vmem>>) target_semaphore(%arg31 : memref<!tpu.dma_semaphore, #tpu.memory_space<semaphore_mem>>)
    %dma_start3A_294 = arith.constant 1600 : i32
    %dma_start3A_295 = tpu.memref_slice %arg21[%dma_start3A_294] : memref<3200xi32, #tpu.memory_space<vmem>> -> memref<1600xi32, #tpu.memory_space<vmem>>
    %dma_start3A_296 = tpu.memref_slice %arg10[%multiple_of3A_285] : memref<80000xi32, #tpu.memory_space<hbm>> -> memref<1600xi32, #tpu.memory_space<hbm>>
    %dma_start3A_297 = arith.constant 1600 : i32
    %dma_start3A_298 = tpu.memref_slice %arg21[%dma_start3A_297] : memref<3200xi32, #tpu.memory_space<vmem>> -> memref<1600xi32, #tpu.memory_space<vmem>>
    %dma_start3A_299 = tpu.memref_slice %arg10[%multiple_of3A_285] : memref<80000xi32, #tpu.memory_space<hbm>> -> memref<1600xi32, #tpu.memory_space<hbm>>
    tpu.enqueue_dma source(%dma_start3A_299 : memref<1600xi32, #tpu.memory_space<hbm>>) target(%dma_start3A_298 : memref<1600xi32, #tpu.memory_space<vmem>>) target_semaphore(%arg31 : memref<!tpu.dma_semaphore, #tpu.memory_space<semaphore_mem>>)
    %dma_start3A_300 = arith.constant 1600 : i32
    %dma_start3A_301 = tpu.memref_slice %arg22[%dma_start3A_300] : memref<3200xi32, #tpu.memory_space<vmem>> -> memref<1600xi32, #tpu.memory_space<vmem>>
    %dma_start3A_302 = tpu.memref_slice %arg11[%multiple_of3A_285] : memref<80000xi32, #tpu.memory_space<hbm>> -> memref<1600xi32, #tpu.memory_space<hbm>>
    %dma_start3A_303 = arith.constant 1600 : i32
    %dma_start3A_304 = tpu.memref_slice %arg22[%dma_start3A_303] : memref<3200xi32, #tpu.memory_space<vmem>> -> memref<1600xi32, #tpu.memory_space<vmem>>
    %dma_start3A_305 = tpu.memref_slice %arg11[%multiple_of3A_285] : memref<80000xi32, #tpu.memory_space<hbm>> -> memref<1600xi32, #tpu.memory_space<hbm>>
    tpu.enqueue_dma source(%dma_start3A_305 : memref<1600xi32, #tpu.memory_space<hbm>>) target(%dma_start3A_304 : memref<1600xi32, #tpu.memory_space<vmem>>) target_semaphore(%arg31 : memref<!tpu.dma_semaphore, #tpu.memory_space<semaphore_mem>>)
    %dma_start3A_306 = arith.constant 1600 : i32
    %dma_start3A_307 = tpu.memref_slice %arg23[%dma_start3A_306] : memref<3200xf32, #tpu.memory_space<vmem>> -> memref<1600xf32, #tpu.memory_space<vmem>>
    %dma_start3A_308 = tpu.memref_slice %arg4[%multiple_of3A_287] : memref<160000xf32, #tpu.memory_space<hbm>> -> memref<1600xf32, #tpu.memory_space<hbm>>
    %dma_start3A_309 = arith.constant 1600 : i32
    %dma_start3A_310 = tpu.memref_slice %arg23[%dma_start3A_309] : memref<3200xf32, #tpu.memory_space<vmem>> -> memref<1600xf32, #tpu.memory_space<vmem>>
    %dma_start3A_311 = tpu.memref_slice %arg4[%multiple_of3A_287] : memref<160000xf32, #tpu.memory_space<hbm>> -> memref<1600xf32, #tpu.memory_space<hbm>>
    tpu.enqueue_dma source(%dma_start3A_311 : memref<1600xf32, #tpu.memory_space<hbm>>) target(%dma_start3A_310 : memref<1600xf32, #tpu.memory_space<vmem>>) target_semaphore(%arg31 : memref<!tpu.dma_semaphore, #tpu.memory_space<semaphore_mem>>)
    %dma_start3A_312 = arith.constant 1600 : i32
    %dma_start3A_313 = tpu.memref_slice %arg24[%dma_start3A_312] : memref<3200xf32, #tpu.memory_space<vmem>> -> memref<1600xf32, #tpu.memory_space<vmem>>
    %dma_start3A_314 = tpu.memref_slice %arg5[%multiple_of3A_287] : memref<160000xf32, #tpu.memory_space<hbm>> -> memref<1600xf32, #tpu.memory_space<hbm>>
    %dma_start3A_315 = arith.constant 1600 : i32
    %dma_start3A_316 = tpu.memref_slice %arg24[%dma_start3A_315] : memref<3200xf32, #tpu.memory_space<vmem>> -> memref<1600xf32, #tpu.memory_space<vmem>>
    %dma_start3A_317 = tpu.memref_slice %arg5[%multiple_of3A_287] : memref<160000xf32, #tpu.memory_space<hbm>> -> memref<1600xf32, #tpu.memory_space<hbm>>
    tpu.enqueue_dma source(%dma_start3A_317 : memref<1600xf32, #tpu.memory_space<hbm>>) target(%dma_start3A_316 : memref<1600xf32, #tpu.memory_space<vmem>>) target_semaphore(%arg31 : memref<!tpu.dma_semaphore, #tpu.memory_space<semaphore_mem>>)
    %dma_start3A_318 = arith.constant 1600 : i32
    %dma_start3A_319 = tpu.memref_slice %arg25[%dma_start3A_318] : memref<3200xf32, #tpu.memory_space<vmem>> -> memref<1600xf32, #tpu.memory_space<vmem>>
    %dma_start3A_320 = tpu.memref_slice %arg6[%multiple_of3A_287] : memref<160000xf32, #tpu.memory_space<hbm>> -> memref<1600xf32, #tpu.memory_space<hbm>>
    %dma_start3A_321 = arith.constant 1600 : i32
    %dma_start3A_322 = tpu.memref_slice %arg25[%dma_start3A_321] : memref<3200xf32, #tpu.memory_space<vmem>> -> memref<1600xf32, #tpu.memory_space<vmem>>
    %dma_start3A_323 = tpu.memref_slice %arg6[%multiple_of3A_287] : memref<160000xf32, #tpu.memory_space<hbm>> -> memref<1600xf32, #tpu.memory_space<hbm>>
    tpu.enqueue_dma source(%dma_start3A_323 : memref<1600xf32, #tpu.memory_space<hbm>>) target(%dma_start3A_322 : memref<1600xf32, #tpu.memory_space<vmem>>) target_semaphore(%arg31 : memref<!tpu.dma_semaphore, #tpu.memory_space<semaphore_mem>>)
    %scan3A_324 = arith.constant 0 : i32
    %scan3A_325 = arith.constant 25 : i32
    %scan3A_326 = arith.addi %scan3A_324, %scan3A_325 : i32
    %scan3A_327 = arith.constant 1 : i32
    %scan3A_328:8 = scf.for %scan3A_434 = %scan3A_324 to %scan3A_326 step %scan3A_327 iter_args(%scan3A_435 = %scan3A_242#0, %scan3A_436 = %scan3A_242#1, %scan3A_437 = %scan3A_242#2, %scan3A_438 = %scan3A_242#3, %scan3A_439 = %scan3A_242#4, %scan3A_440 = %scan3A_242#5, %scan3A_441 = %scan3A_242#6, %scan3A_442 = %scan3A_242#7) -> (vector<16xf32>, vector<16xf32>, vector<16xf32>, vector<16xf32>, vector<16xf32>, vector<16xf32>, vector<16xf32>, vector<16xf32>)  : i32 {
      %mul3A_443 = arith.constant 2 : i32
      %mul3A_444 = arith.muli %scan3A_434, %mul3A_443 : i32
      %add3A_445 = arith.constant 0 : i32
      %add3A_446 = arith.addi %mul3A_444, %add3A_445 : i32
      %mul3A_447 = arith.constant 1600 : i32
      %mul3A_448 = arith.muli %add3A_446, %mul3A_447 : i32
      %multiple_of3A_449 = tpu.assume_multiple %mul3A_448, 8 : i32
      %mul3A_450 = arith.constant 1600 : i32
      %mul3A_451 = arith.muli %add3A_446, %mul3A_450 : i32
      %add3A_452 = arith.constant 80000 : i32
      %add3A_453 = arith.addi %add3A_452, %mul3A_451 : i32
      %multiple_of3A_454 = tpu.assume_multiple %add3A_453, 8 : i32
      %dma_wait3A = arith.constant 0 : i32
      %dma_wait3A_455 = tpu.memref_slice %arg20[%dma_wait3A] : memref<3200xi32, #tpu.memory_space<vmem>> -> memref<1600xi32, #tpu.memory_space<vmem>>
      %dma_wait3A_456 = tpu.memref_slice %arg9[%multiple_of3A_449] : memref<80000xi32, #tpu.memory_space<hbm>> -> memref<1600xi32, #tpu.memory_space<hbm>>
      %dma_wait3A_457 = arith.constant 0 : i32
      %dma_wait3A_458 = tpu.memref_slice %arg20[%dma_wait3A_457] : memref<3200xi32, #tpu.memory_space<vmem>> -> memref<1600xi32, #tpu.memory_space<vmem>>
      %dma_wait3A_459 = tpu.memref_slice %arg9[%multiple_of3A_449] : memref<80000xi32, #tpu.memory_space<hbm>> -> memref<1600xi32, #tpu.memory_space<hbm>>
      tpu.wait_dma2 semaphore(%arg30 : memref<!tpu.dma_semaphore, #tpu.memory_space<semaphore_mem>>) src(%dma_wait3A_459 : memref<1600xi32, #tpu.memory_space<hbm>>) dst(%dma_wait3A_458 : memref<1600xi32, #tpu.memory_space<vmem>>)
      %dma_wait3A_460 = arith.constant 0 : i32
      %dma_wait3A_461 = tpu.memref_slice %arg21[%dma_wait3A_460] : memref<3200xi32, #tpu.memory_space<vmem>> -> memref<1600xi32, #tpu.memory_space<vmem>>
      %dma_wait3A_462 = tpu.memref_slice %arg10[%multiple_of3A_449] : memref<80000xi32, #tpu.memory_space<hbm>> -> memref<1600xi32, #tpu.memory_space<hbm>>
      %dma_wait3A_463 = arith.constant 0 : i32
      %dma_wait3A_464 = tpu.memref_slice %arg21[%dma_wait3A_463] : memref<3200xi32, #tpu.memory_space<vmem>> -> memref<1600xi32, #tpu.memory_space<vmem>>
      %dma_wait3A_465 = tpu.memref_slice %arg10[%multiple_of3A_449] : memref<80000xi32, #tpu.memory_space<hbm>> -> memref<1600xi32, #tpu.memory_space<hbm>>
      tpu.wait_dma2 semaphore(%arg30 : memref<!tpu.dma_semaphore, #tpu.memory_space<semaphore_mem>>) src(%dma_wait3A_465 : memref<1600xi32, #tpu.memory_space<hbm>>) dst(%dma_wait3A_464 : memref<1600xi32, #tpu.memory_space<vmem>>)
      %dma_wait3A_466 = arith.constant 0 : i32
      %dma_wait3A_467 = tpu.memref_slice %arg22[%dma_wait3A_466] : memref<3200xi32, #tpu.memory_space<vmem>> -> memref<1600xi32, #tpu.memory_space<vmem>>
      %dma_wait3A_468 = tpu.memref_slice %arg11[%multiple_of3A_449] : memref<80000xi32, #tpu.memory_space<hbm>> -> memref<1600xi32, #tpu.memory_space<hbm>>
      %dma_wait3A_469 = arith.constant 0 : i32
      %dma_wait3A_470 = tpu.memref_slice %arg22[%dma_wait3A_469] : memref<3200xi32, #tpu.memory_space<vmem>> -> memref<1600xi32, #tpu.memory_space<vmem>>
      %dma_wait3A_471 = tpu.memref_slice %arg11[%multiple_of3A_449] : memref<80000xi32, #tpu.memory_space<hbm>> -> memref<1600xi32, #tpu.memory_space<hbm>>
      tpu.wait_dma2 semaphore(%arg30 : memref<!tpu.dma_semaphore, #tpu.memory_space<semaphore_mem>>) src(%dma_wait3A_471 : memref<1600xi32, #tpu.memory_space<hbm>>) dst(%dma_wait3A_470 : memref<1600xi32, #tpu.memory_space<vmem>>)
      %dma_wait3A_472 = arith.constant 0 : i32
      %dma_wait3A_473 = tpu.memref_slice %arg23[%dma_wait3A_472] : memref<3200xf32, #tpu.memory_space<vmem>> -> memref<1600xf32, #tpu.memory_space<vmem>>
      %dma_wait3A_474 = tpu.memref_slice %arg4[%multiple_of3A_454] : memref<160000xf32, #tpu.memory_space<hbm>> -> memref<1600xf32, #tpu.memory_space<hbm>>
      %dma_wait3A_475 = arith.constant 0 : i32
      %dma_wait3A_476 = tpu.memref_slice %arg23[%dma_wait3A_475] : memref<3200xf32, #tpu.memory_space<vmem>> -> memref<1600xf32, #tpu.memory_space<vmem>>
      %dma_wait3A_477 = tpu.memref_slice %arg4[%multiple_of3A_454] : memref<160000xf32, #tpu.memory_space<hbm>> -> memref<1600xf32, #tpu.memory_space<hbm>>
      tpu.wait_dma2 semaphore(%arg30 : memref<!tpu.dma_semaphore, #tpu.memory_space<semaphore_mem>>) src(%dma_wait3A_477 : memref<1600xf32, #tpu.memory_space<hbm>>) dst(%dma_wait3A_476 : memref<1600xf32, #tpu.memory_space<vmem>>)
      %dma_wait3A_478 = arith.constant 0 : i32
      %dma_wait3A_479 = tpu.memref_slice %arg24[%dma_wait3A_478] : memref<3200xf32, #tpu.memory_space<vmem>> -> memref<1600xf32, #tpu.memory_space<vmem>>
      %dma_wait3A_480 = tpu.memref_slice %arg5[%multiple_of3A_454] : memref<160000xf32, #tpu.memory_space<hbm>> -> memref<1600xf32, #tpu.memory_space<hbm>>
      %dma_wait3A_481 = arith.constant 0 : i32
      %dma_wait3A_482 = tpu.memref_slice %arg24[%dma_wait3A_481] : memref<3200xf32, #tpu.memory_space<vmem>> -> memref<1600xf32, #tpu.memory_space<vmem>>
      %dma_wait3A_483 = tpu.memref_slice %arg5[%multiple_of3A_454] : memref<160000xf32, #tpu.memory_space<hbm>> -> memref<1600xf32, #tpu.memory_space<hbm>>
      tpu.wait_dma2 semaphore(%arg30 : memref<!tpu.dma_semaphore, #tpu.memory_space<semaphore_mem>>) src(%dma_wait3A_483 : memref<1600xf32, #tpu.memory_space<hbm>>) dst(%dma_wait3A_482 : memref<1600xf32, #tpu.memory_space<vmem>>)
      %dma_wait3A_484 = arith.constant 0 : i32
      %dma_wait3A_485 = tpu.memref_slice %arg25[%dma_wait3A_484] : memref<3200xf32, #tpu.memory_space<vmem>> -> memref<1600xf32, #tpu.memory_space<vmem>>
      %dma_wait3A_486 = tpu.memref_slice %arg6[%multiple_of3A_454] : memref<160000xf32, #tpu.memory_space<hbm>> -> memref<1600xf32, #tpu.memory_space<hbm>>
      %dma_wait3A_487 = arith.constant 0 : i32
      %dma_wait3A_488 = tpu.memref_slice %arg25[%dma_wait3A_487] : memref<3200xf32, #tpu.memory_space<vmem>> -> memref<1600xf32, #tpu.memory_space<vmem>>
      %dma_wait3A_489 = tpu.memref_slice %arg6[%multiple_of3A_454] : memref<160000xf32, #tpu.memory_space<hbm>> -> memref<1600xf32, #tpu.memory_space<hbm>>
      tpu.wait_dma2 semaphore(%arg30 : memref<!tpu.dma_semaphore, #tpu.memory_space<semaphore_mem>>) src(%dma_wait3A_489 : memref<1600xf32, #tpu.memory_space<hbm>>) dst(%dma_wait3A_488 : memref<1600xf32, #tpu.memory_space<vmem>>)
      %parallel_loop3A_490 = arith.constant 0 : i32
      %parallel_loop3A_491 = arith.constant 100 : i32
      %parallel_loop3A_492 = arith.constant 1 : i32
      %parallel_loop3A_493:8 = scf.for %parallel_loop3A_557 = %parallel_loop3A_490 to %parallel_loop3A_491 step %parallel_loop3A_492 iter_args(%parallel_loop3A_558 = %scan3A_435, %parallel_loop3A_559 = %scan3A_436, %parallel_loop3A_560 = %scan3A_437, %parallel_loop3A_561 = %scan3A_438, %parallel_loop3A_562 = %scan3A_439, %parallel_loop3A_563 = %scan3A_440, %parallel_loop3A_564 = %scan3A_441, %parallel_loop3A_565 = %scan3A_442) -> (vector<16xf32>, vector<16xf32>, vector<16xf32>, vector<16xf32>, vector<16xf32>, vector<16xf32>, vector<16xf32>, vector<16xf32>)  : i32 {
        %parallel_loop3A_566 = arith.constant 16 : i32
        %parallel_loop3A_567 = arith.muli %parallel_loop3A_557, %parallel_loop3A_566 : i32
        %parallel_loop3A_568 = arith.constant 0 : i32
        %parallel_loop3A_569 = arith.addi %parallel_loop3A_568, %parallel_loop3A_567 : i32
        %parallel_loop3A_570 = tpu.assume_multiple %parallel_loop3A_569, 16 : i32
        %parallel_loop3A_571 = arith.index_cast %parallel_loop3A_570 : i32 to index
        %parallel_loop3A_572 = tpu.vector_load %arg20[%parallel_loop3A_571] {strides = array<i32>} : memref<3200xi32, #tpu.memory_space<vmem>>, vector<16xi32>,
        %parallel_loop3A_573 = arith.index_cast %parallel_loop3A_570 : i32 to index
        %parallel_loop3A_574 = tpu.vector_load %arg21[%parallel_loop3A_573] {strides = array<i32>} : memref<3200xi32, #tpu.memory_space<vmem>>, vector<16xi32>,
        %parallel_loop3A_575 = arith.index_cast %parallel_loop3A_570 : i32 to index
        %parallel_loop3A_576 = tpu.vector_load %arg22[%parallel_loop3A_575] {strides = array<i32>} : memref<3200xi32, #tpu.memory_space<vmem>>, vector<16xi32>,
        %parallel_loop3A_577 = arith.index_cast %parallel_loop3A_570 : i32 to index
        %parallel_loop3A_578 = tpu.vector_load %arg23[%parallel_loop3A_577] {strides = array<i32>} : memref<3200xf32, #tpu.memory_space<vmem>>, vector<16xf32>,
        %parallel_loop3A_579 = arith.index_cast %parallel_loop3A_570 : i32 to index
        %parallel_loop3A_580 = tpu.vector_load %arg24[%parallel_loop3A_579] {strides = array<i32>} : memref<3200xf32, #tpu.memory_space<vmem>>, vector<16xf32>,
        %parallel_loop3A_581 = arith.index_cast %parallel_loop3A_570 : i32 to index
        %parallel_loop3A_582 = tpu.vector_load %arg25[%parallel_loop3A_581] {strides = array<i32>} : memref<3200xf32, #tpu.memory_space<vmem>>, vector<16xf32>,
        %parallel_loop3A_583 = tpu.vector_load_idx %arg19[%parallel_loop3A_576] : memref<10000xf32, #tpu.memory_space<vmem>>[vector<16xi32>], vector<16xf32>,
        %parallel_loop3A_584 = tpu.vector_load_idx %arg19[%parallel_loop3A_572] : memref<10000xf32, #tpu.memory_space<vmem>>[vector<16xi32>], vector<16xf32>,
        %parallel_loop3A_585 = tpu.vector_load_idx %arg19[%parallel_loop3A_574] : memref<10000xf32, #tpu.memory_space<vmem>>[vector<16xi32>], vector<16xf32>,
        %parallel_loop3A_586 = arith.addf %parallel_loop3A_584, %parallel_loop3A_585 : vector<16xf32>
        %parallel_loop3A_587 = arith.mulf %parallel_loop3A_580, %broadcast_in_dim3A_118 : vector<16xf32>
        %parallel_loop3A_588 = arith.mulf %parallel_loop3A_582, %broadcast_in_dim3A_130 : vector<16xf32>
        %parallel_loop3A_589 = arith.addf %parallel_loop3A_587, %parallel_loop3A_588 : vector<16xf32>
        %parallel_loop3A_590 = math.exp %parallel_loop3A_589 : vector<16xf32>
        %parallel_loop3A_591 = arith.mulf %parallel_loop3A_578, %parallel_loop3A_590 : vector<16xf32>
        %parallel_loop3A_592 = arith.mulf %parallel_loop3A_591, %broadcast_in_dim3A_142 : vector<16xf32>
        %parallel_loop3A_593 = arith.addi %parallel_loop3A_572, %broadcast_in_dim3A_19 : vector<16xi32>
        %parallel_loop3A_594 = tpu.vector_load_idx %arg17[%parallel_loop3A_593] : memref<40000xf32, #tpu.memory_space<vmem>>[vector<16xi32>], vector<16xf32>,
        %parallel_loop3A_595 = arith.addi %parallel_loop3A_574, %broadcast_in_dim3A_19 : vector<16xi32>
        %parallel_loop3A_596 = tpu.vector_load_idx %arg17[%parallel_loop3A_595] : memref<40000xf32, #tpu.memory_space<vmem>>[vector<16xi32>], vector<16xf32>,
        %parallel_loop3A_597 = arith.mulf %parallel_loop3A_592, %parallel_loop3A_594 : vector<16xf32>
        %parallel_loop3A_598 = arith.mulf %parallel_loop3A_597, %parallel_loop3A_596 : vector<16xf32>
        %parallel_loop3A_599 = arith.mulf %parallel_loop3A_583, %parallel_loop3A_598 : vector<16xf32>
        %parallel_loop3A_600 = arith.addf %parallel_loop3A_558, %parallel_loop3A_599 : vector<16xf32>
        %parallel_loop3A_601 = arith.mulf %parallel_loop3A_586, %parallel_loop3A_598 : vector<16xf32>
        %parallel_loop3A_602 = arith.addf %parallel_loop3A_562, %parallel_loop3A_601 : vector<16xf32>
        %parallel_loop3A_603 = arith.constant 0.000000e+00 : f32
        %parallel_loop3A_604 = vector.broadcast %parallel_loop3A_603 : f32 to vector<16xf32>
        %parallel_loop3A_605 = arith.subf %parallel_loop3A_604, %parallel_loop3A_598 : vector<16xf32>
        %parallel_loop3A_606 = arith.mulf %parallel_loop3A_580, %broadcast_in_dim3A_121 : vector<16xf32>
        %parallel_loop3A_607 = arith.mulf %parallel_loop3A_582, %broadcast_in_dim3A_133 : vector<16xf32>
        %parallel_loop3A_608 = arith.addf %parallel_loop3A_606, %parallel_loop3A_607 : vector<16xf32>
        %parallel_loop3A_609 = math.exp %parallel_loop3A_608 : vector<16xf32>
        %parallel_loop3A_610 = arith.mulf %parallel_loop3A_578, %parallel_loop3A_609 : vector<16xf32>
        %parallel_loop3A_611 = arith.mulf %parallel_loop3A_610, %broadcast_in_dim3A_145 : vector<16xf32>
        %parallel_loop3A_612 = arith.addi %parallel_loop3A_572, %broadcast_in_dim3A_21 : vector<16xi32>
        %parallel_loop3A_613 = tpu.vector_load_idx %arg17[%parallel_loop3A_612] : memref<40000xf32, #tpu.memory_space<vmem>>[vector<16xi32>], vector<16xf32>,
        %parallel_loop3A_614 = arith.addi %parallel_loop3A_574, %broadcast_in_dim3A_21 : vector<16xi32>
        %parallel_loop3A_615 = tpu.vector_load_idx %arg17[%parallel_loop3A_614] : memref<40000xf32, #tpu.memory_space<vmem>>[vector<16xi32>], vector<16xf32>,
        %parallel_loop3A_616 = arith.mulf %parallel_loop3A_611, %parallel_loop3A_613 : vector<16xf32>
        %parallel_loop3A_617 = arith.mulf %parallel_loop3A_616, %parallel_loop3A_615 : vector<16xf32>
        %parallel_loop3A_618 = arith.mulf %parallel_loop3A_583, %parallel_loop3A_617 : vector<16xf32>
        %parallel_loop3A_619 = arith.addf %parallel_loop3A_559, %parallel_loop3A_618 : vector<16xf32>
        %parallel_loop3A_620 = arith.mulf %parallel_loop3A_586, %parallel_loop3A_617 : vector<16xf32>
        %parallel_loop3A_621 = arith.addf %parallel_loop3A_563, %parallel_loop3A_620 : vector<16xf32>
        %parallel_loop3A_622 = arith.constant 0.000000e+00 : f32
        %parallel_loop3A_623 = vector.broadcast %parallel_loop3A_622 : f32 to vector<16xf32>
        %parallel_loop3A_624 = arith.subf %parallel_loop3A_623, %parallel_loop3A_617 : vector<16xf32>
        %parallel_loop3A_625 = arith.mulf %parallel_loop3A_580, %broadcast_in_dim3A_124 : vector<16xf32>
        %parallel_loop3A_626 = arith.mulf %parallel_loop3A_582, %broadcast_in_dim3A_136 : vector<16xf32>
        %parallel_loop3A_627 = arith.addf %parallel_loop3A_625, %parallel_loop3A_626 : vector<16xf32>
        %parallel_loop3A_628 = math.exp %parallel_loop3A_627 : vector<16xf32>
        %parallel_loop3A_629 = arith.mulf %parallel_loop3A_578, %parallel_loop3A_628 : vector<16xf32>
        %parallel_loop3A_630 = arith.mulf %parallel_loop3A_629, %broadcast_in_dim3A_148 : vector<16xf32>
        %parallel_loop3A_631 = arith.addi %parallel_loop3A_572, %broadcast_in_dim3A_23 : vector<16xi32>
        %parallel_loop3A_632 = tpu.vector_load_idx %arg17[%parallel_loop3A_631] : memref<40000xf32, #tpu.memory_space<vmem>>[vector<16xi32>], vector<16xf32>,
        %parallel_loop3A_633 = arith.addi %parallel_loop3A_574, %broadcast_in_dim3A_23 : vector<16xi32>
        %parallel_loop3A_634 = tpu.vector_load_idx %arg17[%parallel_loop3A_633] : memref<40000xf32, #tpu.memory_space<vmem>>[vector<16xi32>], vector<16xf32>,
        %parallel_loop3A_635 = arith.mulf %parallel_loop3A_630, %parallel_loop3A_632 : vector<16xf32>
        %parallel_loop3A_636 = arith.mulf %parallel_loop3A_635, %parallel_loop3A_634 : vector<16xf32>
        %parallel_loop3A_637 = arith.mulf %parallel_loop3A_583, %parallel_loop3A_636 : vector<16xf32>
        %parallel_loop3A_638 = arith.addf %parallel_loop3A_560, %parallel_loop3A_637 : vector<16xf32>
        %parallel_loop3A_639 = arith.mulf %parallel_loop3A_586, %parallel_loop3A_636 : vector<16xf32>
        %parallel_loop3A_640 = arith.addf %parallel_loop3A_564, %parallel_loop3A_639 : vector<16xf32>
        %parallel_loop3A_641 = arith.constant 0.000000e+00 : f32
        %parallel_loop3A_642 = vector.broadcast %parallel_loop3A_641 : f32 to vector<16xf32>
        %parallel_loop3A_643 = arith.subf %parallel_loop3A_642, %parallel_loop3A_636 : vector<16xf32>
        %parallel_loop3A_644 = arith.mulf %parallel_loop3A_580, %broadcast_in_dim3A_127 : vector<16xf32>
        %parallel_loop3A_645 = arith.mulf %parallel_loop3A_582, %broadcast_in_dim3A_139 : vector<16xf32>
        %parallel_loop3A_646 = arith.addf %parallel_loop3A_644, %parallel_loop3A_645 : vector<16xf32>
        %parallel_loop3A_647 = math.exp %parallel_loop3A_646 : vector<16xf32>
        %parallel_loop3A_648 = arith.mulf %parallel_loop3A_578, %parallel_loop3A_647 : vector<16xf32>
        %parallel_loop3A_649 = arith.mulf %parallel_loop3A_648, %broadcast_in_dim3A_151 : vector<16xf32>
        %parallel_loop3A_650 = arith.addi %parallel_loop3A_572, %broadcast_in_dim3A_25 : vector<16xi32>
        %parallel_loop3A_651 = tpu.vector_load_idx %arg17[%parallel_loop3A_650] : memref<40000xf32, #tpu.memory_space<vmem>>[vector<16xi32>], vector<16xf32>,
        %parallel_loop3A_652 = arith.addi %parallel_loop3A_574, %broadcast_in_dim3A_25 : vector<16xi32>
        %parallel_loop3A_653 = tpu.vector_load_idx %arg17[%parallel_loop3A_652] : memref<40000xf32, #tpu.memory_space<vmem>>[vector<16xi32>], vector<16xf32>,
        %parallel_loop3A_654 = arith.mulf %parallel_loop3A_649, %parallel_loop3A_651 : vector<16xf32>
        %parallel_loop3A_655 = arith.mulf %parallel_loop3A_654, %parallel_loop3A_653 : vector<16xf32>
        %parallel_loop3A_656 = arith.mulf %parallel_loop3A_583, %parallel_loop3A_655 : vector<16xf32>
        %parallel_loop3A_657 = arith.addf %parallel_loop3A_561, %parallel_loop3A_656 : vector<16xf32>
        %parallel_loop3A_658 = arith.mulf %parallel_loop3A_586, %parallel_loop3A_655 : vector<16xf32>
        %parallel_loop3A_659 = arith.addf %parallel_loop3A_565, %parallel_loop3A_658 : vector<16xf32>
        %parallel_loop3A_660 = arith.constant 0.000000e+00 : f32
        %parallel_loop3A_661 = vector.broadcast %parallel_loop3A_660 : f32 to vector<16xf32>
        %parallel_loop3A_662 = arith.subf %parallel_loop3A_661, %parallel_loop3A_655 : vector<16xf32>
        %parallel_loop3A_663 = arith.addi %parallel_loop3A_576, %broadcast_in_dim3A_19 : vector<16xi32>
        tpu.vector_store_idx %arg18[%parallel_loop3A_663], %parallel_loop3A_598 {add = true} : memref<40000xf32, #tpu.memory_space<vmem>>[vector<16xi32>], vector<16xf32>,
        %parallel_loop3A_664 = arith.addi %parallel_loop3A_576, %broadcast_in_dim3A_21 : vector<16xi32>
        tpu.vector_store_idx %arg18[%parallel_loop3A_664], %parallel_loop3A_617 {add = true} : memref<40000xf32, #tpu.memory_space<vmem>>[vector<16xi32>], vector<16xf32>,
        %parallel_loop3A_665 = arith.addi %parallel_loop3A_576, %broadcast_in_dim3A_23 : vector<16xi32>
        tpu.vector_store_idx %arg18[%parallel_loop3A_665], %parallel_loop3A_636 {add = true} : memref<40000xf32, #tpu.memory_space<vmem>>[vector<16xi32>], vector<16xf32>,
        %parallel_loop3A_666 = arith.addi %parallel_loop3A_576, %broadcast_in_dim3A_25 : vector<16xi32>
        tpu.vector_store_idx %arg18[%parallel_loop3A_666], %parallel_loop3A_655 {add = true} : memref<40000xf32, #tpu.memory_space<vmem>>[vector<16xi32>], vector<16xf32>,
        %parallel_loop3A_667 = arith.addi %parallel_loop3A_572, %broadcast_in_dim3A_19 : vector<16xi32>
        tpu.vector_store_idx %arg18[%parallel_loop3A_667], %parallel_loop3A_605 {add = true} : memref<40000xf32, #tpu.memory_space<vmem>>[vector<16xi32>], vector<16xf32>,
        %parallel_loop3A_668 = arith.addi %parallel_loop3A_572, %broadcast_in_dim3A_21 : vector<16xi32>
        tpu.vector_store_idx %arg18[%parallel_loop3A_668], %parallel_loop3A_624 {add = true} : memref<40000xf32, #tpu.memory_space<vmem>>[vector<16xi32>], vector<16xf32>,
        %parallel_loop3A_669 = arith.addi %parallel_loop3A_572, %broadcast_in_dim3A_23 : vector<16xi32>
        tpu.vector_store_idx %arg18[%parallel_loop3A_669], %parallel_loop3A_643 {add = true} : memref<40000xf32, #tpu.memory_space<vmem>>[vector<16xi32>], vector<16xf32>,
        %parallel_loop3A_670 = arith.addi %parallel_loop3A_572, %broadcast_in_dim3A_25 : vector<16xi32>
        tpu.vector_store_idx %arg18[%parallel_loop3A_670], %parallel_loop3A_662 {add = true} : memref<40000xf32, #tpu.memory_space<vmem>>[vector<16xi32>], vector<16xf32>,
        %parallel_loop3A_671 = arith.addi %parallel_loop3A_574, %broadcast_in_dim3A_19 : vector<16xi32>
        tpu.vector_store_idx %arg18[%parallel_loop3A_671], %parallel_loop3A_605 {add = true} : memref<40000xf32, #tpu.memory_space<vmem>>[vector<16xi32>], vector<16xf32>,
        %parallel_loop3A_672 = arith.addi %parallel_loop3A_574, %broadcast_in_dim3A_21 : vector<16xi32>
        tpu.vector_store_idx %arg18[%parallel_loop3A_672], %parallel_loop3A_624 {add = true} : memref<40000xf32, #tpu.memory_space<vmem>>[vector<16xi32>], vector<16xf32>,
        %parallel_loop3A_673 = arith.addi %parallel_loop3A_574, %broadcast_in_dim3A_23 : vector<16xi32>
        tpu.vector_store_idx %arg18[%parallel_loop3A_673], %parallel_loop3A_643 {add = true} : memref<40000xf32, #tpu.memory_space<vmem>>[vector<16xi32>], vector<16xf32>,
        %parallel_loop3A_674 = arith.addi %parallel_loop3A_574, %broadcast_in_dim3A_25 : vector<16xi32>
        tpu.vector_store_idx %arg18[%parallel_loop3A_674], %parallel_loop3A_662 {add = true} : memref<40000xf32, #tpu.memory_space<vmem>>[vector<16xi32>], vector<16xf32>,
        scf.yield %parallel_loop3A_600, %parallel_loop3A_619, %parallel_loop3A_638, %parallel_loop3A_657, %parallel_loop3A_602, %parallel_loop3A_621, %parallel_loop3A_640, %parallel_loop3A_659 : vector<16xf32>, vector<16xf32>, vector<16xf32>, vector<16xf32>, vector<16xf32>, vector<16xf32>, vector<16xf32>, vector<16xf32>
      } {sc.loop_unroll_factor = 1 : i64, sc.parallel_access}
      %add3A_494 = arith.constant 2 : i32
      %add3A_495 = arith.addi %add3A_446, %add3A_494 : i32
      %lt3A = arith.constant 50 : i32
      %lt3A_496 = arith.cmpi slt, %add3A_495, %lt3A : i32
      %convert_element_type3A = arith.extui %lt3A_496 : i1 to i32
      %cond3A = arith.constant 0 : i32
      %cond3A_497 = arith.cmpi ne, %convert_element_type3A, %cond3A : i32
      scf.if %cond3A_497 {
        %add3A_557 = arith.constant 2 : i32
        %add3A_558 = arith.addi %add3A_446, %add3A_557 : i32
        %mul3A_559 = arith.constant 1600 : i32
        %mul3A_560 = arith.muli %add3A_558, %mul3A_559 : i32
        %multiple_of3A_561 = tpu.assume_multiple %mul3A_560, 8 : i32
        %mul3A_562 = arith.constant 1600 : i32
        %mul3A_563 = arith.muli %add3A_558, %mul3A_562 : i32
        %add3A_564 = arith.constant 80000 : i32
        %add3A_565 = arith.addi %add3A_564, %mul3A_563 : i32
        %multiple_of3A_566 = tpu.assume_multiple %add3A_565, 8 : i32
        %dma_start3A_567 = arith.constant 0 : i32
        %dma_start3A_568 = tpu.memref_slice %arg20[%dma_start3A_567] : memref<3200xi32, #tpu.memory_space<vmem>> -> memref<1600xi32, #tpu.memory_space<vmem>>
        %dma_start3A_569 = tpu.memref_slice %arg9[%multiple_of3A_561] : memref<80000xi32, #tpu.memory_space<hbm>> -> memref<1600xi32, #tpu.memory_space<hbm>>
        %dma_start3A_570 = arith.constant 0 : i32
        %dma_start3A_571 = tpu.memref_slice %arg20[%dma_start3A_570] : memref<3200xi32, #tpu.memory_space<vmem>> -> memref<1600xi32, #tpu.memory_space<vmem>>
        %dma_start3A_572 = tpu.memref_slice %arg9[%multiple_of3A_561] : memref<80000xi32, #tpu.memory_space<hbm>> -> memref<1600xi32, #tpu.memory_space<hbm>>
        tpu.enqueue_dma source(%dma_start3A_572 : memref<1600xi32, #tpu.memory_space<hbm>>) target(%dma_start3A_571 : memref<1600xi32, #tpu.memory_space<vmem>>) target_semaphore(%arg30 : memref<!tpu.dma_semaphore, #tpu.memory_space<semaphore_mem>>)
        %dma_start3A_573 = arith.constant 0 : i32
        %dma_start3A_574 = tpu.memref_slice %arg21[%dma_start3A_573] : memref<3200xi32, #tpu.memory_space<vmem>> -> memref<1600xi32, #tpu.memory_space<vmem>>
        %dma_start3A_575 = tpu.memref_slice %arg10[%multiple_of3A_561] : memref<80000xi32, #tpu.memory_space<hbm>> -> memref<1600xi32, #tpu.memory_space<hbm>>
        %dma_start3A_576 = arith.constant 0 : i32
        %dma_start3A_577 = tpu.memref_slice %arg21[%dma_start3A_576] : memref<3200xi32, #tpu.memory_space<vmem>> -> memref<1600xi32, #tpu.memory_space<vmem>>
        %dma_start3A_578 = tpu.memref_slice %arg10[%multiple_of3A_561] : memref<80000xi32, #tpu.memory_space<hbm>> -> memref<1600xi32, #tpu.memory_space<hbm>>
        tpu.enqueue_dma source(%dma_start3A_578 : memref<1600xi32, #tpu.memory_space<hbm>>) target(%dma_start3A_577 : memref<1600xi32, #tpu.memory_space<vmem>>) target_semaphore(%arg30 : memref<!tpu.dma_semaphore, #tpu.memory_space<semaphore_mem>>)
        %dma_start3A_579 = arith.constant 0 : i32
        %dma_start3A_580 = tpu.memref_slice %arg22[%dma_start3A_579] : memref<3200xi32, #tpu.memory_space<vmem>> -> memref<1600xi32, #tpu.memory_space<vmem>>
        %dma_start3A_581 = tpu.memref_slice %arg11[%multiple_of3A_561] : memref<80000xi32, #tpu.memory_space<hbm>> -> memref<1600xi32, #tpu.memory_space<hbm>>
        %dma_start3A_582 = arith.constant 0 : i32
        %dma_start3A_583 = tpu.memref_slice %arg22[%dma_start3A_582] : memref<3200xi32, #tpu.memory_space<vmem>> -> memref<1600xi32, #tpu.memory_space<vmem>>
        %dma_start3A_584 = tpu.memref_slice %arg11[%multiple_of3A_561] : memref<80000xi32, #tpu.memory_space<hbm>> -> memref<1600xi32, #tpu.memory_space<hbm>>
        tpu.enqueue_dma source(%dma_start3A_584 : memref<1600xi32, #tpu.memory_space<hbm>>) target(%dma_start3A_583 : memref<1600xi32, #tpu.memory_space<vmem>>) target_semaphore(%arg30 : memref<!tpu.dma_semaphore, #tpu.memory_space<semaphore_mem>>)
        %dma_start3A_585 = arith.constant 0 : i32
        %dma_start3A_586 = tpu.memref_slice %arg23[%dma_start3A_585] : memref<3200xf32, #tpu.memory_space<vmem>> -> memref<1600xf32, #tpu.memory_space<vmem>>
        %dma_start3A_587 = tpu.memref_slice %arg4[%multiple_of3A_566] : memref<160000xf32, #tpu.memory_space<hbm>> -> memref<1600xf32, #tpu.memory_space<hbm>>
        %dma_start3A_588 = arith.constant 0 : i32
        %dma_start3A_589 = tpu.memref_slice %arg23[%dma_start3A_588] : memref<3200xf32, #tpu.memory_space<vmem>> -> memref<1600xf32, #tpu.memory_space<vmem>>
        %dma_start3A_590 = tpu.memref_slice %arg4[%multiple_of3A_566] : memref<160000xf32, #tpu.memory_space<hbm>> -> memref<1600xf32, #tpu.memory_space<hbm>>
        tpu.enqueue_dma source(%dma_start3A_590 : memref<1600xf32, #tpu.memory_space<hbm>>) target(%dma_start3A_589 : memref<1600xf32, #tpu.memory_space<vmem>>) target_semaphore(%arg30 : memref<!tpu.dma_semaphore, #tpu.memory_space<semaphore_mem>>)
        %dma_start3A_591 = arith.constant 0 : i32
        %dma_start3A_592 = tpu.memref_slice %arg24[%dma_start3A_591] : memref<3200xf32, #tpu.memory_space<vmem>> -> memref<1600xf32, #tpu.memory_space<vmem>>
        %dma_start3A_593 = tpu.memref_slice %arg5[%multiple_of3A_566] : memref<160000xf32, #tpu.memory_space<hbm>> -> memref<1600xf32, #tpu.memory_space<hbm>>
        %dma_start3A_594 = arith.constant 0 : i32
        %dma_start3A_595 = tpu.memref_slice %arg24[%dma_start3A_594] : memref<3200xf32, #tpu.memory_space<vmem>> -> memref<1600xf32, #tpu.memory_space<vmem>>
        %dma_start3A_596 = tpu.memref_slice %arg5[%multiple_of3A_566] : memref<160000xf32, #tpu.memory_space<hbm>> -> memref<1600xf32, #tpu.memory_space<hbm>>
        tpu.enqueue_dma source(%dma_start3A_596 : memref<1600xf32, #tpu.memory_space<hbm>>) target(%dma_start3A_595 : memref<1600xf32, #tpu.memory_space<vmem>>) target_semaphore(%arg30 : memref<!tpu.dma_semaphore, #tpu.memory_space<semaphore_mem>>)
        %dma_start3A_597 = arith.constant 0 : i32
        %dma_start3A_598 = tpu.memref_slice %arg25[%dma_start3A_597] : memref<3200xf32, #tpu.memory_space<vmem>> -> memref<1600xf32, #tpu.memory_space<vmem>>
        %dma_start3A_599 = tpu.memref_slice %arg6[%multiple_of3A_566] : memref<160000xf32, #tpu.memory_space<hbm>> -> memref<1600xf32, #tpu.memory_space<hbm>>
        %dma_start3A_600 = arith.constant 0 : i32
        %dma_start3A_601 = tpu.memref_slice %arg25[%dma_start3A_600] : memref<3200xf32, #tpu.memory_space<vmem>> -> memref<1600xf32, #tpu.memory_space<vmem>>
        %dma_start3A_602 = tpu.memref_slice %arg6[%multiple_of3A_566] : memref<160000xf32, #tpu.memory_space<hbm>> -> memref<1600xf32, #tpu.memory_space<hbm>>
        tpu.enqueue_dma source(%dma_start3A_602 : memref<1600xf32, #tpu.memory_space<hbm>>) target(%dma_start3A_601 : memref<1600xf32, #tpu.memory_space<vmem>>) target_semaphore(%arg30 : memref<!tpu.dma_semaphore, #tpu.memory_space<semaphore_mem>>)
      } else {
      }
      %mul3A_498 = arith.constant 2 : i32
      %mul3A_499 = arith.muli %scan3A_434, %mul3A_498 : i32
      %add3A_500 = arith.constant 1 : i32
      %add3A_501 = arith.addi %mul3A_499, %add3A_500 : i32
      %mul3A_502 = arith.constant 1600 : i32
      %mul3A_503 = arith.muli %add3A_501, %mul3A_502 : i32
      %multiple_of3A_504 = tpu.assume_multiple %mul3A_503, 8 : i32
      %mul3A_505 = arith.constant 1600 : i32
      %mul3A_506 = arith.muli %add3A_501, %mul3A_505 : i32
      %add3A_507 = arith.constant 80000 : i32
      %add3A_508 = arith.addi %add3A_507, %mul3A_506 : i32
      %multiple_of3A_509 = tpu.assume_multiple %add3A_508, 8 : i32
      %dma_wait3A_510 = arith.constant 1600 : i32
      %dma_wait3A_511 = tpu.memref_slice %arg20[%dma_wait3A_510] : memref<3200xi32, #tpu.memory_space<vmem>> -> memref<1600xi32, #tpu.memory_space<vmem>>
      %dma_wait3A_512 = tpu.memref_slice %arg9[%multiple_of3A_504] : memref<80000xi32, #tpu.memory_space<hbm>> -> memref<1600xi32, #tpu.memory_space<hbm>>
      %dma_wait3A_513 = arith.constant 1600 : i32
      %dma_wait3A_514 = tpu.memref_slice %arg20[%dma_wait3A_513] : memref<3200xi32, #tpu.memory_space<vmem>> -> memref<1600xi32, #tpu.memory_space<vmem>>
      %dma_wait3A_515 = tpu.memref_slice %arg9[%multiple_of3A_504] : memref<80000xi32, #tpu.memory_space<hbm>> -> memref<1600xi32, #tpu.memory_space<hbm>>
      tpu.wait_dma2 semaphore(%arg31 : memref<!tpu.dma_semaphore, #tpu.memory_space<semaphore_mem>>) src(%dma_wait3A_515 : memref<1600xi32, #tpu.memory_space<hbm>>) dst(%dma_wait3A_514 : memref<1600xi32, #tpu.memory_space<vmem>>)
      %dma_wait3A_516 = arith.constant 1600 : i32
      %dma_wait3A_517 = tpu.memref_slice %arg21[%dma_wait3A_516] : memref<3200xi32, #tpu.memory_space<vmem>> -> memref<1600xi32, #tpu.memory_space<vmem>>
      %dma_wait3A_518 = tpu.memref_slice %arg10[%multiple_of3A_504] : memref<80000xi32, #tpu.memory_space<hbm>> -> memref<1600xi32, #tpu.memory_space<hbm>>
      %dma_wait3A_519 = arith.constant 1600 : i32
      %dma_wait3A_520 = tpu.memref_slice %arg21[%dma_wait3A_519] : memref<3200xi32, #tpu.memory_space<vmem>> -> memref<1600xi32, #tpu.memory_space<vmem>>
      %dma_wait3A_521 = tpu.memref_slice %arg10[%multiple_of3A_504] : memref<80000xi32, #tpu.memory_space<hbm>> -> memref<1600xi32, #tpu.memory_space<hbm>>
      tpu.wait_dma2 semaphore(%arg31 : memref<!tpu.dma_semaphore, #tpu.memory_space<semaphore_mem>>) src(%dma_wait3A_521 : memref<1600xi32, #tpu.memory_space<hbm>>) dst(%dma_wait3A_520 : memref<1600xi32, #tpu.memory_space<vmem>>)
      %dma_wait3A_522 = arith.constant 1600 : i32
      %dma_wait3A_523 = tpu.memref_slice %arg22[%dma_wait3A_522] : memref<3200xi32, #tpu.memory_space<vmem>> -> memref<1600xi32, #tpu.memory_space<vmem>>
      %dma_wait3A_524 = tpu.memref_slice %arg11[%multiple_of3A_504] : memref<80000xi32, #tpu.memory_space<hbm>> -> memref<1600xi32, #tpu.memory_space<hbm>>
      %dma_wait3A_525 = arith.constant 1600 : i32
      %dma_wait3A_526 = tpu.memref_slice %arg22[%dma_wait3A_525] : memref<3200xi32, #tpu.memory_space<vmem>> -> memref<1600xi32, #tpu.memory_space<vmem>>
      %dma_wait3A_527 = tpu.memref_slice %arg11[%multiple_of3A_504] : memref<80000xi32, #tpu.memory_space<hbm>> -> memref<1600xi32, #tpu.memory_space<hbm>>
      tpu.wait_dma2 semaphore(%arg31 : memref<!tpu.dma_semaphore, #tpu.memory_space<semaphore_mem>>) src(%dma_wait3A_527 : memref<1600xi32, #tpu.memory_space<hbm>>) dst(%dma_wait3A_526 : memref<1600xi32, #tpu.memory_space<vmem>>)
      %dma_wait3A_528 = arith.constant 1600 : i32
      %dma_wait3A_529 = tpu.memref_slice %arg23[%dma_wait3A_528] : memref<3200xf32, #tpu.memory_space<vmem>> -> memref<1600xf32, #tpu.memory_space<vmem>>
      %dma_wait3A_530 = tpu.memref_slice %arg4[%multiple_of3A_509] : memref<160000xf32, #tpu.memory_space<hbm>> -> memref<1600xf32, #tpu.memory_space<hbm>>
      %dma_wait3A_531 = arith.constant 1600 : i32
      %dma_wait3A_532 = tpu.memref_slice %arg23[%dma_wait3A_531] : memref<3200xf32, #tpu.memory_space<vmem>> -> memref<1600xf32, #tpu.memory_space<vmem>>
      %dma_wait3A_533 = tpu.memref_slice %arg4[%multiple_of3A_509] : memref<160000xf32, #tpu.memory_space<hbm>> -> memref<1600xf32, #tpu.memory_space<hbm>>
      tpu.wait_dma2 semaphore(%arg31 : memref<!tpu.dma_semaphore, #tpu.memory_space<semaphore_mem>>) src(%dma_wait3A_533 : memref<1600xf32, #tpu.memory_space<hbm>>) dst(%dma_wait3A_532 : memref<1600xf32, #tpu.memory_space<vmem>>)
      %dma_wait3A_534 = arith.constant 1600 : i32
      %dma_wait3A_535 = tpu.memref_slice %arg24[%dma_wait3A_534] : memref<3200xf32, #tpu.memory_space<vmem>> -> memref<1600xf32, #tpu.memory_space<vmem>>
      %dma_wait3A_536 = tpu.memref_slice %arg5[%multiple_of3A_509] : memref<160000xf32, #tpu.memory_space<hbm>> -> memref<1600xf32, #tpu.memory_space<hbm>>
      %dma_wait3A_537 = arith.constant 1600 : i32
      %dma_wait3A_538 = tpu.memref_slice %arg24[%dma_wait3A_537] : memref<3200xf32, #tpu.memory_space<vmem>> -> memref<1600xf32, #tpu.memory_space<vmem>>
      %dma_wait3A_539 = tpu.memref_slice %arg5[%multiple_of3A_509] : memref<160000xf32, #tpu.memory_space<hbm>> -> memref<1600xf32, #tpu.memory_space<hbm>>
      tpu.wait_dma2 semaphore(%arg31 : memref<!tpu.dma_semaphore, #tpu.memory_space<semaphore_mem>>) src(%dma_wait3A_539 : memref<1600xf32, #tpu.memory_space<hbm>>) dst(%dma_wait3A_538 : memref<1600xf32, #tpu.memory_space<vmem>>)
      %dma_wait3A_540 = arith.constant 1600 : i32
      %dma_wait3A_541 = tpu.memref_slice %arg25[%dma_wait3A_540] : memref<3200xf32, #tpu.memory_space<vmem>> -> memref<1600xf32, #tpu.memory_space<vmem>>
      %dma_wait3A_542 = tpu.memref_slice %arg6[%multiple_of3A_509] : memref<160000xf32, #tpu.memory_space<hbm>> -> memref<1600xf32, #tpu.memory_space<hbm>>
      %dma_wait3A_543 = arith.constant 1600 : i32
      %dma_wait3A_544 = tpu.memref_slice %arg25[%dma_wait3A_543] : memref<3200xf32, #tpu.memory_space<vmem>> -> memref<1600xf32, #tpu.memory_space<vmem>>
      %dma_wait3A_545 = tpu.memref_slice %arg6[%multiple_of3A_509] : memref<160000xf32, #tpu.memory_space<hbm>> -> memref<1600xf32, #tpu.memory_space<hbm>>
      tpu.wait_dma2 semaphore(%arg31 : memref<!tpu.dma_semaphore, #tpu.memory_space<semaphore_mem>>) src(%dma_wait3A_545 : memref<1600xf32, #tpu.memory_space<hbm>>) dst(%dma_wait3A_544 : memref<1600xf32, #tpu.memory_space<vmem>>)
      %parallel_loop3A_546 = arith.constant 0 : i32
      %parallel_loop3A_547 = arith.constant 100 : i32
      %parallel_loop3A_548 = arith.constant 1 : i32
      %parallel_loop3A_549:8 = scf.for %parallel_loop3A_557 = %parallel_loop3A_546 to %parallel_loop3A_547 step %parallel_loop3A_548 iter_args(%parallel_loop3A_558 = %parallel_loop3A_493#0, %parallel_loop3A_559 = %parallel_loop3A_493#1, %parallel_loop3A_560 = %parallel_loop3A_493#2, %parallel_loop3A_561 = %parallel_loop3A_493#3, %parallel_loop3A_562 = %parallel_loop3A_493#4, %parallel_loop3A_563 = %parallel_loop3A_493#5, %parallel_loop3A_564 = %parallel_loop3A_493#6, %parallel_loop3A_565 = %parallel_loop3A_493#7) -> (vector<16xf32>, vector<16xf32>, vector<16xf32>, vector<16xf32>, vector<16xf32>, vector<16xf32>, vector<16xf32>, vector<16xf32>)  : i32 {
        %parallel_loop3A_566 = arith.constant 16 : i32
        %parallel_loop3A_567 = arith.muli %parallel_loop3A_557, %parallel_loop3A_566 : i32
        %parallel_loop3A_568 = arith.constant 1600 : i32
        %parallel_loop3A_569 = arith.addi %parallel_loop3A_568, %parallel_loop3A_567 : i32
        %parallel_loop3A_570 = tpu.assume_multiple %parallel_loop3A_569, 16 : i32
        %parallel_loop3A_571 = arith.index_cast %parallel_loop3A_570 : i32 to index
        %parallel_loop3A_572 = tpu.vector_load %arg20[%parallel_loop3A_571] {strides = array<i32>} : memref<3200xi32, #tpu.memory_space<vmem>>, vector<16xi32>,
        %parallel_loop3A_573 = arith.index_cast %parallel_loop3A_570 : i32 to index
        %parallel_loop3A_574 = tpu.vector_load %arg21[%parallel_loop3A_573] {strides = array<i32>} : memref<3200xi32, #tpu.memory_space<vmem>>, vector<16xi32>,
        %parallel_loop3A_575 = arith.index_cast %parallel_loop3A_570 : i32 to index
        %parallel_loop3A_576 = tpu.vector_load %arg22[%parallel_loop3A_575] {strides = array<i32>} : memref<3200xi32, #tpu.memory_space<vmem>>, vector<16xi32>,
        %parallel_loop3A_577 = arith.index_cast %parallel_loop3A_570 : i32 to index
        %parallel_loop3A_578 = tpu.vector_load %arg23[%parallel_loop3A_577] {strides = array<i32>} : memref<3200xf32, #tpu.memory_space<vmem>>, vector<16xf32>,
        %parallel_loop3A_579 = arith.index_cast %parallel_loop3A_570 : i32 to index
        %parallel_loop3A_580 = tpu.vector_load %arg24[%parallel_loop3A_579] {strides = array<i32>} : memref<3200xf32, #tpu.memory_space<vmem>>, vector<16xf32>,
        %parallel_loop3A_581 = arith.index_cast %parallel_loop3A_570 : i32 to index
        %parallel_loop3A_582 = tpu.vector_load %arg25[%parallel_loop3A_581] {strides = array<i32>} : memref<3200xf32, #tpu.memory_space<vmem>>, vector<16xf32>,
        %parallel_loop3A_583 = tpu.vector_load_idx %arg19[%parallel_loop3A_576] : memref<10000xf32, #tpu.memory_space<vmem>>[vector<16xi32>], vector<16xf32>,
        %parallel_loop3A_584 = tpu.vector_load_idx %arg19[%parallel_loop3A_572] : memref<10000xf32, #tpu.memory_space<vmem>>[vector<16xi32>], vector<16xf32>,
        %parallel_loop3A_585 = tpu.vector_load_idx %arg19[%parallel_loop3A_574] : memref<10000xf32, #tpu.memory_space<vmem>>[vector<16xi32>], vector<16xf32>,
        %parallel_loop3A_586 = arith.addf %parallel_loop3A_584, %parallel_loop3A_585 : vector<16xf32>
        %parallel_loop3A_587 = arith.mulf %parallel_loop3A_580, %broadcast_in_dim3A_118 : vector<16xf32>
        %parallel_loop3A_588 = arith.mulf %parallel_loop3A_582, %broadcast_in_dim3A_130 : vector<16xf32>
        %parallel_loop3A_589 = arith.addf %parallel_loop3A_587, %parallel_loop3A_588 : vector<16xf32>
        %parallel_loop3A_590 = math.exp %parallel_loop3A_589 : vector<16xf32>
        %parallel_loop3A_591 = arith.mulf %parallel_loop3A_578, %parallel_loop3A_590 : vector<16xf32>
        %parallel_loop3A_592 = arith.mulf %parallel_loop3A_591, %broadcast_in_dim3A_142 : vector<16xf32>
        %parallel_loop3A_593 = arith.addi %parallel_loop3A_572, %broadcast_in_dim3A_19 : vector<16xi32>
        %parallel_loop3A_594 = tpu.vector_load_idx %arg17[%parallel_loop3A_593] : memref<40000xf32, #tpu.memory_space<vmem>>[vector<16xi32>], vector<16xf32>,
        %parallel_loop3A_595 = arith.addi %parallel_loop3A_574, %broadcast_in_dim3A_19 : vector<16xi32>
        %parallel_loop3A_596 = tpu.vector_load_idx %arg17[%parallel_loop3A_595] : memref<40000xf32, #tpu.memory_space<vmem>>[vector<16xi32>], vector<16xf32>,
        %parallel_loop3A_597 = arith.mulf %parallel_loop3A_592, %parallel_loop3A_594 : vector<16xf32>
        %parallel_loop3A_598 = arith.mulf %parallel_loop3A_597, %parallel_loop3A_596 : vector<16xf32>
        %parallel_loop3A_599 = arith.mulf %parallel_loop3A_583, %parallel_loop3A_598 : vector<16xf32>
        %parallel_loop3A_600 = arith.addf %parallel_loop3A_558, %parallel_loop3A_599 : vector<16xf32>
        %parallel_loop3A_601 = arith.mulf %parallel_loop3A_586, %parallel_loop3A_598 : vector<16xf32>
        %parallel_loop3A_602 = arith.addf %parallel_loop3A_562, %parallel_loop3A_601 : vector<16xf32>
        %parallel_loop3A_603 = arith.constant 0.000000e+00 : f32
        %parallel_loop3A_604 = vector.broadcast %parallel_loop3A_603 : f32 to vector<16xf32>
        %parallel_loop3A_605 = arith.subf %parallel_loop3A_604, %parallel_loop3A_598 : vector<16xf32>
        %parallel_loop3A_606 = arith.mulf %parallel_loop3A_580, %broadcast_in_dim3A_121 : vector<16xf32>
        %parallel_loop3A_607 = arith.mulf %parallel_loop3A_582, %broadcast_in_dim3A_133 : vector<16xf32>
        %parallel_loop3A_608 = arith.addf %parallel_loop3A_606, %parallel_loop3A_607 : vector<16xf32>
        %parallel_loop3A_609 = math.exp %parallel_loop3A_608 : vector<16xf32>
        %parallel_loop3A_610 = arith.mulf %parallel_loop3A_578, %parallel_loop3A_609 : vector<16xf32>
        %parallel_loop3A_611 = arith.mulf %parallel_loop3A_610, %broadcast_in_dim3A_145 : vector<16xf32>
        %parallel_loop3A_612 = arith.addi %parallel_loop3A_572, %broadcast_in_dim3A_21 : vector<16xi32>
        %parallel_loop3A_613 = tpu.vector_load_idx %arg17[%parallel_loop3A_612] : memref<40000xf32, #tpu.memory_space<vmem>>[vector<16xi32>], vector<16xf32>,
        %parallel_loop3A_614 = arith.addi %parallel_loop3A_574, %broadcast_in_dim3A_21 : vector<16xi32>
        %parallel_loop3A_615 = tpu.vector_load_idx %arg17[%parallel_loop3A_614] : memref<40000xf32, #tpu.memory_space<vmem>>[vector<16xi32>], vector<16xf32>,
        %parallel_loop3A_616 = arith.mulf %parallel_loop3A_611, %parallel_loop3A_613 : vector<16xf32>
        %parallel_loop3A_617 = arith.mulf %parallel_loop3A_616, %parallel_loop3A_615 : vector<16xf32>
        %parallel_loop3A_618 = arith.mulf %parallel_loop3A_583, %parallel_loop3A_617 : vector<16xf32>
        %parallel_loop3A_619 = arith.addf %parallel_loop3A_559, %parallel_loop3A_618 : vector<16xf32>
        %parallel_loop3A_620 = arith.mulf %parallel_loop3A_586, %parallel_loop3A_617 : vector<16xf32>
        %parallel_loop3A_621 = arith.addf %parallel_loop3A_563, %parallel_loop3A_620 : vector<16xf32>
        %parallel_loop3A_622 = arith.constant 0.000000e+00 : f32
        %parallel_loop3A_623 = vector.broadcast %parallel_loop3A_622 : f32 to vector<16xf32>
        %parallel_loop3A_624 = arith.subf %parallel_loop3A_623, %parallel_loop3A_617 : vector<16xf32>
        %parallel_loop3A_625 = arith.mulf %parallel_loop3A_580, %broadcast_in_dim3A_124 : vector<16xf32>
        %parallel_loop3A_626 = arith.mulf %parallel_loop3A_582, %broadcast_in_dim3A_136 : vector<16xf32>
        %parallel_loop3A_627 = arith.addf %parallel_loop3A_625, %parallel_loop3A_626 : vector<16xf32>
        %parallel_loop3A_628 = math.exp %parallel_loop3A_627 : vector<16xf32>
        %parallel_loop3A_629 = arith.mulf %parallel_loop3A_578, %parallel_loop3A_628 : vector<16xf32>
        %parallel_loop3A_630 = arith.mulf %parallel_loop3A_629, %broadcast_in_dim3A_148 : vector<16xf32>
        %parallel_loop3A_631 = arith.addi %parallel_loop3A_572, %broadcast_in_dim3A_23 : vector<16xi32>
        %parallel_loop3A_632 = tpu.vector_load_idx %arg17[%parallel_loop3A_631] : memref<40000xf32, #tpu.memory_space<vmem>>[vector<16xi32>], vector<16xf32>,
        %parallel_loop3A_633 = arith.addi %parallel_loop3A_574, %broadcast_in_dim3A_23 : vector<16xi32>
        %parallel_loop3A_634 = tpu.vector_load_idx %arg17[%parallel_loop3A_633] : memref<40000xf32, #tpu.memory_space<vmem>>[vector<16xi32>], vector<16xf32>,
        %parallel_loop3A_635 = arith.mulf %parallel_loop3A_630, %parallel_loop3A_632 : vector<16xf32>
        %parallel_loop3A_636 = arith.mulf %parallel_loop3A_635, %parallel_loop3A_634 : vector<16xf32>
        %parallel_loop3A_637 = arith.mulf %parallel_loop3A_583, %parallel_loop3A_636 : vector<16xf32>
        %parallel_loop3A_638 = arith.addf %parallel_loop3A_560, %parallel_loop3A_637 : vector<16xf32>
        %parallel_loop3A_639 = arith.mulf %parallel_loop3A_586, %parallel_loop3A_636 : vector<16xf32>
        %parallel_loop3A_640 = arith.addf %parallel_loop3A_564, %parallel_loop3A_639 : vector<16xf32>
        %parallel_loop3A_641 = arith.constant 0.000000e+00 : f32
        %parallel_loop3A_642 = vector.broadcast %parallel_loop3A_641 : f32 to vector<16xf32>
        %parallel_loop3A_643 = arith.subf %parallel_loop3A_642, %parallel_loop3A_636 : vector<16xf32>
        %parallel_loop3A_644 = arith.mulf %parallel_loop3A_580, %broadcast_in_dim3A_127 : vector<16xf32>
        %parallel_loop3A_645 = arith.mulf %parallel_loop3A_582, %broadcast_in_dim3A_139 : vector<16xf32>
        %parallel_loop3A_646 = arith.addf %parallel_loop3A_644, %parallel_loop3A_645 : vector<16xf32>
        %parallel_loop3A_647 = math.exp %parallel_loop3A_646 : vector<16xf32>
        %parallel_loop3A_648 = arith.mulf %parallel_loop3A_578, %parallel_loop3A_647 : vector<16xf32>
        %parallel_loop3A_649 = arith.mulf %parallel_loop3A_648, %broadcast_in_dim3A_151 : vector<16xf32>
        %parallel_loop3A_650 = arith.addi %parallel_loop3A_572, %broadcast_in_dim3A_25 : vector<16xi32>
        %parallel_loop3A_651 = tpu.vector_load_idx %arg17[%parallel_loop3A_650] : memref<40000xf32, #tpu.memory_space<vmem>>[vector<16xi32>], vector<16xf32>,
        %parallel_loop3A_652 = arith.addi %parallel_loop3A_574, %broadcast_in_dim3A_25 : vector<16xi32>
        %parallel_loop3A_653 = tpu.vector_load_idx %arg17[%parallel_loop3A_652] : memref<40000xf32, #tpu.memory_space<vmem>>[vector<16xi32>], vector<16xf32>,
        %parallel_loop3A_654 = arith.mulf %parallel_loop3A_649, %parallel_loop3A_651 : vector<16xf32>
        %parallel_loop3A_655 = arith.mulf %parallel_loop3A_654, %parallel_loop3A_653 : vector<16xf32>
        %parallel_loop3A_656 = arith.mulf %parallel_loop3A_583, %parallel_loop3A_655 : vector<16xf32>
        %parallel_loop3A_657 = arith.addf %parallel_loop3A_561, %parallel_loop3A_656 : vector<16xf32>
        %parallel_loop3A_658 = arith.mulf %parallel_loop3A_586, %parallel_loop3A_655 : vector<16xf32>
        %parallel_loop3A_659 = arith.addf %parallel_loop3A_565, %parallel_loop3A_658 : vector<16xf32>
        %parallel_loop3A_660 = arith.constant 0.000000e+00 : f32
        %parallel_loop3A_661 = vector.broadcast %parallel_loop3A_660 : f32 to vector<16xf32>
        %parallel_loop3A_662 = arith.subf %parallel_loop3A_661, %parallel_loop3A_655 : vector<16xf32>
        %parallel_loop3A_663 = arith.addi %parallel_loop3A_576, %broadcast_in_dim3A_19 : vector<16xi32>
        tpu.vector_store_idx %arg18[%parallel_loop3A_663], %parallel_loop3A_598 {add = true} : memref<40000xf32, #tpu.memory_space<vmem>>[vector<16xi32>], vector<16xf32>,
        %parallel_loop3A_664 = arith.addi %parallel_loop3A_576, %broadcast_in_dim3A_21 : vector<16xi32>
        tpu.vector_store_idx %arg18[%parallel_loop3A_664], %parallel_loop3A_617 {add = true} : memref<40000xf32, #tpu.memory_space<vmem>>[vector<16xi32>], vector<16xf32>,
        %parallel_loop3A_665 = arith.addi %parallel_loop3A_576, %broadcast_in_dim3A_23 : vector<16xi32>
        tpu.vector_store_idx %arg18[%parallel_loop3A_665], %parallel_loop3A_636 {add = true} : memref<40000xf32, #tpu.memory_space<vmem>>[vector<16xi32>], vector<16xf32>,
        %parallel_loop3A_666 = arith.addi %parallel_loop3A_576, %broadcast_in_dim3A_25 : vector<16xi32>
        tpu.vector_store_idx %arg18[%parallel_loop3A_666], %parallel_loop3A_655 {add = true} : memref<40000xf32, #tpu.memory_space<vmem>>[vector<16xi32>], vector<16xf32>,
        %parallel_loop3A_667 = arith.addi %parallel_loop3A_572, %broadcast_in_dim3A_19 : vector<16xi32>
        tpu.vector_store_idx %arg18[%parallel_loop3A_667], %parallel_loop3A_605 {add = true} : memref<40000xf32, #tpu.memory_space<vmem>>[vector<16xi32>], vector<16xf32>,
        %parallel_loop3A_668 = arith.addi %parallel_loop3A_572, %broadcast_in_dim3A_21 : vector<16xi32>
        tpu.vector_store_idx %arg18[%parallel_loop3A_668], %parallel_loop3A_624 {add = true} : memref<40000xf32, #tpu.memory_space<vmem>>[vector<16xi32>], vector<16xf32>,
        %parallel_loop3A_669 = arith.addi %parallel_loop3A_572, %broadcast_in_dim3A_23 : vector<16xi32>
        tpu.vector_store_idx %arg18[%parallel_loop3A_669], %parallel_loop3A_643 {add = true} : memref<40000xf32, #tpu.memory_space<vmem>>[vector<16xi32>], vector<16xf32>,
        %parallel_loop3A_670 = arith.addi %parallel_loop3A_572, %broadcast_in_dim3A_25 : vector<16xi32>
        tpu.vector_store_idx %arg18[%parallel_loop3A_670], %parallel_loop3A_662 {add = true} : memref<40000xf32, #tpu.memory_space<vmem>>[vector<16xi32>], vector<16xf32>,
        %parallel_loop3A_671 = arith.addi %parallel_loop3A_574, %broadcast_in_dim3A_19 : vector<16xi32>
        tpu.vector_store_idx %arg18[%parallel_loop3A_671], %parallel_loop3A_605 {add = true} : memref<40000xf32, #tpu.memory_space<vmem>>[vector<16xi32>], vector<16xf32>,
        %parallel_loop3A_672 = arith.addi %parallel_loop3A_574, %broadcast_in_dim3A_21 : vector<16xi32>
        tpu.vector_store_idx %arg18[%parallel_loop3A_672], %parallel_loop3A_624 {add = true} : memref<40000xf32, #tpu.memory_space<vmem>>[vector<16xi32>], vector<16xf32>,
        %parallel_loop3A_673 = arith.addi %parallel_loop3A_574, %broadcast_in_dim3A_23 : vector<16xi32>
        tpu.vector_store_idx %arg18[%parallel_loop3A_673], %parallel_loop3A_643 {add = true} : memref<40000xf32, #tpu.memory_space<vmem>>[vector<16xi32>], vector<16xf32>,
        %parallel_loop3A_674 = arith.addi %parallel_loop3A_574, %broadcast_in_dim3A_25 : vector<16xi32>
        tpu.vector_store_idx %arg18[%parallel_loop3A_674], %parallel_loop3A_662 {add = true} : memref<40000xf32, #tpu.memory_space<vmem>>[vector<16xi32>], vector<16xf32>,
        scf.yield %parallel_loop3A_600, %parallel_loop3A_619, %parallel_loop3A_638, %parallel_loop3A_657, %parallel_loop3A_602, %parallel_loop3A_621, %parallel_loop3A_640, %parallel_loop3A_659 : vector<16xf32>, vector<16xf32>, vector<16xf32>, vector<16xf32>, vector<16xf32>, vector<16xf32>, vector<16xf32>, vector<16xf32>
      } {sc.loop_unroll_factor = 1 : i64, sc.parallel_access}
      %add3A_550 = arith.constant 2 : i32
      %add3A_551 = arith.addi %add3A_501, %add3A_550 : i32
      %lt3A_552 = arith.constant 50 : i32
      %lt3A_553 = arith.cmpi slt, %add3A_551, %lt3A_552 : i32
      %convert_element_type3A_554 = arith.extui %lt3A_553 : i1 to i32
      %cond3A_555 = arith.constant 0 : i32
      %cond3A_556 = arith.cmpi ne, %convert_element_type3A_554, %cond3A_555 : i32
      scf.if %cond3A_556 {
        %add3A_557 = arith.constant 2 : i32
        %add3A_558 = arith.addi %add3A_501, %add3A_557 : i32
        %mul3A_559 = arith.constant 1600 : i32
        %mul3A_560 = arith.muli %add3A_558, %mul3A_559 : i32
        %multiple_of3A_561 = tpu.assume_multiple %mul3A_560, 8 : i32
        %mul3A_562 = arith.constant 1600 : i32
        %mul3A_563 = arith.muli %add3A_558, %mul3A_562 : i32
        %add3A_564 = arith.constant 80000 : i32
        %add3A_565 = arith.addi %add3A_564, %mul3A_563 : i32
        %multiple_of3A_566 = tpu.assume_multiple %add3A_565, 8 : i32
        %dma_start3A_567 = arith.constant 1600 : i32
        %dma_start3A_568 = tpu.memref_slice %arg20[%dma_start3A_567] : memref<3200xi32, #tpu.memory_space<vmem>> -> memref<1600xi32, #tpu.memory_space<vmem>>
        %dma_start3A_569 = tpu.memref_slice %arg9[%multiple_of3A_561] : memref<80000xi32, #tpu.memory_space<hbm>> -> memref<1600xi32, #tpu.memory_space<hbm>>
        %dma_start3A_570 = arith.constant 1600 : i32
        %dma_start3A_571 = tpu.memref_slice %arg20[%dma_start3A_570] : memref<3200xi32, #tpu.memory_space<vmem>> -> memref<1600xi32, #tpu.memory_space<vmem>>
        %dma_start3A_572 = tpu.memref_slice %arg9[%multiple_of3A_561] : memref<80000xi32, #tpu.memory_space<hbm>> -> memref<1600xi32, #tpu.memory_space<hbm>>
        tpu.enqueue_dma source(%dma_start3A_572 : memref<1600xi32, #tpu.memory_space<hbm>>) target(%dma_start3A_571 : memref<1600xi32, #tpu.memory_space<vmem>>) target_semaphore(%arg31 : memref<!tpu.dma_semaphore, #tpu.memory_space<semaphore_mem>>)
        %dma_start3A_573 = arith.constant 1600 : i32
        %dma_start3A_574 = tpu.memref_slice %arg21[%dma_start3A_573] : memref<3200xi32, #tpu.memory_space<vmem>> -> memref<1600xi32, #tpu.memory_space<vmem>>
        %dma_start3A_575 = tpu.memref_slice %arg10[%multiple_of3A_561] : memref<80000xi32, #tpu.memory_space<hbm>> -> memref<1600xi32, #tpu.memory_space<hbm>>
        %dma_start3A_576 = arith.constant 1600 : i32
        %dma_start3A_577 = tpu.memref_slice %arg21[%dma_start3A_576] : memref<3200xi32, #tpu.memory_space<vmem>> -> memref<1600xi32, #tpu.memory_space<vmem>>
        %dma_start3A_578 = tpu.memref_slice %arg10[%multiple_of3A_561] : memref<80000xi32, #tpu.memory_space<hbm>> -> memref<1600xi32, #tpu.memory_space<hbm>>
        tpu.enqueue_dma source(%dma_start3A_578 : memref<1600xi32, #tpu.memory_space<hbm>>) target(%dma_start3A_577 : memref<1600xi32, #tpu.memory_space<vmem>>) target_semaphore(%arg31 : memref<!tpu.dma_semaphore, #tpu.memory_space<semaphore_mem>>)
        %dma_start3A_579 = arith.constant 1600 : i32
        %dma_start3A_580 = tpu.memref_slice %arg22[%dma_start3A_579] : memref<3200xi32, #tpu.memory_space<vmem>> -> memref<1600xi32, #tpu.memory_space<vmem>>
        %dma_start3A_581 = tpu.memref_slice %arg11[%multiple_of3A_561] : memref<80000xi32, #tpu.memory_space<hbm>> -> memref<1600xi32, #tpu.memory_space<hbm>>
        %dma_start3A_582 = arith.constant 1600 : i32
        %dma_start3A_583 = tpu.memref_slice %arg22[%dma_start3A_582] : memref<3200xi32, #tpu.memory_space<vmem>> -> memref<1600xi32, #tpu.memory_space<vmem>>
        %dma_start3A_584 = tpu.memref_slice %arg11[%multiple_of3A_561] : memref<80000xi32, #tpu.memory_space<hbm>> -> memref<1600xi32, #tpu.memory_space<hbm>>
        tpu.enqueue_dma source(%dma_start3A_584 : memref<1600xi32, #tpu.memory_space<hbm>>) target(%dma_start3A_583 : memref<1600xi32, #tpu.memory_space<vmem>>) target_semaphore(%arg31 : memref<!tpu.dma_semaphore, #tpu.memory_space<semaphore_mem>>)
        %dma_start3A_585 = arith.constant 1600 : i32
        %dma_start3A_586 = tpu.memref_slice %arg23[%dma_start3A_585] : memref<3200xf32, #tpu.memory_space<vmem>> -> memref<1600xf32, #tpu.memory_space<vmem>>
        %dma_start3A_587 = tpu.memref_slice %arg4[%multiple_of3A_566] : memref<160000xf32, #tpu.memory_space<hbm>> -> memref<1600xf32, #tpu.memory_space<hbm>>
        %dma_start3A_588 = arith.constant 1600 : i32
        %dma_start3A_589 = tpu.memref_slice %arg23[%dma_start3A_588] : memref<3200xf32, #tpu.memory_space<vmem>> -> memref<1600xf32, #tpu.memory_space<vmem>>
        %dma_start3A_590 = tpu.memref_slice %arg4[%multiple_of3A_566] : memref<160000xf32, #tpu.memory_space<hbm>> -> memref<1600xf32, #tpu.memory_space<hbm>>
        tpu.enqueue_dma source(%dma_start3A_590 : memref<1600xf32, #tpu.memory_space<hbm>>) target(%dma_start3A_589 : memref<1600xf32, #tpu.memory_space<vmem>>) target_semaphore(%arg31 : memref<!tpu.dma_semaphore, #tpu.memory_space<semaphore_mem>>)
        %dma_start3A_591 = arith.constant 1600 : i32
        %dma_start3A_592 = tpu.memref_slice %arg24[%dma_start3A_591] : memref<3200xf32, #tpu.memory_space<vmem>> -> memref<1600xf32, #tpu.memory_space<vmem>>
        %dma_start3A_593 = tpu.memref_slice %arg5[%multiple_of3A_566] : memref<160000xf32, #tpu.memory_space<hbm>> -> memref<1600xf32, #tpu.memory_space<hbm>>
        %dma_start3A_594 = arith.constant 1600 : i32
        %dma_start3A_595 = tpu.memref_slice %arg24[%dma_start3A_594] : memref<3200xf32, #tpu.memory_space<vmem>> -> memref<1600xf32, #tpu.memory_space<vmem>>
        %dma_start3A_596 = tpu.memref_slice %arg5[%multiple_of3A_566] : memref<160000xf32, #tpu.memory_space<hbm>> -> memref<1600xf32, #tpu.memory_space<hbm>>
        tpu.enqueue_dma source(%dma_start3A_596 : memref<1600xf32, #tpu.memory_space<hbm>>) target(%dma_start3A_595 : memref<1600xf32, #tpu.memory_space<vmem>>) target_semaphore(%arg31 : memref<!tpu.dma_semaphore, #tpu.memory_space<semaphore_mem>>)
        %dma_start3A_597 = arith.constant 1600 : i32
        %dma_start3A_598 = tpu.memref_slice %arg25[%dma_start3A_597] : memref<3200xf32, #tpu.memory_space<vmem>> -> memref<1600xf32, #tpu.memory_space<vmem>>
        %dma_start3A_599 = tpu.memref_slice %arg6[%multiple_of3A_566] : memref<160000xf32, #tpu.memory_space<hbm>> -> memref<1600xf32, #tpu.memory_space<hbm>>
        %dma_start3A_600 = arith.constant 1600 : i32
        %dma_start3A_601 = tpu.memref_slice %arg25[%dma_start3A_600] : memref<3200xf32, #tpu.memory_space<vmem>> -> memref<1600xf32, #tpu.memory_space<vmem>>
        %dma_start3A_602 = tpu.memref_slice %arg6[%multiple_of3A_566] : memref<160000xf32, #tpu.memory_space<hbm>> -> memref<1600xf32, #tpu.memory_space<hbm>>
        tpu.enqueue_dma source(%dma_start3A_602 : memref<1600xf32, #tpu.memory_space<hbm>>) target(%dma_start3A_601 : memref<1600xf32, #tpu.memory_space<vmem>>) target_semaphore(%arg31 : memref<!tpu.dma_semaphore, #tpu.memory_space<semaphore_mem>>)
      } else {
      }
      scf.yield %parallel_loop3A_549#0, %parallel_loop3A_549#1, %parallel_loop3A_549#2, %parallel_loop3A_549#3, %parallel_loop3A_549#4, %parallel_loop3A_549#5, %parallel_loop3A_549#6, %parallel_loop3A_549#7 : vector<16xf32>, vector<16xf32>, vector<16xf32>, vector<16xf32>, vector<16xf32>, vector<16xf32>, vector<16xf32>, vector<16xf32>
    }
    %scan3A_329 = arith.constant 25 : i32
    %reduce_sum3A_330 = arith.constant true
    %reduce_sum3A_331 = vector.broadcast %reduce_sum3A_330 : i1 to vector<16xi1>
    %reduce_sum3A_332 = tpu.scan <sum>, %scan3A_328#0 masked %reduce_sum3A_331 : vector<16xf32>, vector<16xi1> -> vector<16xf32>
    %reduce_sum3A_333 = vector.extract %reduce_sum3A_332[15] : f32 from vector<16xf32>
    %broadcast_in_dim3A_334 = vector.broadcast %reduce_sum3A_333 : f32 to vector<16xf32>
    %reduce_sum3A_335 = arith.constant true
    %reduce_sum3A_336 = vector.broadcast %reduce_sum3A_335 : i1 to vector<16xi1>
    %reduce_sum3A_337 = tpu.scan <sum>, %scan3A_328#4 masked %reduce_sum3A_336 : vector<16xf32>, vector<16xi1> -> vector<16xf32>
    %reduce_sum3A_338 = vector.extract %reduce_sum3A_337[15] : f32 from vector<16xf32>
    %broadcast_in_dim3A_339 = vector.broadcast %reduce_sum3A_338 : f32 to vector<16xf32>
    %max3A = arith.constant 0.000000e+00 : f32
    %max3A_340 = vector.broadcast %max3A : f32 to vector<16xf32>
    %max3A_341 = arith.maximumf %broadcast_in_dim3A_334, %max3A_340 : vector<16xf32>
    %add3A_342 = arith.constant 1.000000e-30 : f32
    %add3A_343 = vector.broadcast %add3A_342 : f32 to vector<16xf32>
    %add3A_344 = arith.addf %broadcast_in_dim3A_57, %add3A_343 : vector<16xf32>
    %div3A_345 = arith.divf %max3A_341, %add3A_344 : vector<16xf32>
    %max3A_346 = arith.constant 0.000000e+00 : f32
    %max3A_347 = vector.broadcast %max3A_346 : f32 to vector<16xf32>
    %max3A_348 = arith.maximumf %broadcast_in_dim3A_339, %max3A_347 : vector<16xf32>
    %add3A_349 = arith.constant 1.000000e-30 : f32
    %add3A_350 = vector.broadcast %add3A_349 : f32 to vector<16xf32>
    %add3A_351 = arith.addf %broadcast_in_dim3A_37, %add3A_350 : vector<16xf32>
    %div3A_352 = arith.divf %max3A_348, %add3A_351 : vector<16xf32>
    %add3A_353 = arith.addf %div3A_345, %div3A_352 : vector<16xf32>
    %reduce_sum3A_354 = arith.constant true
    %reduce_sum3A_355 = vector.broadcast %reduce_sum3A_354 : i1 to vector<16xi1>
    %reduce_sum3A_356 = tpu.scan <sum>, %scan3A_328#1 masked %reduce_sum3A_355 : vector<16xf32>, vector<16xi1> -> vector<16xf32>
    %reduce_sum3A_357 = vector.extract %reduce_sum3A_356[15] : f32 from vector<16xf32>
    %broadcast_in_dim3A_358 = vector.broadcast %reduce_sum3A_357 : f32 to vector<16xf32>
    %reduce_sum3A_359 = arith.constant true
    %reduce_sum3A_360 = vector.broadcast %reduce_sum3A_359 : i1 to vector<16xi1>
    %reduce_sum3A_361 = tpu.scan <sum>, %scan3A_328#5 masked %reduce_sum3A_360 : vector<16xf32>, vector<16xi1> -> vector<16xf32>
    %reduce_sum3A_362 = vector.extract %reduce_sum3A_361[15] : f32 from vector<16xf32>
    %broadcast_in_dim3A_363 = vector.broadcast %reduce_sum3A_362 : f32 to vector<16xf32>
    %max3A_364 = arith.constant 0.000000e+00 : f32
    %max3A_365 = vector.broadcast %max3A_364 : f32 to vector<16xf32>
    %max3A_366 = arith.maximumf %broadcast_in_dim3A_358, %max3A_365 : vector<16xf32>
    %add3A_367 = arith.constant 1.000000e-30 : f32
    %add3A_368 = vector.broadcast %add3A_367 : f32 to vector<16xf32>
    %add3A_369 = arith.addf %broadcast_in_dim3A_62, %add3A_368 : vector<16xf32>
    %div3A_370 = arith.divf %max3A_366, %add3A_369 : vector<16xf32>
    %max3A_371 = arith.constant 0.000000e+00 : f32
    %max3A_372 = vector.broadcast %max3A_371 : f32 to vector<16xf32>
    %max3A_373 = arith.maximumf %broadcast_in_dim3A_363, %max3A_372 : vector<16xf32>
    %add3A_374 = arith.constant 1.000000e-30 : f32
    %add3A_375 = vector.broadcast %add3A_374 : f32 to vector<16xf32>
    %add3A_376 = arith.addf %broadcast_in_dim3A_42, %add3A_375 : vector<16xf32>
    %div3A_377 = arith.divf %max3A_373, %add3A_376 : vector<16xf32>
    %add3A_378 = arith.addf %div3A_370, %div3A_377 : vector<16xf32>
    %reduce_sum3A_379 = arith.constant true
    %reduce_sum3A_380 = vector.broadcast %reduce_sum3A_379 : i1 to vector<16xi1>
    %reduce_sum3A_381 = tpu.scan <sum>, %scan3A_328#2 masked %reduce_sum3A_380 : vector<16xf32>, vector<16xi1> -> vector<16xf32>
    %reduce_sum3A_382 = vector.extract %reduce_sum3A_381[15] : f32 from vector<16xf32>
    %broadcast_in_dim3A_383 = vector.broadcast %reduce_sum3A_382 : f32 to vector<16xf32>
    %reduce_sum3A_384 = arith.constant true
    %reduce_sum3A_385 = vector.broadcast %reduce_sum3A_384 : i1 to vector<16xi1>
    %reduce_sum3A_386 = tpu.scan <sum>, %scan3A_328#6 masked %reduce_sum3A_385 : vector<16xf32>, vector<16xi1> -> vector<16xf32>
    %reduce_sum3A_387 = vector.extract %reduce_sum3A_386[15] : f32 from vector<16xf32>
    %broadcast_in_dim3A_388 = vector.broadcast %reduce_sum3A_387 : f32 to vector<16xf32>
    %max3A_389 = arith.constant 0.000000e+00 : f32
    %max3A_390 = vector.broadcast %max3A_389 : f32 to vector<16xf32>
    %max3A_391 = arith.maximumf %broadcast_in_dim3A_383, %max3A_390 : vector<16xf32>
    %add3A_392 = arith.constant 1.000000e-30 : f32
    %add3A_393 = vector.broadcast %add3A_392 : f32 to vector<16xf32>
    %add3A_394 = arith.addf %broadcast_in_dim3A_67, %add3A_393 : vector<16xf32>
    %div3A_395 = arith.divf %max3A_391, %add3A_394 : vector<16xf32>
    %max3A_396 = arith.constant 0.000000e+00 : f32
    %max3A_397 = vector.broadcast %max3A_396 : f32 to vector<16xf32>
    %max3A_398 = arith.maximumf %broadcast_in_dim3A_388, %max3A_397 : vector<16xf32>
    %add3A_399 = arith.constant 1.000000e-30 : f32
    %add3A_400 = vector.broadcast %add3A_399 : f32 to vector<16xf32>
    %add3A_401 = arith.addf %broadcast_in_dim3A_47, %add3A_400 : vector<16xf32>
    %div3A_402 = arith.divf %max3A_398, %add3A_401 : vector<16xf32>
    %add3A_403 = arith.addf %div3A_395, %div3A_402 : vector<16xf32>
    %reduce_sum3A_404 = arith.constant true
    %reduce_sum3A_405 = vector.broadcast %reduce_sum3A_404 : i1 to vector<16xi1>
    %reduce_sum3A_406 = tpu.scan <sum>, %scan3A_328#3 masked %reduce_sum3A_405 : vector<16xf32>, vector<16xi1> -> vector<16xf32>
    %reduce_sum3A_407 = vector.extract %reduce_sum3A_406[15] : f32 from vector<16xf32>
    %broadcast_in_dim3A_408 = vector.broadcast %reduce_sum3A_407 : f32 to vector<16xf32>
    %reduce_sum3A_409 = arith.constant true
    %reduce_sum3A_410 = vector.broadcast %reduce_sum3A_409 : i1 to vector<16xi1>
    %reduce_sum3A_411 = tpu.scan <sum>, %scan3A_328#7 masked %reduce_sum3A_410 : vector<16xf32>, vector<16xi1> -> vector<16xf32>
    %reduce_sum3A_412 = vector.extract %reduce_sum3A_411[15] : f32 from vector<16xf32>
    %broadcast_in_dim3A_413 = vector.broadcast %reduce_sum3A_412 : f32 to vector<16xf32>
    %max3A_414 = arith.constant 0.000000e+00 : f32
    %max3A_415 = vector.broadcast %max3A_414 : f32 to vector<16xf32>
    %max3A_416 = arith.maximumf %broadcast_in_dim3A_408, %max3A_415 : vector<16xf32>
    %add3A_417 = arith.constant 1.000000e-30 : f32
    %add3A_418 = vector.broadcast %add3A_417 : f32 to vector<16xf32>
    %add3A_419 = arith.addf %broadcast_in_dim3A_72, %add3A_418 : vector<16xf32>
    %div3A_420 = arith.divf %max3A_416, %add3A_419 : vector<16xf32>
    %max3A_421 = arith.constant 0.000000e+00 : f32
    %max3A_422 = vector.broadcast %max3A_421 : f32 to vector<16xf32>
    %max3A_423 = arith.maximumf %broadcast_in_dim3A_413, %max3A_422 : vector<16xf32>
    %add3A_424 = arith.constant 1.000000e-30 : f32
    %add3A_425 = vector.broadcast %add3A_424 : f32 to vector<16xf32>
    %add3A_426 = arith.addf %broadcast_in_dim3A_52, %add3A_425 : vector<16xf32>
    %div3A_427 = arith.divf %max3A_423, %add3A_426 : vector<16xf32>
    %add3A_428 = arith.addf %div3A_420, %div3A_427 : vector<16xf32>
    %parallel_loop3A_429 = arith.constant 0 : i32
    %parallel_loop3A_430 = arith.constant 64 : i32
    %parallel_loop3A_431 = arith.constant 1 : i32
    scf.for %parallel_loop3A_434 = %parallel_loop3A_429 to %parallel_loop3A_430 step %parallel_loop3A_431  : i32 {
      %parallel_loop3A_435 = arith.constant 16 : i32
      %parallel_loop3A_436 = arith.muli %parallel_loop3A_434, %parallel_loop3A_435 : i32
      %parallel_loop3A_437 = tpu.assume_multiple %parallel_loop3A_436, 16 : i32
      %parallel_loop3A_438 = arith.index_cast %parallel_loop3A_437 : i32 to index
      %parallel_loop3A_439 = tpu.vector_load %arg29[%parallel_loop3A_438] {strides = array<i32>} : memref<1024xi32, #tpu.memory_space<vmem>>, vector<16xi32>,
      %parallel_loop3A_440 = arith.constant 0 : i32
      %parallel_loop3A_441 = vector.broadcast %parallel_loop3A_440 : i32 to vector<16xi32>
      %parallel_loop3A_442 = arith.cmpi sge, %parallel_loop3A_439, %parallel_loop3A_441 : vector<16xi32>
      %parallel_loop3A_443 = arith.constant 0 : i32
      %parallel_loop3A_444 = vector.broadcast %parallel_loop3A_443 : i32 to vector<16xi32>
      %parallel_loop3A_445 = arith.select %parallel_loop3A_442, %parallel_loop3A_439, %parallel_loop3A_444 : vector<16xi1>, vector<16xi32>
      %parallel_loop3A_446 = arith.constant 14 : i32
      %parallel_loop3A_447 = vector.broadcast %parallel_loop3A_446 : i32 to vector<16xi32>
      %parallel_loop3A_448 = arith.shrsi %parallel_loop3A_445, %parallel_loop3A_447 : vector<16xi32>
      %parallel_loop3A_449 = arith.constant 16383 : i32
      %parallel_loop3A_450 = vector.broadcast %parallel_loop3A_449 : i32 to vector<16xi32>
      %parallel_loop3A_451 = arith.andi %parallel_loop3A_445, %parallel_loop3A_450 : vector<16xi32>
      %parallel_loop3A_452 = arith.addi %parallel_loop3A_448, %broadcast_in_dim3A_19 : vector<16xi32>
      %parallel_loop3A_453 = tpu.vector_load_idx %arg17[%parallel_loop3A_452] : memref<40000xf32, #tpu.memory_space<vmem>>[vector<16xi32>], vector<16xf32>,
      %parallel_loop3A_454 = arith.mulf %add3A_353, %parallel_loop3A_453 : vector<16xf32>
      %parallel_loop3A_455 = arith.addi %parallel_loop3A_451, %broadcast_in_dim3A_19 : vector<16xi32>
      tpu.vector_store_idx %arg18[%parallel_loop3A_455], %parallel_loop3A_454 masked %parallel_loop3A_442 {add = true} : memref<40000xf32, #tpu.memory_space<vmem>>[vector<16xi32>], vector<16xf32>, vector<16xi1>
      %parallel_loop3A_456 = arith.addi %parallel_loop3A_448, %broadcast_in_dim3A_19 : vector<16xi32>
      %parallel_loop3A_457 = arith.constant 0.000000e+00 : f32
      %parallel_loop3A_458 = vector.broadcast %parallel_loop3A_457 : f32 to vector<16xf32>
      %parallel_loop3A_459 = arith.subf %parallel_loop3A_458, %parallel_loop3A_454 : vector<16xf32>
      tpu.vector_store_idx %arg18[%parallel_loop3A_456], %parallel_loop3A_459 masked %parallel_loop3A_442 {add = true} : memref<40000xf32, #tpu.memory_space<vmem>>[vector<16xi32>], vector<16xf32>, vector<16xi1>
      %parallel_loop3A_460 = arith.addi %parallel_loop3A_448, %broadcast_in_dim3A_21 : vector<16xi32>
      %parallel_loop3A_461 = tpu.vector_load_idx %arg17[%parallel_loop3A_460] : memref<40000xf32, #tpu.memory_space<vmem>>[vector<16xi32>], vector<16xf32>,
      %parallel_loop3A_462 = arith.mulf %add3A_378, %parallel_loop3A_461 : vector<16xf32>
      %parallel_loop3A_463 = arith.addi %parallel_loop3A_451, %broadcast_in_dim3A_21 : vector<16xi32>
      tpu.vector_store_idx %arg18[%parallel_loop3A_463], %parallel_loop3A_462 masked %parallel_loop3A_442 {add = true} : memref<40000xf32, #tpu.memory_space<vmem>>[vector<16xi32>], vector<16xf32>, vector<16xi1>
      %parallel_loop3A_464 = arith.addi %parallel_loop3A_448, %broadcast_in_dim3A_21 : vector<16xi32>
      %parallel_loop3A_465 = arith.constant 0.000000e+00 : f32
      %parallel_loop3A_466 = vector.broadcast %parallel_loop3A_465 : f32 to vector<16xf32>
      %parallel_loop3A_467 = arith.subf %parallel_loop3A_466, %parallel_loop3A_462 : vector<16xf32>
      tpu.vector_store_idx %arg18[%parallel_loop3A_464], %parallel_loop3A_467 masked %parallel_loop3A_442 {add = true} : memref<40000xf32, #tpu.memory_space<vmem>>[vector<16xi32>], vector<16xf32>, vector<16xi1>
      %parallel_loop3A_468 = arith.addi %parallel_loop3A_448, %broadcast_in_dim3A_23 : vector<16xi32>
      %parallel_loop3A_469 = tpu.vector_load_idx %arg17[%parallel_loop3A_468] : memref<40000xf32, #tpu.memory_space<vmem>>[vector<16xi32>], vector<16xf32>,
      %parallel_loop3A_470 = arith.mulf %add3A_403, %parallel_loop3A_469 : vector<16xf32>
      %parallel_loop3A_471 = arith.addi %parallel_loop3A_451, %broadcast_in_dim3A_23 : vector<16xi32>
      tpu.vector_store_idx %arg18[%parallel_loop3A_471], %parallel_loop3A_470 masked %parallel_loop3A_442 {add = true} : memref<40000xf32, #tpu.memory_space<vmem>>[vector<16xi32>], vector<16xf32>, vector<16xi1>
      %parallel_loop3A_472 = arith.addi %parallel_loop3A_448, %broadcast_in_dim3A_23 : vector<16xi32>
      %parallel_loop3A_473 = arith.constant 0.000000e+00 : f32
      %parallel_loop3A_474 = vector.broadcast %parallel_loop3A_473 : f32 to vector<16xf32>
      %parallel_loop3A_475 = arith.subf %parallel_loop3A_474, %parallel_loop3A_470 : vector<16xf32>
      tpu.vector_store_idx %arg18[%parallel_loop3A_472], %parallel_loop3A_475 masked %parallel_loop3A_442 {add = true} : memref<40000xf32, #tpu.memory_space<vmem>>[vector<16xi32>], vector<16xf32>, vector<16xi1>
      %parallel_loop3A_476 = arith.addi %parallel_loop3A_448, %broadcast_in_dim3A_25 : vector<16xi32>
      %parallel_loop3A_477 = tpu.vector_load_idx %arg17[%parallel_loop3A_476] : memref<40000xf32, #tpu.memory_space<vmem>>[vector<16xi32>], vector<16xf32>,
      %parallel_loop3A_478 = arith.mulf %add3A_428, %parallel_loop3A_477 : vector<16xf32>
      %parallel_loop3A_479 = arith.addi %parallel_loop3A_451, %broadcast_in_dim3A_25 : vector<16xi32>
      tpu.vector_store_idx %arg18[%parallel_loop3A_479], %parallel_loop3A_478 masked %parallel_loop3A_442 {add = true} : memref<40000xf32, #tpu.memory_space<vmem>>[vector<16xi32>], vector<16xf32>, vector<16xi1>
      %parallel_loop3A_480 = arith.addi %parallel_loop3A_448, %broadcast_in_dim3A_25 : vector<16xi32>
      %parallel_loop3A_481 = arith.constant 0.000000e+00 : f32
      %parallel_loop3A_482 = vector.broadcast %parallel_loop3A_481 : f32 to vector<16xf32>
      %parallel_loop3A_483 = arith.subf %parallel_loop3A_482, %parallel_loop3A_478 : vector<16xf32>
      tpu.vector_store_idx %arg18[%parallel_loop3A_480], %parallel_loop3A_483 masked %parallel_loop3A_442 {add = true} : memref<40000xf32, #tpu.memory_space<vmem>>[vector<16xi32>], vector<16xf32>, vector<16xi1>
    } {sc.loop_unroll_factor = 1 : i64, sc.parallel_access}
    %mul3A_432 = arith.constant 40000 : i32
    %mul3A_433 = arith.muli %add3A, %mul3A_432 : i32
    "tpu.region"() ({
      %run_scoped3A = tpu.sem_alloc : memref<!tpu.dma_semaphore, #tpu.memory_space<semaphore_mem>>
      %dma_start3A_434 = tpu.memref_slice %arg16[%mul3A_433] : memref<1280000xf32, #tpu.memory_space<hbm>> -> memref<40000xf32, #tpu.memory_space<hbm>>
      %dma_start3A_435 = tpu.memref_slice %arg16[%mul3A_433] : memref<1280000xf32, #tpu.memory_space<hbm>> -> memref<40000xf32, #tpu.memory_space<hbm>>
      tpu.enqueue_dma source(%arg18 : memref<40000xf32, #tpu.memory_space<vmem>>) target(%dma_start3A_435 : memref<40000xf32, #tpu.memory_space<hbm>>) target_semaphore(%run_scoped3A : memref<!tpu.dma_semaphore, #tpu.memory_space<semaphore_mem>>)
      %dma_wait3A = tpu.memref_slice %arg16[%mul3A_433] : memref<1280000xf32, #tpu.memory_space<hbm>> -> memref<40000xf32, #tpu.memory_space<hbm>>
      %dma_wait3A_436 = tpu.memref_slice %arg16[%mul3A_433] : memref<1280000xf32, #tpu.memory_space<hbm>> -> memref<40000xf32, #tpu.memory_space<hbm>>
      tpu.wait_dma2 semaphore(%run_scoped3A : memref<!tpu.dma_semaphore, #tpu.memory_space<semaphore_mem>>) src(%arg18 : memref<40000xf32, #tpu.memory_space<vmem>>) dst(%dma_wait3A_436 : memref<40000xf32, #tpu.memory_space<hbm>>)
      tpu.yield
    }) : () -> ()
    return
  }
}

module attributes {stable_mosaic.version = 14 : i64} {
  func.func @_med_body(%arg0: memref<1x128xf32, #tpu.memory_space<vmem>>, %arg1: memref<16x128xf32, #tpu.memory_space<vmem>>) attributes {dimension_semantics = [], scalar_prefetch = 0 : i64, scratch_operands = 0 : i64, tpu.core_type = #tpu.core_type<tc>} {
    %get3A = arith.constant 0 : index
    %get3A_0 = arith.constant 0 : index
    %get3A_1 = vector.load %arg0[%get3A, %get3A_0] : memref<1x128xf32, #tpu.memory_space<vmem>>, vector<1x128xf32>
    %mul3A = arith.constant 9.99999974E-6 : f32
    %mul3A_2 = vector.broadcast %mul3A : f32 to vector<1x128xf32>
    %mul3A_3 = arith.mulf %get3A_1, %mul3A_2 : vector<1x128xf32>
    %sin3A = math.sin %mul3A_3 : vector<1x128xf32>
    %mul3A_4 = arith.constant 5.000000e+00 : f32
    %mul3A_5 = vector.broadcast %mul3A_4 : f32 to vector<1x128xf32>
    %mul3A_6 = arith.mulf %mul3A_5, %sin3A : vector<1x128xf32>
    %add3A = arith.constant 1.000000e+01 : f32
    %add3A_7 = vector.broadcast %add3A : f32 to vector<1x128xf32>
    %add3A_8 = arith.addf %add3A_7, %mul3A_6 : vector<1x128xf32>
    %cos3A = math.cos %mul3A_3 : vector<1x128xf32>
    %mul3A_9 = arith.constant 1.000000e-01 : f32
    %mul3A_10 = vector.broadcast %mul3A_9 : f32 to vector<1x128xf32>
    %mul3A_11 = arith.mulf %mul3A_10, %cos3A : vector<1x128xf32>
    %add3A_12 = arith.constant 1.000000e+00 : f32
    %add3A_13 = vector.broadcast %add3A_12 : f32 to vector<1x128xf32>
    %add3A_14 = arith.addf %add3A_13, %mul3A_11 : vector<1x128xf32>
    %mul3A_15 = arith.constant 1.000000e+04 : f32
    %mul3A_16 = vector.broadcast %mul3A_15 : f32 to vector<1x128xf32>
    %mul3A_17 = arith.mulf %mul3A_16, %add3A_14 : vector<1x128xf32>
    %div3A = arith.constant 3.000000e+02 : f32
    %div3A_18 = vector.broadcast %div3A : f32 to vector<1x128xf32>
    %div3A_19 = arith.divf %add3A_8, %div3A_18 : vector<1x128xf32>
    %log3A = math.log %div3A_19 : vector<1x128xf32>
    %div3A_20 = arith.constant -1.000000e+00 : f32
    %div3A_21 = vector.broadcast %div3A_20 : f32 to vector<1x128xf32>
    %div3A_22 = arith.divf %div3A_21, %add3A_8 : vector<1x128xf32>
    %broadcast_in_dim3A = arith.constant 0.000000e+00 : f32
    %broadcast_in_dim3A_23 = vector.broadcast %broadcast_in_dim3A : f32 to vector<1x128xf32>
    %concatenate3A = tpu.concatenate %log3A, %div3A_22, %mul3A_17, %broadcast_in_dim3A_23, %broadcast_in_dim3A_23, %broadcast_in_dim3A_23, %broadcast_in_dim3A_23, %broadcast_in_dim3A_23, %broadcast_in_dim3A_23, %broadcast_in_dim3A_23, %broadcast_in_dim3A_23, %broadcast_in_dim3A_23, %broadcast_in_dim3A_23, %broadcast_in_dim3A_23, %broadcast_in_dim3A_23, %broadcast_in_dim3A_23 in 0 : vector<1x128xf32>, vector<1x128xf32>, vector<1x128xf32>, vector<1x128xf32>, vector<1x128xf32>, vector<1x128xf32>, vector<1x128xf32>, vector<1x128xf32>, vector<1x128xf32>, vector<1x128xf32>, vector<1x128xf32>, vector<1x128xf32>, vector<1x128xf32>, vector<1x128xf32>, vector<1x128xf32>, vector<1x128xf32> -> vector<16x128xf32>
    %swap3A = arith.constant 0 : index
    %swap3A_24 = arith.constant 0 : index
    %swap3A_25 = vector.load %arg1[%swap3A, %swap3A_24] : memref<16x128xf32, #tpu.memory_space<vmem>>, vector<16x128xf32>
    tpu.vector_store %arg1[%swap3A, %swap3A_24], %concatenate3A {strides = array<i32>} : memref<16x128xf32, #tpu.memory_space<vmem>>, vector<16x128xf32>,
    return
  }
}

</mosaic_0001>

<sc_bundles>
// kernel: kernel.5.cloned.1.call-start
scs
__scs_entry_jumppad:
0x0: {  	(pc) =	sbr.rel $0x88, $3  }
0x1: {  	(tag) =	ssettag $0x0;
	lr =	simm.s32 $0x1  }
0x2: {  	[smem:$0x3F93] =	sst lr;
	_ =	strace $0xD0000000  }
0x3: {  	_ = 	snop  }
0x4: {  	_ = 	snop  }
0x5: {  	_ = 	snop  }
0x6: {  	_ = 	snop  }
0x7: {  	_ = 	snop  }
__scs_overlays_trampoline_lowered:
0x8: {  	[smem:$0x3FA2] =	sst s0  }
0x9: {  	[smem:$0x3FA3] =	sst s1  }
0xa: {  	[smem:$0x3FA4] =	sst s2  }
0xb: {  	[smem:$0x3FA5] =	sst s3  }
0xc: {  	[smem:$0x3FA6] =	sst s4  }
0xd: {  	[smem:$0x3FA7] =	sst s5  }
0xe: {  	[smem:$0x3FA8] =	sst s6  }
0xf: {  	[smem:$0x3FA9] =	sst s7  }
0x10: {  	[smem:$0x3FAA] =	sst s8  }
0x11: {  	[smem:$0x3FAB] =	sst s9;
	s0 =	simm.s32 @!p0 $0x0  }
0x12: {  	s1 =	sld [smem:$0x3F91];
	s0 =	simm.s32 @p0 $0x1  }
0x13: {  	[smem:$0x3FAC] =	sst s0;
	s0 =	simm.s32 @!p1 $0x0  }
0x14: {  	s2 =	sld [smem:$0x3F90];
	s0 =	simm.s32 @p1 $0x1  }
0x15: {  	[smem:$0x3FAD] =	sst s0;
	s0 =	simm.s32 @!p2 $0x0  }
0x16: {  	s3 =	sld [smem:$0x3FDB];
	s0 =	simm.s32 @p2 $0x1  }
0x17: {  	s4 =	simm.s32 $0x1BF5;
	[smem:$0x3FAF] =	sst s0  }
0x18: {  	s0 =	sld [smem:$0x3F92];
	_ =	swait.ge [sflag:s4], $0x0  }
0x19: {  	s7 =	sld [smem:$0x3F93]  }
0x1a: {  	s8 =	sadd.s32 $0xFFFFE003, lr  }
0x1b: {  	s9 =	sadd.s32 $0xFFFFFEF7, lr;
	s5 =	simm.s32 $0xFFFFFFFF;
	p2 =	slt.u32 s8, $0xFFFFF086  }
0x1c: {  	p1 =	slt.u32 s9, $0xF7A;
	s5 =	simm.s32 @!p2 $0x0  }
0x1d: {  	s5 =	simm.s32 @p1 $0x1;
	p0 =	seq.s32 s7, s2  }
0x1e: {  	s7 =	smul.u32 @!p0 $0xF7A, s2;
	p2 =	seq.s32 @!p0 s5, $0x0  }
0x1f: {  	s9 =	smul.u32 $0xF7A, s1;
	s8 =	simm.s32 @!p0 $0x1BF5;
	p2 =	por !p2, p0  }
0x20: {  	[sflag:s8] =	ssyncset.s32 @!p0 $0xFFFFF086;
	s6 =	sadd.s32 @!p0 s3, s7;
	s7 =	simm.s32 @!p0 $0x108  }
0x21: {  	s3 =	sadd.s32 s3, s9;
	s6 =	sadd.s32 @!p0 $0x88, s6;
	s7 =	simm.s32 @p2 $0x1082  }
0x22: {  	[simem:s7], [sflag:s8] =	dma.local @!p0 [hbm:s6], $0xF7A  }
0x23: {  	s9 =	sor.u32 $0xD0000000, s2;
	s6 =	simm.s32 $0x108;
	_ =	swait.ge @!p0 [sflag:s8], $0x0  }
0x24: {  	s3 =	sadd.s32 $0x88, s3;
	s6 =	simm.s32 @!p1 $0x1082;
	[sflag:s4] =	ssyncset.s32 $0xFFFFF086  }
0x25: {  	[simem:s6], [sflag:s4] =	dma.local [hbm:s3], $0xF7A  }
0x26: {  	[smem:$0x3F93] =	sst s1;
	(tag) =	ssettag s2;
	_ =	strace s9  }
0x27: {  	s1 =	sld [smem:$0x3FA3]  }
0x28: {  	s2 =	sld [smem:$0x3FA4]  }
0x29: {  	s4 =	sld [smem:$0x3FA6]  }
0x2a: {  	p0 =	seq.s32 s5, $0x0;
	s5 =	sld [smem:$0x3FA7]  }
0x2b: {  	s6 =	sld [smem:$0x3FA8]  }
0x2c: {  	s7 =	sld [smem:$0x3FA9]  }
0x2d: {  	s3 =	simm.s32 $0x108;
	s8 =	sld [smem:$0x3FAA]  }
0x2e: {  	s3 =	simm.s32 @!p0 $0x1082;
	s9 =	sld [smem:$0x3FAB]  }
0x2f: {  	lr =	sadd.s32 s0, s3;
	s0 =	sld [smem:$0x3FA2]  }
0x30: {  	s3 =	sld [smem:$0x3FA5]  }
0x31: {  	[smem:$0x3FAE] =	sst s10  }
0x32: {  	s10 =	sld [smem:$0x3FAC];
	_ =	sdelay $0x3  }
0x33: {  	p0 =	seq.s32 s10, $0x1;
	s10 =	sld [smem:$0x3FAE];
	_ =	sdelay $0x3  }
0x34: {  	[smem:$0x3FAE] =	sst s10  }
0x35: {  	s10 =	sld [smem:$0x3FAD];
	_ =	sdelay $0x3  }
0x36: {  	p1 =	seq.s32 s10, $0x1;
	s10 =	sld [smem:$0x3FAE];
	_ =	sdelay $0x3  }
0x37: {  	[smem:$0x3FAE] =	sst s10  }
0x38: {  	s10 =	sld [smem:$0x3FAF]  }
0x39: {  	_ = 	snop;
	(pc) =	sbr.ind lr, $3  }
0x3a: {  	_ = 	snop  }
0x3b: {  	_ = 	snop  }
0x3c: {  	p2 =	seq.s32 s10, $0x1;
	s10 =	sld [smem:$0x3FAE]  }
0x3d: {  	_ =	shalt  }
0x3e: {  	_ =	shalt  }
0x3f: {  	_ =	shalt  }
0x40: {  	_ =	shalt  }
0x41: {  	_ =	shalt  }
0x42: {  	_ =	shalt  }
0x43: {  	_ =	shalt  }
0x44: {  	_ =	shalt  }
0x45: {  	_ =	shalt  }
0x46: {  	_ =	shalt  }
0x47: {  	_ =	shalt  }
0x48: {  	_ =	shalt  }
0x49: {  	_ =	shalt  }
0x4a: {  	_ =	shalt  }
0x4b: {  	_ =	shalt  }
0x4c: {  	_ =	shalt  }
0x4d: {  	_ =	shalt  }
0x4e: {  	_ =	shalt  }
0x4f: {  	_ =	shalt  }
0x50: {  	_ =	shalt  }
0x51: {  	_ =	shalt  }
0x52: {  	_ =	shalt  }
0x53: {  	_ =	shalt  }
0x54: {  	_ =	shalt  }
0x55: {  	_ =	shalt  }
0x56: {  	_ =	shalt  }
0x57: {  	_ =	shalt  }
0x58: {  	_ =	shalt  }
0x59: {  	_ =	shalt  }
0x5a: {  	_ =	shalt  }
0x5b: {  	_ =	shalt  }
0x5c: {  	_ =	shalt  }
0x5d: {  	_ =	shalt  }
0x5e: {  	_ =	shalt  }
0x5f: {  	_ =	shalt  }
0x60: {  	_ =	shalt  }
0x61: {  	_ =	shalt  }
0x62: {  	_ =	shalt  }
0x63: {  	_ =	shalt  }
0x64: {  	_ =	shalt  }
0x65: {  	_ =	shalt  }
0x66: {  	_ =	shalt  }
0x67: {  	_ =	shalt  }
0x68: {  	_ =	shalt  }
0x69: {  	_ =	shalt  }
0x6a: {  	_ =	shalt  }
0x6b: {  	_ =	shalt  }
0x6c: {  	_ =	shalt  }
0x6d: {  	_ =	shalt  }
0x6e: {  	_ =	shalt  }
0x6f: {  	_ =	shalt  }
0x70: {  	_ =	shalt  }
0x71: {  	_ =	shalt  }
0x72: {  	_ =	shalt  }
0x73: {  	_ =	shalt  }
0x74: {  	_ =	shalt  }
0x75: {  	_ =	shalt  }
0x76: {  	_ =	shalt  }
0x77: {  	_ =	shalt  }
0x78: {  	_ =	shalt  }
0x79: {  	_ =	shalt  }
0x7a: {  	_ =	shalt  }
0x7b: {  	_ =	shalt  }
0x7c: {  	_ =	shalt  }
0x7d: {  	_ =	shalt  }
0x7e: {  	_ =	shalt  }
0x7f: {  	_ =	shalt  }
0x80: {  	_ =	shalt  }
0x81: {  	_ =	shalt  }
0x82: {  	_ =	shalt  }
0x83: {  	_ =	shalt  }
0x84: {  	_ =	shalt  }
0x85: {  	_ =	shalt  }
0x86: {  	_ =	shalt  }
0x87: {  	_ =	shalt  }
.Lfunc_end0:
.L_simem_size_0:
called_computation_lowered:
.L_overlay_start_0:
0x88: {  	s2 =	sld [smem:$0x3FD9]  }
0x89: {  	s3 =	sld [smem:$0x3FFE];
	_ =	sdelay $0x1  }
0x8a: {  	s1 =	srdreg.scid  }
0x8b: {  	s0 =	sand.u32 $0x1, s1  }
0x8c: {  	s17 =	sshll.u32 s0, $0xA;
	s2 =	sadd.s32 s3, s2  }
0x8d: {  	s2 =	sadd.s32 s2, s17  }
0x8e: {  	[smem:$0x3FBA] =	sst s2  }
0x8f: {  	_ = 	snop  }
0x90: {  	s2 =	sld [smem:$0x3FBD]  }
0x91: {  	s18 =	sld [smem:$0x3FBC];
	(tm) =	ssettm $0x1  }
0x92: {  	s4 =	sld [smem:$0x3FFB];
	_ =	sdelay $0x3  }
0x93: {  	_ =	strace s4  }
0x94: {  	s4 =	sld [smem:$0x3FFC];
	_ =	sdelay $0x3  }
0x95: {  	_ =	strace s4  }
0x96: {  	s4 =	sld [smem:$0x3FFD];
	_ =	sdelay $0x3  }
0x97: {  	_ =	strace s4  }
0x98: {  	_ =	strace $0x8FFFFFFF  }
0x99: {  	s19 =	sld [smem:$0x3FDB];
	_ =	sdelay $0x1  }
0x9a: {  	s5 =	simm.s32 $_scs_section_size  }
0x9b: {  	s6 =	simm.s32 $_size__tile_overlayer_lowered;
	s7 =	simm.s32 $_tile_overlayer_lowered  }
0x9c: {  	s22 =	simm.s32 $0x1BFF;
	s21 =	sshll.u32 s7, $0x1;
	s4 =	sadd.s32 s5, s19  }
0x9d: {  	s8 =	simm.s32 $0x0;
	s20 =	sshll.u32 s6, $0x1;
	s6 =	sadd.s32 s21, s4  }
0x9e: {  	[timem:s8], [sflag:s22] =	dma.local [hbm:s6], s20  }
0x9f: {  	_ =	swait.ge [sflag:s22], s20  }
0xa0: {  	s5 =	ssub.s32 $0x0, s20;
	[sflag:s22] =	ssyncset.done $0x0  }
0xa1: {  	[sflag:s22] =	ssyncadd.s32 s5;
	_ =	sdelay $0x1  }
0xa2: {  	s23 =	simm.s32 $0x1B8B  }
0xa3: {  	_ =	swait.ge [sflag:s23], $0x1  }
0xa4: {  	[sflag:s23] =	ssyncset.done $0x0  }
0xa5: {  	s25 =	simm.s32 $0x1B8E;
	s24 =	sld [smem:$0x3FFE];
	[sflag:s23] =	ssyncadd.s32 $0xFFFFFFFF  }
0xa6: {  	s26 =	simm.s32 $execute0_lowered;
	[smem:$0x3FD2] =	sst s25  }
0xa7: {  	s6 =	sshll.u32 s26, $0x1;
	_ =	strace $0x80000046;
	[dreg:$0x1] =	wrdreg $0xFFFFFFFF  }
0xa8: {  	s28 =	simm.s32 $_size_execute0_lowered;
	s4 =	sadd.s32 s4, s6;
	[dreg:$0x0] =	wrdreg $0x0  }
0xa9: {  	s6 =	sshll.u32 s28, $0x1;
	[dreg:$0x2] =	wrdreg s4  }
0xaa: {  	[dreg:$0x3] =	wrdreg s6  }
0xab: {  	[dreg:$0x4] =	wrdreg $0xC0  }
0xac: {  	_ =	task [dreg:s8], $0x5FFFF  }
0xad: {  	[dreg:$0x1] =	wrdreg $0xFFFFFFFF  }
0xae: {  	[dreg:$0x0] =	wrdreg $0x60  }
0xaf: {  	[dreg:$0x2] =	wrdreg s2  }
0xb0: {  	[dreg:$0x3] =	wrdreg s18  }
0xb1: {  	[dreg:$0x4] =	wrdreg s24  }
0xb2: {  	[dreg:$0x5] =	wrdreg $0x9  }
0xb3: {  	_ =	task.clear_ibuf [dreg:s8], $0x6FFFF;
	_ =	strace $0x90000046  }
0xb4: {  	s29 =	simm.s32 $0x9;
	_ =	strace $0x80000048  }
0xb5: {  	_ =	swait.ge [sflag:s29], $0x1  }
0xb6: {  	[sflag:s29] =	ssyncadd.s32 $0xFFFFFFFF  }
0xb7: {  	_ =	strace $0x90000048  }
0xb8: {  	_ =	sfence  }
0xb9: {  	s30 =	sld [smem:$0x0];
	_ =	sdelay $0x2  }
0xba: {  	s31 =	sshll.u32 s1, $0xD;
	s1 =	sshrl.u32 s1, $0x2  }
0xbb: {  	s3 =	sand.u32 $0x4000, s31;
	s1 =	sadd.s32 s1, s30  }
0xbc: {  	s0 =	sor.u32 s3, s0;
	s1 =	sshll.u32 s1, $0x11  }
0xbd: {  	s0 =	sor.u32 s1, s0  }
0xbe: {  	s0 =	sadd.s32 $0x8F2B, s0  }
0xbf: {  	[sflag:s0] =	ssyncadd.remote.s32 $0x1  }
0xc0: {  	_ =	sfence.sel $0xFFFF  }
0xc1: {  	[dreg:$0x0] =	wrdreg $0xFFFFFFFF;
	(pc) =	sbr.abs _section_cstart, $3  }
0xc2: {  	[dreg:$0x1] =	wrdreg $0xFFFFFFFF  }
0xc3: {  	_ =	task.clear_ibuf [dreg:s8], $0x2FFFF;
	_ =	strace $0x9FFFFFFF  }
0xc4: {  	(tm) =	ssettm $0x7FFFFFFF  }
0xc5: {  	_ =	shalt  }
tec
execute0_lowered:
.L_overlay_start_1:
0x0: {  	(tag) =	ssettag $0x1  }
0x1: {  	s1 =	srdreg.scid  }
0x2: {  	s6 =	sand.u32 $0x1, s1  }
0x3: {  	s2 =	stileid.u32;
	s7 =	sshll.u32 s6, $0x4  }
0x4: {  	s7 =	sor.u32 s2, s7  }
0x5: {  	p0 =	sgt.u32 s7, $0x18  }
.Ltmp0:
0x6: {  	s0 =	rddreg [dreg:$0x0];
	(pc) =	sbr.rel @p0 .LBB2_11-.Ltmp0, $4  }
0x7: {  	s3 =	rddreg [dreg:$0x1]  }
0x8: {  	s5 =	rddreg [dreg:$0x2];
	s4 =	simm.s32 $0x0  }
0x9: {  	[smem:$0x7FF] =	sst s4  }
0xa: {  	s1 =	rddreg [dreg:$0x3];
	_ =	strace $0x80000047  }
0xb: {  	s7 =	smul.u32 $0xC80, s7;
	s6 =	ssub.s32 $0x2, s6  }
0xc: {  	s9 =	sshrl.u32 s6, $0x1  }
0xd: {  	s10 =	simm.s32 $0x0;
	s8 =	sshrl.u32 s7, $0x3;
	s9 =	ssub.s32 s6, s9  }
0xe: {  	v0 =	vmov s7;
	s8 =	sadd.s32 s8, s5;
	s7 =	smax.u32 s9, $0x1;
	s9 =	simm.s32 $0x400  }
0xf: {  	vm0 =	vmmov $0xff;
	v1 =	vimm.f32 $0.0e+00;
	v2 =	vimm.f32 $1.000000000e+00;
	s5 =	sadd.s32 $0xE00, s8;
	s6 =	sadd.s32 $0x3600, s8;
	s8 =	simm.s32 $0x1  }
.LBB2_2:
0x10: {  	s11 =	simm.s32 $0x0  }
0x11: {  	[tilespmem:s11], [sflag:$0x1] =	stream.linear.gather [hbm4b:s0+s11], $0x3E8, $0x38;
	[tilespmem:$0x1080] =	vst v63  }
0x12: {  	_ =	swait.ge [sflag:s8], $0x3E8  }
0x13: {  	[sflag:s8] =	ssyncset.done $0x0  }
0x14: {  	[sflag:s8] =	ssyncadd.s32 $0xFFFFFC18  }
0x15: {  	v3 =	vld [tilespmem:$0x3E0];
	_ =	sdelay $0x4  }
0x16: {  	v3 =	vnsel vm0, $0xFFFFFFFF, v3  }
0x17: {  	s12 =	simm.s32 $0x0;
	s11 =	simm.s32 $0x40;
	[tilespmem:$0x3E0] =	vst v3  }
.LBB2_3:
0x18: {  	p0 =	sne.s32 s11, $0x31C0;
	[tilespmem:s12+$0x400] =	vst v1;
	s12 =	smov.u32 s11;
	s11 =	sadd.s32 $0x40, s11  }
.Ltmp1:
0x19: {  	(pc) =	sbr.rel @p0 .LBB2_3-.Ltmp1, $2  }
0x1a: {  	_ =	sdelay $0x2  }
0x1b: {  	s12 =	sshra.s32 s12, $0x2  }
0x1c: {  	[tilespmem:s12+$0x400] =	vst v1;
	s11 =	simm.s32 $0x0  }
0x1d: {  	v3 =	vld [tilespmem:s11+$0x0];
	_ =	sdelay $0x4  }
0x1e: {  	v3 =	vsub.s32 v3, v0  }
0x1f: {  	vm1 =	vgt.s32 v3, $0x0  }
0x20: {  	s31 =	simm.s32 $0x10;
	v5 =	vnsel vm1, $0x0, v3  }
0x21: {  	s11 =	simm.s32 $0x80;
	v4 =	vld [tilespmem:s31+$0x0];
	vm1 =	vlt.u32 v3, $0xC80;
	v3 =	vmin.u32 v5, $0xC7F  }
.LBB2_5:
0x22: {  	_ =	sdelay $0x1  }
0x23: {  	p0 =	sne.s32 s11, $0xF80  }
.Ltmp2:
0x24: {  	_ = 	snop;
	(pc) =	sbr.rel @p0 .LBB2_5-.Ltmp2, $4  }
0x25: {  	v5 =	vsub.s32 v4, v0  }
0x26: {  	vm2 =	vgt.s32 v5, $0x0  }
0x27: {  	s12 =	sshra.s32 s11, $0x2;
	v6 =	vnsel vm2, $0x0, v5  }
0x28: {  	s11 =	sadd.s32 $0x40, s11;
	v4 =	vld [tilespmem:s12+$0x0];
	[tilespmem:v3+s9+$0x0] =	vst.idx.msk vm1, v2;
	vm1 =	vlt.u32 v5, $0xC80;
	v3 =	vmin.u32 v6, $0xC7F  }
0x29: {  	_ =	sdelay $0x3  }
0x2a: {  	v4 =	vsub.s32 v4, v0  }
0x2b: {  	vm2 =	vgt.s32 v4, $0x0  }
0x2c: {  	vm3 =	vlt.u32 v4, $0xC80;
	v4 =	vnsel vm2, $0x0, v4  }
0x2d: {  	v4 =	vmin.u32 v4, $0xC7F;
	_ =	sdelay $0x3  }
0x2e: {  	[tilespmem:v3+s9+$0x0] =	vst.idx.msk vm1, v2  }
0x2f: {  	s11 =	simm.s32 $0x0;
	[tilespmem:v4+s9+$0x0] =	vst.idx.msk vm3, v2  }
0x30: {  	[hbm4b:s5+s11] =	stream.linear.scatter [tilespmem:s9], [sflag:$0x1], $0xC80, $0x38;
	[tilespmem:$0x1080] =	vst v63  }
0x31: {  	_ =	swait.ge [sflag:s8], $0xC80  }
0x32: {  	[sflag:s8] =	ssyncset.done $0x0  }
0x33: {  	[sflag:s8] =	ssyncadd.s32 $0xFFFFF380  }
0x34: {  	[tilespmem:s11], [sflag:$0x1] =	stream.linear.gather [hbm4b:s3+s11], $0x3E8, $0x38;
	[tilespmem:$0x1080] =	vst v63  }
0x35: {  	_ =	swait.ge [sflag:s8], $0x3E8  }
0x36: {  	[sflag:s8] =	ssyncset.done $0x0  }
0x37: {  	[sflag:s8] =	ssyncadd.s32 $0xFFFFFC18  }
0x38: {  	v3 =	vld [tilespmem:$0x3E0];
	_ =	sdelay $0x4  }
0x39: {  	v3 =	vnsel vm0, $0xFFFFFFFF, v3  }
0x3a: {  	s12 =	simm.s32 $0x0;
	s11 =	simm.s32 $0x40;
	[tilespmem:$0x3E0] =	vst v3  }
.LBB2_7:
0x3b: {  	p0 =	sne.s32 s11, $0x31C0;
	[tilespmem:s12+$0x400] =	vst v1;
	s12 =	smov.u32 s11;
	s11 =	sadd.s32 $0x40, s11  }
.Ltmp3:
0x3c: {  	(pc) =	sbr.rel @p0 .LBB2_7-.Ltmp3, $2  }
0x3d: {  	_ =	sdelay $0x2  }
0x3e: {  	s12 =	sshra.s32 s12, $0x2  }
0x3f: {  	[tilespmem:s12+$0x400] =	vst v1;
	s11 =	simm.s32 $0x0  }
0x40: {  	v3 =	vld [tilespmem:s11+$0x0];
	_ =	sdelay $0x4  }
0x41: {  	v3 =	vsub.s32 v3, v0  }
0x42: {  	vm1 =	vgt.s32 v3, $0x0  }
0x43: {  	s31 =	simm.s32 $0x10;
	v5 =	vnsel vm1, $0x0, v3  }
0x44: {  	s11 =	simm.s32 $0x80;
	v4 =	vld [tilespmem:s31+$0x0];
	vm1 =	vlt.u32 v3, $0xC80;
	v3 =	vmin.u32 v5, $0xC7F  }
.LBB2_9:
0x45: {  	_ =	sdelay $0x1  }
0x46: {  	p0 =	sne.s32 s11, $0xF80  }
.Ltmp4:
0x47: {  	_ = 	snop;
	(pc) =	sbr.rel @p0 .LBB2_9-.Ltmp4, $4  }
0x48: {  	v5 =	vsub.s32 v4, v0  }
0x49: {  	vm2 =	vgt.s32 v5, $0x0  }
0x4a: {  	s12 =	sshra.s32 s11, $0x2;
	v6 =	vnsel vm2, $0x0, v5  }
0x4b: {  	s11 =	sadd.s32 $0x40, s11;
	v4 =	vld [tilespmem:s12+$0x0];
	[tilespmem:v3+s9+$0x0] =	vst.idx.msk vm1, v2;
	vm1 =	vlt.u32 v5, $0xC80;
	v3 =	vmin.u32 v6, $0xC7F  }
0x4c: {  	_ =	sdelay $0x3  }
0x4d: {  	v4 =	vsub.s32 v4, v0  }
0x4e: {  	vm2 =	vgt.s32 v4, $0x0  }
0x4f: {  	vm3 =	vlt.u32 v4, $0xC80;
	v4 =	vnsel vm2, $0x0, v4  }
0x50: {  	v4 =	vmin.u32 v4, $0xC7F;
	_ =	sdelay $0x2  }
0x51: {  	s10 =	sadd.s32 $0x1, s10  }
0x52: {  	[tilespmem:v3+s9+$0x0] =	vst.idx.msk vm1, v2;
	p0 =	sne.s32 s10, s7  }
.Ltmp5:
0x53: {  	[tilespmem:v4+s9+$0x0] =	vst.idx.msk vm3, v2;
	(pc) =	sbr.rel @p0 .LBB2_2-.Ltmp5, $4  }
0x54: {  	[hbm4b:s6+s4] =	stream.linear.scatter [tilespmem:s9], [sflag:$0x1], $0xC80, $0x38;
	[tilespmem:$0x1080] =	vst v63  }
0x55: {  	_ =	swait.ge [sflag:s8], $0xC80  }
0x56: {  	[sflag:s8] =	ssyncset.done $0x0  }
0x57: {  	[sflag:s8] =	ssyncadd.s32 $0xFFFFF380  }
.LBB2_11:
0x58: {  	_ =	sfence.sel $0x180000  }
0x59: {  	[bflag:$0x0] =	sbarrier.arrive $0xFFFF  }
0x5a: {  	p0 =	sne.s32 s2, $0x0;
	_ =	strace $0x90000047  }
0x5b: {  	s0 =	sadd.s32 @!p0 $0x100000, s1;
	[bflag:$0x2] =	sbarrier.arrive $0xFFFF  }
0x5c: {  	[sflag:s0] =	ssyncadd.tile.s32 @!p0 $0x1;
	_ =	shalt  }
.Lfunc_end2:
_tile_overlayer_lowered:
.L_overlay_start_2:
0x5d: {  	(tag) =	ssettag $0x2  }
0x5e: {  	s0 =	rddreg [dreg:$0x0];
	s2 =	stileid.u32  }
0x5f: {  	s1 =	rddreg [dreg:$0x1];
	p0 =	sne.s32 s2, $0x0  }
0x60: {  	s3 =	rddreg [dreg:$0x2];
	[bflag:$0x3] =	sbarrier.arrive $0xFFFF;
	s2 =	simm.s32 @!p0 $0x1C01  }
0x61: {  	[timem:s3], [sflag:s2] =	dma.local @!p0 [hbm:s0], s1  }
0x62: {  	s0 =	simm.s32 @!p0 $0x1  }
0x63: {  	_ =	swait.ge @!p0 [sflag:s0], s1  }
0x64: {  	s1 =	ssub.s32 @!p0 $0x0, s1;
	[sflag:s0] =	ssyncset.done @!p0 $0x0  }
0x65: {  	[sflag:s0] =	ssyncadd.s32 @!p0 s1  }
0x66: {  	[bflag:$0x3] =	sbarrier.arrive $0xFFFF  }
0x67: {  	_ =	shalt  }

// kernel: kernel.8.cloned.1.call-start
scs
__scs_entry_jumppad:
0x0: {  	(pc) =	sbr.rel $0x88, $3  }
0x1: {  	(tag) =	ssettag $0x0;
	lr =	simm.s32 $0x1  }
0x2: {  	[smem:$0x3F93] =	sst lr;
	_ =	strace $0xD0000000  }
0x3: {  	_ = 	snop  }
0x4: {  	_ = 	snop  }
0x5: {  	_ = 	snop  }
0x6: {  	_ = 	snop  }
0x7: {  	_ = 	snop  }
__scs_overlays_trampoline_lowered:
0x8: {  	[smem:$0x3FA2] =	sst s0  }
0x9: {  	[smem:$0x3FA3] =	sst s1  }
0xa: {  	[smem:$0x3FA4] =	sst s2  }
0xb: {  	[smem:$0x3FA5] =	sst s3  }
0xc: {  	[smem:$0x3FA6] =	sst s4  }
0xd: {  	[smem:$0x3FA7] =	sst s5  }
0xe: {  	[smem:$0x3FA8] =	sst s6  }
0xf: {  	[smem:$0x3FA9] =	sst s7  }
0x10: {  	[smem:$0x3FAA] =	sst s8  }
0x11: {  	[smem:$0x3FAB] =	sst s9;
	s0 =	simm.s32 @!p0 $0x0  }
0x12: {  	s1 =	sld [smem:$0x3F91];
	s0 =	simm.s32 @p0 $0x1  }
0x13: {  	[smem:$0x3FAC] =	sst s0;
	s0 =	simm.s32 @!p1 $0x0  }
0x14: {  	s2 =	sld [smem:$0x3F90];
	s0 =	simm.s32 @p1 $0x1  }
0x15: {  	[smem:$0x3FAD] =	sst s0;
	s0 =	simm.s32 @!p2 $0x0  }
0x16: {  	s3 =	sld [smem:$0x3FDB];
	s0 =	simm.s32 @p2 $0x1  }
0x17: {  	s4 =	simm.s32 $0x1BF5;
	[smem:$0x3FAF] =	sst s0  }
0x18: {  	s0 =	sld [smem:$0x3F92];
	_ =	swait.ge [sflag:s4], $0x0  }
0x19: {  	s7 =	sld [smem:$0x3F93]  }
0x1a: {  	s8 =	sadd.s32 $0xFFFFE003, lr  }
0x1b: {  	s9 =	sadd.s32 $0xFFFFFEF7, lr;
	s5 =	simm.s32 $0xFFFFFFFF;
	p2 =	slt.u32 s8, $0xFFFFF086  }
0x1c: {  	p1 =	slt.u32 s9, $0xF7A;
	s5 =	simm.s32 @!p2 $0x0  }
0x1d: {  	s5 =	simm.s32 @p1 $0x1;
	p0 =	seq.s32 s7, s2  }
0x1e: {  	s7 =	smul.u32 @!p0 $0xF7A, s2;
	p2 =	seq.s32 @!p0 s5, $0x0  }
0x1f: {  	s9 =	smul.u32 $0xF7A, s1;
	s8 =	simm.s32 @!p0 $0x1BF5;
	p2 =	por !p2, p0  }
0x20: {  	[sflag:s8] =	ssyncset.s32 @!p0 $0xFFFFF086;
	s6 =	sadd.s32 @!p0 s3, s7;
	s7 =	simm.s32 @!p0 $0x108  }
0x21: {  	s3 =	sadd.s32 s3, s9;
	s6 =	sadd.s32 @!p0 $0x88, s6;
	s7 =	simm.s32 @p2 $0x1082  }
0x22: {  	[simem:s7], [sflag:s8] =	dma.local @!p0 [hbm:s6], $0xF7A  }
0x23: {  	s9 =	sor.u32 $0xD0000000, s2;
	s6 =	simm.s32 $0x108;
	_ =	swait.ge @!p0 [sflag:s8], $0x0  }
0x24: {  	s3 =	sadd.s32 $0x88, s3;
	s6 =	simm.s32 @!p1 $0x1082;
	[sflag:s4] =	ssyncset.s32 $0xFFFFF086  }
0x25: {  	[simem:s6], [sflag:s4] =	dma.local [hbm:s3], $0xF7A  }
0x26: {  	[smem:$0x3F93] =	sst s1;
	(tag) =	ssettag s2;
	_ =	strace s9  }
0x27: {  	s1 =	sld [smem:$0x3FA3]  }
0x28: {  	s2 =	sld [smem:$0x3FA4]  }
0x29: {  	s4 =	sld [smem:$0x3FA6]  }
0x2a: {  	p0 =	seq.s32 s5, $0x0;
	s5 =	sld [smem:$0x3FA7]  }
0x2b: {  	s6 =	sld [smem:$0x3FA8]  }
0x2c: {  	s7 =	sld [smem:$0x3FA9]  }
0x2d: {  	s3 =	simm.s32 $0x108;
	s8 =	sld [smem:$0x3FAA]  }
0x2e: {  	s3 =	simm.s32 @!p0 $0x1082;
	s9 =	sld [smem:$0x3FAB]  }
0x2f: {  	lr =	sadd.s32 s0, s3;
	s0 =	sld [smem:$0x3FA2]  }
0x30: {  	s3 =	sld [smem:$0x3FA5]  }
0x31: {  	[smem:$0x3FAE] =	sst s10  }
0x32: {  	s10 =	sld [smem:$0x3FAC];
	_ =	sdelay $0x3  }
0x33: {  	p0 =	seq.s32 s10, $0x1;
	s10 =	sld [smem:$0x3FAE];
	_ =	sdelay $0x3  }
0x34: {  	[smem:$0x3FAE] =	sst s10  }
0x35: {  	s10 =	sld [smem:$0x3FAD];
	_ =	sdelay $0x3  }
0x36: {  	p1 =	seq.s32 s10, $0x1;
	s10 =	sld [smem:$0x3FAE];
	_ =	sdelay $0x3  }
0x37: {  	[smem:$0x3FAE] =	sst s10  }
0x38: {  	s10 =	sld [smem:$0x3FAF]  }
0x39: {  	_ = 	snop;
	(pc) =	sbr.ind lr, $3  }
0x3a: {  	_ = 	snop  }
0x3b: {  	_ = 	snop  }
0x3c: {  	p2 =	seq.s32 s10, $0x1;
	s10 =	sld [smem:$0x3FAE]  }
0x3d: {  	_ =	shalt  }
0x3e: {  	_ =	shalt  }
0x3f: {  	_ =	shalt  }
0x40: {  	_ =	shalt  }
0x41: {  	_ =	shalt  }
0x42: {  	_ =	shalt  }
0x43: {  	_ =	shalt  }
0x44: {  	_ =	shalt  }
0x45: {  	_ =	shalt  }
0x46: {  	_ =	shalt  }
0x47: {  	_ =	shalt  }
0x48: {  	_ =	shalt  }
0x49: {  	_ =	shalt  }
0x4a: {  	_ =	shalt  }
0x4b: {  	_ =	shalt  }
0x4c: {  	_ =	shalt  }
0x4d: {  	_ =	shalt  }
0x4e: {  	_ =	shalt  }
0x4f: {  	_ =	shalt  }
0x50: {  	_ =	shalt  }
0x51: {  	_ =	shalt  }
0x52: {  	_ =	shalt  }
0x53: {  	_ =	shalt  }
0x54: {  	_ =	shalt  }
0x55: {  	_ =	shalt  }
0x56: {  	_ =	shalt  }
0x57: {  	_ =	shalt  }
0x58: {  	_ =	shalt  }
0x59: {  	_ =	shalt  }
0x5a: {  	_ =	shalt  }
0x5b: {  	_ =	shalt  }
0x5c: {  	_ =	shalt  }
0x5d: {  	_ =	shalt  }
0x5e: {  	_ =	shalt  }
0x5f: {  	_ =	shalt  }
0x60: {  	_ =	shalt  }
0x61: {  	_ =	shalt  }
0x62: {  	_ =	shalt  }
0x63: {  	_ =	shalt  }
0x64: {  	_ =	shalt  }
0x65: {  	_ =	shalt  }
0x66: {  	_ =	shalt  }
0x67: {  	_ =	shalt  }
0x68: {  	_ =	shalt  }
0x69: {  	_ =	shalt  }
0x6a: {  	_ =	shalt  }
0x6b: {  	_ =	shalt  }
0x6c: {  	_ =	shalt  }
0x6d: {  	_ =	shalt  }
0x6e: {  	_ =	shalt  }
0x6f: {  	_ =	shalt  }
0x70: {  	_ =	shalt  }
0x71: {  	_ =	shalt  }
0x72: {  	_ =	shalt  }
0x73: {  	_ =	shalt  }
0x74: {  	_ =	shalt  }
0x75: {  	_ =	shalt  }
0x76: {  	_ =	shalt  }
0x77: {  	_ =	shalt  }
0x78: {  	_ =	shalt  }
0x79: {  	_ =	shalt  }
0x7a: {  	_ =	shalt  }
0x7b: {  	_ =	shalt  }
0x7c: {  	_ =	shalt  }
0x7d: {  	_ =	shalt  }
0x7e: {  	_ =	shalt  }
0x7f: {  	_ =	shalt  }
0x80: {  	_ =	shalt  }
0x81: {  	_ =	shalt  }
0x82: {  	_ =	shalt  }
0x83: {  	_ =	shalt  }
0x84: {  	_ =	shalt  }
0x85: {  	_ =	shalt  }
0x86: {  	_ =	shalt  }
0x87: {  	_ =	shalt  }
.Lfunc_end0:
.L_simem_size_0:
called_computation.1_lowered:
.L_overlay_start_0:
0x88: {  	s2 =	sld [smem:$0x3FD9]  }
0x89: {  	s3 =	sld [smem:$0x3FFE];
	_ =	sdelay $0x1  }
0x8a: {  	s1 =	srdreg.scid  }
0x8b: {  	s0 =	sand.u32 $0x1, s1  }
0x8c: {  	s17 =	sshll.u32 s0, $0xA;
	s2 =	sadd.s32 s3, s2  }
0x8d: {  	s2 =	sadd.s32 s2, s17  }
0x8e: {  	[smem:$0x3FBA] =	sst s2  }
0x8f: {  	_ = 	snop  }
0x90: {  	s2 =	sld [smem:$0x3FC7]  }
0x91: {  	s18 =	sld [smem:$0x3FC6]  }
0x92: {  	s4 =	sld [smem:$0x3FC5]  }
0x93: {  	s5 =	sld [smem:$0x3FC4]  }
0x94: {  	s6 =	sld [smem:$0x3FC3]  }
0x95: {  	s7 =	sld [smem:$0x3FC2]  }
0x96: {  	s8 =	sld [smem:$0x3FC1]  }
0x97: {  	s9 =	sld [smem:$0x3FC0]  }
0x98: {  	s10 =	sld [smem:$0x3FBF]  }
0x99: {  	s11 =	sld [smem:$0x3FBE]  }
0x9a: {  	s12 =	sld [smem:$0x3FD0];
	(tm) =	ssettm $0x1  }
0x9b: {  	s13 =	sld [smem:$0x3FFB];
	_ =	sdelay $0x3  }
0x9c: {  	_ =	strace s13  }
0x9d: {  	s13 =	sld [smem:$0x3FFC];
	_ =	sdelay $0x3  }
0x9e: {  	_ =	strace s13  }
0x9f: {  	s13 =	sld [smem:$0x3FFD];
	_ =	sdelay $0x3  }
0xa0: {  	_ =	strace s13  }
0xa1: {  	_ =	strace $0x8FFFFFFF  }
0xa2: {  	s19 =	sld [smem:$0x3FDB];
	_ =	sdelay $0x1  }
0xa3: {  	s14 =	simm.s32 $_scs_section_size  }
0xa4: {  	s15 =	simm.s32 $_size__tile_overlayer_lowered;
	s16 =	simm.s32 $_tile_overlayer_lowered  }
0xa5: {  	s22 =	simm.s32 $0x1BFF;
	s21 =	sshll.u32 s16, $0x1;
	s13 =	sadd.s32 s14, s19  }
0xa6: {  	s20 =	sshll.u32 s15, $0x1;
	s17 =	simm.s32 $0x0;
	s15 =	sadd.s32 s21, s13  }
0xa7: {  	[timem:s17], [sflag:s22] =	dma.local [hbm:s15], s20  }
0xa8: {  	_ =	swait.ge [sflag:s22], s20  }
0xa9: {  	s14 =	ssub.s32 $0x0, s20;
	[sflag:s22] =	ssyncset.done $0x0  }
0xaa: {  	[sflag:s22] =	ssyncadd.s32 s14;
	_ =	sdelay $0x1  }
0xab: {  	s23 =	simm.s32 $0x1B8B  }
0xac: {  	_ =	swait.ge [sflag:s23], $0x1  }
0xad: {  	[sflag:s23] =	ssyncset.done $0x0  }
0xae: {  	s25 =	simm.s32 $0x1B8E;
	s24 =	sld [smem:$0x3FFE];
	[sflag:s23] =	ssyncadd.s32 $0xFFFFFFFF  }
0xaf: {  	s26 =	simm.s32 $execute0_lowered;
	[smem:$0x3FD2] =	sst s25  }
0xb0: {  	s15 =	sshll.u32 s26, $0x1;
	_ =	strace $0x80000049;
	[dreg:$0x1] =	wrdreg $0xFFFFFFFF  }
0xb1: {  	s28 =	simm.s32 $_size_execute0_lowered;
	s13 =	sadd.s32 s13, s15;
	[dreg:$0x0] =	wrdreg $0x0  }
0xb2: {  	s15 =	sshll.u32 s28, $0x1;
	[dreg:$0x2] =	wrdreg s13  }
0xb3: {  	[dreg:$0x3] =	wrdreg s15  }
0xb4: {  	[dreg:$0x4] =	wrdreg $0xC0  }
0xb5: {  	_ =	task [dreg:s17], $0x5FFFF  }
0xb6: {  	[dreg:$0x1] =	wrdreg $0xFFFFFFFF  }
0xb7: {  	[dreg:$0x0] =	wrdreg $0x60  }
0xb8: {  	[dreg:$0x2] =	wrdreg s12  }
0xb9: {  	[dreg:$0x3] =	wrdreg s24  }
0xba: {  	[dreg:$0x4] =	wrdreg s2  }
0xbb: {  	[dreg:$0x5] =	wrdreg s18  }
0xbc: {  	[dreg:$0x6] =	wrdreg s4  }
0xbd: {  	[dreg:$0x7] =	wrdreg s5  }
0xbe: {  	[dreg:$0x8] =	wrdreg s6  }
0xbf: {  	[dreg:$0x9] =	wrdreg s7  }
0xc0: {  	[dreg:$0xa] =	wrdreg s8  }
0xc1: {  	[dreg:$0xb] =	wrdreg s9  }
0xc2: {  	[dreg:$0xc] =	wrdreg s10  }
0xc3: {  	[dreg:$0xd] =	wrdreg s11  }
0xc4: {  	[dreg:$0xe] =	wrdreg $0x9  }
0xc5: {  	_ =	task.clear_ibuf [dreg:s17], $0xFFFFF;
	_ =	strace $0x90000049  }
0xc6: {  	s29 =	simm.s32 $0x9;
	_ =	strace $0x8000004B  }
0xc7: {  	_ =	swait.ge [sflag:s29], $0x1  }
0xc8: {  	[sflag:s29] =	ssyncadd.s32 $0xFFFFFFFF  }
0xc9: {  	_ =	strace $0x9000004B  }
0xca: {  	_ =	sfence  }
0xcb: {  	s30 =	sld [smem:$0x0];
	_ =	sdelay $0x2  }
0xcc: {  	s31 =	sshll.u32 s1, $0xD;
	s1 =	sshrl.u32 s1, $0x2  }
0xcd: {  	s3 =	sand.u32 $0x4000, s31;
	s1 =	sadd.s32 s1, s30  }
0xce: {  	s0 =	sor.u32 s3, s0;
	s1 =	sshll.u32 s1, $0x11  }
0xcf: {  	s0 =	sor.u32 s1, s0  }
0xd0: {  	s0 =	sadd.s32 $0x8F2B, s0  }
0xd1: {  	[sflag:s0] =	ssyncadd.remote.s32 $0x1  }
0xd2: {  	_ =	sfence.sel $0xFFFF  }
0xd3: {  	[dreg:$0x0] =	wrdreg $0xFFFFFFFF;
	(pc) =	sbr.abs _section_cstart, $3  }
0xd4: {  	[dreg:$0x1] =	wrdreg $0xFFFFFFFF  }
0xd5: {  	_ =	task.clear_ibuf [dreg:s17], $0x2FFFF;
	_ =	strace $0x9FFFFFFF  }
0xd6: {  	(tm) =	ssettm $0x7FFFFFFF  }
0xd7: {  	_ =	shalt  }
tec
execute0_lowered:
.L_overlay_start_1:
0x0: {  	(tag) =	ssettag $0x1  }
0x1: {  	s5 =	rddreg [dreg:$0x0]  }
0x2: {  	s9 =	rddreg [dreg:$0x1]  }
0x3: {  	s0 =	rddreg [dreg:$0x2]  }
0x4: {  	s1 =	rddreg [dreg:$0x3]  }
0x5: {  	s2 =	rddreg [dreg:$0x4]  }
0x6: {  	s3 =	rddreg [dreg:$0x5]  }
0x7: {  	s4 =	rddreg [dreg:$0x6]  }
0x8: {  	s6 =	rddreg [dreg:$0x7]  }
0x9: {  	s7 =	rddreg [dreg:$0x8]  }
0xa: {  	s8 =	rddreg [dreg:$0x9]  }
0xb: {  	s10 =	srdreg.scid;
	s12 =	simm.s32 $0x0;
	s13 =	stileid.u32  }
0xc: {  	s28 =	simm.s32 $0x1C500;
	[smem:$0x7FF] =	sst s12;
	s23 =	sadd.s32 $0xC8, s3  }
0xd: {  	s24 =	sadd.s32 $0xC8, s4;
	_ =	strace $0x8000004A;
	[dreg:$0xf] =	wrdreg s23  }
0xe: {  	s29 =	simm.s32 $0x2;
	s25 =	sadd.s32 $0xC8, s0;
	[dreg:$0x10] =	wrdreg s24  }
0xf: {  	s30 =	simm.s32 $0x17FC0;
	s26 =	sadd.s32 $0xC8, s1;
	[dreg:$0x11] =	wrdreg s25  }
0x10: {  	s10 =	sand.u32 $0x1, s10;
	s31 =	sadd.s32 $0xC8, s2;
	[dreg:$0x12] =	wrdreg s26  }
0x11: {  	s14 =	sadd.s32 $0x3600, s9;
	s19 =	sadd.s32 $0x2710, s0;
	[dreg:$0x13] =	wrdreg s31  }
0x12: {  	s20 =	sadd.s32 $0x2710, s1;
	s21 =	sadd.s32 $0x2710, s2;
	[dreg:$0x18] =	wrdreg s19  }
0x13: {  	s11 =	sshll.u32 s10, $0x4;
	s10 =	ssub.s32 $0x2, s10;
	[dreg:$0x19] =	wrdreg s20  }
0x14: {  	[dreg:$0x1a] =	wrdreg s21;
	s23 =	sadd.s32 $0xC8, s7;
	s24 =	sadd.s32 $0xC8, s8  }
0x15: {  	s25 =	sadd.s32 $0x27D8, s0;
	s26 =	sadd.s32 $0x27D8, s1;
	[dreg:$0x1c] =	wrdreg s23  }
0x16: {  	s31 =	sadd.s32 $0x27D8, s2;
	s19 =	simm.s32 $0x17340;
	[dreg:$0x1d] =	wrdreg s24  }
0x17: {  	s20 =	simm.s32 $0x18C40;
	s21 =	simm.s32 $0x198C0;
	[dreg:$0x1e] =	wrdreg s25  }
0x18: {  	s11 =	sor.u32 s13, s11;
	s17 =	sshrl.u32 s10, $0x1;
	[dreg:$0x1f] =	wrdreg s26  }
0x19: {  	[smem:$0x7FD] =	sst s31;
	s23 =	simm.s32 $0x1B1C0;
	s24 =	simm.s32 $0x1BE40  }
0x1a: {  	s13 =	sshll.u32 s11, $0x3;
	s11 =	smul.u32 $0x1388, s11;
	s10 =	ssub.s32 s10, s17  }
0x1b: {  	s25 =	simm.s32 $0x1;
	s26 =	simm.s32 $0x9C80;
	s18 =	smax.u32 s10, $0x1  }
0x1c: {  	s15 =	sadd.s32 s13, s9;
	s5 =	sadd.s32 s5, s11;
	[dreg:$0x17] =	wrdreg s18  }
0x1d: {  	s13 =	sadd.s32 $0xE00, s9;
	s22 =	sadd.s32 $0x5E00, s15;
	[dreg:$0xd] =	wrdreg s5  }
0x1e: {  	s16 =	sadd.s32 s11, s9;
	s11 =	sadd.s32 $0xEC8, s9;
	[dreg:$0xe] =	wrdreg s22  }
0x1f: {  	s15 =	sadd.s32 $0x36C8, s9;
	s18 =	simm.s32 $0x166C0;
	[dreg:$0x14] =	wrdreg s11  }
0x20: {  	s9 =	simm.s32 $0x0;
	[dreg:$0x15] =	wrdreg s15;
	s17 =	sadd.s32 $0x6000, s16  }
0x21: {  	v0 =	vimm.f32 $0.0e+00;
	s22 =	sadd.s32 $0xC8, s6;
	s15 =	simm.s32 $0x3;
	[dreg:$0x16] =	wrdreg s17  }
0x22: {  	v1 =	vimm.s32 $0xFFFFFFFF;
	v2 =	vimm.f32 $1.000000000e+00;
	v3 =	vimm.s32 $0x0;
	[dreg:$0x1b] =	wrdreg s22;
	s17 =	simm.s32 $0x13900;
	s22 =	simm.s32 $0x1A540  }
.LBB2_1:
0x23: {  	[smem:$0x7FC] =	sst s9  }
0x24: {  	s5 =	rddreg [dreg:$0xd]  }
0x25: {  	[tilespmem:s12], [sflag:$0x3] =	stream.linear.gather [hbm4b:s5+s12], $0x9C40, $0x38;
	[tilespmem:$0x1C900] =	vst v63  }
0x26: {  	_ =	swait.ge [sflag:s15], $0x9C40  }
0x27: {  	[sflag:s15] =	ssyncset.done $0x0  }
0x28: {  	s31 =	simm.s32 $0x1C480;
	s16 =	rddreg [dreg:$0xe];
	[sflag:s15] =	ssyncadd.s32 $0xFFFF63C0  }
0x29: {  	[tilespmem:s31], [sflag:$0x3] =	stream.linear.gather [hbm4b:s16+s12], $0x40, $0x38;
	[tilespmem:$0x1C900] =	vst v63  }
0x2a: {  	_ =	swait.ge [sflag:s15], $0x40  }
0x2b: {  	[sflag:s15] =	ssyncset.done $0x0  }
0x2c: {  	[sflag:s15] =	ssyncadd.s32 $0xFFFFFFC0  }
0x2d: {  	s11 =	simm.s32 $0x16D00;
	s10 =	rddreg [dreg:$0xa]  }
0x2e: {  	[tilespmem:s11], [sflag:$0x3] =	stream.linear.gather [hbm4b:s10+s12], $0x7D0, $0x38;
	[tilespmem:$0x1C900] =	vst v63  }
0x2f: {  	_ =	swait.ge [sflag:s15], $0x7D0  }
0x30: {  	[sflag:s15] =	ssyncset.done $0x0  }
0x31: {  	[sflag:s15] =	ssyncadd.s32 $0xFFFFF830  }
0x32: {  	s31 =	simm.s32 $0x17980;
	s16 =	rddreg [dreg:$0xb]  }
0x33: {  	[tilespmem:s31], [sflag:$0x3] =	stream.linear.gather [hbm4b:s16+s12], $0x7D0, $0x38;
	[tilespmem:$0x1C900] =	vst v63  }
0x34: {  	_ =	swait.ge [sflag:s15], $0x7D0  }
0x35: {  	[sflag:s15] =	ssyncset.done $0x0  }
0x36: {  	s9 =	simm.s32 $0x0;
	s5 =	simm.s32 $0x40;
	[sflag:s15] =	ssyncadd.s32 $0xFFFFF830  }
.LBB2_2:
0x37: {  	p0 =	sne.s32 s5, $0x270C0;
	[tilespmem:s9+$0x9C80] =	vst v0;
	s9 =	smov.u32 s5;
	s5 =	sadd.s32 $0x40, s5  }
.Ltmp0:
0x38: {  	(pc) =	sbr.rel @p0 .LBB2_2-.Ltmp0, $2  }
0x39: {  	_ =	sdelay $0x2  }
0x3a: {  	s9 =	sshra.s32 s9, $0x2  }
0x3b: {  	[tilespmem:s9+$0x9C80] =	vst v0;
	s5 =	simm.s32 $0x40;
	s9 =	simm.s32 $0x0  }
.LBB2_4:
0x3c: {  	p0 =	sne.s32 s5, $0x9C00;
	[tilespmem:s9+$0x13900] =	vst v0;
	s9 =	smov.u32 s5;
	s5 =	sadd.s32 $0x40, s5  }
.Ltmp1:
0x3d: {  	(pc) =	sbr.rel @p0 .LBB2_4-.Ltmp1, $2  }
0x3e: {  	_ =	sdelay $0x2  }
0x3f: {  	s9 =	sshra.s32 s9, $0x2  }
0x40: {  	[tilespmem:s9+$0x13900] =	vst v0;
	s5 =	simm.s32 $0x40;
	s9 =	simm.s32 $0x0  }
.LBB2_6:
0x41: {  	p0 =	sne.s32 s5, $0xFC0;
	[tilespmem:s9+$0x1C500] =	vst v1;
	s9 =	smov.u32 s5;
	s5 =	sadd.s32 $0x40, s5  }
.Ltmp2:
0x42: {  	(pc) =	sbr.rel @p0 .LBB2_6-.Ltmp2, $2  }
0x43: {  	_ =	sdelay $0x2  }
0x44: {  	s9 =	sshra.s32 s9, $0x2  }
0x45: {  	[tilespmem:s9+$0x1C500] =	vst v1;
	s11 =	simm.s32 $0x0  }
0x46: {  	v5 =	vld [tilespmem:s11+$0x16D00];
	_ =	sdelay $0x4  }
0x47: {  	v4 =	vadd.s32 $0x7530, v5  }
0x48: {  	v7 =	vadd.s32 $0x2710, v5  }
0x49: {  	s9 =	simm.s32 $0x10;
	v8 =	vadd.s32 $0x4E20, v5  }
0x4a: {  	v6 =	vld [tilespmem:s9+$0x16D00]  }
0x4b: {  	s10 =	simm.s32 $0x0;
	[tilespmem:v5+s17+$0x0] =	vst.idx.add.f32.msk $0xffff, v2  }
0x4c: {  	v9 =	vld.idx.msk [tilespmem:v4+s10+$0x0], $0xffff  }
0x4d: {  	v7 =	vld.idx.msk [tilespmem:v7+s10+$0x0], $0xffff  }
0x4e: {  	v8 =	vld.idx.msk [tilespmem:v8+s10+$0x0], $0xffff  }
0x4f: {  	v15 =	vadd.s32 $0x7530, v6;
	v11 =	vld.idx.msk [tilespmem:v5+s10+$0x0], $0xffff  }
0x50: {  	v13 =	vadd.s32 $0x2710, v6  }
0x51: {  	s5 =	simm.s32 $0x20;
	v10 =	vimm.f32 $0.0e+00;
	v12 =	vadd.s32 $0x4E20, v6;
	v4 =	vimm.f32 $0.0e+00  }
0x52: {  	s16 =	simm.s32 $0xC0;
	v14 =	vld [tilespmem:s5+$0x16D00];
	v5 =	vadd.f32 v9, v4;
	v7 =	vadd.f32 v7, v4;
	v9 =	vimm.f32 $0.0e+00  }
.LBB2_8:
0x53: {  	p0 =	sne.s32 s16, $0x1F00;
	[tilespmem:v6+s17+$0x0] =	vst.idx.add.f32.msk $0xffff, v2;
	v9 =	vadd.f32 v8, v9  }
0x54: {  	v10 =	vadd.f32 v11, v10;
	v16 =	vld.idx.msk [tilespmem:v15+s10+$0x0], $0xffff  }
0x55: {  	v17 =	vld.idx.msk [tilespmem:v13+s10+$0x0], $0xffff  }
0x56: {  	v8 =	vld.idx.msk [tilespmem:v12+s10+$0x0], $0xffff  }
.Ltmp3:
0x57: {  	v13 =	vadd.s32 $0x2710, v14;
	v12 =	vadd.s32 $0x4E20, v14;
	v11 =	vld.idx.msk [tilespmem:v6+s10+$0x0], $0xffff;
	v6 =	vmov v14;
	(pc) =	sbr.rel @p0 .LBB2_8-.Ltmp3, $3  }
0x58: {  	v15 =	vadd.s32 $0x7530, v6;
	_ =	sdelay $0x1  }
0x59: {  	s31 =	sshra.s32 s16, $0x2;
	v5 =	vadd.f32 v16, v5  }
0x5a: {  	s16 =	sadd.s32 $0x40, s16;
	v7 =	vadd.f32 v17, v7;
	v14 =	vld [tilespmem:s31+$0x16D00]  }
0x5b: {  	_ =	sdelay $0x5  }
0x5c: {  	[tilespmem:v6+s17+$0x0] =	vst.idx.add.f32.msk $0xffff, v2  }
0x5d: {  	v15 =	vld.idx.msk [tilespmem:v15+s10+$0x0], $0xffff  }
0x5e: {  	[tilespmem:v14+s17+$0x0] =	vst.idx.add.f32.msk $0xffff, v2  }
0x5f: {  	v18 =	vld [tilespmem:s11+$0x17980]  }
0x60: {  	v13 =	vld.idx.msk [tilespmem:v13+s10+$0x0], $0xffff;
	v16 =	vadd.s32 $0x7530, v14  }
0x61: {  	v12 =	vld.idx.msk [tilespmem:v12+s10+$0x0], $0xffff;
	v17 =	vadd.s32 $0x2710, v14  }
0x62: {  	v6 =	vld.idx.msk [tilespmem:v6+s10+$0x0], $0xffff;
	v19 =	vadd.s32 $0x4E20, v14  }
0x63: {  	v14 =	vld.idx.msk [tilespmem:v14+s10+$0x0], $0xffff  }
0x64: {  	v22 =	vld [tilespmem:s9+$0x17980];
	v20 =	vadd.s32 $0x7530, v18  }
0x65: {  	v16 =	vld.idx.msk [tilespmem:v16+s10+$0x0], $0xffff;
	v21 =	vadd.s32 $0x2710, v18  }
0x66: {  	v8 =	vadd.f32 v8, v9;
	v9 =	vadd.f32 v11, v10;
	v17 =	vld.idx.msk [tilespmem:v17+s10+$0x0], $0xffff;
	v10 =	vadd.s32 $0x4E20, v18  }
0x67: {  	v19 =	vld.idx.msk [tilespmem:v19+s10+$0x0], $0xffff  }
0x68: {  	v23 =	vld.idx.msk [tilespmem:v18+s12+$0x0], $0xffff  }
0x69: {  	v11 =	vld.idx.msk [tilespmem:v20+s12+$0x0], $0xffff  }
0x6a: {  	v5 =	vadd.f32 v15, v5;
	v18 =	vld.idx.msk [tilespmem:v21+s12+$0x0], $0xffff  }
0x6b: {  	v8 =	vadd.f32 v12, v8;
	v9 =	vadd.f32 v6, v9;
	v12 =	vld.idx.msk [tilespmem:v10+s12+$0x0], $0xffff  }
0x6c: {  	v7 =	vadd.f32 v13, v7;
	v5 =	vadd.f32 v16, v5;
	v16 =	vadd.s32 $0x7530, v22  }
0x6d: {  	v6 =	vadd.f32 v19, v8;
	v8 =	vadd.f32 v14, v9;
	v14 =	vadd.s32 $0x2710, v22  }
0x6e: {  	v13 =	vadd.s32 $0x4E20, v22;
	v7 =	vadd.f32 v17, v7;
	v10 =	vadd.f32 v23, v4  }
0x6f: {  	s9 =	simm.s32 $0xC0;
	v15 =	vld.idx.msk [tilespmem:v22+s12+$0x0], $0xffff;
	v9 =	vadd.f32 v11, v4;
	v11 =	vadd.f32 v18, v4  }
.LBB2_10:
0x70: {  	p0 =	sne.s32 s9, $0x1F00;
	v17 =	vld [tilespmem:s5+$0x17980];
	v4 =	vadd.f32 v12, v4  }
0x71: {  	v18 =	vld.idx.msk [tilespmem:v16+s12+$0x0], $0xffff  }
0x72: {  	v19 =	vld.idx.msk [tilespmem:v14+s12+$0x0], $0xffff  }
0x73: {  	v12 =	vld.idx.msk [tilespmem:v13+s12+$0x0], $0xffff  }
.Ltmp4:
0x74: {  	(pc) =	sbr.rel @p0 .LBB2_10-.Ltmp4, $4  }
0x75: {  	v14 =	vadd.s32 $0x2710, v17;
	v13 =	vadd.s32 $0x4E20, v17;
	v16 =	vadd.s32 $0x7530, v17  }
0x76: {  	v10 =	vadd.f32 v15, v10  }
0x77: {  	v9 =	vadd.f32 v18, v9  }
0x78: {  	s5 =	sshra.s32 s9, $0x2;
	s9 =	sadd.s32 $0x40, s9;
	v11 =	vadd.f32 v19, v11;
	v15 =	vld.idx.msk [tilespmem:v17+s12+$0x0], $0xffff  }
0x79: {  	v17 =	vld [tilespmem:s5+$0x17980];
	_ =	sdelay $0x4  }
0x7a: {  	v18 =	vadd.s32 $0x2710, v17  }
0x7b: {  	v16 =	vld.idx.msk [tilespmem:v16+s12+$0x0], $0xffff;
	v19 =	vadd.s32 $0x4E20, v17  }
0x7c: {  	v14 =	vld.idx.msk [tilespmem:v14+s12+$0x0], $0xffff;
	v20 =	vadd.s32 $0x7530, v17  }
0x7d: {  	v13 =	vld.idx.msk [tilespmem:v13+s12+$0x0], $0xffff  }
0x7e: {  	v17 =	vld.idx.msk [tilespmem:v17+s12+$0x0], $0xffff  }
0x7f: {  	v18 =	vld.idx.msk [tilespmem:v18+s12+$0x0], $0xffff  }
0x80: {  	v19 =	vld.idx.msk [tilespmem:v19+s12+$0x0], $0xffff  }
0x81: {  	v4 =	vadd.f32 v12, v4;
	(xrf2) =	vadd.scan.msk.f32 $0xffff, v8;
	v10 =	vadd.f32 v15, v10;
	v12 =	vld.idx.msk [tilespmem:v20+s12+$0x0], $0xffff  }
0x82: {  	(xrf2) =	vadd.scan.msk.f32 $0xffff, v7;
	v8 =	vadd.f32 v14, v11  }
0x83: {  	(xrf2) =	vadd.scan.msk.f32 $0xffff, v6;
	v4 =	vadd.f32 v13, v4;
	v60 =	vadd.f32 v17, v10  }
0x84: {  	(xrf2) =	vadd.scan.msk.f32 $0xffff, v5;
	v61 =	vadd.f32 v16, v9;
	v8 =	vadd.f32 v18, v8  }
0x85: {  	v4 =	vadd.f32 v19, v4;
	(xrf2) =	vadd.scan.msk.f32 $0xffff, v60  }
0x86: {  	v21 =	vld [tilespmem:$0x1C490];
	v5 =	vadd.f32 v12, v61;
	(xrf2) =	vadd.scan.msk.f32 $0xffff, v8  }
0x87: {  	v22 =	vld [tilespmem:$0x1C4A0];
	(xrf2) =	vadd.scan.msk.f32 $0xffff, v4  }
0x88: {  	v23 =	vld [tilespmem:$0x1C4B0];
	s11 =	simm.s32 $0x0;
	s16 =	simm.s32 $0x16080;
	(xrf2) =	vadd.scan.msk.f32 $0xffff, v5  }
0x89: {  	v20 =	vld [tilespmem:$0x1C480];
	[tilespmem:s16], [sflag:$0x1] =	stream.linear.gather [hbm4b:s3+s11], $0x640, $0x38  }
0x8a: {  	s31 =	simm.s32 $0x16D00  }
0x8b: {  	[tilespmem:s31], [sflag:$0x1] =	stream.linear.gather [hbm4b:s4+s11], $0x640, $0x38;
	v4, _, _ =	vpop (xrf2);
	[tilespmem:$0x1C900] =	vst v63  }
0x8c: {  	s9 =	simm.s32 $0x18600;
	v5, _, _ =	vpop (xrf2)  }
0x8d: {  	[tilespmem:s9], [sflag:$0x1] =	stream.linear.gather [hbm4b:s0+s11], $0x640, $0x38;
	v62, _, _ =	vpop (xrf2);
	[tilespmem:$0x1C900] =	vst v63  }
0x8e: {  	s10 =	simm.s32 $0x19280;
	v12, _, _ =	vpop (xrf2)  }
0x8f: {  	[tilespmem:s10], [sflag:$0x1] =	stream.linear.gather [hbm4b:s1+s11], $0x640, $0x38;
	v7, _, _ =	vpop (xrf2);
	[tilespmem:$0x1C900] =	vst v63  }
0x90: {  	s16 =	simm.s32 $0x19F00;
	v10 =	vbroadcast v4, $0xF;
	v11 =	vbroadcast v7, $0xF;
	v9, _, _ =	vpop (xrf2)  }
0x91: {  	[tilespmem:s16], [sflag:$0x1] =	stream.linear.gather [hbm4b:s2+s11], $0x640, $0x38;
	v8 =	vbroadcast v5, $0xF;
	v4, _, _ =	vpop (xrf2);
	v9 =	vbroadcast v9, $0xF;
	[tilespmem:$0x1C900] =	vst v63  }
0x92: {  	s31 =	simm.s32 $0x1AB80;
	v6 =	vbroadcast v62, $0xF;
	v13 =	vadd.f32 v11, v10;
	v63 =	vbroadcast v4, $0xF;
	v5, _, _ =	vpop (xrf2)  }
0x93: {  	[tilespmem:s31], [sflag:$0x1] =	stream.linear.gather [hbm4b:s13+s11], $0x640, $0x38;
	v4 =	vbroadcast v12, $0xF;
	v5 =	vbroadcast v5, $0xF;
	v12 =	vadd.f32 v9, v8;
	[tilespmem:$0x1C900] =	vst v63  }
0x94: {  	s9 =	simm.s32 $0x1B800;
	v13 =	vmul.f32 $1.000000000e+02, v13;
	v14 =	vadd.f32 v63, v6  }
0x95: {  	[tilespmem:s9], [sflag:$0x1] =	stream.linear.gather [hbm4b:s14+s11], $0x640, $0x38;
	v12 =	vmul.f32 $1.000000000e+02, v12;
	v15 =	vadd.f32 v5, v4;
	[tilespmem:$0x1C900] =	vst v63  }
0x96: {  	s10 =	rddreg [dreg:$0xf];
	(erf) = vrcp.f32 v13;
	v13 =	vmul.f32 $1.000000000e+02, v14  }
0x97: {  	[tilespmem:s18], [sflag:$0x2] =	stream.linear.gather [hbm4b:s10+s11], $0x640, $0x38;
	(erf) = vrcp.f32 v12;
	v12 =	vmul.f32 $1.000000000e+02, v15;
	[tilespmem:$0x1C900] =	vst v63  }
0x98: {  	s16 =	rddreg [dreg:$0x10];
	(erf) = vrcp.f32 v13  }
0x99: {  	[tilespmem:s19], [sflag:$0x2] =	stream.linear.gather [hbm4b:s16+s11], $0x640, $0x38;
	(erf) = vrcp.f32 v12;
	[tilespmem:$0x1C900] =	vst v63  }
0x9a: {  	s31 =	rddreg [dreg:$0x11];
	[tilespmem:$0x1FFB0] =	vst v8  }
0x9b: {  	[tilespmem:s20], [sflag:$0x2] =	stream.linear.gather [hbm4b:s31+s11], $0x640, $0x38;
	[tilespmem:$0x1C900] =	vst v63  }
0x9c: {  	s9 =	rddreg [dreg:$0x12];
	[tilespmem:$0x1FFC0] =	vst v6  }
0x9d: {  	v24 =	vimm.f32 $0.0e+00;
	v28 =	vimm.f32 $0.0e+00;
	[tilespmem:s21], [sflag:$0x2] =	stream.linear.gather [hbm4b:s9+s11], $0x640, $0x38;
	[tilespmem:$0x1C900] =	vst v63  }
0x9e: {  	v32 =	vimm.f32 $0.0e+00;
	v34 =	vimm.f32 $0.0e+00;
	v25 =	vimm.f32 $0.0e+00;
	s10 =	rddreg [dreg:$0x13];
	[tilespmem:$0x1FFD0] =	vst v63  }
0x9f: {  	v31 =	vimm.f32 $0.0e+00;
	v33 =	vimm.f32 $0.0e+00;
	v16 =	vbroadcast v20, $0x1;
	[tilespmem:s22], [sflag:$0x2] =	stream.linear.gather [hbm4b:s10+s11], $0x640, $0x38;
	v12 =	vpop (erf);
	[tilespmem:$0x1C900] =	vst v63  }
0xa0: {  	v35 =	vimm.f32 $0.0e+00;
	v18 =	vbroadcast v22, $0x1;
	v19 =	vbroadcast v23, $0x1;
	s16 =	rddreg [dreg:$0x14];
	[tilespmem:$0x1FFE0] =	vst v4;
	v13 =	vpop (erf)  }
0xa1: {  	v14 =	vbroadcast v22, $0x0;
	[tilespmem:s23], [sflag:$0x2] =	stream.linear.gather [hbm4b:s16+s11], $0x640, $0x38;
	v26 =	vmin.f32 v12, $1.000000000e+00;
	v12 =	vbroadcast v20, $0x0;
	v15 =	vpop (erf);
	[tilespmem:$0x1C900] =	vst v63  }
0xa2: {  	s5 =	simm.s32 $0x0;
	s31 =	rddreg [dreg:$0x15];
	[tilespmem:$0x1FFF0] =	vst v5;
	v27 =	vmin.f32 v13, $1.000000000e+00;
	v29 =	vmin.f32 v15, $1.000000000e+00;
	v17 =	vpop (erf);
	v15 =	vbroadcast v23, $0x0  }
0xa3: {  	[tilespmem:s24], [sflag:$0x2] =	stream.linear.gather [hbm4b:s31+s11], $0x640, $0x38;
	v13 =	vbroadcast v21, $0x0;
	v30 =	vmin.f32 v17, $1.000000000e+00;
	v17 =	vbroadcast v21, $0x1;
	[tilespmem:$0x1C900] =	vst v63  }
.LBB2_12:
0xa4: {  	_ =	swait.ge [sflag:s25], $0x640  }
0xa5: {  	[sflag:s25] =	ssyncset.done $0x0  }
0xa6: {  	[sflag:s25] =	ssyncadd.s32 $0xFFFFF9C0  }
0xa7: {  	_ =	swait.ge [sflag:s25], $0x640  }
0xa8: {  	[sflag:s25] =	ssyncset.done $0x0  }
0xa9: {  	[sflag:s25] =	ssyncadd.s32 $0xFFFFF9C0  }
0xaa: {  	_ =	swait.ge [sflag:s25], $0x640  }
0xab: {  	[sflag:s25] =	ssyncset.done $0x0  }
0xac: {  	[sflag:s25] =	ssyncadd.s32 $0xFFFFF9C0  }
0xad: {  	_ =	swait.ge [sflag:s25], $0x640  }
0xae: {  	[sflag:s25] =	ssyncset.done $0x0  }
0xaf: {  	[sflag:s25] =	ssyncadd.s32 $0xFFFFF9C0  }
0xb0: {  	_ =	swait.ge [sflag:s25], $0x640  }
0xb1: {  	[sflag:s25] =	ssyncset.done $0x0  }
0xb2: {  	[sflag:s25] =	ssyncadd.s32 $0xFFFFF9C0  }
0xb3: {  	_ =	swait.ge [sflag:s25], $0x640  }
0xb4: {  	[sflag:s25] =	ssyncset.done $0x0  }
0xb5: {  	[sflag:s25] =	ssyncadd.s32 $0xFFFFF9C0  }
0xb6: {  	_ =	swait.ge [sflag:s25], $0x640  }
0xb7: {  	[sflag:s25] =	ssyncset.done $0x0  }
0xb8: {  	s9 =	simm.s32 $0x0;
	[sflag:s25] =	ssyncadd.s32 $0xFFFFF9C0  }
0xb9: {  	v36 =	vld [tilespmem:s9+$0x19280]  }
0xba: {  	v37 =	vld [tilespmem:s9+$0x19F00];
	_ =	sdelay $0x4  }
0xbb: {  	v38 =	vmul.f32 v36, v12;
	v39 =	vmul.f32 v37, v16  }
0xbc: {  	v40 =	vmul.f32 v36, v13;
	v41 =	vmul.f32 v37, v17  }
0xbd: {  	v42 =	vmul.f32 v36, v14;
	v61 =	vmul.f32 v37, v18;
	v38 =	vadd.f32 v39, v38  }
0xbe: {  	v36 =	vmul.f32 v36, v15;
	v37 =	vmul.f32 v37, v19;
	v40 =	vadd.f32 v41, v40  }
0xbf: {  	v39 =	vadd.f32 v61, v42;
	v38 =	vmul.f32 $1.442695020e+00, v38  }
0xc0: {  	v36 =	vadd.f32 v37, v36;
	v40 =	vmul.f32 $1.442695020e+00, v40  }
0xc1: {  	v63 =	vld [tilespmem:s9+$0x1AB80];
	v62 =	vmul.f32 $1.442695020e+00, v39;
	(erf) = vpow2.f32 v38  }
0xc2: {  	v6 =	vld [tilespmem:s9+$0x1B800];
	v36 =	vmul.f32 $1.442695020e+00, v36;
	(erf) = vpow2.f32 v40  }
0xc3: {  	v41 =	vld [tilespmem:s9+$0x16080];
	(erf) = vpow2.f32 v62  }
0xc4: {  	s10 =	simm.s32 $0x10;
	(erf) = vpow2.f32 v36  }
0xc5: {  	v42 =	vld [tilespmem:s10+$0x19F00]  }
0xc6: {  	v36 =	vld [tilespmem:s10+$0x19280]  }
0xc7: {  	v43 =	vld [tilespmem:s9+$0x18600]  }
0xc8: {  	vm2 =	vgt.f32 v6, $0.0e+00;
	vm0 =	vgt.f32 v63, $0.0e+00;
	v44 =	vadd.s32 $0x2710, v41  }
0xc9: {  	v48 =	vsel vm2, $0x1, v3;
	vm3 =	vmneg vm2;
	v39 =	vadd.s32 $0x7530, v41  }
0xca: {  	v53 =	vnsel vm0, $0x3F800000, v26;
	v55 =	vnsel vm0, $0x3F800000, v27;
	v40 =	vld [tilespmem:s9+$0x16D00];
	v45 =	vadd.s32 $0x4E20, v41;
	v49 =	vpop (erf)  }
0xcb: {  	v57 =	vnsel vm0, $0x3F800000, v29;
	(xrf0) =	vadd.scan.msk.s32 $0xffff, v48;
	v50 =	vmul.f32 v42, v16;
	v7 =	vld.idx.msk [tilespmem:v41+s12+$0x0], $0xffff;
	v47 =	vmul.f32 v36, v12;
	v52 =	vpop (erf)  }
0xcc: {  	v61 =	vmov s11;
	v51 =	vmul.f32 v36, v13;
	v49 =	vmul.f32 v49, v43;
	v54 =	vpop (erf)  }
0xcd: {  	v62 =	vnsel vm0, $0x3F800000, v30;
	v60 =	vld.idx.msk [tilespmem:v44+s12+$0x0], $0xffff;
	v52 =	vmul.f32 v52, v43;
	v54 =	vmul.f32 v54, v43;
	v59 =	vpop (erf)  }
0xce: {  	v58 =	vld.idx.msk [tilespmem:v39+s12+$0x0], $0xffff;
	v49 =	vmul.f32 v49, v53;
	v53 =	vadd.s32 $0xFFFFFFFF, v61;
	v43 =	vmul.f32 v59, v43  }
0xcf: {  	v46 =	vadd.s32 $0x2710, v40;
	v56 =	vld.idx.msk [tilespmem:v45+s12+$0x0], $0xffff;
	v52 =	vmul.f32 v52, v55;
	v53 =	vbroadcast v53, $0x0  }
0xd0: {  	v6 =	vadd.f32 v50, v47;
	v54 =	vmul.f32 v54, v57;
	v38 =	vmul.f32 v49, v7  }
0xd1: {  	s9 =	simm.s32 $0x20;
	v63, _, _ =	vpop (xrf0);
	v37 =	vadd.s32 $0x4E20, v40;
	v7 =	vmul.f32 v42, v18;
	v43 =	vmul.f32 v43, v62  }
0xd2: {  	v50 =	vld [tilespmem:s9+$0x19280];
	v48 =	vmul.f32 v60, v52;
	v49 =	vadd.s32 v63, v53;
	v63 =	vmul.f32 $1.442695020e+00, v6  }
0xd3: {  	v57 =	vadd.s32 $0x7530, v40;
	v53 =	vld.idx.msk [tilespmem:v40+s17+$0x0], $0xffff;
	v55 =	vmul.f32 v58, v43;
	v58 =	vmpcnt.ones.xlane vm2  }
0xd4: {  	v52 =	vmul.f32 v56, v54;
	v54 =	vmul.f32 v42, v17;
	vm0 =	vgt.s32 v49, $0x0;
	v56 =	vld.idx.msk [tilespmem:v41+s17+$0x0], $0xffff  }
0xd5: {  	[tilespmem:v40+s26+$0x0] =	vst.idx.add.f32.msk vm3, v38;
	v59 =	vsub.f32 $0.0e+00, v38;
	v43 =	vmul.f32 v36, v14;
	(v2sf) =	vpush v58, $0x0  }
0xd6: {  	v42 =	vmul.f32 v42, v19;
	v49 =	vnsel vm0, $0x0, v49;
	[tilespmem:v46+s26+$0x0] =	vst.idx.add.f32.msk vm3, v48;
	v62 =	vadd.f32 v54, v51  }
0xd7: {  	v60 =	vsub.f32 $0.0e+00, v48;
	v36 =	vmul.f32 v36, v15;
	v46 =	vld [tilespmem:s10+$0x16D00];
	v6 =	vadd.f32 v7, v43  }
0xd8: {  	(erf) = vpow2.f32 v63;
	v63 =	vld [tilespmem:s10+$0x1B800];
	v61 =	vmin.u32 v49, $0x3FF;
	v47 =	vmul.f32 $1.442695020e+00, v62  }
0xd9: {  	[tilespmem:v37+s26+$0x0] =	vst.idx.add.f32.msk vm3, v52;
	v36 =	vadd.f32 v42, v36;
	v42 =	vmul.f32 v38, v53;
	v7 =	vmul.f32 $1.442695020e+00, v6  }
0xda: {  	v54 =	vsub.f32 $0.0e+00, v52;
	v43 =	vld [tilespmem:s10+$0x16080];
	v5 =	vmul.f32 v52, v53;
	(erf) = vpow2.f32 v47  }
0xdb: {  	v58 =	vsub.f32 $0.0e+00, v55;
	[tilespmem:v57+s26+$0x0] =	vst.idx.add.f32.msk vm3, v55;
	v36 =	vmul.f32 $1.442695020e+00, v36;
	(erf) = vpow2.f32 v7  }
0xdc: {  	[tilespmem:v41+s26+$0x0] =	vst.idx.add.f32.msk vm3, v59;
	v59 =	vmul.f32 v50, v12;
	v6 =	vshll.u32 v41, $0xE;
	v4 =	vmul.f32 v48, v56  }
0xdd: {  	v62 =	vld [tilespmem:s10+$0x1AB80];
	v37 =	vmul.f32 v55, v56;
	v40 =	vadd.s32 v40, v6;
	(erf) = vpow2.f32 v36  }
0xde: {  	v35 =	vadd.f32 v42, v35;
	v7 =	vmul.f32 v38, v56;
	v38 =	vmul.f32 v52, v56;
	v52 =	vld [tilespmem:s10+$0x18600]  }
0xdf: {  	v51 =	vld [tilespmem:s9+$0x19F00];
	v47 =	vmul.f32 v48, v53;
	vm0 =	vgt.f32 v63, $0.0e+00;
	v57 =	vadd.s32 $0x7530, v46  }
0xe0: {  	v31 =	vadd.f32 v5, v31;
	v32 =	vadd.f32 v4, v32;
	v48 =	vadd.s32 $0x2710, v43  }
0xe1: {  	vm1 =	vmneg vm0;
	v36 =	vmul.f32 v55, v53;
	v49 =	vadd.s32 $0x4E20, v43  }
0xe2: {  	[tilespmem:v44+s26+$0x0] =	vst.idx.add.f32.msk vm3, v60;
	v33 =	vadd.f32 v47, v33;
	v47 =	vadd.s32 $0x7530, v43;
	vm4 =	vgt.f32 v62, $0.0e+00;
	v56 =	vpop (erf)  }
0xe3: {  	[tilespmem:v45+s26+$0x0] =	vst.idx.add.f32.msk vm3, v54;
	v55 =	vsel vm0, $0x1, v3;
	v6 =	vnsel vm4, $0x3F800000, v26;
	v41 =	vmul.f32 v56, v52;
	v63 =	vpop (erf)  }
0xe4: {  	v53 =	vadd.s32 $0x2710, v46;
	v34 =	vadd.f32 v7, v34;
	v62 =	vmul.f32 v51, v16;
	(xrf0) =	vadd.scan.msk.s32 $0xffff, v55;
	v44 =	vld.idx.msk [tilespmem:v43+s12+$0x0], $0xffff;
	v7 =	vpop (erf);
	s31 =	spop (v2sf)  }
0xe5: {  	v55 =	vnsel vm4, $0x3F800000, v27;
	v42 =	vld.idx.msk [tilespmem:v48+s12+$0x0], $0xffff;
	v41 =	vmul.f32 v41, v6;
	v56 =	vmul.f32 v7, v52;
	s11 =	sadd.s32 s11, s31  }
0xe6: {  	v60 =	vld.idx.msk [tilespmem:v49+s12+$0x0], $0xffff;
	v45 =	vmul.f32 v63, v52;
	v63 =	vnsel vm4, $0x3F800000, v29;
	v6 =	vpop (erf);
	v7 =	vmov s11  }
0xe7: {  	v54 =	vmul.f32 v6, v52;
	v6 =	vld.idx.msk [tilespmem:v47+s12+$0x0], $0xffff;
	v56 =	vmul.f32 v56, v63;
	v63 =	vadd.s32 $0xFFFFFFFF, v7  }
0xe8: {  	v4 =	vadd.s32 $0x4E20, v46;
	[tilespmem:v39+s26+$0x0] =	vst.idx.add.f32.msk vm3, v58;
	v55 =	vmul.f32 v45, v55;
	v52 =	vmul.f32 v50, v13  }
0xe9: {  	v39 =	vld.idx.msk [tilespmem:v46+s17+$0x0], $0xffff;
	v45 =	vmul.f32 v41, v44;
	v7 =	vnsel vm4, $0x3F800000, v30;
	v58 =	vbroadcast v63, $0x0  }
0xea: {  	[tilespmem:v61+s28+$0x0] =	vst.idx.msk vm2, v40;
	v40 =	vld.idx.msk [tilespmem:v43+s17+$0x0], $0xffff;
	v41 =	vmul.f32 v42, v55;
	v61 =	vmul.f32 v54, v7;
	v63, _, _ =	vpop (xrf0)  }
0xeb: {  	[tilespmem:v46+s26+$0x0] =	vst.idx.add.f32.msk vm1, v45;
	v44 =	vmul.f32 v60, v56;
	v5 =	vadd.s32 v63, v58  }
0xec: {  	v55 =	vmul.f32 v51, v17;
	[tilespmem:v53+s26+$0x0] =	vst.idx.add.f32.msk vm1, v41;
	v42 =	vmul.f32 v6, v61;
	vm2 =	vgt.s32 v5, $0x0  }
0xed: {  	v56 =	vmul.f32 v50, v14;
	[tilespmem:v4+s26+$0x0] =	vst.idx.add.f32.msk vm1, v44;
	v6 =	vsub.f32 $0.0e+00, v45;
	v4 =	vnsel vm2, $0x0, v5  }
0xee: {  	v60 =	vmpcnt.ones.xlane vm0;
	v54 =	vsub.f32 $0.0e+00, v41;
	[tilespmem:v57+s26+$0x0] =	vst.idx.add.f32.msk vm1, v42;
	v53 =	vmin.u32 v4, $0x3FF  }
0xef: {  	s10 =	simm.s32 $0xC0;
	v58 =	vadd.f32 v62, v59;
	v59 =	vmul.f32 v51, v18;
	v57 =	vsub.f32 $0.0e+00, v44;
	[tilespmem:v43+s26+$0x0] =	vst.idx.add.f32.msk vm1, v6  }
.LBB2_13:
0xf0: {  	p0 =	sne.s32 s10, $0x18C0;
	v4 =	vmul.f32 v50, v15;
	v5 =	vsub.f32 $0.0e+00, v42;
	[tilespmem:v48+s26+$0x0] =	vst.idx.add.f32.msk vm1, v54;
	(v2sf) =	vpush v60, $0x0  }
0xf1: {  	v6 =	vadd.f32 v55, v52;
	v48 =	vmul.f32 v51, v19;
	v43 =	vshll.u32 v43, $0xE;
	[tilespmem:v49+s26+$0x0] =	vst.idx.add.f32.msk vm1, v57  }
0xf2: {  	v49 =	vmul.f32 $1.442695020e+00, v58;
	v50 =	vadd.f32 v59, v56;
	[tilespmem:v47+s26+$0x0] =	vst.idx.add.f32.msk vm1, v5;
	v5 =	vadd.s32 v46, v43  }
0xf3: {  	v6 =	vmul.f32 $1.442695020e+00, v6;
	v4 =	vadd.f32 v48, v4;
	v46 =	vmul.f32 v45, v39;
	[tilespmem:v53+s28+$0x0] =	vst.idx.msk vm0, v5  }
0xf4: {  	v28 =	vadd.f32 v38, v28;
	v5 =	vmul.f32 $1.442695020e+00, v50;
	v43 =	vld [tilespmem:s9+$0x16080];
	(erf) = vpow2.f32 v49  }
0xf5: {  	v4 =	vmul.f32 $1.442695020e+00, v4;
	v35 =	vadd.f32 v46, v35;
	v52 =	vld [tilespmem:s9+$0x1AB80];
	(erf) = vpow2.f32 v6  }
0xf6: {  	v25 =	vadd.f32 v36, v25;
	v46 =	vld [tilespmem:s9+$0x16D00];
	(erf) = vpow2.f32 v5;
	v5 =	vmul.f32 v45, v40  }
0xf7: {  	s16 =	sshra.s32 s10, $0x2;
	v24 =	vadd.f32 v37, v24;
	v6 =	vld [tilespmem:s9+$0x1B800];
	(erf) = vpow2.f32 v4;
	v4 =	vmul.f32 v41, v39  }
0xf8: {  	v53 =	vmul.f32 v44, v39;
	v50 =	vld [tilespmem:s16+$0x19280];
	v34 =	vadd.f32 v5, v34;
	v5 =	vmul.f32 v41, v40  }
0xf9: {  	v38 =	vmul.f32 v44, v40;
	v36 =	vmul.f32 v42, v39;
	v51 =	vld [tilespmem:s16+$0x19F00];
	v48 =	vadd.s32 $0x2710, v43  }
0xfa: {  	v37 =	vmul.f32 v42, v40;
	v49 =	vadd.s32 $0x4E20, v43;
	v33 =	vadd.f32 v4, v33;
	v39 =	vld [tilespmem:s9+$0x18600];
	s9 =	smov.u32 s16  }
0xfb: {  	v47 =	vadd.s32 $0x7530, v43;
	v32 =	vadd.f32 v5, v32;
	v4 =	vadd.s32 $0x2710, v46  }
0xfc: {  	v5 =	vadd.s32 $0x4E20, v46;
	vm0 =	vgt.f32 v6, $0.0e+00;
	v6 =	vadd.s32 $0x7530, v46  }
0xfd: {  	vm2 =	vgt.f32 v52, $0.0e+00;
	v57 =	vmul.f32 v50, v12;
	v40 =	vld.idx.msk [tilespmem:v43+s12+$0x0], $0xffff;
	v41 =	vsel vm0, $0x1, v3;
	v42 =	vpop (erf)  }
0xfe: {  	v52 =	vmul.f32 v50, v13;
	vm1 =	vmneg vm0;
	v58 =	vmul.f32 v51, v16;
	v44 =	vld.idx.msk [tilespmem:v48+s12+$0x0], $0xffff;
	v45 =	vpop (erf);
	(xrf0) =	vadd.scan.msk.s32 $0xffff, v41  }
0xff: {  	v54 =	vnsel vm2, $0x3F800000, v27;
	v41 =	vmul.f32 v42, v39;
	v42 =	vnsel vm2, $0x3F800000, v26;
	v55 =	vld.idx.msk [tilespmem:v49+s12+$0x0], $0xffff;
	v56 =	vpop (erf);
	s16 =	spop (v2sf)  }
0x100: {  	v59 =	vnsel vm2, $0x3F800000, v29;
	v45 =	vmul.f32 v45, v39;
	v56 =	vmul.f32 v56, v39;
	v60 =	vld.idx.msk [tilespmem:v47+s12+$0x0], $0xffff;
	v61 =	vpop (erf);
	s11 =	sadd.s32 s11, s16  }
0x101: {  	v41 =	vmul.f32 v41, v42;
	v42 =	vmul.f32 v61, v39;
	v39 =	vmov s11  }
0x102: {  	v7 =	vmul.f32 v45, v54;
	v56 =	vmul.f32 v56, v59;
	v59 =	vadd.s32 $0xFFFFFFFF, v39  }
0x103: {  	v61 =	vnsel vm2, $0x3F800000, v30;
	v39 =	vld.idx.msk [tilespmem:v46+s17+$0x0], $0xffff;
	v45 =	vmul.f32 v41, v40;
	v59 =	vbroadcast v59, $0x0  }
0x104: {  	v31 =	vadd.f32 v53, v31;
	v41 =	vmul.f32 v44, v7;
	v42 =	vmul.f32 v42, v61;
	v40 =	vld.idx.msk [tilespmem:v43+s17+$0x0], $0xffff;
	v54, _, _ =	vpop (xrf0)  }
.Ltmp5:
0x105: {  	v44 =	vmul.f32 v55, v56;
	[tilespmem:v46+s26+$0x0] =	vst.idx.add.f32.msk vm1, v45;
	v53 =	vadd.s32 v54, v59;
	(pc) =	sbr.rel @p0 .LBB2_13-.Ltmp5, $4  }
0x106: {  	v55 =	vmul.f32 v51, v17;
	v42 =	vmul.f32 v60, v42;
	[tilespmem:v4+s26+$0x0] =	vst.idx.add.f32.msk vm1, v41;
	vm2 =	vgt.s32 v53, $0x0  }
0x107: {  	v56 =	vmul.f32 v50, v14;
	v4 =	vsub.f32 $0.0e+00, v45;
	[tilespmem:v5+s26+$0x0] =	vst.idx.add.f32.msk vm1, v44;
	v5 =	vnsel vm2, $0x0, v53  }
0x108: {  	v54 =	vsub.f32 $0.0e+00, v41;
	v60 =	vmpcnt.ones.xlane vm0;
	[tilespmem:v6+s26+$0x0] =	vst.idx.add.f32.msk vm1, v42;
	v53 =	vmin.u32 v5, $0x3FF  }
0x109: {  	s10 =	sadd.s32 $0x40, s10;
	v58 =	vadd.f32 v58, v57;
	v59 =	vmul.f32 v51, v18;
	v57 =	vsub.f32 $0.0e+00, v44;
	[tilespmem:v43+s26+$0x0] =	vst.idx.add.f32.msk vm1, v4  }
0x10a: {  	(v2sf) =	vpush v60, $0x0  }
0x10b: {  	v4 =	vmul.f32 v50, v15;
	v5 =	vadd.f32 v55, v52;
	v6 =	vmul.f32 v51, v19  }
0x10c: {  	v58 =	vmul.f32 $1.442695020e+00, v58;
	v59 =	vadd.f32 v59, v56  }
0x10d: {  	v5 =	vmul.f32 $1.442695020e+00, v5;
	v4 =	vadd.f32 v6, v4  }
0x10e: {  	v60 =	vmul.f32 $1.442695020e+00, v59;
	(erf) = vpow2.f32 v58  }
0x10f: {  	v50 =	vld [tilespmem:s9+$0x16080];
	v4 =	vmul.f32 $1.442695020e+00, v4;
	(erf) = vpow2.f32 v5  }
0x110: {  	v61 =	vld [tilespmem:s9+$0x1AB80];
	(erf) = vpow2.f32 v60  }
0x111: {  	v5 =	vld [tilespmem:s9+$0x1B800];
	(erf) = vpow2.f32 v4;
	_ =	sdelay $0x1  }
0x112: {  	v4 =	vld [tilespmem:s9+$0x16D00]  }
0x113: {  	v52 =	vld [tilespmem:s9+$0x18600];
	v51 =	vadd.s32 $0x2710, v50  }
0x114: {  	v55 =	vsub.f32 $0.0e+00, v42;
	v43 =	vshll.u32 v43, $0xE;
	v56 =	vadd.s32 $0x4E20, v50  }
0x115: {  	[tilespmem:v48+s26+$0x0] =	vst.idx.add.f32.msk vm1, v54;
	v48 =	vadd.s32 $0x7530, v50;
	vm4 =	vgt.f32 v61, $0.0e+00;
	vm2 =	vgt.f32 v5, $0.0e+00  }
0x116: {  	v46 =	vadd.s32 v46, v43;
	[tilespmem:v49+s26+$0x0] =	vst.idx.add.f32.msk vm1, v57;
	v54 =	vnsel vm4, $0x3F800000, v26;
	v62 =	vsel vm2, $0x1, v3;
	v63 =	vpop (erf)  }
0x117: {  	v60 =	vnsel vm4, $0x3F800000, v27;
	v6 =	vld.idx.msk [tilespmem:v50+s12+$0x0], $0xffff;
	vm3 =	vmneg vm2;
	v5 =	vadd.s32 $0x2710, v4;
	(xrf0) =	vadd.scan.msk.s32 $0xffff, v62;
	v7 =	vpop (erf)  }
0x118: {  	v59 =	vld.idx.msk [tilespmem:v51+s12+$0x0], $0xffff;
	v49 =	vadd.s32 $0x4E20, v4;
	v57 =	vadd.s32 $0x7530, v4;
	v43 =	vmul.f32 v63, v52;
	v61 =	vpop (erf);
	s10 =	spop (v2sf)  }
0x119: {  	v62 =	vld.idx.msk [tilespmem:v56+s12+$0x0], $0xffff;
	v63 =	vnsel vm4, $0x3F800000, v29;
	v58 =	vmul.f32 v7, v52;
	v61 =	vmul.f32 v61, v52;
	v7 =	vpop (erf);
	s9 =	sadd.s32 s11, s10  }
0x11a: {  	v8 =	vld.idx.msk [tilespmem:v48+s12+$0x0], $0xffff;
	v54 =	vmul.f32 v43, v54;
	v7 =	vmul.f32 v7, v52;
	v43 =	vmov s9  }
0x11b: {  	[tilespmem:v47+s26+$0x0] =	vst.idx.add.f32.msk vm1, v55;
	v60 =	vmul.f32 v58, v60;
	v61 =	vmul.f32 v61, v63;
	v63 =	vadd.s32 $0xFFFFFFFF, v43  }
0x11c: {  	[tilespmem:v53+s28+$0x0] =	vst.idx.msk vm0, v46;
	v46 =	vld.idx.msk [tilespmem:v50+s17+$0x0], $0xffff;
	v58 =	vnsel vm4, $0x3F800000, v30;
	v6 =	vmul.f32 v54, v6;
	v55 =	vbroadcast v63, $0x0  }
0x11d: {  	v43 =	vld.idx.msk [tilespmem:v4+s17+$0x0], $0xffff;
	v47 =	vmul.f32 v59, v60;
	v7 =	vmul.f32 v7, v58;
	v59, _, _ =	vpop (xrf0)  }
0x11e: {  	v52 =	vmul.f32 v62, v61;
	[tilespmem:v4+s26+$0x0] =	vst.idx.add.f32.msk vm3, v6;
	v53 =	vadd.s32 v59, v55  }
0x11f: {  	v7 =	vmul.f32 v8, v7;
	[tilespmem:v5+s26+$0x0] =	vst.idx.add.f32.msk vm3, v47;
	vm0 =	vgt.s32 v53, $0x0  }
0x120: {  	v5 =	vsub.f32 $0.0e+00, v6;
	[tilespmem:v49+s26+$0x0] =	vst.idx.add.f32.msk vm3, v52;
	v8 =	vnsel vm0, $0x0, v53  }
0x121: {  	p0 =	seq.s32 s5, $0x18;
	v61 =	vmpcnt.ones.xlane vm2;
	v60 =	vsub.f32 $0.0e+00, v47;
	[tilespmem:v57+s26+$0x0] =	vst.idx.add.f32.msk vm3, v7;
	v8 =	vmin.u32 v8, $0x3FF  }
0x122: {  	s10 =	smul.u32 @!p0 $0xC80, s5;
	v62 =	vsub.f32 $0.0e+00, v52;
	[tilespmem:v50+s26+$0x0] =	vst.idx.add.f32.msk vm3, v5  }
0x123: {  	(v2sf) =	vpush v61, $0x0;
	v5 =	vsub.f32 $0.0e+00, v7;
	[tilespmem:v51+s26+$0x0] =	vst.idx.add.f32.msk vm3, v60  }
0x124: {  	s10 =	sshrl.u32 @!p0 s10, $0x3;
	v63 =	vshll.u32 v50, $0xE;
	[tilespmem:v56+s26+$0x0] =	vst.idx.add.f32.msk vm3, v62  }
0x125: {  	s11 =	sadd.s32 @!p0 $0x190, s10;
	v4 =	vadd.s32 v4, v63;
	[tilespmem:v48+s26+$0x0] =	vst.idx.add.f32.msk vm3, v5  }
0x126: {  	s16 =	simm.s32 @!p0 $0x0;
	s31 =	simm.s32 @!p0 $0x16080;
	s10 =	sadd.s32 @!p0 s3, s11;
	[tilespmem:v8+s28+$0x0] =	vst.idx.msk vm2, v4  }
0x127: {  	[tilespmem:s31], [sflag:$0x1] =	stream.linear.gather @!p0 [hbm4b:s10+s16], $0x640, $0x38;
	[tilespmem:$0x1C900] =	vst v63  }
0x128: {  	s10 =	sadd.s32 @!p0 s4, s11;
	s31 =	simm.s32 @!p0 $0x16D00  }
0x129: {  	[tilespmem:s31], [sflag:$0x1] =	stream.linear.gather @!p0 [hbm4b:s10+s16], $0x640, $0x38;
	[tilespmem:$0x1C900] =	vst v63  }
0x12a: {  	s10 =	sadd.s32 @!p0 s0, s11;
	s31 =	simm.s32 @!p0 $0x18600  }
0x12b: {  	[tilespmem:s31], [sflag:$0x1] =	stream.linear.gather @!p0 [hbm4b:s10+s16], $0x640, $0x38;
	[tilespmem:$0x1C900] =	vst v63  }
0x12c: {  	s10 =	sadd.s32 @!p0 s1, s11;
	s31 =	simm.s32 @!p0 $0x19280  }
0x12d: {  	[tilespmem:s31], [sflag:$0x1] =	stream.linear.gather @!p0 [hbm4b:s10+s16], $0x640, $0x38;
	[tilespmem:$0x1C900] =	vst v63  }
0x12e: {  	s10 =	sadd.s32 @!p0 s2, s11;
	s31 =	simm.s32 @!p0 $0x19F00  }
0x12f: {  	[tilespmem:s31], [sflag:$0x1] =	stream.linear.gather @!p0 [hbm4b:s10+s16], $0x640, $0x38;
	[tilespmem:$0x1C900] =	vst v63  }
0x130: {  	s10 =	sadd.s32 @!p0 s13, s11;
	s31 =	simm.s32 @!p0 $0x1AB80  }
0x131: {  	[tilespmem:s31], [sflag:$0x1] =	stream.linear.gather @!p0 [hbm4b:s10+s16], $0x640, $0x38;
	[tilespmem:$0x1C900] =	vst v63  }
0x132: {  	s11 =	sadd.s32 @!p0 s14, s11;
	s10 =	spop (v2sf);
	s31 =	simm.s32 @!p0 $0x1B800  }
0x133: {  	[tilespmem:s31], [sflag:$0x1] =	stream.linear.gather @!p0 [hbm4b:s11+s16], $0x640, $0x38;
	[tilespmem:$0x1C900] =	vst v63  }
0x134: {  	_ =	swait.ge [sflag:s29], $0x640  }
0x135: {  	[sflag:s29] =	ssyncset.done $0x0  }
0x136: {  	[sflag:s29] =	ssyncadd.s32 $0xFFFFF9C0  }
0x137: {  	_ =	swait.ge [sflag:s29], $0x640  }
0x138: {  	[sflag:s29] =	ssyncset.done $0x0  }
0x139: {  	[sflag:s29] =	ssyncadd.s32 $0xFFFFF9C0  }
0x13a: {  	_ =	swait.ge [sflag:s29], $0x640  }
0x13b: {  	[sflag:s29] =	ssyncset.done $0x0  }
0x13c: {  	[sflag:s29] =	ssyncadd.s32 $0xFFFFF9C0  }
0x13d: {  	_ =	swait.ge [sflag:s29], $0x640  }
0x13e: {  	[sflag:s29] =	ssyncset.done $0x0  }
0x13f: {  	[sflag:s29] =	ssyncadd.s32 $0xFFFFF9C0  }
0x140: {  	_ =	swait.ge [sflag:s29], $0x640  }
0x141: {  	[sflag:s29] =	ssyncset.done $0x0  }
0x142: {  	[sflag:s29] =	ssyncadd.s32 $0xFFFFF9C0  }
0x143: {  	_ =	swait.ge [sflag:s29], $0x640  }
0x144: {  	[sflag:s29] =	ssyncset.done $0x0  }
0x145: {  	[sflag:s29] =	ssyncadd.s32 $0xFFFFF9C0  }
0x146: {  	_ =	swait.ge [sflag:s29], $0x640  }
0x147: {  	v54 =	vmul.f32 v41, v40;
	[sflag:s29] =	ssyncset.done $0x0  }
0x148: {  	s16 =	simm.s32 $0x640;
	[sflag:s29] =	ssyncadd.s32 $0xFFFFF9C0  }
0x149: {  	v58 =	vmul.f32 v42, v40;
	v32 =	vadd.f32 v54, v32;
	v55 =	vmul.f32 v44, v39;
	v5 =	vld [tilespmem:s16+$0x19280]  }
0x14a: {  	v54 =	vmul.f32 v52, v46;
	v57 =	vmul.f32 v42, v39;
	v8 =	vadd.f32 v38, v28;
	v28 =	vld [tilespmem:s16+$0x19F00]  }
0x14b: {  	v24 =	vadd.f32 v37, v24;
	v53 =	vmul.f32 v41, v39;
	v59 =	vmul.f32 v6, v43  }
0x14c: {  	v25 =	vadd.f32 v36, v25;
	v6 =	vmul.f32 v6, v46;
	v51 =	vmul.f32 v45, v40  }
0x14d: {  	v24 =	vadd.f32 v58, v24;
	v50 =	vmul.f32 v47, v43;
	v56 =	vmul.f32 v44, v40  }
0x14e: {  	v34 =	vadd.f32 v51, v34;
	v51 =	vmul.f32 v47, v46;
	v4 =	vmul.f32 v45, v39  }
0x14f: {  	v31 =	vadd.f32 v55, v31;
	v60 =	vmul.f32 v5, v12;
	v61 =	vmul.f32 v28, v16  }
0x150: {  	v33 =	vadd.f32 v53, v33;
	v62 =	vmul.f32 v5, v13;
	v63 =	vmul.f32 v28, v17  }
0x151: {  	v48 =	vmul.f32 v5, v14;
	v49 =	vmul.f32 v28, v18;
	v37 =	vadd.f32 v61, v60  }
0x152: {  	v5 =	vmul.f32 v5, v15;
	v28 =	vmul.f32 v28, v19;
	v38 =	vadd.f32 v63, v62  }
0x153: {  	v8 =	vadd.f32 v56, v8;
	v41 =	vadd.f32 v49, v48;
	v37 =	vmul.f32 $1.442695020e+00, v37  }
0x154: {  	v56 =	vmul.f32 v7, v43;
	v5 =	vadd.f32 v28, v5;
	v38 =	vmul.f32 $1.442695020e+00, v38  }
0x155: {  	v25 =	vadd.f32 v57, v25;
	v45 =	vld [tilespmem:s16+$0x16080];
	v28 =	vmul.f32 $1.442695020e+00, v41;
	(erf) = vpow2.f32 v37  }
0x156: {  	v33 =	vadd.f32 v50, v33;
	v53 =	vld [tilespmem:s16+$0x1AB80];
	v5 =	vmul.f32 $1.442695020e+00, v5;
	(erf) = vpow2.f32 v38  }
0x157: {  	v4 =	vadd.f32 v4, v35;
	v7 =	vmul.f32 v7, v46;
	s31 =	simm.s32 $0x650;
	v55 =	vld [tilespmem:s16+$0x1B800];
	(erf) = vpow2.f32 v28  }
0x158: {  	v46 =	vadd.f32 v51, v32;
	v32 =	vld [tilespmem:s31+$0x19F00];
	v28 =	vmul.f32 v52, v43;
	(erf) = vpow2.f32 v5  }
0x159: {  	v6 =	vadd.f32 v6, v34;
	v4 =	vadd.f32 v59, v4;
	v5 =	vld [tilespmem:s31+$0x19280]  }
0x15a: {  	v25 =	vadd.f32 v56, v25;
	v34 =	vadd.f32 v28, v31;
	v31 =	vld [tilespmem:s16+$0x18600]  }
0x15b: {  	v24 =	vadd.f32 v7, v24;
	v38 =	vld [tilespmem:s16+$0x16D00];
	v28 =	vadd.f32 v54, v8;
	v8 =	vadd.s32 $0x2710, v45  }
0x15c: {  	v7 =	vadd.s32 $0x4E20, v45;
	v42 =	vadd.s32 $0x7530, v45;
	vm2 =	vgt.f32 v55, $0.0e+00  }
0x15d: {  	vm0 =	vgt.f32 v53, $0.0e+00;
	v39 =	vsel vm2, $0x1, v3;
	vm3 =	vmneg vm2  }
0x15e: {  	v59 =	vnsel vm0, $0x3F800000, v26;
	v61 =	vnsel vm0, $0x3F800000, v27;
	v43 =	vmul.f32 v32, v16;
	v57 =	vpop (erf)  }
0x15f: {  	v63 =	vnsel vm0, $0x3F800000, v29;
	v40 =	vld.idx.msk [tilespmem:v45+s12+$0x0], $0xffff;
	v37 =	vmul.f32 v5, v12;
	v58 =	vpop (erf);
	v41 =	vmul.f32 v57, v31  }
0x160: {  	s9 =	sadd.s32 s9, s10;
	(xrf0) =	vadd.scan.msk.s32 $0xffff, v39;
	v35 =	vadd.s32 $0x2710, v38;
	v44 =	vmul.f32 v5, v13;
	v39 =	vld.idx.msk [tilespmem:v8+s12+$0x0], $0xffff;
	v60 =	vpop (erf);
	v47 =	vmul.f32 v58, v31  }
0x161: {  	v62 =	vld.idx.msk [tilespmem:v7+s12+$0x0], $0xffff;
	v49 =	vmul.f32 v60, v31;
	v58 =	vpop (erf);
	v41 =	vmul.f32 v41, v59;
	v59 =	vmov s9  }
0x162: {  	v31 =	vmul.f32 v58, v31;
	v47 =	vmul.f32 v47, v61;
	v48 =	vadd.s32 $0xFFFFFFFF, v59  }
0x163: {  	v36 =	vadd.s32 $0x4E20, v38;
	v49 =	vmul.f32 v49, v63;
	v48 =	vbroadcast v48, $0x0  }
0x164: {  	v57 =	vld.idx.msk [tilespmem:v42+s12+$0x0], $0xffff;
	v60 =	vnsel vm0, $0x3F800000, v30;
	v40 =	vmul.f32 v41, v40;
	v63 =	vmpcnt.ones.xlane vm2  }
0x165: {  	v52 =	vadd.s32 $0x7530, v38;
	v31 =	vmul.f32 v31, v60;
	v39 =	vmul.f32 v39, v47  }
0x166: {  	v51 =	vld.idx.msk [tilespmem:v45+s17+$0x0], $0xffff;
	v61, _, _ =	vpop (xrf0);
	v60 =	vadd.f32 v43, v37;
	v47 =	vshll.u32 v45, $0xE;
	v49 =	vmul.f32 v62, v49  }
0x167: {  	v50 =	vld.idx.msk [tilespmem:v38+s17+$0x0], $0xffff;
	v41 =	vadd.s32 v61, v48;
	v62 =	vmul.f32 v32, v17;
	v48 =	vmul.f32 v5, v14  }
0x168: {  	[tilespmem:v38+s26+$0x0] =	vst.idx.add.f32.msk vm3, v40;
	v61 =	vmul.f32 v32, v18;
	(v2sf) =	vpush v63, $0x0;
	v5 =	vmul.f32 v5, v15  }
0x169: {  	v58 =	vld [tilespmem:s31+$0x1AB80];
	v32 =	vmul.f32 v32, v19;
	v59 =	vadd.s32 v38, v47;
	v31 =	vmul.f32 v57, v31  }
0x16a: {  	s11 =	simm.s32 $0x660;
	vm0 =	vgt.s32 v41, $0x0;
	[tilespmem:v35+s26+$0x0] =	vst.idx.add.f32.msk vm3, v39;
	v35 =	vmul.f32 $1.442695020e+00, v60;
	v62 =	vadd.f32 v62, v44  }
0x16b: {  	v47 =	vld [tilespmem:s11+$0x19280];
	v41 =	vnsel vm0, $0x0, v41;
	v37 =	vadd.f32 v61, v48;
	v5 =	vadd.f32 v32, v5  }
0x16c: {  	v60 =	vld [tilespmem:s31+$0x1B800];
	v32 =	vmul.f32 v40, v50;
	v56 =	vmin.u32 v41, $0x3FF;
	v41 =	vmul.f32 $1.442695020e+00, v62  }
0x16d: {  	[tilespmem:v36+s26+$0x0] =	vst.idx.add.f32.msk vm3, v49;
	(erf) = vpow2.f32 v35;
	v63 =	vmul.f32 $1.442695020e+00, v37  }
0x16e: {  	v36 =	vld [tilespmem:s31+$0x16080];
	v5 =	vmul.f32 $1.442695020e+00, v5;
	(erf) = vpow2.f32 v41  }
0x16f: {  	v54 =	vsub.f32 $0.0e+00, v40;
	v48 =	vmul.f32 v40, v51;
	[tilespmem:v52+s26+$0x0] =	vst.idx.add.f32.msk vm3, v31;
	(erf) = vpow2.f32 v63  }
0x170: {  	v55 =	vsub.f32 $0.0e+00, v39;
	v53 =	vsub.f32 $0.0e+00, v49;
	v37 =	vld [tilespmem:s31+$0x16D00];
	(erf) = vpow2.f32 v5  }
0x171: {  	v35 =	vadd.f32 v32, v4;
	v4 =	vmul.f32 v39, v50;
	v32 =	vadd.f32 v48, v6;
	v48 =	vld [tilespmem:s11+$0x19F00]  }
0x172: {  	vm15 =	vgt.f32 v58, $0.0e+00;
	v6 =	vmul.f32 v49, v50;
	v41 =	vmul.f32 v49, v51;
	v49 =	vld [tilespmem:s31+$0x18600]  }
0x173: {  	v57 =	vsub.f32 $0.0e+00, v31;
	v38 =	vmul.f32 v31, v50;
	v52 =	vnsel vm15, $0x3F800000, v26;
	[tilespmem:v45+s26+$0x0] =	vst.idx.add.f32.msk vm3, v54  }
0x174: {  	[tilespmem:v8+s26+$0x0] =	vst.idx.add.f32.msk vm3, v55;
	v33 =	vadd.f32 v4, v33;
	vm0 =	vgt.f32 v60, $0.0e+00;
	v43 =	vadd.s32 $0x2710, v36  }
0x175: {  	[tilespmem:v7+s26+$0x0] =	vst.idx.add.f32.msk vm3, v53;
	v7 =	vmul.f32 v47, v12;
	v53 =	vnsel vm15, $0x3F800000, v27;
	v44 =	vadd.s32 $0x4E20, v36  }
0x176: {  	v40 =	vadd.s32 $0x7530, v36;
	v63 =	vsel vm0, $0x1, v3;
	[tilespmem:v42+s26+$0x0] =	vst.idx.add.f32.msk vm3, v57;
	v5 =	vmul.f32 v39, v51;
	v58 =	vpop (erf)  }
0x177: {  	vm1 =	vmneg vm0;
	v39 =	vmul.f32 v31, v51;
	v50 =	vld.idx.msk [tilespmem:v36+s12+$0x0], $0xffff;
	v45 =	vmul.f32 v58, v49;
	v60 =	vpop (erf)  }
0x178: {  	(xrf0) =	vadd.scan.msk.s32 $0xffff, v63;
	v4 =	vadd.s32 $0x2710, v37;
	v55 =	vmul.f32 v48, v16;
	v61 =	vpop (erf);
	v51 =	vmul.f32 v60, v49  }
0x179: {  	v31 =	vadd.f32 v5, v46;
	v46 =	vld.idx.msk [tilespmem:v43+s12+$0x0], $0xffff;
	s31 =	spop (v2sf);
	v52 =	vmul.f32 v45, v52;
	v54 =	vmul.f32 v61, v49;
	v62 =	vpop (erf)  }
0x17a: {  	v8 =	vadd.s32 $0x7530, v37;
	v58 =	vld.idx.msk [tilespmem:v44+s12+$0x0], $0xffff;
	s9 =	sadd.s32 s9, s31;
	v49 =	vmul.f32 v62, v49;
	v62 =	vmul.f32 v51, v53  }
0x17b: {  	[tilespmem:v56+s28+$0x0] =	vst.idx.msk vm2, v59;
	v56 =	vmul.f32 v48, v17;
	v5 =	vadd.s32 $0x4E20, v37;
	v61 =	vld.idx.msk [tilespmem:v40+s12+$0x0], $0xffff;
	v63 =	vmov s9  }
0x17c: {  	v60 =	vnsel vm15, $0x3F800000, v29;
	v57 =	vadd.s32 $0xFFFFFFFF, v63;
	v51 =	vmul.f32 v52, v50  }
0x17d: {  	v42 =	vld.idx.msk [tilespmem:v36+s17+$0x0], $0xffff;
	v54 =	vmul.f32 v54, v60;
	v60 =	vnsel vm15, $0x3F800000, v30;
	v63 =	vbroadcast v57, $0x0  }
0x17e: {  	v34 =	vadd.f32 v6, v34;
	v45 =	vld.idx.msk [tilespmem:v37+s17+$0x0], $0xffff;
	v50 =	vmul.f32 v46, v62;
	v60 =	vmul.f32 v49, v60;
	v62, _, _ =	vpop (xrf0)  }
0x17f: {  	[tilespmem:v37+s26+$0x0] =	vst.idx.add.f32.msk vm1, v51;
	v49 =	vmul.f32 v58, v54;
	v63 =	vadd.s32 v62, v63  }
0x180: {  	v59 =	vmul.f32 v48, v18;
	v46 =	vmul.f32 v61, v60;
	[tilespmem:v4+s26+$0x0] =	vst.idx.add.f32.msk vm1, v50;
	vm2 =	vgt.s32 v63, $0x0  }
0x181: {  	v53 =	vmul.f32 v47, v13;
	v4 =	vsub.f32 $0.0e+00, v51;
	[tilespmem:v5+s26+$0x0] =	vst.idx.add.f32.msk vm1, v49;
	v5 =	vnsel vm2, $0x0, v63  }
0x182: {  	v54 =	vsub.f32 $0.0e+00, v50;
	v60 =	vmpcnt.ones.xlane vm0;
	[tilespmem:v8+s26+$0x0] =	vst.idx.add.f32.msk vm1, v46;
	v52 =	vmin.u32 v5, $0x3FF  }
0x183: {  	s10 =	simm.s32 $0x19C0;
	v57 =	vmul.f32 v47, v14;
	v58 =	vadd.f32 v55, v7;
	v55 =	vsub.f32 $0.0e+00, v49;
	[tilespmem:v36+s26+$0x0] =	vst.idx.add.f32.msk vm1, v4  }
.LBB2_15:
0x184: {  	p1 =	sne.s32 s10, $0x31C0;
	v4 =	vmul.f32 v47, v15;
	v5 =	vsub.f32 $0.0e+00, v46;
	[tilespmem:v43+s26+$0x0] =	vst.idx.add.f32.msk vm1, v54;
	(v2sf) =	vpush v60, $0x0  }
0x185: {  	v6 =	vadd.f32 v56, v53;
	v7 =	vmul.f32 v48, v19;
	v8 =	vshll.u32 v36, $0xE;
	[tilespmem:v44+s26+$0x0] =	vst.idx.add.f32.msk vm1, v55  }
0x186: {  	v43 =	vmul.f32 $1.442695020e+00, v58;
	v44 =	vadd.f32 v59, v57;
	[tilespmem:v40+s26+$0x0] =	vst.idx.add.f32.msk vm1, v5;
	v5 =	vadd.s32 v37, v8  }
0x187: {  	v6 =	vmul.f32 $1.442695020e+00, v6;
	v4 =	vadd.f32 v7, v4;
	v7 =	vmul.f32 v51, v45;
	[tilespmem:v52+s28+$0x0] =	vst.idx.msk vm0, v5  }
0x188: {  	v28 =	vadd.f32 v41, v28;
	v5 =	vmul.f32 $1.442695020e+00, v44;
	v36 =	vld [tilespmem:s11+$0x16080];
	(erf) = vpow2.f32 v43  }
0x189: {  	v4 =	vmul.f32 $1.442695020e+00, v4;
	v35 =	vadd.f32 v7, v35;
	v8 =	vld [tilespmem:s11+$0x1AB80];
	(erf) = vpow2.f32 v6  }
0x18a: {  	v25 =	vadd.f32 v38, v25;
	v37 =	vld [tilespmem:s11+$0x16D00];
	(erf) = vpow2.f32 v5;
	v5 =	vmul.f32 v51, v42  }
0x18b: {  	s16 =	sshra.s32 s10, $0x2;
	v24 =	vadd.f32 v39, v24;
	v6 =	vld [tilespmem:s11+$0x1B800];
	(erf) = vpow2.f32 v4;
	v4 =	vmul.f32 v50, v45  }
0x18c: {  	v7 =	vmul.f32 v49, v45;
	v47 =	vld [tilespmem:s16+$0x19280];
	v32 =	vadd.f32 v5, v32;
	v5 =	vmul.f32 v50, v42  }
0x18d: {  	v41 =	vmul.f32 v49, v42;
	v38 =	vmul.f32 v46, v45;
	v48 =	vld [tilespmem:s16+$0x19F00];
	v43 =	vadd.s32 $0x2710, v36  }
0x18e: {  	v39 =	vmul.f32 v46, v42;
	v44 =	vadd.s32 $0x4E20, v36;
	v33 =	vadd.f32 v4, v33;
	v45 =	vld [tilespmem:s11+$0x18600];
	s11 =	smov.u32 s16  }
0x18f: {  	v40 =	vadd.s32 $0x7530, v36;
	v31 =	vadd.f32 v5, v31;
	v4 =	vadd.s32 $0x2710, v37  }
0x190: {  	v5 =	vadd.s32 $0x4E20, v37;
	vm0 =	vgt.f32 v6, $0.0e+00;
	v6 =	vadd.s32 $0x7530, v37  }
0x191: {  	vm2 =	vgt.f32 v8, $0.0e+00;
	v55 =	vmul.f32 v47, v12;
	v8 =	vld.idx.msk [tilespmem:v36+s12+$0x0], $0xffff;
	v42 =	vsel vm0, $0x1, v3;
	v46 =	vpop (erf)  }
0x192: {  	v53 =	vmul.f32 v47, v13;
	vm1 =	vmneg vm0;
	v58 =	vmul.f32 v48, v16;
	v49 =	vld.idx.msk [tilespmem:v43+s12+$0x0], $0xffff;
	v50 =	vpop (erf);
	(xrf0) =	vadd.scan.msk.s32 $0xffff, v42  }
0x193: {  	v51 =	vnsel vm2, $0x3F800000, v27;
	v42 =	vmul.f32 v46, v45;
	v46 =	vnsel vm2, $0x3F800000, v26;
	v52 =	vld.idx.msk [tilespmem:v44+s12+$0x0], $0xffff;
	v54 =	vpop (erf);
	s16 =	spop (v2sf)  }
0x194: {  	v56 =	vnsel vm2, $0x3F800000, v29;
	v50 =	vmul.f32 v50, v45;
	v54 =	vmul.f32 v54, v45;
	v57 =	vld.idx.msk [tilespmem:v40+s12+$0x0], $0xffff;
	v59 =	vpop (erf);
	s9 =	sadd.s32 s9, s16  }
0x195: {  	v42 =	vmul.f32 v42, v46;
	v59 =	vmul.f32 v59, v45;
	v45 =	vmov s9  }
0x196: {  	v50 =	vmul.f32 v50, v51;
	v54 =	vmul.f32 v54, v56;
	v56 =	vadd.s32 $0xFFFFFFFF, v45  }
0x197: {  	v45 =	vld.idx.msk [tilespmem:v37+s17+$0x0], $0xffff;
	v51 =	vmul.f32 v42, v8;
	v8 =	vnsel vm2, $0x3F800000, v30;
	v56 =	vbroadcast v56, $0x0  }
0x198: {  	v34 =	vadd.f32 v7, v34;
	v50 =	vmul.f32 v49, v50;
	v42 =	vld.idx.msk [tilespmem:v36+s17+$0x0], $0xffff;
	v8 =	vmul.f32 v59, v8;
	v46, _, _ =	vpop (xrf0)  }
.Ltmp6:
0x199: {  	v49 =	vmul.f32 v52, v54;
	[tilespmem:v37+s26+$0x0] =	vst.idx.add.f32.msk vm1, v51;
	v7 =	vadd.s32 v46, v56;
	(pc) =	sbr.rel @p1 .LBB2_15-.Ltmp6, $4  }
0x19a: {  	v56 =	vmul.f32 v48, v17;
	v46 =	vmul.f32 v57, v8;
	[tilespmem:v4+s26+$0x0] =	vst.idx.add.f32.msk vm1, v50;
	vm2 =	vgt.s32 v7, $0x0  }
0x19b: {  	v57 =	vmul.f32 v47, v14;
	v4 =	vsub.f32 $0.0e+00, v51;
	[tilespmem:v5+s26+$0x0] =	vst.idx.add.f32.msk vm1, v49;
	v5 =	vnsel vm2, $0x0, v7  }
0x19c: {  	v60 =	vmpcnt.ones.xlane vm0;
	v54 =	vsub.f32 $0.0e+00, v50;
	[tilespmem:v6+s26+$0x0] =	vst.idx.add.f32.msk vm1, v46;
	v52 =	vmin.u32 v5, $0x3FF  }
0x19d: {  	s10 =	sadd.s32 $0x40, s10;
	v58 =	vadd.f32 v58, v55;
	v59 =	vmul.f32 v48, v18;
	v55 =	vsub.f32 $0.0e+00, v49;
	[tilespmem:v36+s26+$0x0] =	vst.idx.add.f32.msk vm1, v4  }
0x19e: {  	_ = 	snop  }
0x19f: {  	v4 =	vmul.f32 v47, v15;
	v5 =	vadd.f32 v56, v53  }
0x1a0: {  	v6 =	vmul.f32 v48, v19;
	(v2sf) =	vpush v60, $0x0;
	v60 =	vld [tilespmem:s11+$0x1AB80];
	v7 =	vmul.f32 $1.442695020e+00, v58  }
0x1a1: {  	v61 =	vld [tilespmem:s11+$0x1B800];
	v28 =	vadd.f32 v41, v28;
	v8 =	vadd.f32 v59, v57  }
0x1a2: {  	v41 =	vld [tilespmem:s11+$0x16D00];
	v5 =	vmul.f32 $1.442695020e+00, v5;
	v4 =	vadd.f32 v6, v4;
	(erf) = vpow2.f32 v7  }
0x1a3: {  	[tilespmem:v43+s26+$0x0] =	vst.idx.add.f32.msk vm1, v54;
	v59 =	vmul.f32 $1.442695020e+00, v8  }
0x1a4: {  	v47 =	vsub.f32 $0.0e+00, v46;
	(erf) = vpow2.f32 v5;
	v5 =	vld [tilespmem:s11+$0x16080];
	v4 =	vmul.f32 $1.442695020e+00, v4  }
0x1a5: {  	v25 =	vadd.f32 v38, v25;
	v38 =	vmul.f32 v50, v45;
	[tilespmem:v44+s26+$0x0] =	vst.idx.add.f32.msk vm1, v55;
	(erf) = vpow2.f32 v59  }
0x1a6: {  	[tilespmem:v40+s26+$0x0] =	vst.idx.add.f32.msk vm1, v47;
	v40 =	vmul.f32 v50, v42;
	(erf) = vpow2.f32 v4  }
0x1a7: {  	v24 =	vadd.f32 v39, v24;
	v8 =	vmul.f32 v51, v45;
	v4 =	vshll.u32 v36, $0xE;
	v36 =	vld [tilespmem:s11+$0x18600]  }
0x1a8: {  	v33 =	vadd.f32 v38, v33;
	v31 =	vadd.f32 v40, v31  }
0x1a9: {  	v8 =	vadd.f32 v8, v35;
	v4 =	vadd.s32 v37, v4;
	v37 =	vadd.s32 $0x2710, v5  }
0x1aa: {  	v35 =	vmul.f32 v51, v42;
	vm3 =	vgt.f32 v60, $0.0e+00;
	v48 =	vadd.s32 $0x4E20, v5  }
0x1ab: {  	vm2 =	vgt.f32 v61, $0.0e+00;
	v43 =	vadd.s32 $0x4E20, v41;
	v39 =	vadd.s32 $0x7530, v5;
	v62 =	vpop (erf)  }
0x1ac: {  	v59 =	vadd.s32 $0x7530, v41;
	v60 =	vnsel vm3, $0x3F800000, v26;
	v6 =	vmul.f32 v62, v36  }
0x1ad: {  	v51 =	vnsel vm3, $0x3F800000, v27;
	v54 =	vnsel vm3, $0x3F800000, v29;
	v55 =	vnsel vm3, $0x3F800000, v30;
	v44 =	vld.idx.msk [tilespmem:v5+s12+$0x0], $0xffff;
	v63 =	vpop (erf)  }
0x1ae: {  	vm14 =	vmneg vm2;
	v61 =	vpop (erf);
	v56 =	vld.idx.msk [tilespmem:v37+s12+$0x0], $0xffff;
	v6 =	vmul.f32 v6, v60;
	v60 =	vmpcnt.ones.xlane vm2  }
0x1af: {  	v62 =	vsel vm2, $0x1, v3;
	v7 =	vmul.f32 v63, v36;
	v58 =	vld.idx.msk [tilespmem:v48+s12+$0x0], $0xffff;
	v53 =	vmul.f32 v61, v36;
	v63 =	vpop (erf)  }
0x1b0: {  	v32 =	vadd.f32 v35, v32;
	(xrf0) =	vadd.scan.msk.s32 $0xffff, v62;
	v62 =	vld.idx.msk [tilespmem:v39+s12+$0x0], $0xffff;
	s10 =	spop (v2sf);
	v36 =	vmul.f32 v63, v36;
	(v2sf) =	vpush v60, $0x0  }
0x1b1: {  	v61 =	vadd.s32 $0x2710, v41;
	v7 =	vmul.f32 v7, v51;
	s9 =	sadd.s32 s9, s10;
	v63 =	vmul.f32 v53, v54  }
0x1b2: {  	[tilespmem:v52+s28+$0x0] =	vst.idx.msk vm0, v4;
	v52 =	vld.idx.msk [tilespmem:v5+s17+$0x0], $0xffff;
	v6 =	vmul.f32 v6, v44;
	v4 =	vmov s9;
	v60 =	vmul.f32 v49, v45  }
0x1b3: {  	v44 =	vld.idx.msk [tilespmem:v41+s17+$0x0], $0xffff;
	v36 =	vmul.f32 v36, v55;
	v4 =	vadd.s32 $0xFFFFFFFF, v4;
	v7 =	vmul.f32 v56, v7  }
0x1b4: {  	v47 =	vmul.f32 v58, v63;
	[tilespmem:v41+s26+$0x0] =	vst.idx.add.f32.msk vm14, v6;
	v4 =	vbroadcast v4, $0x0;
	v54 =	vsub.f32 $0.0e+00, v6  }
0x1b5: {  	v56 =	vmul.f32 v46, v42;
	v60 =	vadd.f32 v60, v34;
	v36 =	vmul.f32 v62, v36  }
0x1b6: {  	v62 =	vmul.f32 v46, v45;
	[tilespmem:v61+s26+$0x0] =	vst.idx.add.f32.msk vm14, v7;
	v61 =	vmul.f32 v49, v42;
	v63, _, _ =	vpop (xrf0);
	v55 =	vsub.f32 $0.0e+00, v7  }
0x1b7: {  	v57 =	vsub.f32 $0.0e+00, v47;
	v24 =	vadd.f32 v56, v24;
	[tilespmem:v43+s26+$0x0] =	vst.idx.add.f32.msk vm14, v47;
	v4 =	vadd.s32 v63, v4  }
0x1b8: {  	v58 =	vsub.f32 $0.0e+00, v36;
	v63 =	vmul.f32 v36, v44;
	[tilespmem:v59+s26+$0x0] =	vst.idx.add.f32.msk vm14, v36;
	vm15 =	vgt.s32 v4, $0x0  }
0x1b9: {  	v59 =	vmul.f32 v6, v44;
	v28 =	vadd.f32 v61, v28;
	v6 =	vmul.f32 v6, v52  }
0x1ba: {  	v61 =	vmul.f32 v47, v44;
	v36 =	vmul.f32 v36, v52;
	[tilespmem:v5+s26+$0x0] =	vst.idx.add.f32.msk vm14, v54;
	v4 =	vnsel vm15, $0x0, v4  }
0x1bb: {  	v5 =	vshll.u32 v5, $0xE;
	[tilespmem:v37+s26+$0x0] =	vst.idx.add.f32.msk vm14, v55;
	v4 =	vmin.u32 v4, $0x3FF;
	v35 =	vadd.f32 v59, v8  }
.Ltmp7:
0x1bc: {  	v8 =	vadd.f32 v62, v25;
	v25 =	vmul.f32 v7, v44;
	v7 =	vmul.f32 v7, v52;
	(pc) =	sbr.rel @p0 .LBB2_18-.Ltmp7, $4  }
0x1bd: {  	v34 =	vadd.f32 v6, v32;
	v62 =	vmul.f32 v47, v52;
	v5 =	vadd.s32 v41, v5  }
0x1be: {  	v24 =	vadd.f32 v36, v24;
	[tilespmem:v48+s26+$0x0] =	vst.idx.add.f32.msk vm14, v57;
	v33 =	vadd.f32 v25, v33  }
0x1bf: {  	[tilespmem:v39+s26+$0x0] =	vst.idx.add.f32.msk vm14, v58;
	v32 =	vadd.f32 v7, v31;
	v31 =	vadd.f32 v61, v60;
	s31 =	spop (v2sf)  }
0x1c0: {  	v28 =	vadd.f32 v62, v28;
	v25 =	vadd.f32 v63, v8;
	[tilespmem:v4+s28+$0x0] =	vst.idx.msk vm2, v5;
	s11 =	sadd.s32 s9, s31  }
0x1c1: {  	s9 =	smul.u32 $0xC80, s5;
	_ =	sdelay $0x1  }
0x1c2: {  	s9 =	sshrl.u32 s9, $0x3  }
0x1c3: {  	s9 =	sadd.s32 $0x258, s9  }
0x1c4: {  	s10 =	sadd.s32 s3, s9  }
0x1c5: {  	[tilespmem:s18], [sflag:$0x2] =	stream.linear.gather [hbm4b:s10+s12], $0x640, $0x38;
	[tilespmem:$0x1C900] =	vst v63  }
0x1c6: {  	s31 =	sadd.s32 s4, s9  }
0x1c7: {  	[tilespmem:s19], [sflag:$0x2] =	stream.linear.gather [hbm4b:s31+s12], $0x640, $0x38;
	[tilespmem:$0x1C900] =	vst v63  }
0x1c8: {  	s16 =	sadd.s32 s0, s9  }
0x1c9: {  	[tilespmem:s20], [sflag:$0x2] =	stream.linear.gather [hbm4b:s16+s12], $0x640, $0x38;
	[tilespmem:$0x1C900] =	vst v63  }
0x1ca: {  	s31 =	sadd.s32 s1, s9  }
0x1cb: {  	[tilespmem:s21], [sflag:$0x2] =	stream.linear.gather [hbm4b:s31+s12], $0x640, $0x38;
	[tilespmem:$0x1C900] =	vst v63  }
0x1cc: {  	s16 =	sadd.s32 s2, s9  }
0x1cd: {  	[tilespmem:s22], [sflag:$0x2] =	stream.linear.gather [hbm4b:s16+s12], $0x640, $0x38;
	[tilespmem:$0x1C900] =	vst v63  }
.Ltmp8:
0x1ce: {  	_ = 	snop;
	(pc) =	sbr.rel .LBB2_12-.Ltmp8, $4  }
0x1cf: {  	s31 =	sadd.s32 s13, s9  }
0x1d0: {  	[tilespmem:s23], [sflag:$0x2] =	stream.linear.gather [hbm4b:s31+s12], $0x640, $0x38;
	[tilespmem:$0x1C900] =	vst v63  }
0x1d1: {  	s5 =	sadd.s32 $0x1, s5;
	s9 =	sadd.s32 s14, s9  }
0x1d2: {  	[tilespmem:s24], [sflag:$0x2] =	stream.linear.gather [hbm4b:s9+s12], $0x640, $0x38;
	[tilespmem:$0x1C900] =	vst v63  }
.LBB2_18:
0x1d3: {  	s5 =	simm.s32 $0x0;
	s9 =	simm.s32 $0x16080  }
0x1d4: {  	[tilespmem:s9], [sflag:$0x1] =	stream.linear.gather [hbm4b:s6+s5], $0x640, $0x38;
	[tilespmem:$0x1C900] =	vst v63  }
0x1d5: {  	s31 =	simm.s32 $0x16D00  }
0x1d6: {  	[tilespmem:s31], [sflag:$0x1] =	stream.linear.gather [hbm4b:s7+s5], $0x640, $0x38;
	[tilespmem:$0x1C900] =	vst v63  }
0x1d7: {  	s10 =	simm.s32 $0x17980;
	s11 =	rddreg [dreg:$0x18]  }
0x1d8: {  	[tilespmem:s10], [sflag:$0x1] =	stream.linear.gather [hbm4b:s8+s5], $0x640, $0x38;
	[tilespmem:$0x1C900] =	vst v63  }
0x1d9: {  	s16 =	rddreg [dreg:$0x19];
	s10 =	simm.s32 $0x18600  }
0x1da: {  	[tilespmem:s10], [sflag:$0x1] =	stream.linear.gather [hbm4b:s11+s5], $0x640, $0x38;
	[tilespmem:$0x1C900] =	vst v63  }
0x1db: {  	s31 =	simm.s32 $0x19280;
	s10 =	rddreg [dreg:$0x1a]  }
0x1dc: {  	[tilespmem:s31], [sflag:$0x1] =	stream.linear.gather [hbm4b:s16+s5], $0x640, $0x38;
	[tilespmem:$0x1C900] =	vst v63  }
0x1dd: {  	s11 =	simm.s32 $0x19F00;
	s16 =	rddreg [dreg:$0x1b]  }
0x1de: {  	[tilespmem:s11], [sflag:$0x1] =	stream.linear.gather [hbm4b:s10+s5], $0x640, $0x38;
	[tilespmem:$0x1C900] =	vst v63  }
0x1df: {  	s31 =	rddreg [dreg:$0x1c]  }
0x1e0: {  	[tilespmem:s18], [sflag:$0x2] =	stream.linear.gather [hbm4b:s16+s5], $0x640, $0x38;
	[tilespmem:$0x1C900] =	vst v63  }
0x1e1: {  	s10 =	rddreg [dreg:$0x1d]  }
0x1e2: {  	[tilespmem:s19], [sflag:$0x2] =	stream.linear.gather [hbm4b:s31+s5], $0x640, $0x38;
	[tilespmem:$0x1C900] =	vst v63  }
0x1e3: {  	s11 =	rddreg [dreg:$0x1e]  }
0x1e4: {  	[tilespmem:s30], [sflag:$0x2] =	stream.linear.gather [hbm4b:s10+s5], $0x640, $0x38;
	[tilespmem:$0x1C900] =	vst v63  }
0x1e5: {  	s16 =	rddreg [dreg:$0x1f]  }
0x1e6: {  	[tilespmem:s20], [sflag:$0x2] =	stream.linear.gather [hbm4b:s11+s5], $0x640, $0x38;
	[tilespmem:$0x1C900] =	vst v63  }
0x1e7: {  	s31 =	sld [smem:$0x7FD]  }
0x1e8: {  	[tilespmem:s21], [sflag:$0x2] =	stream.linear.gather [hbm4b:s16+s5], $0x640, $0x38;
	[tilespmem:$0x1C900] =	vst v63  }
0x1e9: {  	v20 =	vbroadcast v20, $0x2;
	v21 =	vbroadcast v21, $0x2  }
0x1ea: {  	v22 =	vbroadcast v22, $0x2;
	v23 =	vbroadcast v23, $0x2;
	[tilespmem:s22], [sflag:$0x2] =	stream.linear.gather [hbm4b:s31+s5], $0x640, $0x38;
	[tilespmem:$0x1C900] =	vst v63  }
.LBB2_19:
0x1eb: {  	_ =	swait.ge [sflag:s25], $0x640  }
0x1ec: {  	[sflag:s25] =	ssyncset.done $0x0  }
0x1ed: {  	[sflag:s25] =	ssyncadd.s32 $0xFFFFF9C0  }
0x1ee: {  	_ =	swait.ge [sflag:s25], $0x640  }
0x1ef: {  	[sflag:s25] =	ssyncset.done $0x0  }
0x1f0: {  	[sflag:s25] =	ssyncadd.s32 $0xFFFFF9C0  }
0x1f1: {  	_ =	swait.ge [sflag:s25], $0x640  }
0x1f2: {  	[sflag:s25] =	ssyncset.done $0x0  }
0x1f3: {  	[sflag:s25] =	ssyncadd.s32 $0xFFFFF9C0  }
0x1f4: {  	_ =	swait.ge [sflag:s25], $0x640  }
0x1f5: {  	[sflag:s25] =	ssyncset.done $0x0  }
0x1f6: {  	[sflag:s25] =	ssyncadd.s32 $0xFFFFF9C0  }
0x1f7: {  	_ =	swait.ge [sflag:s25], $0x640  }
0x1f8: {  	[sflag:s25] =	ssyncset.done $0x0  }
0x1f9: {  	[sflag:s25] =	ssyncadd.s32 $0xFFFFF9C0  }
0x1fa: {  	_ =	swait.ge [sflag:s25], $0x640  }
0x1fb: {  	[sflag:s25] =	ssyncset.done $0x0  }
0x1fc: {  	s10 =	simm.s32 $0x0;
	[sflag:s25] =	ssyncadd.s32 $0xFFFFF9C0  }
0x1fd: {  	v4 =	vld [tilespmem:s10+$0x19280]  }
0x1fe: {  	v5 =	vld [tilespmem:s10+$0x19F00];
	_ =	sdelay $0x4  }
0x1ff: {  	v6 =	vmul.f32 v4, v12;
	v7 =	vmul.f32 v5, v16  }
0x200: {  	v8 =	vmul.f32 v4, v13;
	v26 =	vmul.f32 v5, v17  }
0x201: {  	v27 =	vmul.f32 v4, v14;
	v29 =	vmul.f32 v5, v18;
	v6 =	vadd.f32 v7, v6  }
0x202: {  	v48 =	vld [tilespmem:s10+$0x16080];
	v4 =	vmul.f32 v4, v15;
	v5 =	vmul.f32 v5, v19;
	v57 =	vadd.f32 v26, v8  }
0x203: {  	v26 =	vadd.f32 v29, v27;
	v6 =	vmul.f32 $1.442695020e+00, v6  }
0x204: {  	v4 =	vadd.f32 v5, v4;
	v7 =	vmul.f32 $1.442695020e+00, v57  }
0x205: {  	v58 =	vld [tilespmem:s10+$0x18600];
	v5 =	vmul.f32 $1.442695020e+00, v26;
	(erf) = vpow2.f32 v6  }
0x206: {  	v59 =	vld [tilespmem:s10+$0x17980];
	v4 =	vmul.f32 $1.442695020e+00, v4;
	(erf) = vpow2.f32 v7  }
0x207: {  	s9 =	simm.s32 $0x10;
	v51 =	vadd.s32 $0x4E20, v48;
	v8 =	vld [tilespmem:s10+$0x16D00];
	(erf) = vpow2.f32 v5  }
0x208: {  	v30 =	vld [tilespmem:s9+$0x16080];
	v53 =	vadd.s32 $0x7530, v48;
	(erf) = vpow2.f32 v4  }
0x209: {  	v54 =	vld [tilespmem:s9+$0x19F00]  }
0x20a: {  	v27 =	vld [tilespmem:s9+$0x16D00];
	v4 =	vadd.s32 $0x2710, v48  }
0x20b: {  	v26 =	vld.idx.msk [tilespmem:v48+s12+$0x0], $0xffff  }
0x20c: {  	v39 =	vld.idx.msk [tilespmem:v51+s12+$0x0], $0xffff;
	v43 =	vadd.s32 $0x2710, v8  }
0x20d: {  	v41 =	vld.idx.msk [tilespmem:v53+s12+$0x0], $0xffff;
	v44 =	vadd.s32 $0x4E20, v8  }
0x20e: {  	v45 =	vadd.s32 $0x7530, v8;
	v5 =	vld [tilespmem:s9+$0x19280];
	v38 =	vpop (erf)  }
0x20f: {  	v37 =	vld.idx.msk [tilespmem:v4+s12+$0x0], $0xffff;
	v38 =	vmul.f32 v38, v58;
	v40 =	vpop (erf)  }
0x210: {  	v29 =	vld.idx.msk [tilespmem:v8+s12+$0x0], $0xffff;
	v40 =	vmul.f32 v40, v58;
	v42 =	vpop (erf)  }
0x211: {  	v36 =	vld.idx.msk [tilespmem:v43+s12+$0x0], $0xffff;
	v38 =	vmul.f32 v38, v20;
	v42 =	vmul.f32 v42, v58;
	v47 =	vpop (erf)  }
0x212: {  	v46 =	vld.idx.msk [tilespmem:v44+s12+$0x0], $0xffff;
	v40 =	vmul.f32 v40, v21;
	v6 =	vmul.f32 v47, v58  }
0x213: {  	v49 =	vadd.s32 $0x2710, v59;
	v60 =	vld.idx.msk [tilespmem:v45+s12+$0x0], $0xffff;
	v38 =	vmul.f32 v38, v26;
	v42 =	vmul.f32 v42, v22  }
0x214: {  	v50 =	vadd.s32 $0x4E20, v59;
	v26 =	vld.idx.msk [tilespmem:v59+s17+$0x0], $0xffff;
	v37 =	vmul.f32 v37, v40;
	v6 =	vmul.f32 v6, v23  }
0x215: {  	v52 =	vadd.s32 $0x7530, v59;
	v40 =	vld.idx.msk [tilespmem:v48+s17+$0x0], $0xffff;
	v38 =	vmul.f32 v38, v29;
	v29 =	vmul.f32 v39, v42  }
0x216: {  	v42 =	vld.idx.msk [tilespmem:v8+s17+$0x0], $0xffff;
	v37 =	vmul.f32 v36, v37;
	v6 =	vmul.f32 v41, v6  }
0x217: {  	v36 =	vmul.f32 v46, v29;
	[tilespmem:v59+s26+$0x0] =	vst.idx.add.f32.msk $0xffff, v38  }
0x218: {  	v29 =	vmul.f32 v60, v6;
	[tilespmem:v49+s26+$0x0] =	vst.idx.add.f32.msk $0xffff, v37  }
0x219: {  	v61 =	vsub.f32 $0.0e+00, v38;
	[tilespmem:v50+s26+$0x0] =	vst.idx.add.f32.msk $0xffff, v36  }
0x21a: {  	v63 =	vmul.f32 v54, v16;
	v56 =	vmul.f32 v54, v17;
	v46 =	vsub.f32 $0.0e+00, v37;
	[tilespmem:v52+s26+$0x0] =	vst.idx.add.f32.msk $0xffff, v29  }
0x21b: {  	v62 =	vmul.f32 v5, v12;
	v55 =	vmul.f32 v5, v13;
	v47 =	vsub.f32 $0.0e+00, v36;
	[tilespmem:v48+s26+$0x0] =	vst.idx.add.f32.msk $0xffff, v61  }
0x21c: {  	v41 =	vmul.f32 v38, v26;
	v39 =	vmul.f32 v37, v26;
	v48 =	vsub.f32 $0.0e+00, v29;
	[tilespmem:v4+s26+$0x0] =	vst.idx.add.f32.msk $0xffff, v46  }
0x21d: {  	v49 =	vmul.f32 v5, v14;
	v50 =	vmul.f32 v54, v18;
	[tilespmem:v51+s26+$0x0] =	vst.idx.add.f32.msk $0xffff, v47  }
0x21e: {  	v54 =	vmul.f32 v54, v19;
	v52 =	vadd.f32 v63, v62;
	[tilespmem:v53+s26+$0x0] =	vst.idx.add.f32.msk $0xffff, v48  }
0x21f: {  	s10 =	simm.s32 $0x80;
	v51 =	vmul.f32 v5, v15;
	v53 =	vadd.f32 v56, v55;
	[tilespmem:v8+s26+$0x0] =	vst.idx.add.f32.msk $0xffff, v61  }
.LBB2_20:
0x220: {  	p0 =	sne.s32 s10, $0x18C0;
	v4 =	vmul.f32 $1.442695020e+00, v52;
	v5 =	vadd.f32 v50, v49;
	v6 =	vadd.f32 v42, v40;
	[tilespmem:v43+s26+$0x0] =	vst.idx.add.f32.msk $0xffff, v46  }
0x221: {  	v40 =	vmul.f32 v36, v26;
	v7 =	vmul.f32 $1.442695020e+00, v53;
	v8 =	vadd.f32 v54, v51;
	[tilespmem:v44+s26+$0x0] =	vst.idx.add.f32.msk $0xffff, v47  }
0x222: {  	v35 =	vadd.f32 v41, v35;
	v5 =	vmul.f32 $1.442695020e+00, v5;
	(erf) = vpow2.f32 v4;
	[tilespmem:v45+s26+$0x0] =	vst.idx.add.f32.msk $0xffff, v48  }
0x223: {  	v33 =	vadd.f32 v39, v33;
	v4 =	vld [tilespmem:s9+$0x18600];
	v8 =	vmul.f32 $1.442695020e+00, v8;
	(erf) = vpow2.f32 v7  }
0x224: {  	v31 =	vadd.f32 v40, v31;
	v7 =	vld [tilespmem:s9+$0x17980];
	s9 =	sshra.s32 s10, $0x2;
	(erf) = vpow2.f32 v5;
	v5 =	vmul.f32 v38, v6  }
0x225: {  	v43 =	vadd.s32 $0x2710, v27;
	v55 =	vld [tilespmem:s9+$0x16D00];
	(erf) = vpow2.f32 v8;
	v8 =	vmul.f32 v37, v6  }
0x226: {  	v49 =	vadd.s32 $0x2710, v30;
	v26 =	vmul.f32 v29, v26;
	v36 =	vmul.f32 v36, v6;
	v51 =	vld [tilespmem:s9+$0x16080]  }
0x227: {  	v52 =	vadd.s32 $0x4E20, v30;
	v34 =	vadd.f32 v5, v34;
	v5 =	vmul.f32 v29, v6;
	v53 =	vld [tilespmem:s9+$0x19280]  }
0x228: {  	v54 =	vadd.s32 $0x7530, v30;
	v28 =	vadd.f32 v36, v28;
	v32 =	vadd.f32 v8, v32;
	v6 =	vld.idx.msk [tilespmem:v27+s12+$0x0], $0xffff  }
0x229: {  	v44 =	vadd.s32 $0x4E20, v27;
	v25 =	vadd.f32 v26, v25;
	v24 =	vadd.f32 v5, v24;
	v8 =	vld.idx.msk [tilespmem:v30+s12+$0x0], $0xffff  }
0x22a: {  	v45 =	vadd.s32 $0x7530, v27;
	v5 =	vld.idx.msk [tilespmem:v43+s12+$0x0], $0xffff  }
0x22b: {  	v29 =	vld.idx.msk [tilespmem:v49+s12+$0x0], $0xffff;
	v26 =	vpop (erf)  }
0x22c: {  	v26 =	vmul.f32 v26, v4;
	v36 =	vld.idx.msk [tilespmem:v52+s12+$0x0], $0xffff;
	v37 =	vpop (erf)  }
0x22d: {  	v37 =	vmul.f32 v37, v4;
	v39 =	vld.idx.msk [tilespmem:v54+s12+$0x0], $0xffff;
	v38 =	vpop (erf)  }
0x22e: {  	v26 =	vmul.f32 v26, v20;
	v38 =	vmul.f32 v38, v4;
	v41 =	vld.idx.msk [tilespmem:v44+s12+$0x0], $0xffff;
	v40 =	vpop (erf)  }
0x22f: {  	v37 =	vmul.f32 v37, v21;
	v4 =	vmul.f32 v40, v4;
	v46 =	vld.idx.msk [tilespmem:v45+s12+$0x0], $0xffff  }
0x230: {  	v47 =	vadd.s32 $0x2710, v7;
	v56 =	vld [tilespmem:s9+$0x19F00];
	v8 =	vmul.f32 v26, v8;
	v42 =	vmul.f32 v38, v22  }
0x231: {  	v48 =	vadd.s32 $0x4E20, v7;
	v26 =	vld.idx.msk [tilespmem:v7+s17+$0x0], $0xffff;
	v29 =	vmul.f32 v29, v37;
	v4 =	vmul.f32 v4, v23  }
0x232: {  	v40 =	vld.idx.msk [tilespmem:v30+s17+$0x0], $0xffff;
	v38 =	vmul.f32 v8, v6;
	v6 =	vmul.f32 v36, v42;
	v8 =	vadd.s32 $0x7530, v7  }
0x233: {  	v42 =	vld.idx.msk [tilespmem:v27+s17+$0x0], $0xffff;
	v37 =	vmul.f32 v5, v29;
	v4 =	vmul.f32 v39, v4  }
0x234: {  	v36 =	vmul.f32 v41, v6;
	[tilespmem:v7+s26+$0x0] =	vst.idx.add.f32.msk $0xffff, v38  }
0x235: {  	v29 =	vmul.f32 v46, v4;
	[tilespmem:v47+s26+$0x0] =	vst.idx.add.f32.msk $0xffff, v37  }
0x236: {  	v4 =	vsub.f32 $0.0e+00, v38;
	[tilespmem:v48+s26+$0x0] =	vst.idx.add.f32.msk $0xffff, v36  }
0x237: {  	v46 =	vsub.f32 $0.0e+00, v37;
	v41 =	vmul.f32 v38, v26;
	v39 =	vmul.f32 v37, v26;
	[tilespmem:v8+s26+$0x0] =	vst.idx.add.f32.msk $0xffff, v29  }
.Ltmp9:
0x238: {  	v5 =	vmul.f32 v53, v12;
	v6 =	vmul.f32 v56, v16;
	v47 =	vsub.f32 $0.0e+00, v36;
	[tilespmem:v30+s26+$0x0] =	vst.idx.add.f32.msk $0xffff, v4;
	(pc) =	sbr.rel @p0 .LBB2_20-.Ltmp9, $4  }
0x239: {  	v7 =	vmul.f32 v53, v13;
	v8 =	vmul.f32 v56, v17;
	v48 =	vsub.f32 $0.0e+00, v29;
	[tilespmem:v49+s26+$0x0] =	vst.idx.add.f32.msk $0xffff, v46  }
0x23a: {  	v50 =	vmul.f32 v56, v18;
	v30 =	vmov v51;
	v49 =	vmul.f32 v53, v14;
	[tilespmem:v52+s26+$0x0] =	vst.idx.add.f32.msk $0xffff, v47  }
0x23b: {  	v51 =	vmul.f32 v53, v15;
	v52 =	vadd.f32 v6, v5;
	[tilespmem:v54+s26+$0x0] =	vst.idx.add.f32.msk $0xffff, v48  }
0x23c: {  	s10 =	sadd.s32 $0x40, s10;
	v53 =	vadd.f32 v8, v7;
	v54 =	vmul.f32 v56, v19;
	[tilespmem:v27+s26+$0x0] =	vst.idx.add.f32.msk $0xffff, v4;
	v27 =	vmov v55  }
0x23d: {  	v4 =	vmul.f32 $1.442695020e+00, v52;
	v5 =	vadd.f32 v50, v49  }
0x23e: {  	v6 =	vmul.f32 $1.442695020e+00, v53;
	v7 =	vadd.f32 v54, v51  }
0x23f: {  	v5 =	vmul.f32 $1.442695020e+00, v5;
	(erf) = vpow2.f32 v4  }
0x240: {  	v4 =	vmul.f32 $1.442695020e+00, v7;
	(erf) = vpow2.f32 v6  }
0x241: {  	[tilespmem:v43+s26+$0x0] =	vst.idx.add.f32.msk $0xffff, v46;
	(erf) = vpow2.f32 v5  }
0x242: {  	v43 =	vld.idx.msk [tilespmem:v30+s12+$0x0], $0xffff;
	(erf) = vpow2.f32 v4  }
0x243: {  	v8 =	vadd.s32 $0x4E20, v30;
	[tilespmem:v44+s26+$0x0] =	vst.idx.add.f32.msk $0xffff, v47  }
0x244: {  	v6 =	vadd.s32 $0x2710, v30;
	v5 =	vld [tilespmem:s9+$0x18600]  }
0x245: {  	[tilespmem:v45+s26+$0x0] =	vst.idx.add.f32.msk $0xffff, v48;
	v45 =	vadd.s32 $0x7530, v30  }
0x246: {  	v7 =	vld [tilespmem:s9+$0x17980];
	v4 =	vadd.s32 $0x2710, v27  }
0x247: {  	v46 =	vadd.s32 $0x4E20, v27;
	v44 =	vld.idx.msk [tilespmem:v27+s12+$0x0], $0xffff  }
0x248: {  	v48 =	vadd.s32 $0x7530, v27;
	v63 =	vld.idx.msk [tilespmem:v8+s12+$0x0], $0xffff;
	v61 =	vpop (erf)  }
0x249: {  	v50 =	vld.idx.msk [tilespmem:v6+s12+$0x0], $0xffff;
	v49 =	vmul.f32 v61, v5;
	v62 =	vpop (erf)  }
0x24a: {  	v60 =	vld.idx.msk [tilespmem:v45+s12+$0x0], $0xffff;
	v51 =	vmul.f32 v62, v5;
	v59 =	vpop (erf)  }
0x24b: {  	v47 =	vld.idx.msk [tilespmem:v4+s12+$0x0], $0xffff;
	v49 =	vmul.f32 v49, v20;
	v53 =	vmul.f32 v59, v5;
	v55 =	vpop (erf)  }
0x24c: {  	v56 =	vld.idx.msk [tilespmem:v46+s12+$0x0], $0xffff;
	v51 =	vmul.f32 v51, v21;
	v5 =	vmul.f32 v55, v5  }
0x24d: {  	v57 =	vadd.s32 $0x2710, v7;
	v61 =	vld.idx.msk [tilespmem:v48+s12+$0x0], $0xffff;
	v49 =	vmul.f32 v49, v43;
	v53 =	vmul.f32 v53, v22  }
0x24e: {  	v62 =	vadd.s32 $0x4E20, v7;
	v43 =	vld.idx.msk [tilespmem:v7+s17+$0x0], $0xffff;
	v50 =	vmul.f32 v50, v51;
	v5 =	vmul.f32 v5, v23  }
0x24f: {  	v44 =	vmul.f32 v49, v44;
	v49 =	vld.idx.msk [tilespmem:v30+s17+$0x0], $0xffff;
	v52 =	vmul.f32 v63, v53;
	v63 =	vadd.s32 $0x7530, v7  }
0x250: {  	v47 =	vmul.f32 v47, v50;
	v5 =	vmul.f32 v60, v5;
	v50 =	vld.idx.msk [tilespmem:v27+s17+$0x0], $0xffff  }
0x251: {  	v52 =	vmul.f32 v56, v52;
	[tilespmem:v7+s26+$0x0] =	vst.idx.add.f32.msk $0xffff, v44  }
0x252: {  	v5 =	vmul.f32 v61, v5;
	[tilespmem:v57+s26+$0x0] =	vst.idx.add.f32.msk $0xffff, v47  }
0x253: {  	v57 =	vsub.f32 $0.0e+00, v44;
	[tilespmem:v62+s26+$0x0] =	vst.idx.add.f32.msk $0xffff, v52  }
0x254: {  	v58 =	vsub.f32 $0.0e+00, v47;
	[tilespmem:v63+s26+$0x0] =	vst.idx.add.f32.msk $0xffff, v5  }
0x255: {  	v59 =	vsub.f32 $0.0e+00, v52;
	[tilespmem:v30+s26+$0x0] =	vst.idx.add.f32.msk $0xffff, v57  }
0x256: {  	v30 =	vsub.f32 $0.0e+00, v5;
	[tilespmem:v6+s26+$0x0] =	vst.idx.add.f32.msk $0xffff, v58  }
0x257: {  	p0 =	seq.s32 s5, $0x18;
	[tilespmem:v8+s26+$0x0] =	vst.idx.add.f32.msk $0xffff, v59  }
0x258: {  	s9 =	smul.u32 @!p0 $0xC80, s5;
	[tilespmem:v45+s26+$0x0] =	vst.idx.add.f32.msk $0xffff, v30  }
0x259: {  	[tilespmem:v27+s26+$0x0] =	vst.idx.add.f32.msk $0xffff, v57  }
0x25a: {  	s9 =	sshrl.u32 @!p0 s9, $0x3;
	[tilespmem:v4+s26+$0x0] =	vst.idx.add.f32.msk $0xffff, v58  }
0x25b: {  	s10 =	sadd.s32 @!p0 $0x190, s9;
	[tilespmem:v46+s26+$0x0] =	vst.idx.add.f32.msk $0xffff, v59  }
0x25c: {  	s16 =	simm.s32 @!p0 $0x0;
	s31 =	simm.s32 @!p0 $0x16080;
	s11 =	sadd.s32 @!p0 s6, s10;
	[tilespmem:v48+s26+$0x0] =	vst.idx.add.f32.msk $0xffff, v30  }
0x25d: {  	[tilespmem:s31], [sflag:$0x1] =	stream.linear.gather @!p0 [hbm4b:s11+s16], $0x640, $0x38;
	[tilespmem:$0x1C900] =	vst v63  }
0x25e: {  	s11 =	sadd.s32 @!p0 s7, s10;
	s31 =	simm.s32 @!p0 $0x16D00  }
0x25f: {  	[tilespmem:s31], [sflag:$0x1] =	stream.linear.gather @!p0 [hbm4b:s11+s16], $0x640, $0x38;
	[tilespmem:$0x1C900] =	vst v63  }
0x260: {  	s9 =	sadd.s32 @!p0 $0x28A0, s9;
	s10 =	sadd.s32 @!p0 s8, s10;
	s11 =	simm.s32 @!p0 $0x17980  }
0x261: {  	[tilespmem:s11], [sflag:$0x1] =	stream.linear.gather @!p0 [hbm4b:s10+s16], $0x640, $0x38;
	[tilespmem:$0x1C900] =	vst v63  }
0x262: {  	s10 =	sadd.s32 @!p0 s0, s9;
	s11 =	simm.s32 @!p0 $0x18600  }
0x263: {  	[tilespmem:s11], [sflag:$0x1] =	stream.linear.gather @!p0 [hbm4b:s10+s16], $0x640, $0x38;
	[tilespmem:$0x1C900] =	vst v63  }
0x264: {  	s10 =	sadd.s32 @!p0 s1, s9;
	s11 =	simm.s32 @!p0 $0x19280  }
0x265: {  	[tilespmem:s11], [sflag:$0x1] =	stream.linear.gather @!p0 [hbm4b:s10+s16], $0x640, $0x38;
	[tilespmem:$0x1C900] =	vst v63  }
0x266: {  	s9 =	sadd.s32 @!p0 s2, s9;
	s10 =	simm.s32 @!p0 $0x19F00  }
0x267: {  	[tilespmem:s10], [sflag:$0x1] =	stream.linear.gather @!p0 [hbm4b:s9+s16], $0x640, $0x38;
	[tilespmem:$0x1C900] =	vst v63  }
0x268: {  	_ =	swait.ge [sflag:s29], $0x640  }
0x269: {  	[sflag:s29] =	ssyncset.done $0x0  }
0x26a: {  	[sflag:s29] =	ssyncadd.s32 $0xFFFFF9C0  }
0x26b: {  	_ =	swait.ge [sflag:s29], $0x640  }
0x26c: {  	[sflag:s29] =	ssyncset.done $0x0  }
0x26d: {  	[sflag:s29] =	ssyncadd.s32 $0xFFFFF9C0  }
0x26e: {  	_ =	swait.ge [sflag:s29], $0x640  }
0x26f: {  	[sflag:s29] =	ssyncset.done $0x0  }
0x270: {  	[sflag:s29] =	ssyncadd.s32 $0xFFFFF9C0  }
0x271: {  	_ =	swait.ge [sflag:s29], $0x640  }
0x272: {  	[sflag:s29] =	ssyncset.done $0x0  }
0x273: {  	[sflag:s29] =	ssyncadd.s32 $0xFFFFF9C0  }
0x274: {  	_ =	swait.ge [sflag:s29], $0x640  }
0x275: {  	[sflag:s29] =	ssyncset.done $0x0  }
0x276: {  	[sflag:s29] =	ssyncadd.s32 $0xFFFFF9C0  }
0x277: {  	_ =	swait.ge [sflag:s29], $0x640  }
0x278: {  	[sflag:s29] =	ssyncset.done $0x0  }
0x279: {  	s31 =	simm.s32 $0x0;
	[sflag:s29] =	ssyncadd.s32 $0xFFFFF9C0  }
0x27a: {  	v4 =	vld [tilespmem:s31+$0x198C0]  }
0x27b: {  	v60 =	vld [tilespmem:s31+$0x1A540];
	_ =	sdelay $0x1  }
0x27c: {  	v61 =	vmul.f32 v36, v26;
	_ =	sdelay $0x1  }
0x27d: {  	v7 =	vadd.f32 v61, v31;
	v61 =	vmul.f32 v47, v43;
	v59 =	vmul.f32 v29, v26  }
0x27e: {  	v55 =	vld [tilespmem:s31+$0x17340];
	v8 =	vmul.f32 v4, v12;
	v27 =	vmul.f32 v60, v16  }
0x27f: {  	v30 =	vadd.f32 v42, v40;
	v62 =	vmul.f32 v4, v13;
	v63 =	vmul.f32 v60, v17  }
0x280: {  	v48 =	vmul.f32 v4, v14;
	v51 =	vmul.f32 v60, v18;
	v8 =	vadd.f32 v27, v8  }
0x281: {  	v4 =	vmul.f32 v4, v15;
	v6 =	vmul.f32 v60, v19;
	v27 =	vadd.f32 v63, v62  }
0x282: {  	v31 =	vmul.f32 v36, v30;
	v57 =	vadd.f32 v51, v48;
	v8 =	vmul.f32 $1.442695020e+00, v8  }
0x283: {  	v36 =	vadd.s32 $0x4E20, v55;
	v4 =	vadd.f32 v6, v4;
	v27 =	vmul.f32 $1.442695020e+00, v27  }
0x284: {  	v48 =	vld [tilespmem:s31+$0x166C0];
	v58 =	vmul.f32 $1.442695020e+00, v57;
	(erf) = vpow2.f32 v8  }
0x285: {  	s11 =	simm.s32 $0x10;
	v42 =	vld [tilespmem:s31+$0x17FC0];
	v4 =	vmul.f32 $1.442695020e+00, v4;
	(erf) = vpow2.f32 v27  }
0x286: {  	v37 =	vmul.f32 v37, v30;
	v26 =	vld [tilespmem:s11+$0x17340];
	(erf) = vpow2.f32 v58  }
0x287: {  	v53 =	vld [tilespmem:s11+$0x198C0];
	v6 =	vadd.f32 v41, v35;
	v35 =	vadd.s32 $0x2710, v55;
	(erf) = vpow2.f32 v4  }
0x288: {  	v38 =	vmul.f32 v38, v30;
	v29 =	vmul.f32 v29, v30;
	v30 =	vadd.f32 v37, v32;
	v57 =	vld.idx.msk [tilespmem:v36+s12+$0x0], $0xffff  }
0x289: {  	v60 =	vadd.f32 v50, v49;
	v8 =	vadd.f32 v39, v33;
	v33 =	vld [tilespmem:s31+$0x18C40];
	v51 =	vadd.s32 $0x2710, v48  }
0x28a: {  	v31 =	vadd.f32 v31, v28;
	v46 =	vadd.f32 v29, v24;
	v39 =	vld.idx.msk [tilespmem:v55+s12+$0x0], $0xffff;
	v54 =	vadd.s32 $0x4E20, v48  }
0x28b: {  	v62 =	vmul.f32 v52, v43;
	v47 =	vmul.f32 v47, v60;
	v27 =	vld [tilespmem:s11+$0x166C0];
	v56 =	vadd.s32 $0x7530, v48  }
0x28c: {  	v45 =	vld.idx.msk [tilespmem:v35+s12+$0x0], $0xffff;
	v4 =	vadd.f32 v38, v34;
	v38 =	vadd.f32 v59, v25;
	v25 =	vmul.f32 v44, v43  }
0x28d: {  	v37 =	vadd.s32 $0x7530, v55;
	v49 =	vmul.f32 v52, v60;
	v44 =	vmul.f32 v44, v60;
	v40 =	vld.idx.msk [tilespmem:v48+s12+$0x0], $0xffff;
	v24 =	vpop (erf)  }
0x28e: {  	v28 =	vadd.f32 v25, v6;
	v6 =	vmul.f32 v5, v43;
	v63 =	vld.idx.msk [tilespmem:v51+s12+$0x0], $0xffff;
	v24 =	vmul.f32 v24, v33;
	v29 =	vpop (erf)  }
0x28f: {  	v25 =	vadd.f32 v61, v8;
	v5 =	vmul.f32 v5, v60;
	v52 =	vld.idx.msk [tilespmem:v54+s12+$0x0], $0xffff;
	v8 =	vmul.f32 v29, v33;
	v59 =	vpop (erf)  }
0x290: {  	v32 =	vld.idx.msk [tilespmem:v56+s12+$0x0], $0xffff;
	v29 =	vadd.f32 v62, v7;
	v60 =	vmul.f32 v24, v20;
	v34 =	vmul.f32 v59, v33;
	v61 =	vpop (erf)  }
0x291: {  	v58 =	vld [tilespmem:s11+$0x1A540];
	v24 =	vadd.f32 v44, v4;
	v4 =	vmul.f32 v8, v21;
	v8 =	vmul.f32 v61, v33  }
0x292: {  	v44 =	vld.idx.msk [tilespmem:v37+s12+$0x0], $0xffff;
	v59 =	vadd.s32 $0x2710, v42;
	v7 =	vmul.f32 v60, v40;
	v62 =	vmul.f32 v34, v22  }
0x293: {  	v43 =	vld.idx.msk [tilespmem:v48+s17+$0x0], $0xffff;
	v4 =	vmul.f32 v63, v4;
	v8 =	vmul.f32 v8, v23;
	v63 =	vadd.s32 $0x4E20, v42  }
0x294: {  	v61 =	vadd.s32 $0x7530, v42;
	v34 =	vld.idx.msk [tilespmem:v42+s17+$0x0], $0xffff;
	v39 =	vmul.f32 v7, v39;
	v60 =	vmul.f32 v52, v62  }
0x295: {  	v41 =	vmul.f32 v45, v4;
	v45 =	vld.idx.msk [tilespmem:v55+s17+$0x0], $0xffff;
	v4 =	vmul.f32 v32, v8  }
0x296: {  	v30 =	vadd.f32 v47, v30;
	v40 =	vmul.f32 v57, v60;
	[tilespmem:v42+s26+$0x0] =	vst.idx.add.f32.msk $0xffff, v39  }
0x297: {  	v33 =	vadd.f32 v6, v38;
	v38 =	vmul.f32 v44, v4;
	[tilespmem:v59+s26+$0x0] =	vst.idx.add.f32.msk $0xffff, v41  }
0x298: {  	v50 =	vmul.f32 v58, v18;
	v32 =	vadd.f32 v49, v31;
	v4 =	vsub.f32 $0.0e+00, v39;
	[tilespmem:v63+s26+$0x0] =	vst.idx.add.f32.msk $0xffff, v40  }
0x299: {  	v62 =	vmul.f32 v58, v16;
	v31 =	vadd.f32 v5, v46;
	v46 =	vsub.f32 $0.0e+00, v41;
	[tilespmem:v61+s26+$0x0] =	vst.idx.add.f32.msk $0xffff, v38  }
0x29a: {  	v5 =	vmul.f32 v53, v12;
	v8 =	vmul.f32 v58, v17;
	v47 =	vsub.f32 $0.0e+00, v40;
	[tilespmem:v48+s26+$0x0] =	vst.idx.add.f32.msk $0xffff, v4  }
0x29b: {  	v49 =	vmul.f32 v53, v14;
	v44 =	vmul.f32 v39, v34;
	v48 =	vsub.f32 $0.0e+00, v38;
	[tilespmem:v51+s26+$0x0] =	vst.idx.add.f32.msk $0xffff, v46  }
0x29c: {  	v42 =	vmul.f32 v41, v34;
	v63 =	vmul.f32 v53, v13;
	[tilespmem:v54+s26+$0x0] =	vst.idx.add.f32.msk $0xffff, v47  }
0x29d: {  	v52 =	vadd.f32 v62, v5;
	v51 =	vmul.f32 v53, v15;
	[tilespmem:v56+s26+$0x0] =	vst.idx.add.f32.msk $0xffff, v48  }
0x29e: {  	s9 =	simm.s32 $0x80;
	v53 =	vadd.f32 v8, v63;
	v54 =	vmul.f32 v58, v19;
	[tilespmem:v55+s26+$0x0] =	vst.idx.add.f32.msk $0xffff, v4  }
.LBB2_22:
0x29f: {  	p1 =	sne.s32 s9, $0x18C0;
	v4 =	vmul.f32 $1.442695020e+00, v52;
	v5 =	vadd.f32 v50, v49;
	v6 =	vadd.f32 v45, v43;
	[tilespmem:v35+s26+$0x0] =	vst.idx.add.f32.msk $0xffff, v46  }
0x2a0: {  	v35 =	vmul.f32 v40, v34;
	v7 =	vmul.f32 $1.442695020e+00, v53;
	v8 =	vadd.f32 v54, v51;
	[tilespmem:v36+s26+$0x0] =	vst.idx.add.f32.msk $0xffff, v47  }
0x2a1: {  	v28 =	vadd.f32 v44, v28;
	v5 =	vmul.f32 $1.442695020e+00, v5;
	(erf) = vpow2.f32 v4;
	[tilespmem:v37+s26+$0x0] =	vst.idx.add.f32.msk $0xffff, v48  }
0x2a2: {  	v25 =	vadd.f32 v42, v25;
	v4 =	vld [tilespmem:s11+$0x18C40];
	v8 =	vmul.f32 $1.442695020e+00, v8;
	(erf) = vpow2.f32 v7  }
0x2a3: {  	v29 =	vadd.f32 v35, v29;
	v7 =	vld [tilespmem:s11+$0x17FC0];
	s11 =	sshra.s32 s9, $0x2;
	(erf) = vpow2.f32 v5;
	v5 =	vmul.f32 v39, v6  }
0x2a4: {  	v35 =	vadd.s32 $0x2710, v26;
	v55 =	vld [tilespmem:s11+$0x17340];
	(erf) = vpow2.f32 v8;
	v8 =	vmul.f32 v41, v6  }
0x2a5: {  	v49 =	vadd.s32 $0x2710, v27;
	v34 =	vmul.f32 v38, v34;
	v36 =	vmul.f32 v40, v6;
	v51 =	vld [tilespmem:s11+$0x166C0]  }
0x2a6: {  	v52 =	vadd.s32 $0x4E20, v27;
	v24 =	vadd.f32 v5, v24;
	v5 =	vmul.f32 v38, v6;
	v53 =	vld [tilespmem:s11+$0x198C0]  }
0x2a7: {  	v54 =	vadd.s32 $0x7530, v27;
	v32 =	vadd.f32 v36, v32;
	v30 =	vadd.f32 v8, v30;
	v6 =	vld.idx.msk [tilespmem:v26+s12+$0x0], $0xffff  }
0x2a8: {  	v33 =	vadd.f32 v34, v33;
	v36 =	vadd.s32 $0x4E20, v26;
	v31 =	vadd.f32 v5, v31;
	v8 =	vld.idx.msk [tilespmem:v27+s12+$0x0], $0xffff  }
0x2a9: {  	v37 =	vadd.s32 $0x7530, v26;
	v5 =	vld.idx.msk [tilespmem:v35+s12+$0x0], $0xffff  }
0x2aa: {  	v38 =	vld.idx.msk [tilespmem:v49+s12+$0x0], $0xffff;
	v34 =	vpop (erf)  }
0x2ab: {  	v34 =	vmul.f32 v34, v4;
	v40 =	vld.idx.msk [tilespmem:v52+s12+$0x0], $0xffff;
	v39 =	vpop (erf)  }
0x2ac: {  	v39 =	vmul.f32 v39, v4;
	v42 =	vld.idx.msk [tilespmem:v54+s12+$0x0], $0xffff;
	v41 =	vpop (erf)  }
0x2ad: {  	v34 =	vmul.f32 v34, v20;
	v41 =	vmul.f32 v41, v4;
	v44 =	vld.idx.msk [tilespmem:v36+s12+$0x0], $0xffff;
	v43 =	vpop (erf)  }
0x2ae: {  	v39 =	vmul.f32 v39, v21;
	v4 =	vmul.f32 v43, v4;
	v46 =	vld.idx.msk [tilespmem:v37+s12+$0x0], $0xffff  }
0x2af: {  	v47 =	vadd.s32 $0x2710, v7;
	v56 =	vld [tilespmem:s11+$0x1A540];
	v8 =	vmul.f32 v34, v8;
	v41 =	vmul.f32 v41, v22  }
0x2b0: {  	v48 =	vadd.s32 $0x4E20, v7;
	v34 =	vld.idx.msk [tilespmem:v7+s17+$0x0], $0xffff;
	v38 =	vmul.f32 v38, v39;
	v4 =	vmul.f32 v4, v23  }
0x2b1: {  	v43 =	vld.idx.msk [tilespmem:v27+s17+$0x0], $0xffff;
	v39 =	vmul.f32 v8, v6;
	v6 =	vmul.f32 v40, v41;
	v8 =	vadd.s32 $0x7530, v7  }
0x2b2: {  	v45 =	vld.idx.msk [tilespmem:v26+s17+$0x0], $0xffff;
	v41 =	vmul.f32 v5, v38;
	v4 =	vmul.f32 v42, v4  }
0x2b3: {  	v40 =	vmul.f32 v44, v6;
	[tilespmem:v7+s26+$0x0] =	vst.idx.add.f32.msk $0xffff, v39  }
0x2b4: {  	v38 =	vmul.f32 v46, v4;
	[tilespmem:v47+s26+$0x0] =	vst.idx.add.f32.msk $0xffff, v41  }
0x2b5: {  	v4 =	vsub.f32 $0.0e+00, v39;
	[tilespmem:v48+s26+$0x0] =	vst.idx.add.f32.msk $0xffff, v40  }
0x2b6: {  	v46 =	vsub.f32 $0.0e+00, v41;
	v44 =	vmul.f32 v39, v34;
	v42 =	vmul.f32 v41, v34;
	[tilespmem:v8+s26+$0x0] =	vst.idx.add.f32.msk $0xffff, v38  }
.Ltmp10:
0x2b7: {  	v5 =	vmul.f32 v53, v12;
	v6 =	vmul.f32 v56, v16;
	v47 =	vsub.f32 $0.0e+00, v40;
	[tilespmem:v27+s26+$0x0] =	vst.idx.add.f32.msk $0xffff, v4;
	(pc) =	sbr.rel @p1 .LBB2_22-.Ltmp10, $4  }
0x2b8: {  	v7 =	vmul.f32 v53, v13;
	v8 =	vmul.f32 v56, v17;
	v48 =	vsub.f32 $0.0e+00, v38;
	[tilespmem:v49+s26+$0x0] =	vst.idx.add.f32.msk $0xffff, v46  }
0x2b9: {  	v50 =	vmul.f32 v56, v18;
	v27 =	vmov v51;
	v49 =	vmul.f32 v53, v14;
	[tilespmem:v52+s26+$0x0] =	vst.idx.add.f32.msk $0xffff, v47  }
0x2ba: {  	v51 =	vmul.f32 v53, v15;
	v52 =	vadd.f32 v6, v5;
	[tilespmem:v54+s26+$0x0] =	vst.idx.add.f32.msk $0xffff, v48  }
0x2bb: {  	s9 =	sadd.s32 $0x40, s9;
	v53 =	vadd.f32 v8, v7;
	v54 =	vmul.f32 v56, v19;
	[tilespmem:v26+s26+$0x0] =	vst.idx.add.f32.msk $0xffff, v4;
	v26 =	vmov v55  }
0x2bc: {  	v4 =	vmul.f32 $1.442695020e+00, v52;
	v5 =	vadd.f32 v50, v49  }
0x2bd: {  	v6 =	vmul.f32 $1.442695020e+00, v53;
	v7 =	vadd.f32 v54, v51  }
0x2be: {  	v5 =	vmul.f32 $1.442695020e+00, v5;
	(erf) = vpow2.f32 v4  }
0x2bf: {  	v4 =	vmul.f32 $1.442695020e+00, v7;
	(erf) = vpow2.f32 v6  }
0x2c0: {  	[tilespmem:v35+s26+$0x0] =	vst.idx.add.f32.msk $0xffff, v46;
	(erf) = vpow2.f32 v5  }
0x2c1: {  	v35 =	vld.idx.msk [tilespmem:v26+s12+$0x0], $0xffff;
	(erf) = vpow2.f32 v4  }
0x2c2: {  	v8 =	vadd.s32 $0x4E20, v27;
	v58 =	vld.idx.msk [tilespmem:v27+s12+$0x0], $0xffff  }
0x2c3: {  	v6 =	vadd.s32 $0x2710, v27;
	v5 =	vld [tilespmem:s11+$0x18C40]  }
0x2c4: {  	[tilespmem:v36+s26+$0x0] =	vst.idx.add.f32.msk $0xffff, v47;
	v36 =	vadd.s32 $0x7530, v27  }
0x2c5: {  	v7 =	vld [tilespmem:s11+$0x17FC0];
	v4 =	vadd.s32 $0x2710, v26  }
0x2c6: {  	v46 =	vadd.s32 $0x4E20, v26;
	[tilespmem:v37+s26+$0x0] =	vst.idx.add.f32.msk $0xffff, v48  }
0x2c7: {  	v48 =	vadd.s32 $0x7530, v26;
	v61 =	vld.idx.msk [tilespmem:v8+s12+$0x0], $0xffff;
	v59 =	vpop (erf)  }
0x2c8: {  	v50 =	vld.idx.msk [tilespmem:v6+s12+$0x0], $0xffff;
	v49 =	vmul.f32 v59, v5;
	v60 =	vpop (erf)  }
0x2c9: {  	v54 =	vld.idx.msk [tilespmem:v36+s12+$0x0], $0xffff;
	v51 =	vmul.f32 v60, v5;
	v62 =	vpop (erf)  }
0x2ca: {  	v47 =	vld.idx.msk [tilespmem:v4+s12+$0x0], $0xffff;
	v49 =	vmul.f32 v49, v20;
	v53 =	vmul.f32 v62, v5;
	v55 =	vpop (erf)  }
0x2cb: {  	v43 =	vadd.f32 v45, v43;
	v45 =	vld.idx.msk [tilespmem:v46+s12+$0x0], $0xffff;
	v51 =	vmul.f32 v51, v21;
	v5 =	vmul.f32 v55, v5  }
0x2cc: {  	v55 =	vld.idx.msk [tilespmem:v48+s12+$0x0], $0xffff;
	v37 =	vmul.f32 v49, v58;
	v63 =	vmul.f32 v53, v22;
	v53 =	vadd.s32 $0x2710, v7  }
0x2cd: {  	v56 =	vld.idx.msk [tilespmem:v7+s17+$0x0], $0xffff;
	v60 =	vadd.s32 $0x4E20, v7;
	v50 =	vmul.f32 v50, v51;
	v5 =	vmul.f32 v5, v23  }
0x2ce: {  	v37 =	vmul.f32 v37, v35;
	v35 =	vld.idx.msk [tilespmem:v27+s17+$0x0], $0xffff;
	v49 =	vmul.f32 v61, v63;
	v61 =	vadd.s32 $0x7530, v7  }
0x2cf: {  	v63 =	vld.idx.msk [tilespmem:v26+s17+$0x0], $0xffff;
	v62 =	vmul.f32 v47, v50;
	v5 =	vmul.f32 v54, v5  }
0x2d0: {  	v50 =	vmul.f32 v40, v34;
	v45 =	vmul.f32 v45, v49;
	[tilespmem:v7+s26+$0x0] =	vst.idx.add.f32.msk $0xffff, v37  }
0x2d1: {  	v28 =	vadd.f32 v44, v28;
	v5 =	vmul.f32 v55, v5;
	[tilespmem:v53+s26+$0x0] =	vst.idx.add.f32.msk $0xffff, v62  }
0x2d2: {  	v39 =	vmul.f32 v39, v43;
	v7 =	vadd.f32 v50, v29;
	v29 =	vsub.f32 $0.0e+00, v37;
	[tilespmem:v60+s26+$0x0] =	vst.idx.add.f32.msk $0xffff, v45  }
0x2d3: {  	v25 =	vadd.f32 v42, v25;
	v41 =	vmul.f32 v41, v43;
	v53 =	vsub.f32 $0.0e+00, v62;
	[tilespmem:v61+s26+$0x0] =	vst.idx.add.f32.msk $0xffff, v5  }
0x2d4: {  	v24 =	vadd.f32 v39, v24;
	v54 =	vmul.f32 v40, v43;
	[tilespmem:v27+s26+$0x0] =	vst.idx.add.f32.msk $0xffff, v29;
	v27 =	vsub.f32 $0.0e+00, v45  }
0x2d5: {  	v57 =	vmul.f32 v38, v43;
	v59 =	vadd.f32 v41, v30;
	v58 =	vsub.f32 $0.0e+00, v5;
	[tilespmem:v6+s26+$0x0] =	vst.idx.add.f32.msk $0xffff, v53  }
0x2d6: {  	v55 =	vmul.f32 v38, v34;
	v30 =	vadd.f32 v54, v32;
	[tilespmem:v8+s26+$0x0] =	vst.idx.add.f32.msk $0xffff, v27  }
0x2d7: {  	v60 =	vmul.f32 v37, v56;
	v61 =	vmul.f32 v62, v56;
	[tilespmem:v36+s26+$0x0] =	vst.idx.add.f32.msk $0xffff, v58  }
0x2d8: {  	v8 =	vadd.f32 v55, v33;
	[tilespmem:v26+s26+$0x0] =	vst.idx.add.f32.msk $0xffff, v29;
	v26 =	vadd.f32 v63, v35  }
0x2d9: {  	v33 =	vadd.f32 v61, v25;
	[tilespmem:v4+s26+$0x0] =	vst.idx.add.f32.msk $0xffff, v53;
	v4 =	vmul.f32 v45, v56  }
.Ltmp11:
0x2da: {  	v29 =	vadd.f32 v57, v31;
	v35 =	vadd.f32 v60, v28;
	v25 =	vmul.f32 v37, v26;
	(pc) =	sbr.rel @p0 .LBB2_25-.Ltmp11, $4  }
0x2db: {  	v63 =	vmul.f32 v5, v56;
	v5 =	vmul.f32 v5, v26;
	v31 =	vadd.f32 v4, v7  }
0x2dc: {  	v4 =	vmul.f32 v62, v26;
	v62 =	vmul.f32 v45, v26;
	v34 =	vadd.f32 v25, v24  }
0x2dd: {  	[tilespmem:v46+s26+$0x0] =	vst.idx.add.f32.msk $0xffff, v27;
	v25 =	vadd.f32 v63, v8;
	v24 =	vadd.f32 v5, v29  }
0x2de: {  	[tilespmem:v48+s26+$0x0] =	vst.idx.add.f32.msk $0xffff, v58;
	v32 =	vadd.f32 v4, v59;
	v28 =	vadd.f32 v62, v30  }
0x2df: {  	s9 =	smul.u32 $0xC80, s5;
	_ =	sdelay $0x1  }
0x2e0: {  	s9 =	sshrl.u32 s9, $0x3  }
0x2e1: {  	s10 =	sadd.s32 $0x258, s9  }
0x2e2: {  	s11 =	sadd.s32 s6, s10  }
0x2e3: {  	[tilespmem:s18], [sflag:$0x2] =	stream.linear.gather [hbm4b:s11+s12], $0x640, $0x38;
	[tilespmem:$0x1C900] =	vst v63  }
0x2e4: {  	s31 =	sadd.s32 s7, s10  }
0x2e5: {  	[tilespmem:s19], [sflag:$0x2] =	stream.linear.gather [hbm4b:s31+s12], $0x640, $0x38;
	[tilespmem:$0x1C900] =	vst v63  }
0x2e6: {  	s9 =	sadd.s32 $0x2968, s9;
	s10 =	sadd.s32 s8, s10  }
0x2e7: {  	[tilespmem:s30], [sflag:$0x2] =	stream.linear.gather [hbm4b:s10+s12], $0x640, $0x38;
	[tilespmem:$0x1C900] =	vst v63  }
0x2e8: {  	s16 =	sadd.s32 s0, s9  }
0x2e9: {  	[tilespmem:s20], [sflag:$0x2] =	stream.linear.gather [hbm4b:s16+s12], $0x640, $0x38;
	[tilespmem:$0x1C900] =	vst v63  }
.Ltmp12:
0x2ea: {  	_ = 	snop;
	(pc) =	sbr.rel .LBB2_19-.Ltmp12, $4  }
0x2eb: {  	s31 =	sadd.s32 s1, s9  }
0x2ec: {  	[tilespmem:s21], [sflag:$0x2] =	stream.linear.gather [hbm4b:s31+s12], $0x640, $0x38;
	[tilespmem:$0x1C900] =	vst v63  }
0x2ed: {  	s5 =	sadd.s32 $0x1, s5;
	s9 =	sadd.s32 s2, s9  }
0x2ee: {  	[tilespmem:s22], [sflag:$0x2] =	stream.linear.gather [hbm4b:s9+s12], $0x640, $0x38;
	[tilespmem:$0x1C900] =	vst v63  }
.LBB2_25:
0x2ef: {  	(xrf2) =	vadd.scan.msk.f32 $0xffff, v35  }
0x2f0: {  	(xrf2) =	vadd.scan.msk.f32 $0xffff, v34  }
0x2f1: {  	v4 =	vadd.f32 $1.000000000e-30, v11;
	s5 =	simm.s32 $0x0  }
0x2f2: {  	v5 =	vadd.f32 $1.000000000e-30, v10;
	v6 =	vld [tilespmem:s5+$0x1C500]  }
0x2f3: {  	(erf) = vrcp.f32 v4  }
0x2f4: {  	v11 =	vld [tilespmem:$0x1FFB0];
	(erf) = vrcp.f32 v5;
	_ =	sdelay $0x2  }
0x2f5: {  	(xrf2) =	vadd.scan.msk.f32 $0xffff, v33;
	vm0 =	vgt.s32 v6, $0x0  }
0x2f6: {  	s9 =	simm.s32 $0x10;
	v7 =	vadd.f32 $1.000000000e-30, v9;
	(xrf2) =	vadd.scan.msk.f32 $0xffff, v32;
	v4 =	vnsel vm0, $0x0, v6  }
0x2f7: {  	v9 =	vld [tilespmem:s9+$0x1C500];
	v11 =	vadd.f32 $1.000000000e-30, v11;
	v10 =	vshrl.u32 v4, $0xE;
	v5, _, _ =	vpop (xrf2)  }
0x2f8: {  	v8, _, _ =	vpop (xrf2);
	v5 =	vmax.f32 v5, $0.0e+00  }
0x2f9: {  	v5 =	vbroadcast v5, $0xF;
	v8 =	vmax.f32 v8, $0.0e+00  }
0x2fa: {  	(erf) = vrcp.f32 v7;
	v7 =	vpop (erf);
	v8 =	vbroadcast v8, $0xF  }
0x2fb: {  	(erf) = vrcp.f32 v11;
	v11 =	vpop (erf);
	v5 =	vmul.f32 v5, v7  }
0x2fc: {  	vm0 =	vgt.s32 v9, $0x0;
	v7 =	vmul.f32 v8, v11;
	v11 =	vld.idx.msk [tilespmem:v10+s12+$0x0], $0xffff  }
0x2fd: {  	v12 =	vnsel vm0, $0x0, v9;
	vm0 =	vgt.s32 v6, $0xFFFFFFFF  }
0x2fe: {  	v15 =	vand.u32 $0x3FFF, v4;
	v8 =	vadd.f32 v7, v5;
	v7 =	vld [tilespmem:$0x1FFD0]  }
0x2ff: {  	v5, _, _ =	vpop (xrf2)  }
0x300: {  	v14 =	vshrl.u32 v12, $0xE;
	v6, _, _ =	vpop (xrf2);
	v5 =	vmax.f32 v5, $0.0e+00  }
0x301: {  	s10 =	simm.s32 $0x20;
	v4 =	vbroadcast v5, $0xF;
	v5 =	vmax.f32 v6, $0.0e+00;
	v6 =	vmul.f32 v11, v8  }
0x302: {  	v13 =	vld [tilespmem:s10+$0x1C500];
	(xrf2) =	vadd.scan.msk.f32 $0xffff, v31  }
0x303: {  	v7 =	vadd.f32 $1.000000000e-30, v7;
	[tilespmem:v15+s26+$0x0] =	vst.idx.add.f32.msk vm0, v6  }
0x304: {  	v16 =	vsub.f32 $0.0e+00, v6;
	v6 =	vld [tilespmem:$0x1FFC0]  }
0x305: {  	v11 =	vadd.s32 $0x2710, v10  }
0x306: {  	v17 =	vld.idx.msk [tilespmem:v14+s12+$0x0], $0xffff;
	(erf) = vrcp.f32 v7  }
0x307: {  	(xrf2) =	vadd.scan.msk.f32 $0xffff, v28;
	v7 =	vpop (erf)  }
0x308: {  	vm1 =	vgt.s32 v9, $0xFFFFFFFF;
	v5 =	vbroadcast v5, $0xF;
	v4 =	vmul.f32 v4, v7  }
0x309: {  	vm2 =	vgt.s32 v13, $0x0;
	v9 =	vand.u32 $0x3FFF, v12;
	[tilespmem:v10+s26+$0x0] =	vst.idx.add.f32.msk vm0, v16;
	v7 =	vpop (erf);
	v6 =	vadd.f32 $1.000000000e-30, v6  }
0x30a: {  	vm3 =	vmmov vm0;
	v16 =	vnsel vm2, $0x0, v13;
	v18 =	vld.idx.msk [tilespmem:v11+s12+$0x0], $0xffff;
	v5 =	vmul.f32 v5, v7  }
0x30b: {  	v12 =	vshrl.u32 v16, $0xE;
	(erf) = vrcp.f32 v6;
	v6 =	vmul.f32 v17, v8  }
0x30c: {  	s11 =	simm.s32 $0x30;
	v7 =	vadd.f32 v5, v4;
	v17 =	vadd.s32 $0x2710, v15;
	v4, _, _ =	vpop (xrf2)  }
0x30d: {  	v5 =	vld [tilespmem:s11+$0x1C500];
	v4 =	vmax.f32 v4, $0.0e+00;
	v20 =	vsub.f32 $0.0e+00, v6  }
0x30e: {  	v21 =	vadd.s32 $0x2710, v14;
	[tilespmem:v9+s26+$0x0] =	vst.idx.add.f32.msk vm1, v6;
	v4 =	vbroadcast v4, $0xF  }
0x30f: {  	v18 =	vmul.f32 v18, v7;
	v19 =	vpop (erf);
	[tilespmem:v14+s26+$0x0] =	vst.idx.add.f32.msk vm1, v20  }
0x310: {  	v4 =	vmul.f32 v4, v19;
	v19 =	vld.idx.msk [tilespmem:v12+s12+$0x0], $0xffff  }
0x311: {  	vm2 =	vmmov vm3;
	vm0 =	vgt.s32 v13, $0xFFFFFFFF;
	v13, _, _ =	vpop (xrf2);
	[tilespmem:v17+s26+$0x0] =	vst.idx.add.f32.msk vm3, v18  }
0x312: {  	(xrf2) =	vadd.scan.msk.f32 $0xffff, v25;
	v6 =	vand.u32 $0x3FFF, v16;
	v16 =	vsub.f32 $0.0e+00, v18;
	v18 =	vmax.f32 v13, $0.0e+00;
	v13 =	vld [tilespmem:$0x1FFF0]  }
0x313: {  	v22 =	vadd.s32 $0x4E20, v10;
	(xrf2) =	vadd.scan.msk.f32 $0xffff, v24;
	v24 =	vld.idx.msk [tilespmem:v21+s12+$0x0], $0xffff  }
0x314: {  	v23 =	vld [tilespmem:$0x1FFE0];
	_ =	sdelay $0x1  }
0x315: {  	vm4 =	vgt.s32 v5, $0x0;
	vm3 =	vmmov vm1;
	vm1 =	vmmov vm2  }
0x316: {  	v17 =	vnsel vm4, $0x0, v5;
	v18 =	vbroadcast v18, $0xF;
	[tilespmem:v11+s26+$0x0] =	vst.idx.add.f32.msk vm2, v16;
	v20 =	vadd.f32 $1.000000000e-30, v13  }
0x317: {  	s31 =	simm.s32 $0x50;
	v26 =	vld.idx.msk [tilespmem:v22+s12+$0x0], $0xffff;
	v16 =	vmul.f32 v19, v8;
	v19 =	vadd.s32 $0x2710, v9;
	v28 =	vmul.f32 v24, v7  }
0x318: {  	v11 =	vpop (erf);
	v24 =	vld [tilespmem:s31+$0x1C500];
	v13 =	vshrl.u32 v17, $0xE;
	v23 =	vadd.f32 $1.000000000e-30, v23;
	(erf) = vrcp.f32 v20  }
0x319: {  	s16 =	simm.s32 $0x40;
	v11 =	vmul.f32 v18, v11;
	v18 =	vsub.f32 $0.0e+00, v16;
	[tilespmem:v6+s26+$0x0] =	vst.idx.add.f32.msk vm0, v16;
	v20 =	vadd.s32 $0x2710, v12  }
0x31a: {  	v29 =	vadd.s32 $0x4E20, v15;
	vm2 =	vmmov vm3;
	(erf) = vrcp.f32 v23;
	v23 =	vld [tilespmem:s16+$0x1C500]  }
0x31b: {  	v4 =	vadd.f32 v11, v4;
	[tilespmem:v12+s26+$0x0] =	vst.idx.add.f32.msk vm0, v18  }
0x31c: {  	vm6 =	vmmov vm0;
	v25 =	vadd.s32 $0x7530, v10;
	v16, _, _ =	vpop (xrf2);
	[tilespmem:v19+s26+$0x0] =	vst.idx.add.f32.msk vm3, v28  }
0x31d: {  	vm5 =	vgt.s32 v5, $0xFFFFFFFF;
	v10 =	vmul.f32 v26, v4;
	v16 =	vmax.f32 v16, $0.0e+00;
	v11 =	vld.idx.msk [tilespmem:v13+s12+$0x0], $0xffff  }
0x31e: {  	v26 =	vadd.s32 $0x4E20, v14;
	v28 =	vsub.f32 $0.0e+00, v28;
	v16 =	vbroadcast v16, $0xF;
	v30 =	vld.idx.msk [tilespmem:v20+s12+$0x0], $0xffff  }
0x31f: {  	v18, _, _ =	vpop (xrf2);
	v5 =	vsub.f32 $0.0e+00, v10;
	[tilespmem:v29+s26+$0x0] =	vst.idx.add.f32.msk vm1, v10;
	v10 =	vand.u32 $0x3FFF, v17;
	vm3 =	vgt.s32 v23, $0x0  }
0x320: {  	v63 =	vadd.s32 $0x2710, v6;
	v18 =	vmax.f32 v18, $0.0e+00;
	[tilespmem:v21+s26+$0x0] =	vst.idx.add.f32.msk vm2, v28;
	v27 =	vnsel vm3, $0x0, v23  }
0x321: {  	v18 =	vbroadcast v18, $0xF;
	[tilespmem:v22+s26+$0x0] =	vst.idx.add.f32.msk vm1, v5;
	v19 =	vshrl.u32 v27, $0xE;
	v17 =	vpop (erf)  }
0x322: {  	v34 =	vadd.s32 $0x7530, v15;
	v29 =	vld.idx.msk [tilespmem:v25+s12+$0x0], $0xffff;
	v5 =	vmul.f32 v16, v17;
	v17 =	vmul.f32 v11, v8  }
0x323: {  	vm4 =	vmmov vm1;
	v21 =	vadd.s32 $0x2710, v13;
	v32 =	vld.idx.msk [tilespmem:v26+s12+$0x0], $0xffff;
	v16 =	vpop (erf);
	v30 =	vmul.f32 v30, v7  }
0x324: {  	v11 =	vadd.s32 $0x7530, v14;
	v16 =	vmul.f32 v18, v16;
	v14 =	vsub.f32 $0.0e+00, v17;
	[tilespmem:v10+s26+$0x0] =	vst.idx.add.f32.msk vm5, v17  }
0x325: {  	v33 =	vadd.s32 $0x4E20, v9;
	vm0 =	vmmov vm5;
	vm1 =	vmmov vm6;
	[tilespmem:v63+s26+$0x0] =	vst.idx.add.f32.msk vm6, v30  }
0x326: {  	vm3 =	vmmov vm2;
	vm2 =	vmmov vm5;
	v5 =	vadd.f32 v16, v5;
	v31 =	vld.idx.msk [tilespmem:v19+s12+$0x0], $0xffff  }
0x327: {  	v22 =	vadd.s32 $0x7530, v19;
	v18 =	vadd.s32 $0x7530, v12;
	v17 =	vadd.s32 $0x7530, v13;
	[tilespmem:v13+s26+$0x0] =	vst.idx.add.f32.msk vm5, v14  }
0x328: {  	s5 =	simm.s32 $0x180;
	v15 =	vmovc v17;
	v35 =	vmul.f32 v29, v5;
	v28 =	vld.idx.msk [tilespmem:v21+s12+$0x0], $0xffff;
	v16 =	vmovc v18;
	v29 =	vmov v11;
	v14 =	vmov v22  }
.LBB2_26:
0x329: {  	v36 =	vmov v18;
	v18 =	vmov v17;
	v17 =	vmov v22  }
0x32a: {  	s9 =	sshra.s32 s5, $0x2;
	p0 =	sne.s32 s5, $0xFC0;
	s5 =	sadd.s32 $0x40, s5;
	v22 =	vmul.f32 v32, v4;
	v32 =	vsub.f32 $0.0e+00, v35;
	[tilespmem:v34+s26+$0x0] =	vst.idx.add.f32.msk vm4, v35  }
0x32b: {  	vm6 =	vgt.s32 v24, $0x0;
	vm5 =	vgt.s32 v23, $0xFFFFFFFF;
	v23 =	vmovc v24;
	v34 =	vadd.s32 $0x4E20, v12;
	v12 =	vmovc v13;
	v24 =	vld [tilespmem:s9+$0x1C500]  }
0x32c: {  	v35 =	vnsel vm6, $0x0, v23;
	v31 =	vmul.f32 v31, v8;
	v13 =	vmovc v19;
	[tilespmem:v33+s26+$0x0] =	vst.idx.add.f32.msk vm3, v22;
	v33 =	vsub.f32 $0.0e+00, v22  }
0x32d: {  	v37 =	vand.u32 $0x3FFF, v27;
	v19 =	vshrl.u32 v35, $0xE;
	v27 =	vmovc v35;
	[tilespmem:v25+s26+$0x0] =	vst.idx.add.f32.msk vm4, v32;
	v25 =	vmovc v11;
	v11 =	vmov v16  }
0x32e: {  	v30 =	vsub.f32 $0.0e+00, v30;
	v22 =	vadd.s32 $0x7530, v19;
	v35 =	vsub.f32 $0.0e+00, v31;
	v16 =	vmovc v15;
	[tilespmem:v26+s26+$0x0] =	vst.idx.add.f32.msk vm3, v33;
	v26 =	vmovc v34  }
0x32f: {  	v15 =	vmovc v14;
	v14 =	vmovc v22;
	vm4 =	vmmov vm3;
	vm3 =	vmmov vm1;
	v38 =	vld.idx.msk [tilespmem:v29+s12+$0x0], $0xffff;
	v29 =	vmov v36  }
0x330: {  	v36 =	vadd.s32 $0x2710, v10;
	[tilespmem:v20+s26+$0x0] =	vst.idx.add.f32.msk vm1, v30;
	v20 =	vmovc v21;
	vm1 =	vmmov vm0;
	vm0 =	vmmov vm5  }
0x331: {  	v21 =	vadd.s32 $0x2710, v13;
	v32 =	vld.idx.msk [tilespmem:v34+s12+$0x0], $0xffff  }
.Ltmp13:
0x332: {  	v34 =	vadd.s32 $0x7530, v9;
	v9 =	vmovc v6;
	v6 =	vmov v10;
	v10 =	vmov v37;
	[tilespmem:v37+s26+$0x0] =	vst.idx.add.f32.msk vm5, v31;
	(pc) =	sbr.rel @p0 .LBB2_26-.Ltmp13, $4  }
0x333: {  	v30 =	vmul.f32 v28, v7;
	v31 =	vld.idx.msk [tilespmem:v19+s12+$0x0], $0xffff  }
0x334: {  	v33 =	vadd.s32 $0x4E20, v9;
	[tilespmem:v13+s26+$0x0] =	vst.idx.add.f32.msk vm5, v35  }
0x335: {  	v35 =	vmul.f32 v38, v5;
	[tilespmem:v36+s26+$0x0] =	vst.idx.add.f32.msk vm2, v30;
	vm2 =	vmmov vm5  }
0x336: {  	v28 =	vld.idx.msk [tilespmem:v21+s12+$0x0], $0xffff  }
0x337: {  	_ =	sdelay $0x2  }
0x338: {  	vm5 =	vgt.s32 v24, $0x0  }
0x339: {  	v32 =	vmul.f32 v32, v4;
	v36 =	vnsel vm5, $0x0, v24  }
0x33a: {  	[tilespmem:v34+s26+$0x0] =	vst.idx.add.f32.msk vm4, v35;
	v50 =	vsub.f32 $0.0e+00, v35;
	v35 =	vshrl.u32 v36, $0xE  }
0x33b: {  	v51 =	vsub.f32 $0.0e+00, v30;
	[tilespmem:v33+s26+$0x0] =	vst.idx.add.f32.msk vm3, v32  }
0x33c: {  	vm8 =	vgt.s32 v23, $0xFFFFFFFF;
	v12 =	vadd.s32 $0x4E20, v12;
	v32 =	vsub.f32 $0.0e+00, v32;
	[tilespmem:v25+s26+$0x0] =	vst.idx.add.f32.msk vm4, v50  }
0x33d: {  	v23 =	vand.u32 $0x3FFF, v27;
	[tilespmem:v20+s26+$0x0] =	vst.idx.add.f32.msk vm1, v51  }
0x33e: {  	v53 =	vadd.s32 $0x2710, v10;
	[tilespmem:v26+s26+$0x0] =	vst.idx.add.f32.msk vm3, v32  }
0x33f: {  	v54 =	vld.idx.msk [tilespmem:v35+s12+$0x0], $0xffff  }
0x340: {  	v55 =	vadd.s32 $0x2710, v19;
	vm0 =	vmmov vm0;
	v52 =	vmul.f32 v31, v8;
	v26 =	vld.idx.msk [tilespmem:v29+s12+$0x0], $0xffff  }
0x341: {  	vm10 =	vgt.s32 v24, $0xFFFFFFFF;
	v58 =	vmul.f32 v28, v7;
	v57 =	vld.idx.msk [tilespmem:v12+s12+$0x0], $0xffff  }
0x342: {  	v27 =	vand.u32 $0x3FFF, v36;
	v56 =	vsub.f32 $0.0e+00, v52;
	[tilespmem:v23+s26+$0x0] =	vst.idx.add.f32.msk vm8, v52  }
0x343: {  	[tilespmem:v53+s26+$0x0] =	vst.idx.add.f32.msk vm2, v58  }
0x344: {  	v61 =	vadd.s32 $0x2710, v35;
	v24 =	vsub.f32 $0.0e+00, v58;
	[tilespmem:v19+s26+$0x0] =	vst.idx.add.f32.msk vm8, v56;
	v60 =	vmul.f32 v54, v8  }
0x345: {  	vm9 =	vmmov vm3;
	v36 =	vadd.s32 $0x4E20, v13;
	v63 =	vld.idx.msk [tilespmem:v55+s12+$0x0], $0xffff  }
0x346: {  	v9 =	vadd.s32 $0x7530, v9;
	vm11 =	vmmov vm1;
	[tilespmem:v21+s26+$0x0] =	vst.idx.add.f32.msk vm0, v24;
	v33 =	vsub.f32 $0.0e+00, v60  }
0x347: {  	v62 =	vadd.s32 $0x4E20, v6;
	[tilespmem:v27+s26+$0x0] =	vst.idx.add.f32.msk vm10, v60  }
0x348: {  	vm12 =	vmmov vm8;
	[tilespmem:v35+s26+$0x0] =	vst.idx.add.f32.msk vm10, v33  }
0x349: {  	v38 =	vadd.s32 $0x2710, v23;
	v59 =	vmul.f32 v26, v5;
	v34 =	vmul.f32 v57, v4;
	v39 =	vld.idx.msk [tilespmem:v61+s12+$0x0], $0xffff  }
0x34a: {  	v41 =	vadd.s32 $0x4E20, v19;
	v21 =	vld.idx.msk [tilespmem:v36+s12+$0x0], $0xffff  }
0x34b: {  	vm4 =	vmmov vm10;
	[tilespmem:v9+s26+$0x0] =	vst.idx.add.f32.msk vm9, v59;
	v37 =	vsub.f32 $0.0e+00, v34;
	v40 =	vmul.f32 v63, v7  }
0x34c: {  	v42 =	vadd.s32 $0x2710, v27;
	[tilespmem:v62+s26+$0x0] =	vst.idx.add.f32.msk vm11, v34  }
0x34d: {  	[tilespmem:v12+s26+$0x0] =	vst.idx.add.f32.msk vm11, v37;
	v43 =	vsub.f32 $0.0e+00, v40  }
0x34e: {  	v45 =	vadd.s32 $0x4E20, v35;
	[tilespmem:v38+s26+$0x0] =	vst.idx.add.f32.msk vm12, v40;
	v44 =	vmul.f32 v39, v7  }
0x34f: {  	vm0 =	vmmov vm0;
	[tilespmem:v55+s26+$0x0] =	vst.idx.add.f32.msk vm12, v43  }
0x350: {  	v46 =	vadd.s32 $0x4E20, v10;
	v20 =	vld.idx.msk [tilespmem:v41+s12+$0x0], $0xffff;
	v47 =	vsub.f32 $0.0e+00, v44  }
0x351: {  	[tilespmem:v42+s26+$0x0] =	vst.idx.add.f32.msk vm4, v44  }
0x352: {  	vm5 =	vmmov vm12;
	v48 =	vmul.f32 v21, v4;
	[tilespmem:v61+s26+$0x0] =	vst.idx.add.f32.msk vm4, v47  }
0x353: {  	v49 =	vadd.s32 $0x4E20, v23;
	v50 =	vld.idx.msk [tilespmem:v45+s12+$0x0], $0xffff  }
0x354: {  	v18 =	vld.idx.msk [tilespmem:v18+s12+$0x0], $0xffff;
	v51 =	vsub.f32 $0.0e+00, v48  }
0x355: {  	vm6 =	vmmov vm4;
	[tilespmem:v46+s26+$0x0] =	vst.idx.add.f32.msk vm0, v48;
	v52 =	vmul.f32 v20, v4  }
0x356: {  	v53 =	vadd.s32 $0x4E20, v27;
	[tilespmem:v36+s26+$0x0] =	vst.idx.add.f32.msk vm0, v51  }
0x357: {  	v13 =	vld.idx.msk [tilespmem:v17+s12+$0x0], $0xffff;
	v54 =	vsub.f32 $0.0e+00, v52  }
0x358: {  	v55 =	vadd.s32 $0x7530, v35;
	[tilespmem:v49+s26+$0x0] =	vst.idx.add.f32.msk vm5, v52;
	v4 =	vmul.f32 v50, v4  }
0x359: {  	vm1 =	vmmov vm11;
	[tilespmem:v41+s26+$0x0] =	vst.idx.add.f32.msk vm5, v54  }
0x35a: {  	v56 =	vadd.s32 $0x7530, v6;
	v7 =	vld.idx.msk [tilespmem:v22+s12+$0x0], $0xffff;
	v57 =	vsub.f32 $0.0e+00, v4  }
0x35b: {  	vm13 =	vmmov vm5;
	vm0 =	vmmov vm0;
	[tilespmem:v53+s26+$0x0] =	vst.idx.add.f32.msk vm6, v4  }
0x35c: {  	v58 =	vmul.f32 v18, v5;
	v4 =	vsub.f32 $0.0e+00, v59;
	v59 =	vadd.s32 $0x7530, v10;
	[tilespmem:v45+s26+$0x0] =	vst.idx.add.f32.msk vm6, v57  }
0x35d: {  	vm2 =	vmmov vm13;
	v9 =	vld.idx.msk [tilespmem:v55+s12+$0x0], $0xffff  }
0x35e: {  	v60 =	vmul.f32 v13, v5;
	v61 =	vadd.s32 $0x7530, v23;
	[tilespmem:v11+s26+$0x0] =	vst.idx.add.f32.msk vm9, v4;
	v4 =	vsub.f32 $0.0e+00, v58  }
0x35f: {  	vm14 =	vmmov vm6;
	[tilespmem:v56+s26+$0x0] =	vst.idx.add.f32.msk vm1, v58  }
0x360: {  	v63 =	vadd.s32 $0x7530, v27;
	v62 =	vmul.f32 v7, v5;
	[tilespmem:v16+s26+$0x0] =	vst.idx.add.f32.msk vm1, v4;
	v4 =	vsub.f32 $0.0e+00, v60  }
0x361: {  	[tilespmem:v59+s26+$0x0] =	vst.idx.add.f32.msk vm0, v60  }
0x362: {  	[tilespmem:v15+s26+$0x0] =	vst.idx.add.f32.msk vm0, v4;
	v4 =	vsub.f32 $0.0e+00, v62;
	v5 =	vmul.f32 v9, v5  }
0x363: {  	[tilespmem:v61+s26+$0x0] =	vst.idx.add.f32.msk vm2, v62  }
0x364: {  	[tilespmem:v14+s26+$0x0] =	vst.idx.add.f32.msk vm2, v4;
	v4 =	vsub.f32 $0.0e+00, v5  }
0x365: {  	[tilespmem:v63+s26+$0x0] =	vst.idx.add.f32.msk vm14, v5  }
0x366: {  	[tilespmem:v55+s26+$0x0] =	vst.idx.add.f32.msk vm14, v4  }
0x367: {  	s5 =	rddreg [dreg:$0x16]  }
0x368: {  	[hbm4b:s5+s12] =	stream.linear.scatter [tilespmem:s26], [sflag:$0x3], $0x9C40, $0x38;
	[tilespmem:$0x1C900] =	vst v63  }
0x369: {  	_ =	swait.ge [sflag:s15], $0x9C40  }
0x36a: {  	s9 =	sld [smem:$0x7FC];
	_ =	sdelay $0x2  }
0x36b: {  	s31 =	rddreg [dreg:$0x17];
	s9 =	sadd.s32 $0x1, s9  }
0x36c: {  	p0 =	sne.s32 s9, s31  }
.Ltmp14:
0x36d: {  	_ = 	snop;
	(pc) =	sbr.rel @p0 .LBB2_1-.Ltmp14, $3  }
0x36e: {  	_ =	sdelay $0x1  }
0x36f: {  	[sflag:s15] =	ssyncset.done $0x0  }
0x370: {  	vm15 =	vmmov vm14;
	[sflag:s15] =	ssyncadd.s32 $0xFFFF63C0  }
0x371: {  	_ =	sfence.sel $0x180000  }
0x372: {  	[bflag:$0x0] =	sbarrier.arrive $0xFFFF  }
0x373: {  	_ =	strace $0x9000004A  }
0x374: {  	s0 =	stileid.u32;
	[bflag:$0x2] =	sbarrier.arrive $0xFFFF  }
0x375: {  	p0 =	sne.s32 s0, $0x0;
	s0 =	rddreg [dreg:$0xc]  }
0x376: {  	s0 =	sadd.s32 @!p0 $0x100000, s0  }
0x377: {  	[sflag:s0] =	ssyncadd.tile.s32 @!p0 $0x1;
	_ =	shalt  }
.Lfunc_end2:
_tile_overlayer_lowered:
.L_overlay_start_2:
0x378: {  	(tag) =	ssettag $0x2  }
0x379: {  	s0 =	rddreg [dreg:$0x0];
	s2 =	stileid.u32  }
0x37a: {  	s1 =	rddreg [dreg:$0x1];
	p0 =	sne.s32 s2, $0x0  }
0x37b: {  	s3 =	rddreg [dreg:$0x2];
	[bflag:$0x3] =	sbarrier.arrive $0xFFFF;
	s2 =	simm.s32 @!p0 $0x1C03  }
0x37c: {  	[timem:s3], [sflag:s2] =	dma.local @!p0 [hbm:s0], s1  }
0x37d: {  	s0 =	simm.s32 @!p0 $0x3  }
0x37e: {  	_ =	swait.ge @!p0 [sflag:s0], s1  }
0x37f: {  	s1 =	ssub.s32 @!p0 $0x0, s1;
	[sflag:s0] =	ssyncset.done @!p0 $0x0  }
0x380: {  	[sflag:s0] =	ssyncadd.s32 @!p0 s1  }
0x381: {  	[bflag:$0x3] =	sbarrier.arrive $0xFFFF  }
0x382: {  	_ =	shalt  }

</sc_bundles>
